<compile_context>
chip_gen: v7x
topology: tpu7x:2x2x1
jax: 0.10.2.dev20260603
libtpu: 0.0.44.dev20260713+nightly
codegen_flags: <defaults>
</compile_context>

<pallas_src>
import functools

import jax
import jax.numpy as jnp
from jax import lax
from jax.experimental import pallas as pl
from jax.experimental.pallas import tpu as pltpu
from jax.experimental.pallas import tpu_sc as plsc

NC = 2
NS = 16
CH = 128
CHA = 80


def _sc_mesh():
  return plsc.VectorSubcoreMesh(
      core_axis_name="c", subcore_axis_name="s",
      num_cores=NC, num_subcores=NS)


def _deg_partials(dst4, zinit, ones, n_pad, n_chunks):
  rows_per_tile = n_pad // NS

  @functools.partial(
      pl.kernel,
      out_type=jax.ShapeDtypeStruct((NC, n_pad, 16), jnp.float32),
      mesh=_sc_mesh(),
      compiler_params=pltpu.CompilerParams(use_tc_tiling_on_sc=False),
      scratch_types=[
          pltpu.VMEM((CH,), jnp.int32),
          pltpu.VMEM((CH, 16), jnp.float32),
          pltpu.VMEM_SHARED((n_pad, 16), jnp.float32),
      ],
  )
  def run(dst_hbm, z_hbm, ones_hbm, out_hbm, idx_v, ones_v, acc_sh):
    c = lax.axis_index("c")
    s = lax.axis_index("s")
    r0 = s * rows_per_tile
    pltpu.sync_copy(z_hbm.at[pl.ds(r0, rows_per_tile)],
                    acc_sh.at[pl.ds(r0, rows_per_tile)])
    pltpu.sync_copy(ones_hbm, ones_v)
    plsc.subcore_barrier()

    def body(ch, carry):
      pltpu.sync_copy(dst_hbm.at[c, s, ch], idx_v)
      pltpu.sync_copy(ones_v, acc_sh.at[idx_v], add=True)
      return carry

    lax.fori_loop(0, n_chunks, body, 0)
    plsc.subcore_barrier()
    pltpu.sync_copy(acc_sh.at[pl.ds(r0, rows_per_tile)],
                    out_hbm.at[c, pl.ds(r0, rows_per_tile)])

  return run(dst4, zinit, ones)


def _gcn_aggregate(xw, srcs, dsts, n_nodes, n_pad, n_chunks, n_graphs):
  del n_graphs
  rows_per_tile = n_nodes // NS
  K = 3
  assert n_chunks % K == 0

  @functools.partial(
      pl.kernel,
      out_type=jax.ShapeDtypeStruct(xw.shape, jnp.float32),
      mesh=_sc_mesh(),
      compiler_params=pltpu.CompilerParams(use_tc_tiling_on_sc=False),
      scratch_types=[
          pltpu.VMEM((n_chunks, CHA), jnp.int32),
          pltpu.VMEM((n_chunks, CHA), jnp.int32),
          pltpu.VMEM((CHA, 128), jnp.float32),
          pltpu.VMEM((CHA, 128), jnp.float32),
          pltpu.VMEM((CHA, 128), jnp.float32),
          pltpu.VMEM_SHARED((n_pad, 128), jnp.float32),
          pltpu.SemaphoreType.DMA,
          pltpu.SemaphoreType.DMA,
          pltpu.SemaphoreType.DMA,
          pltpu.SemaphoreType.DMA,
          pltpu.SemaphoreType.DMA,
          pltpu.SemaphoreType.DMA,
      ],
  )
  def run(xw_hbm, srcs_hbm, dsts_hbm, out_hbm, sidx_v, didx_v,
          b0, b1, b2, acc_sh, g0, g1, g2, s0, s1, s2):
    c = lax.axis_index("c")
    s = lax.axis_index("s")
    r0 = s * rows_per_tile
    bufs = [b0, b1, b2]
    gsems = [g0, g1, g2]
    ssems = [s0, s1, s2]

    def drain(b, sem_list):
      pltpu.make_async_copy(xw_hbm.at[pl.ds(0, CHA)], bufs[b],
                            sem_list[b]).wait()

    pltpu.sync_copy(dsts_hbm.at[s], didx_v)
    base = c * n_nodes
    pltpu.sync_copy(xw_hbm.at[pl.ds(base + r0, rows_per_tile)],
                    acc_sh.at[pl.ds(r0, rows_per_tile)])
    pltpu.sync_copy(srcs_hbm.at[c, s], sidx_v)
    plsc.subcore_barrier()

    pltpu.async_copy(xw_hbm.at[sidx_v.at[0]], bufs[0], gsems[0])
    pltpu.async_copy(xw_hbm.at[sidx_v.at[1]], bufs[1], gsems[1])

    def body(j, carry):
      for b in range(K):
        v = K * j + b
        drain(b, gsems)
        pltpu.async_copy(bufs[b], acc_sh.at[didx_v.at[v]],
                         ssems[b], add=True)

        @pl.when(v >= 1)
        def _(b2=(b - 1) % K):
          drain(b2, ssems)

        @pl.when(v + 2 < n_chunks)
        def _(b2=(b + 2) % K, v=v):
          pltpu.async_copy(xw_hbm.at[sidx_v.at[v + 2]], bufs[b2],
                           gsems[b2])

      return carry

    lax.fori_loop(0, n_chunks // K, body, 0)
    drain((n_chunks - 1) % K, ssems)
    plsc.subcore_barrier()
    pltpu.sync_copy(acc_sh.at[pl.ds(r0, rows_per_tile)],
                    out_hbm.at[pl.ds(base + r0, rows_per_tile)])

  return run(xw, srcs, dsts)


def _silu(x):
  return x * jax.nn.sigmoid(x)


def _dinv_of(p):
  deg = 1.0 + p[0, :, 0:1] + p[1, :, 0:1]
  return lax.rsqrt(deg)


def _pre_matmul(xs, scale, shift, w, p, blk, reps):
  nblk = xs.shape[0] // blk
  d = w.shape[0]

  def body(xs_ref, sc_ref, sh_ref, w_ref, p_ref, out_ref):
    dinv = _dinv_of(p_ref[...])
    x = xs_ref[...] * sc_ref[...] + sh_ref[...]
    y = lax.dot_general(x, w_ref[...], (((1,), (1,)), ((), ())),
                        preferred_element_type=jnp.float32)
    out_ref[...] = y * dinv

  return pl.pallas_call(
      body,
      grid=(nblk,),
      in_specs=[
          pl.BlockSpec((blk, xs.shape[1]), lambda b: (b, 0)),
          pl.BlockSpec((1, xs.shape[1]), lambda b: (0, 0)),
          pl.BlockSpec((1, xs.shape[1]), lambda b: (0, 0)),
          pl.BlockSpec(w.shape, lambda b: (0, 0)),
          pl.BlockSpec((NC, blk, 16), lambda b: (0, b % reps, 0)),
      ],
      out_specs=pl.BlockSpec((blk, d), lambda b: (b, 0)),
      out_shape=jax.ShapeDtypeStruct((xs.shape[0], d), jnp.float32),
  )(xs, scale, shift, w, p)


def _mid_matmul(s, b, w, p, blk, reps):
  nblk = s.shape[0] // blk
  d = w.shape[0]

  def body(s_ref, b_ref, w_ref, p_ref, out_ref):
    dinv = _dinv_of(p_ref[...])
    h = _silu(s_ref[...] * dinv + b_ref[...])
    y = lax.dot_general(h, w_ref[...], (((1,), (1,)), ((), ())),
                        preferred_element_type=jnp.float32)
    out_ref[...] = y * dinv

  return pl.pallas_call(
      body,
      grid=(nblk,),
      in_specs=[
          pl.BlockSpec((blk, s.shape[1]), lambda b: (b, 0)),
          pl.BlockSpec((1, d), lambda b: (0, 0)),
          pl.BlockSpec(w.shape, lambda b: (0, 0)),
          pl.BlockSpec((NC, blk, 16), lambda b: (0, b % reps, 0)),
      ],
      out_specs=pl.BlockSpec((blk, d), lambda b: (b, 0)),
      out_shape=jax.ShapeDtypeStruct((s.shape[0], d), jnp.float32),
  )(s, b, w, p)


def _pool_sums(s, b, p, blk, reps, n_graphs):
  nblk = s.shape[0] // blk
  d = s.shape[1]

  def body(s_ref, b_ref, p_ref, out_ref):
    j = pl.program_id(0) % reps
    dinv = _dinv_of(p_ref[...])
    h = _silu(s_ref[...] * dinv + b_ref[...])
    part = jnp.sum(h, axis=0, keepdims=True)[None]

    @pl.when(j == 0)
    def _():
      out_ref[...] = part

    @pl.when(j != 0)
    def _():
      out_ref[...] += part

  return pl.pallas_call(
      body,
      grid=(nblk,),
      in_specs=[
          pl.BlockSpec((blk, d), lambda b: (b, 0)),
          pl.BlockSpec((1, d), lambda b: (0, 0)),
          pl.BlockSpec((NC, blk, 16), lambda b: (0, b % reps, 0)),
      ],
      out_specs=pl.BlockSpec((1, 1, d), lambda b: (b // reps, 0, 0)),
      out_shape=jax.ShapeDtypeStruct((n_graphs, 1, d), jnp.float32),
  )(s, b, p)


def _seq_head(pool_sums, n_nodes,
              wih0, whh0, bi0, bh0, wih1, whh1, bi1, bh1,
              wh1, bhd1, wh2, bhd2, wh3, bhd3):
  t_steps, d = pool_sums.shape

  def dotT(x, w):
    return lax.dot_general(x, w, (((1,), (1,)), ((), ())),
                           preferred_element_type=jnp.float32)

  def body(pool_ref, wih0_r, whh0_r, bi0_r, bh0_r,
           wih1_r, whh1_r, bi1_r, bh1_r,
           wh1_r, bhd1_r, wh2_r, bhd2_r, wh3_r, bhd3_r, out_ref):
    emb = pool_ref[...] * (1.0 / n_nodes)

    def cell(xt, h, c, wih, whh, bi, bh):
      gates = dotT(xt, wih) + dotT(h, whh) + bi + bh
      i = jax.nn.sigmoid(gates[:, 0 * d:1 * d])
      f = jax.nn.sigmoid(gates[:, 1 * d:2 * d])
      g = jnp.tanh(gates[:, 2 * d:3 * d])
      o = jax.nn.sigmoid(gates[:, 3 * d:4 * d])
      c = f * c + i * g
      h = o * jnp.tanh(c)
      return h, c

    h0 = jnp.zeros((1, d), jnp.float32)
    c0 = jnp.zeros((1, d), jnp.float32)
    ys = []
    for t in range(t_steps):
      h0, c0 = cell(emb[t:t + 1, :], h0, c0,
                    wih0_r[...], whh0_r[...], bi0_r[...], bh0_r[...])
      ys.append(h0)
    h1 = jnp.zeros((1, d), jnp.float32)
    c1 = jnp.zeros((1, d), jnp.float32)
    for t in range(t_steps):
      h1, c1 = cell(ys[t], h1, c1,
                    wih1_r[...], whh1_r[...], bi1_r[...], bh1_r[...])
    hh = _silu(dotT(h1, wh1_r[...]) + bhd1_r[...])
    hh = _silu(dotT(hh, wh2_r[...]) + bhd2_r[...])
    z = dotT(hh, wh3_r[...]) + bhd3_r[...]
    sp = jnp.maximum(z, 0.0) + jnp.log(1.0 + jnp.exp(-jnp.abs(z))) + 1e-6
    out_ref[...] = sp

  return pl.pallas_call(
      body,
      out_shape=jax.ShapeDtypeStruct((1, wh3.shape[0]), jnp.float32),
  )(pool_sums, wih0, whh0, bi0, bh0, wih1, whh1, bi1, bh1,
    wh1, bhd1, wh2, bhd2, wh3, bhd3)


def kernel(snapshot_sequence, edge_index, scale, shift,
           W1, b1, W2, b2, W3, b3,
           Wih0, Whh0, bih0, bhh0, Wih1, Whh1, bih1, bhh1,
           Wh1, bh1, Wh2, bh2, Wh3, bh3):
  B, T, N, F = snapshot_sequence.shape
  D = W1.shape[0]
  G = B * T
  GN = G * N
  E = edge_index.shape[1]

  ei = edge_index.astype(jnp.int32)
  src, dst = ei[0], ei[1]

  n_ch16 = -(-E // (NS * CHA))
  n_ch16 = -(-n_ch16 // 3) * 3
  pad16 = NS * CHA * n_ch16 - E
  src_p = jnp.concatenate([src, jnp.zeros((pad16,), jnp.int32)])
  dst_p = jnp.concatenate([dst, jnp.full((pad16,), N, jnp.int32)])
  srcs_pair = jnp.stack([src_p, src_p + N]).reshape(NC, NS, n_ch16, CHA)
  dsts3 = dst_p.reshape(NS, n_ch16, CHA)

  n_ch32 = -(-E // (NC * NS * CH))
  pad32 = NC * NS * CH * n_ch32 - E
  dst_deg = jnp.concatenate(
      [dst, jnp.full((pad32,), N, jnp.int32)]).reshape(NC, NS, n_ch32, CH)

  n_pad = (N // NS + 1) * NS
  n_pad_a = N + 8
  zinit = jnp.zeros((n_pad, 16), jnp.float32)
  ones = jnp.ones((CH, 16), jnp.float32)

  p = _deg_partials(dst_deg, zinit, ones, n_pad, n_ch32)[:, :N, :]

  blk = 2000
  reps = N // blk

  xs = snapshot_sequence.reshape(GN, F)
  pools = []
  for pc in range(2):
    xp = jnp.concatenate(
        [xs[pc * N:(pc + 1) * N], xs[(pc + 2) * N:(pc + 3) * N]], axis=0)
    xw = _pre_matmul(xp, scale.reshape(1, F), shift.reshape(1, F), W1, p,
                     blk, reps)
    t = _gcn_aggregate(xw, srcs_pair, dsts3, N, n_pad_a, n_ch16, G)
    xw2 = _mid_matmul(t, b1.reshape(1, D), W2, p, blk, reps)
    t = _gcn_aggregate(xw2, srcs_pair, dsts3, N, n_pad_a, n_ch16, G)
    xw3 = _mid_matmul(t, b2.reshape(1, D), W3, p, blk, reps)
    t = _gcn_aggregate(xw3, srcs_pair, dsts3, N, n_pad_a, n_ch16, G)
    pools.append(_pool_sums(t, b3.reshape(1, D), p, blk, reps, 2))

  ps = jnp.concatenate(
      [pools[0].reshape(2, D), pools[1].reshape(2, D)])[jnp.array([0, 2, 1, 3])]
  n_out = Wh3.shape[0]
  wh3p = jnp.concatenate(
      [Wh3, jnp.zeros((128 - n_out, Wh3.shape[1]), jnp.float32)], axis=0)
  bh3p = jnp.concatenate(
      [bh3, jnp.zeros((128 - n_out,), jnp.float32)]).reshape(1, 128)
  res = _seq_head(ps, N,
                  Wih0, Whh0, bih0.reshape(1, 4 * D), bhh0.reshape(1, 4 * D),
                  Wih1, Whh1, bih1.reshape(1, 4 * D), bhh1.reshape(1, 4 * D),
                  Wh1, bh1.reshape(1, -1), Wh2, bh2.reshape(1, -1),
                  wh3p, bh3p)
  return res[:B, :n_out]

# --- scband reference (transcript-rebuilt; emitter-appended) ---
"""Pipeline reference for scband-graph-mamba-physics-model-24584392802966 (READ-ONLY COPY).

The authoritative reference and input builder live on the scoring server;
editing this copy changes nothing except your own understanding.
"""

import jax, jax.numpy as jnp
import numpy as np

N_NODES = 10000
IN_FEAT = 128
D_MODEL = 128


def gcn_conv(x, src, dst, W, b, num_total_nodes):
    # PyG GCNConv (default): x' = D^-1/2 (A+I) D^-1/2 X W + b
    x = x @ W.T
    loop = jnp.arange(num_total_nodes)
    s = jnp.concatenate([src, loop])
    d = jnp.concatenate([dst, loop])
    deg = jnp.zeros((num_total_nodes,), x.dtype).at[d].add(1.0)
    dinv = jnp.where(deg > 0, deg ** -0.5, 0.0)
    coef = dinv[s] * dinv[d]
    msg = x[s] * coef[:, None]
    out = jnp.zeros_like(x).at[d].add(msg)
    return out + b


def lstm_layer(xs, Wih, Whh, bih, bhh):
    B, T, _ = xs.shape
    H = Whh.shape[1]
    def step(carry, xt):
        h, c = carry
        gates = xt @ Wih.T + h @ Whh.T + bih + bhh
        i, f, g, o = jnp.split(gates, 4, axis=-1)
        i = jax.nn.sigmoid(i); f = jax.nn.sigmoid(f)
        g = jnp.tanh(g); o = jax.nn.sigmoid(o)
        c = f * c + i * g
        h = o * jnp.tanh(c)
        return (h, c), h
    h0 = jnp.zeros((B, H), xs.dtype)
    c0 = jnp.zeros((B, H), xs.dtype)
    (_, _), ys = jax.lax.scan(step, (h0, c0), jnp.swapaxes(xs, 0, 1))
    return jnp.swapaxes(ys, 0, 1)


def setup_inputs(seed: int = 0) -> dict:
    key = jax.random.key(seed)
    ks = jax.random.split(key, 32)
    B, T, N, F, D = 1, 4, N_NODES, IN_FEAT, D_MODEL
    E = 160000
    inp = {}
    inp["snapshot_sequence"] = jax.random.normal(ks[0], (B, T, N, F), dtype=jnp.float32)
    inp["edge_index"] = jax.random.randint(ks[1], (2, E), 0, N, dtype=jnp.int64)
    # FeatureNormalizer
    inp["scale"] = jnp.ones((F,), jnp.float32)
    inp["shift"] = jnp.zeros((F,), jnp.float32)
    # GCN layers (PyTorch Linear layout [out, in])
    inp["W1"] = jax.random.normal(ks[2], (D, F), jnp.float32) * (1.0 / np.sqrt(F))
    inp["b1"] = jnp.zeros((D,), jnp.float32)
    inp["W2"] = jax.random.normal(ks[3], (D, D), jnp.float32) * (1.0 / np.sqrt(D))
    inp["b2"] = jnp.zeros((D,), jnp.float32)
    inp["W3"] = jax.random.normal(ks[4], (D, D), jnp.float32) * (1.0 / np.sqrt(D))
    inp["b3"] = jnp.zeros((D,), jnp.float32)
    # 2-layer LSTM, hidden = D, PyTorch gate order i,f,g,o
    s = 1.0 / np.sqrt(D)
    inp["Wih0"] = jax.random.uniform(ks[5], (4 * D, D), jnp.float32, -s, s)
    inp["Whh0"] = jax.random.uniform(ks[6], (4 * D, D), jnp.float32, -s, s)
    inp["bih0"] = jax.random.uniform(ks[7], (4 * D,), jnp.float32, -s, s)
    inp["bhh0"] = jax.random.uniform(ks[8], (4 * D,), jnp.float32, -s, s)
    inp["Wih1"] = jax.random.uniform(ks[9], (4 * D, D), jnp.float32, -s, s)
    inp["Whh1"] = jax.random.uniform(ks[10], (4 * D, D), jnp.float32, -s, s)
    inp["bih1"] = jax.random.uniform(ks[11], (4 * D,), jnp.float32, -s, s)
    inp["bhh1"] = jax.random.uniform(ks[12], (4 * D,), jnp.float32, -s, s)
    # head
    inp["Wh1"] = jax.random.normal(ks[13], (128, D), jnp.float32) * (1.0 / np.sqrt(D))
    inp["bh1"] = jnp.zeros((128,), jnp.float32)
    inp["Wh2"] = jax.random.normal(ks[14], (64, 128), jnp.float32) * (1.0 / np.sqrt(128))
    inp["bh2"] = jnp.zeros((64,), jnp.float32)
    inp["Wh3"] = jax.random.normal(ks[15], (2, 64), jnp.float32) * (1.0 / np.sqrt(64))
    inp["bh3"] = jnp.zeros((2,), jnp.float32)
    return inp


def reference(snapshot_sequence, edge_index, scale, shift,
              W1, b1, W2, b2, W3, b3,
              Wih0, Whh0, bih0, bhh0, Wih1, Whh1, bih1, bhh1,
              Wh1, bh1, Wh2, bh2, Wh3, bh3):
    B, T, N, F = snapshot_sequence.shape
    D = W1.shape[0]
    x = snapshot_sequence * scale + shift
    G = B * T
    flat = x.reshape(G * N, F)
    E = edge_index.shape[1]
    # batch the graph G times with node offsets
    eb = jnp.tile(edge_index, (1, G)) + jnp.repeat(jnp.arange(G, dtype=edge_index.dtype) * N, E)[None, :]
    src, dst = eb[0], eb[1]
    silu = jax.nn.silu
    h = silu(gcn_conv(flat, src, dst, W1, b1, G * N))
    h = silu(gcn_conv(h, src, dst, W2, b2, G * N))
    h = silu(gcn_conv(h, src, dst, W3, b3, G * N))
    # global mean pool (fixed N nodes per graph)
    batch_idx = jnp.repeat(jnp.arange(G), N)
    pooled = jax.ops.segment_sum(h, batch_idx, num_segments=G) / N
    emb = pooled.reshape(B, T, D)
    # 2-layer LSTM (eval mode: dropout identity)
    t0 = lstm_layer(emb, Wih0, Whh0, bih0, bhh0)
    t1 = lstm_layer(t0, Wih1, Whh1, bih1, bhh1)
    final = t1[:, -1, :]
    hh = silu(final @ Wh1.T + bh1)
    hh = silu(hh @ Wh2.T + bh2)
    out = hh @ Wh3.T + bh3
    return jax.nn.softplus(out) + 1e-06

if __name__ == "__main__":
    import jax
    _d = setup_inputs()
    print(jax.jit(kernel)(*tuple(_d.values())))

</pallas_src>

<mosaic_0001>
#map = affine_map<(d0, d1) -> (0, 0, 0, 0)>
#map1 = affine_map<(d0, d1) -> (0, 0)>
#map2 = affine_map<(d0, d1) -> (0, 0, 0)>
module attributes {stable_mosaic.version = 14 : i64} {
  func.func @run(%arg0: i32, %arg1: i32, %arg2: memref<2x16x40x128xi32, #tpu.memory_space<hbm>>, %arg3: memref<10016x16xf32, #tpu.memory_space<hbm>>, %arg4: memref<128x16xf32, #tpu.memory_space<hbm>>, %arg5: memref<2x10016x16xf32, #tpu.memory_space<hbm>>, %arg6: memref<128xi32, #tpu.memory_space<vmem>>, %arg7: memref<128x16xf32, #tpu.memory_space<vmem>>, %arg8: memref<10016x16xf32, #tpu.memory_space<vmem_shared>>) attributes {dimension_semantics = [#tpu.dimension_semantics<core_parallel>, #tpu.dimension_semantics<subcore_parallel>], iteration_bounds = array<i64: 2, 16>, scalar_prefetch = 0 : i64, scratch_operands = 3 : i64, tpu.core_type = #tpu.core_type<sc_vector_subcore>, window_params = [{transform_indices = #map}, {transform_indices = #map1}, {transform_indices = #map1}, {transform_indices = #map2}]} {
    %mul3A = arith.constant 626 : i32
    %mul3A_0 = arith.muli %arg1, %mul3A : i32
    "tpu.region"() ({
      %run_scoped3A = tpu.sem_alloc : memref<!tpu.dma_semaphore, #tpu.memory_space<semaphore_mem>>
      %dma_start3A = arith.constant 0 : i32
      %dma_start3A_7 = tpu.memref_slice %arg8[%mul3A_0, %dma_start3A] : memref<10016x16xf32, #tpu.memory_space<vmem_shared>> -> memref<626x16xf32, #tpu.memory_space<vmem_shared>>
      %dma_start3A_8 = arith.constant 0 : i32
      %dma_start3A_9 = tpu.memref_slice %arg3[%mul3A_0, %dma_start3A_8] : memref<10016x16xf32, #tpu.memory_space<hbm>> -> memref<626x16xf32, #tpu.memory_space<hbm>>
      tpu.enqueue_dma source(%dma_start3A_9 : memref<626x16xf32, #tpu.memory_space<hbm>>) target(%dma_start3A_7 : memref<626x16xf32, #tpu.memory_space<vmem_shared>>) target_semaphore(%run_scoped3A : memref<!tpu.dma_semaphore, #tpu.memory_space<semaphore_mem>>)
      %dma_wait3A = arith.constant 0 : i32
      %dma_wait3A_10 = tpu.memref_slice %arg8[%mul3A_0, %dma_wait3A] : memref<10016x16xf32, #tpu.memory_space<vmem_shared>> -> memref<626x16xf32, #tpu.memory_space<vmem_shared>>
      %dma_wait3A_11 = arith.constant 0 : i32
      %dma_wait3A_12 = tpu.memref_slice %arg3[%mul3A_0, %dma_wait3A_11] : memref<10016x16xf32, #tpu.memory_space<hbm>> -> memref<626x16xf32, #tpu.memory_space<hbm>>
      tpu.wait_dma2 semaphore(%run_scoped3A : memref<!tpu.dma_semaphore, #tpu.memory_space<semaphore_mem>>) src(%dma_wait3A_12 : memref<626x16xf32, #tpu.memory_space<hbm>>) dst(%dma_wait3A_10 : memref<626x16xf32, #tpu.memory_space<vmem_shared>>)
      tpu.yield
    }) : () -> ()
    "tpu.region"() ({
      %run_scoped3A = tpu.sem_alloc : memref<!tpu.dma_semaphore, #tpu.memory_space<semaphore_mem>>
      tpu.enqueue_dma source(%arg4 : memref<128x16xf32, #tpu.memory_space<hbm>>) target(%arg7 : memref<128x16xf32, #tpu.memory_space<vmem>>) target_semaphore(%run_scoped3A : memref<!tpu.dma_semaphore, #tpu.memory_space<semaphore_mem>>)
      tpu.wait_dma2 semaphore(%run_scoped3A : memref<!tpu.dma_semaphore, #tpu.memory_space<semaphore_mem>>) src(%arg4 : memref<128x16xf32, #tpu.memory_space<hbm>>) dst(%arg7 : memref<128x16xf32, #tpu.memory_space<vmem>>)
      tpu.yield
    }) : () -> ()
    %barrier3A = arith.constant 0 : index
    tpu.barrier barrier_id(%barrier3A)
    %scan3A = arith.constant 0 : i32
    %scan3A_1 = arith.constant 0 : i32
    %scan3A_2 = arith.constant 40 : i32
    %scan3A_3 = arith.addi %scan3A_1, %scan3A_2 : i32
    %scan3A_4 = arith.constant 1 : i32
    scf.for %scan3A_7 = %scan3A_1 to %scan3A_3 step %scan3A_4  : i32 {
      "tpu.region"() ({
        %run_scoped3A = tpu.sem_alloc : memref<!tpu.dma_semaphore, #tpu.memory_space<semaphore_mem>>
        %dma_start3A = arith.constant 0 : i32
        %dma_start3A_8 = tpu.memref_slice %arg2[%arg0, %arg1, %scan3A_7, %dma_start3A] : memref<2x16x40x128xi32, #tpu.memory_space<hbm>> -> memref<1x1x1x128xi32, #tpu.memory_space<hbm>>
        %dma_start3A_9 = tpu.memref_squeeze %dma_start3A_8 : memref<1x1x1x128xi32, #tpu.memory_space<hbm>> -> memref<128xi32, #tpu.memory_space<hbm>>
        %dma_start3A_10 = arith.constant 0 : i32
        %dma_start3A_11 = tpu.memref_slice %arg2[%arg0, %arg1, %scan3A_7, %dma_start3A_10] : memref<2x16x40x128xi32, #tpu.memory_space<hbm>> -> memref<1x1x1x128xi32, #tpu.memory_space<hbm>>
        %dma_start3A_12 = tpu.memref_squeeze %dma_start3A_11 : memref<1x1x1x128xi32, #tpu.memory_space<hbm>> -> memref<128xi32, #tpu.memory_space<hbm>>
        tpu.enqueue_dma source(%dma_start3A_12 : memref<128xi32, #tpu.memory_space<hbm>>) target(%arg6 : memref<128xi32, #tpu.memory_space<vmem>>) target_semaphore(%run_scoped3A : memref<!tpu.dma_semaphore, #tpu.memory_space<semaphore_mem>>)
        %dma_wait3A = arith.constant 0 : i32
        %dma_wait3A_13 = tpu.memref_slice %arg2[%arg0, %arg1, %scan3A_7, %dma_wait3A] : memref<2x16x40x128xi32, #tpu.memory_space<hbm>> -> memref<1x1x1x128xi32, #tpu.memory_space<hbm>>
        %dma_wait3A_14 = tpu.memref_squeeze %dma_wait3A_13 : memref<1x1x1x128xi32, #tpu.memory_space<hbm>> -> memref<128xi32, #tpu.memory_space<hbm>>
        %dma_wait3A_15 = arith.constant 0 : i32
        %dma_wait3A_16 = tpu.memref_slice %arg2[%arg0, %arg1, %scan3A_7, %dma_wait3A_15] : memref<2x16x40x128xi32, #tpu.memory_space<hbm>> -> memref<1x1x1x128xi32, #tpu.memory_space<hbm>>
        %dma_wait3A_17 = tpu.memref_squeeze %dma_wait3A_16 : memref<1x1x1x128xi32, #tpu.memory_space<hbm>> -> memref<128xi32, #tpu.memory_space<hbm>>
        tpu.wait_dma2 semaphore(%run_scoped3A : memref<!tpu.dma_semaphore, #tpu.memory_space<semaphore_mem>>) src(%dma_wait3A_17 : memref<128xi32, #tpu.memory_space<hbm>>) dst(%arg6 : memref<128xi32, #tpu.memory_space<vmem>>)
        tpu.yield
      }) : () -> ()
      "tpu.region"() ({
        %run_scoped3A = tpu.sem_alloc : memref<!tpu.dma_semaphore, #tpu.memory_space<semaphore_mem>>
        %dma_start3A = arith.constant 0 : i32
        %dma_start3A_8 = arith.constant 0 : i32
        %dma_start3A_9 = tpu.memref_slice %arg8[%dma_start3A, %dma_start3A_8] : memref<10016x16xf32, #tpu.memory_space<vmem_shared>> -> memref<10016x16xf32, #tpu.memory_space<vmem_shared>>
        tpu.enqueue_indirect_dma source(%arg7 : memref<128x16xf32, #tpu.memory_space<vmem>>) target(%dma_start3A_9 : memref<10016x16xf32, #tpu.memory_space<vmem_shared>>) offsets(%arg6 : memref<128xi32, #tpu.memory_space<vmem>>) semaphore(%run_scoped3A : memref<!tpu.dma_semaphore, #tpu.memory_space<semaphore_mem>>) {add = true}
        %dma_wait3A = arith.constant 0 : i32
        %dma_wait3A_10 = arith.constant 0 : i32
        %dma_wait3A_11 = tpu.memref_slice %arg8[%dma_wait3A, %dma_wait3A_10] : memref<10016x16xf32, #tpu.memory_space<vmem_shared>> -> memref<10016x16xf32, #tpu.memory_space<vmem_shared>>
        tpu.wait_indirect_dma semaphore(%run_scoped3A : memref<!tpu.dma_semaphore, #tpu.memory_space<semaphore_mem>>) src(%arg7 : memref<128x16xf32, #tpu.memory_space<vmem>>) dst(%dma_wait3A_11 : memref<10016x16xf32, #tpu.memory_space<vmem_shared>>)
        tpu.yield
      }) : () -> ()
    }
    %scan3A_5 = arith.constant 40 : i32
    %barrier3A_6 = arith.constant 0 : index
    tpu.barrier barrier_id(%barrier3A_6)
    "tpu.region"() ({
      %run_scoped3A = tpu.sem_alloc : memref<!tpu.dma_semaphore, #tpu.memory_space<semaphore_mem>>
      %dma_start3A = arith.constant 0 : i32
      %dma_start3A_7 = tpu.memref_slice %arg5[%arg0, %mul3A_0, %dma_start3A] : memref<2x10016x16xf32, #tpu.memory_space<hbm>> -> memref<1x626x16xf32, #tpu.memory_space<hbm>>
      %dma_start3A_8 = tpu.memref_squeeze %dma_start3A_7 : memref<1x626x16xf32, #tpu.memory_space<hbm>> -> memref<626x16xf32, #tpu.memory_space<hbm>>
      %dma_start3A_9 = arith.constant 0 : i32
      %dma_start3A_10 = tpu.memref_slice %arg8[%mul3A_0, %dma_start3A_9] : memref<10016x16xf32, #tpu.memory_space<vmem_shared>> -> memref<626x16xf32, #tpu.memory_space<vmem_shared>>
      tpu.enqueue_dma source(%dma_start3A_10 : memref<626x16xf32, #tpu.memory_space<vmem_shared>>) target(%dma_start3A_8 : memref<626x16xf32, #tpu.memory_space<hbm>>) target_semaphore(%run_scoped3A : memref<!tpu.dma_semaphore, #tpu.memory_space<semaphore_mem>>)
      %dma_wait3A = arith.constant 0 : i32
      %dma_wait3A_11 = tpu.memref_slice %arg5[%arg0, %mul3A_0, %dma_wait3A] : memref<2x10016x16xf32, #tpu.memory_space<hbm>> -> memref<1x626x16xf32, #tpu.memory_space<hbm>>
      %dma_wait3A_12 = tpu.memref_squeeze %dma_wait3A_11 : memref<1x626x16xf32, #tpu.memory_space<hbm>> -> memref<626x16xf32, #tpu.memory_space<hbm>>
      %dma_wait3A_13 = arith.constant 0 : i32
      %dma_wait3A_14 = tpu.memref_slice %arg8[%mul3A_0, %dma_wait3A_13] : memref<10016x16xf32, #tpu.memory_space<vmem_shared>> -> memref<626x16xf32, #tpu.memory_space<vmem_shared>>
      tpu.wait_dma2 semaphore(%run_scoped3A : memref<!tpu.dma_semaphore, #tpu.memory_space<semaphore_mem>>) src(%dma_wait3A_14 : memref<626x16xf32, #tpu.memory_space<vmem_shared>>) dst(%dma_wait3A_12 : memref<626x16xf32, #tpu.memory_space<hbm>>)
      tpu.yield
    }) : () -> ()
    return
  }
}

#map = affine_map<(d0, d1) -> (0, 0)>
#map1 = affine_map<(d0, d1) -> (0, 0, 0, 0)>
#map2 = affine_map<(d0, d1) -> (0, 0, 0)>
module attributes {stable_mosaic.version = 14 : i64} {
  func.func @run(%arg0: i32, %arg1: i32, %arg2: memref<20000x128xf32, #tpu.memory_space<hbm>>, %arg3: memref<2x16x126x80xi32, #tpu.memory_space<hbm>>, %arg4: memref<16x126x80xi32, #tpu.memory_space<hbm>>, %arg5: memref<20000x128xf32, #tpu.memory_space<hbm>>, %arg6: memref<126x80xi32, #tpu.memory_space<vmem>>, %arg7: memref<126x80xi32, #tpu.memory_space<vmem>>, %arg8: memref<80x128xf32, #tpu.memory_space<vmem>>, %arg9: memref<80x128xf32, #tpu.memory_space<vmem>>, %arg10: memref<80x128xf32, #tpu.memory_space<vmem>>, %arg11: memref<10008x128xf32, #tpu.memory_space<vmem_shared>>, %arg12: memref<!tpu.dma_semaphore, #tpu.memory_space<semaphore_mem>>, %arg13: memref<!tpu.dma_semaphore, #tpu.memory_space<semaphore_mem>>, %arg14: memref<!tpu.dma_semaphore, #tpu.memory_space<semaphore_mem>>, %arg15: memref<!tpu.dma_semaphore, #tpu.memory_space<semaphore_mem>>, %arg16: memref<!tpu.dma_semaphore, #tpu.memory_space<semaphore_mem>>, %arg17: memref<!tpu.dma_semaphore, #tpu.memory_space<semaphore_mem>>) attributes {dimension_semantics = [#tpu.dimension_semantics<core_parallel>, #tpu.dimension_semantics<subcore_parallel>], iteration_bounds = array<i64: 2, 16>, scalar_prefetch = 0 : i64, scratch_operands = 12 : i64, tpu.core_type = #tpu.core_type<sc_vector_subcore>, window_params = [{transform_indices = #map}, {transform_indices = #map1}, {transform_indices = #map2}, {transform_indices = #map}]} {
    %mul3A = arith.constant 625 : i32
    %mul3A_0 = arith.muli %arg1, %mul3A : i32
    "tpu.region"() ({
      %run_scoped3A = tpu.sem_alloc : memref<!tpu.dma_semaphore, #tpu.memory_space<semaphore_mem>>
      %dma_start3A_28 = arith.constant 0 : i32
      %dma_start3A_29 = arith.constant 0 : i32
      %dma_start3A_30 = tpu.memref_slice %arg4[%arg1, %dma_start3A_28, %dma_start3A_29] : memref<16x126x80xi32, #tpu.memory_space<hbm>> -> memref<1x126x80xi32, #tpu.memory_space<hbm>>
      %dma_start3A_31 = tpu.memref_squeeze %dma_start3A_30 : memref<1x126x80xi32, #tpu.memory_space<hbm>> -> memref<126x80xi32, #tpu.memory_space<hbm>>
      %dma_start3A_32 = arith.constant 0 : i32
      %dma_start3A_33 = arith.constant 0 : i32
      %dma_start3A_34 = tpu.memref_slice %arg4[%arg1, %dma_start3A_32, %dma_start3A_33] : memref<16x126x80xi32, #tpu.memory_space<hbm>> -> memref<1x126x80xi32, #tpu.memory_space<hbm>>
      %dma_start3A_35 = tpu.memref_squeeze %dma_start3A_34 : memref<1x126x80xi32, #tpu.memory_space<hbm>> -> memref<126x80xi32, #tpu.memory_space<hbm>>
      tpu.enqueue_dma source(%dma_start3A_35 : memref<126x80xi32, #tpu.memory_space<hbm>>) target(%arg7 : memref<126x80xi32, #tpu.memory_space<vmem>>) target_semaphore(%run_scoped3A : memref<!tpu.dma_semaphore, #tpu.memory_space<semaphore_mem>>)
      %dma_wait3A_36 = arith.constant 0 : i32
      %dma_wait3A_37 = arith.constant 0 : i32
      %dma_wait3A_38 = tpu.memref_slice %arg4[%arg1, %dma_wait3A_36, %dma_wait3A_37] : memref<16x126x80xi32, #tpu.memory_space<hbm>> -> memref<1x126x80xi32, #tpu.memory_space<hbm>>
      %dma_wait3A_39 = tpu.memref_squeeze %dma_wait3A_38 : memref<1x126x80xi32, #tpu.memory_space<hbm>> -> memref<126x80xi32, #tpu.memory_space<hbm>>
      %dma_wait3A_40 = arith.constant 0 : i32
      %dma_wait3A_41 = arith.constant 0 : i32
      %dma_wait3A_42 = tpu.memref_slice %arg4[%arg1, %dma_wait3A_40, %dma_wait3A_41] : memref<16x126x80xi32, #tpu.memory_space<hbm>> -> memref<1x126x80xi32, #tpu.memory_space<hbm>>
      %dma_wait3A_43 = tpu.memref_squeeze %dma_wait3A_42 : memref<1x126x80xi32, #tpu.memory_space<hbm>> -> memref<126x80xi32, #tpu.memory_space<hbm>>
      tpu.wait_dma2 semaphore(%run_scoped3A : memref<!tpu.dma_semaphore, #tpu.memory_space<semaphore_mem>>) src(%dma_wait3A_43 : memref<126x80xi32, #tpu.memory_space<hbm>>) dst(%arg7 : memref<126x80xi32, #tpu.memory_space<vmem>>)
      tpu.yield
    }) : () -> ()
    %mul3A_1 = arith.constant 10000 : i32
    %mul3A_2 = arith.muli %arg0, %mul3A_1 : i32
    %add3A = arith.addi %mul3A_2, %mul3A_0 : i32
    "tpu.region"() ({
      %run_scoped3A = tpu.sem_alloc : memref<!tpu.dma_semaphore, #tpu.memory_space<semaphore_mem>>
      %dma_start3A_28 = arith.constant 0 : i32
      %dma_start3A_29 = tpu.memref_slice %arg11[%mul3A_0, %dma_start3A_28] : memref<10008x128xf32, #tpu.memory_space<vmem_shared>> -> memref<625x128xf32, #tpu.memory_space<vmem_shared>>
      %dma_start3A_30 = arith.constant 0 : i32
      %dma_start3A_31 = tpu.memref_slice %arg2[%add3A, %dma_start3A_30] : memref<20000x128xf32, #tpu.memory_space<hbm>> -> memref<625x128xf32, #tpu.memory_space<hbm>>
      tpu.enqueue_dma source(%dma_start3A_31 : memref<625x128xf32, #tpu.memory_space<hbm>>) target(%dma_start3A_29 : memref<625x128xf32, #tpu.memory_space<vmem_shared>>) target_semaphore(%run_scoped3A : memref<!tpu.dma_semaphore, #tpu.memory_space<semaphore_mem>>)
      %dma_wait3A_32 = arith.constant 0 : i32
      %dma_wait3A_33 = tpu.memref_slice %arg11[%mul3A_0, %dma_wait3A_32] : memref<10008x128xf32, #tpu.memory_space<vmem_shared>> -> memref<625x128xf32, #tpu.memory_space<vmem_shared>>
      %dma_wait3A_34 = arith.constant 0 : i32
      %dma_wait3A_35 = tpu.memref_slice %arg2[%add3A, %dma_wait3A_34] : memref<20000x128xf32, #tpu.memory_space<hbm>> -> memref<625x128xf32, #tpu.memory_space<hbm>>
      tpu.wait_dma2 semaphore(%run_scoped3A : memref<!tpu.dma_semaphore, #tpu.memory_space<semaphore_mem>>) src(%dma_wait3A_35 : memref<625x128xf32, #tpu.memory_space<hbm>>) dst(%dma_wait3A_33 : memref<625x128xf32, #tpu.memory_space<vmem_shared>>)
      tpu.yield
    }) : () -> ()
    "tpu.region"() ({
      %run_scoped3A = tpu.sem_alloc : memref<!tpu.dma_semaphore, #tpu.memory_space<semaphore_mem>>
      %dma_start3A_28 = arith.constant 0 : i32
      %dma_start3A_29 = arith.constant 0 : i32
      %dma_start3A_30 = tpu.memref_slice %arg3[%arg0, %arg1, %dma_start3A_28, %dma_start3A_29] : memref<2x16x126x80xi32, #tpu.memory_space<hbm>> -> memref<1x1x126x80xi32, #tpu.memory_space<hbm>>
      %dma_start3A_31 = tpu.memref_squeeze %dma_start3A_30 : memref<1x1x126x80xi32, #tpu.memory_space<hbm>> -> memref<126x80xi32, #tpu.memory_space<hbm>>
      %dma_start3A_32 = arith.constant 0 : i32
      %dma_start3A_33 = arith.constant 0 : i32
      %dma_start3A_34 = tpu.memref_slice %arg3[%arg0, %arg1, %dma_start3A_32, %dma_start3A_33] : memref<2x16x126x80xi32, #tpu.memory_space<hbm>> -> memref<1x1x126x80xi32, #tpu.memory_space<hbm>>
      %dma_start3A_35 = tpu.memref_squeeze %dma_start3A_34 : memref<1x1x126x80xi32, #tpu.memory_space<hbm>> -> memref<126x80xi32, #tpu.memory_space<hbm>>
      tpu.enqueue_dma source(%dma_start3A_35 : memref<126x80xi32, #tpu.memory_space<hbm>>) target(%arg6 : memref<126x80xi32, #tpu.memory_space<vmem>>) target_semaphore(%run_scoped3A : memref<!tpu.dma_semaphore, #tpu.memory_space<semaphore_mem>>)
      %dma_wait3A_36 = arith.constant 0 : i32
      %dma_wait3A_37 = arith.constant 0 : i32
      %dma_wait3A_38 = tpu.memref_slice %arg3[%arg0, %arg1, %dma_wait3A_36, %dma_wait3A_37] : memref<2x16x126x80xi32, #tpu.memory_space<hbm>> -> memref<1x1x126x80xi32, #tpu.memory_space<hbm>>
      %dma_wait3A_39 = tpu.memref_squeeze %dma_wait3A_38 : memref<1x1x126x80xi32, #tpu.memory_space<hbm>> -> memref<126x80xi32, #tpu.memory_space<hbm>>
      %dma_wait3A_40 = arith.constant 0 : i32
      %dma_wait3A_41 = arith.constant 0 : i32
      %dma_wait3A_42 = tpu.memref_slice %arg3[%arg0, %arg1, %dma_wait3A_40, %dma_wait3A_41] : memref<2x16x126x80xi32, #tpu.memory_space<hbm>> -> memref<1x1x126x80xi32, #tpu.memory_space<hbm>>
      %dma_wait3A_43 = tpu.memref_squeeze %dma_wait3A_42 : memref<1x1x126x80xi32, #tpu.memory_space<hbm>> -> memref<126x80xi32, #tpu.memory_space<hbm>>
      tpu.wait_dma2 semaphore(%run_scoped3A : memref<!tpu.dma_semaphore, #tpu.memory_space<semaphore_mem>>) src(%dma_wait3A_43 : memref<126x80xi32, #tpu.memory_space<hbm>>) dst(%arg6 : memref<126x80xi32, #tpu.memory_space<vmem>>)
      tpu.yield
    }) : () -> ()
    %barrier3A = arith.constant 0 : index
    tpu.barrier barrier_id(%barrier3A)
    %dma_start3A = arith.constant 0 : i32
    %dma_start3A_3 = arith.constant 0 : i32
    %dma_start3A_4 = tpu.memref_slice %arg6[%dma_start3A, %dma_start3A_3] : memref<126x80xi32, #tpu.memory_space<vmem>> -> memref<1x80xi32, #tpu.memory_space<vmem>>
    %dma_start3A_5 = tpu.memref_squeeze %dma_start3A_4 : memref<1x80xi32, #tpu.memory_space<vmem>> -> memref<80xi32, #tpu.memory_space<vmem>>
    %dma_start3A_6 = arith.constant 0 : i32
    %dma_start3A_7 = arith.constant 0 : i32
    %dma_start3A_8 = tpu.memref_slice %arg2[%dma_start3A_6, %dma_start3A_7] : memref<20000x128xf32, #tpu.memory_space<hbm>> -> memref<20000x128xf32, #tpu.memory_space<hbm>>
    tpu.enqueue_indirect_dma source(%dma_start3A_8 : memref<20000x128xf32, #tpu.memory_space<hbm>>) target(%arg8 : memref<80x128xf32, #tpu.memory_space<vmem>>) offsets(%dma_start3A_5 : memref<80xi32, #tpu.memory_space<vmem>>) semaphore(%arg12 : memref<!tpu.dma_semaphore, #tpu.memory_space<semaphore_mem>>)
    %dma_start3A_9 = arith.constant 1 : i32
    %dma_start3A_10 = arith.constant 0 : i32
    %dma_start3A_11 = tpu.memref_slice %arg6[%dma_start3A_9, %dma_start3A_10] : memref<126x80xi32, #tpu.memory_space<vmem>> -> memref<1x80xi32, #tpu.memory_space<vmem>>
    %dma_start3A_12 = tpu.memref_squeeze %dma_start3A_11 : memref<1x80xi32, #tpu.memory_space<vmem>> -> memref<80xi32, #tpu.memory_space<vmem>>
    %dma_start3A_13 = arith.constant 0 : i32
    %dma_start3A_14 = arith.constant 0 : i32
    %dma_start3A_15 = tpu.memref_slice %arg2[%dma_start3A_13, %dma_start3A_14] : memref<20000x128xf32, #tpu.memory_space<hbm>> -> memref<20000x128xf32, #tpu.memory_space<hbm>>
    tpu.enqueue_indirect_dma source(%dma_start3A_15 : memref<20000x128xf32, #tpu.memory_space<hbm>>) target(%arg9 : memref<80x128xf32, #tpu.memory_space<vmem>>) offsets(%dma_start3A_12 : memref<80xi32, #tpu.memory_space<vmem>>) semaphore(%arg13 : memref<!tpu.dma_semaphore, #tpu.memory_space<semaphore_mem>>)
    %scan3A = arith.constant 0 : i32
    %scan3A_16 = arith.constant 0 : i32
    %scan3A_17 = arith.constant 42 : i32
    %scan3A_18 = arith.addi %scan3A_16, %scan3A_17 : i32
    %scan3A_19 = arith.constant 1 : i32
    scf.for %scan3A_28 = %scan3A_16 to %scan3A_18 step %scan3A_19  : i32 {
      %mul3A_29 = arith.constant 3 : i32
      %mul3A_30 = arith.muli %mul3A_29, %scan3A_28 : i32
      %add3A_31 = arith.constant 0 : i32
      %add3A_32 = arith.addi %mul3A_30, %add3A_31 : i32
      %dma_wait3A_33 = arith.constant 0 : i32
      %dma_wait3A_34 = arith.constant 0 : i32
      %dma_wait3A_35 = tpu.memref_slice %arg2[%dma_wait3A_33, %dma_wait3A_34] : memref<20000x128xf32, #tpu.memory_space<hbm>> -> memref<80x128xf32, #tpu.memory_space<hbm>>
      %dma_wait3A_36 = arith.constant 0 : i32
      %dma_wait3A_37 = arith.constant 0 : i32
      %dma_wait3A_38 = tpu.memref_slice %arg2[%dma_wait3A_36, %dma_wait3A_37] : memref<20000x128xf32, #tpu.memory_space<hbm>> -> memref<80x128xf32, #tpu.memory_space<hbm>>
      tpu.wait_dma2 semaphore(%arg12 : memref<!tpu.dma_semaphore, #tpu.memory_space<semaphore_mem>>) src(%dma_wait3A_38 : memref<80x128xf32, #tpu.memory_space<hbm>>) dst(%arg8 : memref<80x128xf32, #tpu.memory_space<vmem>>)
      %dma_start3A_39 = arith.constant 0 : i32
      %dma_start3A_40 = tpu.memref_slice %arg7[%add3A_32, %dma_start3A_39] : memref<126x80xi32, #tpu.memory_space<vmem>> -> memref<1x80xi32, #tpu.memory_space<vmem>>
      %dma_start3A_41 = tpu.memref_squeeze %dma_start3A_40 : memref<1x80xi32, #tpu.memory_space<vmem>> -> memref<80xi32, #tpu.memory_space<vmem>>
      %dma_start3A_42 = arith.constant 0 : i32
      %dma_start3A_43 = arith.constant 0 : i32
      %dma_start3A_44 = tpu.memref_slice %arg11[%dma_start3A_42, %dma_start3A_43] : memref<10008x128xf32, #tpu.memory_space<vmem_shared>> -> memref<10008x128xf32, #tpu.memory_space<vmem_shared>>
      tpu.enqueue_indirect_dma source(%arg8 : memref<80x128xf32, #tpu.memory_space<vmem>>) target(%dma_start3A_44 : memref<10008x128xf32, #tpu.memory_space<vmem_shared>>) offsets(%dma_start3A_41 : memref<80xi32, #tpu.memory_space<vmem>>) semaphore(%arg15 : memref<!tpu.dma_semaphore, #tpu.memory_space<semaphore_mem>>) {add = true}
      %ge3A = arith.constant 1 : i32
      %ge3A_45 = arith.cmpi sge, %add3A_32, %ge3A : i32
      %convert_element_type3A = arith.extui %ge3A_45 : i1 to i32
      %cond3A = arith.constant 0 : i32
      %cond3A_46 = arith.cmpi ne, %convert_element_type3A, %cond3A : i32
      scf.if %cond3A_46 {
        %dma_wait3A_109 = arith.constant 0 : i32
        %dma_wait3A_110 = arith.constant 0 : i32
        %dma_wait3A_111 = tpu.memref_slice %arg2[%dma_wait3A_109, %dma_wait3A_110] : memref<20000x128xf32, #tpu.memory_space<hbm>> -> memref<80x128xf32, #tpu.memory_space<hbm>>
        %dma_wait3A_112 = arith.constant 0 : i32
        %dma_wait3A_113 = arith.constant 0 : i32
        %dma_wait3A_114 = tpu.memref_slice %arg2[%dma_wait3A_112, %dma_wait3A_113] : memref<20000x128xf32, #tpu.memory_space<hbm>> -> memref<80x128xf32, #tpu.memory_space<hbm>>
        tpu.wait_dma2 semaphore(%arg17 : memref<!tpu.dma_semaphore, #tpu.memory_space<semaphore_mem>>) src(%dma_wait3A_114 : memref<80x128xf32, #tpu.memory_space<hbm>>) dst(%arg10 : memref<80x128xf32, #tpu.memory_space<vmem>>)
      } else {
      }
      %add3A_47 = arith.constant 2 : i32
      %add3A_48 = arith.addi %add3A_32, %add3A_47 : i32
      %lt3A = arith.constant 126 : i32
      %lt3A_49 = arith.cmpi slt, %add3A_48, %lt3A : i32
      %convert_element_type3A_50 = arith.extui %lt3A_49 : i1 to i32
      %cond3A_51 = arith.constant 0 : i32
      %cond3A_52 = arith.cmpi ne, %convert_element_type3A_50, %cond3A_51 : i32
      scf.if %cond3A_52 {
        %add3A_109 = arith.constant 2 : i32
        %add3A_110 = arith.addi %add3A_32, %add3A_109 : i32
        %dma_start3A_111 = arith.constant 0 : i32
        %dma_start3A_112 = tpu.memref_slice %arg6[%add3A_110, %dma_start3A_111] : memref<126x80xi32, #tpu.memory_space<vmem>> -> memref<1x80xi32, #tpu.memory_space<vmem>>
        %dma_start3A_113 = tpu.memref_squeeze %dma_start3A_112 : memref<1x80xi32, #tpu.memory_space<vmem>> -> memref<80xi32, #tpu.memory_space<vmem>>
        %dma_start3A_114 = arith.constant 0 : i32
        %dma_start3A_115 = arith.constant 0 : i32
        %dma_start3A_116 = tpu.memref_slice %arg2[%dma_start3A_114, %dma_start3A_115] : memref<20000x128xf32, #tpu.memory_space<hbm>> -> memref<20000x128xf32, #tpu.memory_space<hbm>>
        tpu.enqueue_indirect_dma source(%dma_start3A_116 : memref<20000x128xf32, #tpu.memory_space<hbm>>) target(%arg10 : memref<80x128xf32, #tpu.memory_space<vmem>>) offsets(%dma_start3A_113 : memref<80xi32, #tpu.memory_space<vmem>>) semaphore(%arg14 : memref<!tpu.dma_semaphore, #tpu.memory_space<semaphore_mem>>)
      } else {
      }
      %mul3A_53 = arith.constant 3 : i32
      %mul3A_54 = arith.muli %mul3A_53, %scan3A_28 : i32
      %add3A_55 = arith.constant 1 : i32
      %add3A_56 = arith.addi %mul3A_54, %add3A_55 : i32
      %dma_wait3A_57 = arith.constant 0 : i32
      %dma_wait3A_58 = arith.constant 0 : i32
      %dma_wait3A_59 = tpu.memref_slice %arg2[%dma_wait3A_57, %dma_wait3A_58] : memref<20000x128xf32, #tpu.memory_space<hbm>> -> memref<80x128xf32, #tpu.memory_space<hbm>>
      %dma_wait3A_60 = arith.constant 0 : i32
      %dma_wait3A_61 = arith.constant 0 : i32
      %dma_wait3A_62 = tpu.memref_slice %arg2[%dma_wait3A_60, %dma_wait3A_61] : memref<20000x128xf32, #tpu.memory_space<hbm>> -> memref<80x128xf32, #tpu.memory_space<hbm>>
      tpu.wait_dma2 semaphore(%arg13 : memref<!tpu.dma_semaphore, #tpu.memory_space<semaphore_mem>>) src(%dma_wait3A_62 : memref<80x128xf32, #tpu.memory_space<hbm>>) dst(%arg9 : memref<80x128xf32, #tpu.memory_space<vmem>>)
      %dma_start3A_63 = arith.constant 0 : i32
      %dma_start3A_64 = tpu.memref_slice %arg7[%add3A_56, %dma_start3A_63] : memref<126x80xi32, #tpu.memory_space<vmem>> -> memref<1x80xi32, #tpu.memory_space<vmem>>
      %dma_start3A_65 = tpu.memref_squeeze %dma_start3A_64 : memref<1x80xi32, #tpu.memory_space<vmem>> -> memref<80xi32, #tpu.memory_space<vmem>>
      %dma_start3A_66 = arith.constant 0 : i32
      %dma_start3A_67 = arith.constant 0 : i32
      %dma_start3A_68 = tpu.memref_slice %arg11[%dma_start3A_66, %dma_start3A_67] : memref<10008x128xf32, #tpu.memory_space<vmem_shared>> -> memref<10008x128xf32, #tpu.memory_space<vmem_shared>>
      tpu.enqueue_indirect_dma source(%arg9 : memref<80x128xf32, #tpu.memory_space<vmem>>) target(%dma_start3A_68 : memref<10008x128xf32, #tpu.memory_space<vmem_shared>>) offsets(%dma_start3A_65 : memref<80xi32, #tpu.memory_space<vmem>>) semaphore(%arg16 : memref<!tpu.dma_semaphore, #tpu.memory_space<semaphore_mem>>) {add = true}
      %ge3A_69 = arith.constant 1 : i32
      %ge3A_70 = arith.cmpi sge, %add3A_56, %ge3A_69 : i32
      %convert_element_type3A_71 = arith.extui %ge3A_70 : i1 to i32
      %cond3A_72 = arith.constant 0 : i32
      %cond3A_73 = arith.cmpi ne, %convert_element_type3A_71, %cond3A_72 : i32
      scf.if %cond3A_73 {
        %dma_wait3A_109 = arith.constant 0 : i32
        %dma_wait3A_110 = arith.constant 0 : i32
        %dma_wait3A_111 = tpu.memref_slice %arg2[%dma_wait3A_109, %dma_wait3A_110] : memref<20000x128xf32, #tpu.memory_space<hbm>> -> memref<80x128xf32, #tpu.memory_space<hbm>>
        %dma_wait3A_112 = arith.constant 0 : i32
        %dma_wait3A_113 = arith.constant 0 : i32
        %dma_wait3A_114 = tpu.memref_slice %arg2[%dma_wait3A_112, %dma_wait3A_113] : memref<20000x128xf32, #tpu.memory_space<hbm>> -> memref<80x128xf32, #tpu.memory_space<hbm>>
        tpu.wait_dma2 semaphore(%arg15 : memref<!tpu.dma_semaphore, #tpu.memory_space<semaphore_mem>>) src(%dma_wait3A_114 : memref<80x128xf32, #tpu.memory_space<hbm>>) dst(%arg8 : memref<80x128xf32, #tpu.memory_space<vmem>>)
      } else {
      }
      %add3A_74 = arith.constant 2 : i32
      %add3A_75 = arith.addi %add3A_56, %add3A_74 : i32
      %lt3A_76 = arith.constant 126 : i32
      %lt3A_77 = arith.cmpi slt, %add3A_75, %lt3A_76 : i32
      %convert_element_type3A_78 = arith.extui %lt3A_77 : i1 to i32
      %cond3A_79 = arith.constant 0 : i32
      %cond3A_80 = arith.cmpi ne, %convert_element_type3A_78, %cond3A_79 : i32
      scf.if %cond3A_80 {
        %add3A_109 = arith.constant 2 : i32
        %add3A_110 = arith.addi %add3A_56, %add3A_109 : i32
        %dma_start3A_111 = arith.constant 0 : i32
        %dma_start3A_112 = tpu.memref_slice %arg6[%add3A_110, %dma_start3A_111] : memref<126x80xi32, #tpu.memory_space<vmem>> -> memref<1x80xi32, #tpu.memory_space<vmem>>
        %dma_start3A_113 = tpu.memref_squeeze %dma_start3A_112 : memref<1x80xi32, #tpu.memory_space<vmem>> -> memref<80xi32, #tpu.memory_space<vmem>>
        %dma_start3A_114 = arith.constant 0 : i32
        %dma_start3A_115 = arith.constant 0 : i32
        %dma_start3A_116 = tpu.memref_slice %arg2[%dma_start3A_114, %dma_start3A_115] : memref<20000x128xf32, #tpu.memory_space<hbm>> -> memref<20000x128xf32, #tpu.memory_space<hbm>>
        tpu.enqueue_indirect_dma source(%dma_start3A_116 : memref<20000x128xf32, #tpu.memory_space<hbm>>) target(%arg8 : memref<80x128xf32, #tpu.memory_space<vmem>>) offsets(%dma_start3A_113 : memref<80xi32, #tpu.memory_space<vmem>>) semaphore(%arg12 : memref<!tpu.dma_semaphore, #tpu.memory_space<semaphore_mem>>)
      } else {
      }
      %mul3A_81 = arith.constant 3 : i32
      %mul3A_82 = arith.muli %mul3A_81, %scan3A_28 : i32
      %add3A_83 = arith.constant 2 : i32
      %add3A_84 = arith.addi %mul3A_82, %add3A_83 : i32
      %dma_wait3A_85 = arith.constant 0 : i32
      %dma_wait3A_86 = arith.constant 0 : i32
      %dma_wait3A_87 = tpu.memref_slice %arg2[%dma_wait3A_85, %dma_wait3A_86] : memref<20000x128xf32, #tpu.memory_space<hbm>> -> memref<80x128xf32, #tpu.memory_space<hbm>>
      %dma_wait3A_88 = arith.constant 0 : i32
      %dma_wait3A_89 = arith.constant 0 : i32
      %dma_wait3A_90 = tpu.memref_slice %arg2[%dma_wait3A_88, %dma_wait3A_89] : memref<20000x128xf32, #tpu.memory_space<hbm>> -> memref<80x128xf32, #tpu.memory_space<hbm>>
      tpu.wait_dma2 semaphore(%arg14 : memref<!tpu.dma_semaphore, #tpu.memory_space<semaphore_mem>>) src(%dma_wait3A_90 : memref<80x128xf32, #tpu.memory_space<hbm>>) dst(%arg10 : memref<80x128xf32, #tpu.memory_space<vmem>>)
      %dma_start3A_91 = arith.constant 0 : i32
      %dma_start3A_92 = tpu.memref_slice %arg7[%add3A_84, %dma_start3A_91] : memref<126x80xi32, #tpu.memory_space<vmem>> -> memref<1x80xi32, #tpu.memory_space<vmem>>
      %dma_start3A_93 = tpu.memref_squeeze %dma_start3A_92 : memref<1x80xi32, #tpu.memory_space<vmem>> -> memref<80xi32, #tpu.memory_space<vmem>>
      %dma_start3A_94 = arith.constant 0 : i32
      %dma_start3A_95 = arith.constant 0 : i32
      %dma_start3A_96 = tpu.memref_slice %arg11[%dma_start3A_94, %dma_start3A_95] : memref<10008x128xf32, #tpu.memory_space<vmem_shared>> -> memref<10008x128xf32, #tpu.memory_space<vmem_shared>>
      tpu.enqueue_indirect_dma source(%arg10 : memref<80x128xf32, #tpu.memory_space<vmem>>) target(%dma_start3A_96 : memref<10008x128xf32, #tpu.memory_space<vmem_shared>>) offsets(%dma_start3A_93 : memref<80xi32, #tpu.memory_space<vmem>>) semaphore(%arg17 : memref<!tpu.dma_semaphore, #tpu.memory_space<semaphore_mem>>) {add = true}
      %ge3A_97 = arith.constant 1 : i32
      %ge3A_98 = arith.cmpi sge, %add3A_84, %ge3A_97 : i32
      %convert_element_type3A_99 = arith.extui %ge3A_98 : i1 to i32
      %cond3A_100 = arith.constant 0 : i32
      %cond3A_101 = arith.cmpi ne, %convert_element_type3A_99, %cond3A_100 : i32
      scf.if %cond3A_101 {
        %dma_wait3A_109 = arith.constant 0 : i32
        %dma_wait3A_110 = arith.constant 0 : i32
        %dma_wait3A_111 = tpu.memref_slice %arg2[%dma_wait3A_109, %dma_wait3A_110] : memref<20000x128xf32, #tpu.memory_space<hbm>> -> memref<80x128xf32, #tpu.memory_space<hbm>>
        %dma_wait3A_112 = arith.constant 0 : i32
        %dma_wait3A_113 = arith.constant 0 : i32
        %dma_wait3A_114 = tpu.memref_slice %arg2[%dma_wait3A_112, %dma_wait3A_113] : memref<20000x128xf32, #tpu.memory_space<hbm>> -> memref<80x128xf32, #tpu.memory_space<hbm>>
        tpu.wait_dma2 semaphore(%arg16 : memref<!tpu.dma_semaphore, #tpu.memory_space<semaphore_mem>>) src(%dma_wait3A_114 : memref<80x128xf32, #tpu.memory_space<hbm>>) dst(%arg9 : memref<80x128xf32, #tpu.memory_space<vmem>>)
      } else {
      }
      %add3A_102 = arith.constant 2 : i32
      %add3A_103 = arith.addi %add3A_84, %add3A_102 : i32
      %lt3A_104 = arith.constant 126 : i32
      %lt3A_105 = arith.cmpi slt, %add3A_103, %lt3A_104 : i32
      %convert_element_type3A_106 = arith.extui %lt3A_105 : i1 to i32
      %cond3A_107 = arith.constant 0 : i32
      %cond3A_108 = arith.cmpi ne, %convert_element_type3A_106, %cond3A_107 : i32
      scf.if %cond3A_108 {
        %add3A_109 = arith.constant 2 : i32
        %add3A_110 = arith.addi %add3A_84, %add3A_109 : i32
        %dma_start3A_111 = arith.constant 0 : i32
        %dma_start3A_112 = tpu.memref_slice %arg6[%add3A_110, %dma_start3A_111] : memref<126x80xi32, #tpu.memory_space<vmem>> -> memref<1x80xi32, #tpu.memory_space<vmem>>
        %dma_start3A_113 = tpu.memref_squeeze %dma_start3A_112 : memref<1x80xi32, #tpu.memory_space<vmem>> -> memref<80xi32, #tpu.memory_space<vmem>>
        %dma_start3A_114 = arith.constant 0 : i32
        %dma_start3A_115 = arith.constant 0 : i32
        %dma_start3A_116 = tpu.memref_slice %arg2[%dma_start3A_114, %dma_start3A_115] : memref<20000x128xf32, #tpu.memory_space<hbm>> -> memref<20000x128xf32, #tpu.memory_space<hbm>>
        tpu.enqueue_indirect_dma source(%dma_start3A_116 : memref<20000x128xf32, #tpu.memory_space<hbm>>) target(%arg9 : memref<80x128xf32, #tpu.memory_space<vmem>>) offsets(%dma_start3A_113 : memref<80xi32, #tpu.memory_space<vmem>>) semaphore(%arg13 : memref<!tpu.dma_semaphore, #tpu.memory_space<semaphore_mem>>)
      } else {
      }
    }
    %scan3A_20 = arith.constant 42 : i32
    %dma_wait3A = arith.constant 0 : i32
    %dma_wait3A_21 = arith.constant 0 : i32
    %dma_wait3A_22 = tpu.memref_slice %arg2[%dma_wait3A, %dma_wait3A_21] : memref<20000x128xf32, #tpu.memory_space<hbm>> -> memref<80x128xf32, #tpu.memory_space<hbm>>
    %dma_wait3A_23 = arith.constant 0 : i32
    %dma_wait3A_24 = arith.constant 0 : i32
    %dma_wait3A_25 = tpu.memref_slice %arg2[%dma_wait3A_23, %dma_wait3A_24] : memref<20000x128xf32, #tpu.memory_space<hbm>> -> memref<80x128xf32, #tpu.memory_space<hbm>>
    tpu.wait_dma2 semaphore(%arg17 : memref<!tpu.dma_semaphore, #tpu.memory_space<semaphore_mem>>) src(%dma_wait3A_25 : memref<80x128xf32, #tpu.memory_space<hbm>>) dst(%arg10 : memref<80x128xf32, #tpu.memory_space<vmem>>)
    %barrier3A_26 = arith.constant 0 : index
    tpu.barrier barrier_id(%barrier3A_26)
    %add3A_27 = arith.addi %mul3A_2, %mul3A_0 : i32
    "tpu.region"() ({
      %run_scoped3A = tpu.sem_alloc : memref<!tpu.dma_semaphore, #tpu.memory_space<semaphore_mem>>
      %dma_start3A_28 = arith.constant 0 : i32
      %dma_start3A_29 = tpu.memref_slice %arg5[%add3A_27, %dma_start3A_28] : memref<20000x128xf32, #tpu.memory_space<hbm>> -> memref<625x128xf32, #tpu.memory_space<hbm>>
      %dma_start3A_30 = arith.constant 0 : i32
      %dma_start3A_31 = tpu.memref_slice %arg11[%mul3A_0, %dma_start3A_30] : memref<10008x128xf32, #tpu.memory_space<vmem_shared>> -> memref<625x128xf32, #tpu.memory_space<vmem_shared>>
      tpu.enqueue_dma source(%dma_start3A_31 : memref<625x128xf32, #tpu.memory_space<vmem_shared>>) target(%dma_start3A_29 : memref<625x128xf32, #tpu.memory_space<hbm>>) target_semaphore(%run_scoped3A : memref<!tpu.dma_semaphore, #tpu.memory_space<semaphore_mem>>)
      %dma_wait3A_32 = arith.constant 0 : i32
      %dma_wait3A_33 = tpu.memref_slice %arg5[%add3A_27, %dma_wait3A_32] : memref<20000x128xf32, #tpu.memory_space<hbm>> -> memref<625x128xf32, #tpu.memory_space<hbm>>
      %dma_wait3A_34 = arith.constant 0 : i32
      %dma_wait3A_35 = tpu.memref_slice %arg11[%mul3A_0, %dma_wait3A_34] : memref<10008x128xf32, #tpu.memory_space<vmem_shared>> -> memref<625x128xf32, #tpu.memory_space<vmem_shared>>
      tpu.wait_dma2 semaphore(%run_scoped3A : memref<!tpu.dma_semaphore, #tpu.memory_space<semaphore_mem>>) src(%dma_wait3A_35 : memref<625x128xf32, #tpu.memory_space<vmem_shared>>) dst(%dma_wait3A_33 : memref<625x128xf32, #tpu.memory_space<hbm>>)
      tpu.yield
    }) : () -> ()
    return
  }
}

#map = affine_map<(d0, d1) -> (0, 0)>
#map1 = affine_map<(d0, d1) -> (0, 0, 0, 0)>
#map2 = affine_map<(d0, d1) -> (0, 0, 0)>
module attributes {stable_mosaic.version = 14 : i64} {
  func.func @run(%arg0: i32, %arg1: i32, %arg2: memref<20000x128xf32, #tpu.memory_space<hbm>>, %arg3: memref<2x16x126x80xi32, #tpu.memory_space<hbm>>, %arg4: memref<16x126x80xi32, #tpu.memory_space<hbm>>, %arg5: memref<20000x128xf32, #tpu.memory_space<hbm>>, %arg6: memref<126x80xi32, #tpu.memory_space<vmem>>, %arg7: memref<126x80xi32, #tpu.memory_space<vmem>>, %arg8: memref<80x128xf32, #tpu.memory_space<vmem>>, %arg9: memref<80x128xf32, #tpu.memory_space<vmem>>, %arg10: memref<80x128xf32, #tpu.memory_space<vmem>>, %arg11: memref<10008x128xf32, #tpu.memory_space<vmem_shared>>, %arg12: memref<!tpu.dma_semaphore, #tpu.memory_space<semaphore_mem>>, %arg13: memref<!tpu.dma_semaphore, #tpu.memory_space<semaphore_mem>>, %arg14: memref<!tpu.dma_semaphore, #tpu.memory_space<semaphore_mem>>, %arg15: memref<!tpu.dma_semaphore, #tpu.memory_space<semaphore_mem>>, %arg16: memref<!tpu.dma_semaphore, #tpu.memory_space<semaphore_mem>>, %arg17: memref<!tpu.dma_semaphore, #tpu.memory_space<semaphore_mem>>) attributes {dimension_semantics = [#tpu.dimension_semantics<core_parallel>, #tpu.dimension_semantics<subcore_parallel>], iteration_bounds = array<i64: 2, 16>, scalar_prefetch = 0 : i64, scratch_operands = 12 : i64, tpu.core_type = #tpu.core_type<sc_vector_subcore>, window_params = [{transform_indices = #map}, {transform_indices = #map1}, {transform_indices = #map2}, {transform_indices = #map}]} {
    %mul3A = arith.constant 625 : i32
    %mul3A_0 = arith.muli %arg1, %mul3A : i32
    "tpu.region"() ({
      %run_scoped3A = tpu.sem_alloc : memref<!tpu.dma_semaphore, #tpu.memory_space<semaphore_mem>>
      %dma_start3A_28 = arith.constant 0 : i32
      %dma_start3A_29 = arith.constant 0 : i32
      %dma_start3A_30 = tpu.memref_slice %arg4[%arg1, %dma_start3A_28, %dma_start3A_29] : memref<16x126x80xi32, #tpu.memory_space<hbm>> -> memref<1x126x80xi32, #tpu.memory_space<hbm>>
      %dma_start3A_31 = tpu.memref_squeeze %dma_start3A_30 : memref<1x126x80xi32, #tpu.memory_space<hbm>> -> memref<126x80xi32, #tpu.memory_space<hbm>>
      %dma_start3A_32 = arith.constant 0 : i32
      %dma_start3A_33 = arith.constant 0 : i32
      %dma_start3A_34 = tpu.memref_slice %arg4[%arg1, %dma_start3A_32, %dma_start3A_33] : memref<16x126x80xi32, #tpu.memory_space<hbm>> -> memref<1x126x80xi32, #tpu.memory_space<hbm>>
      %dma_start3A_35 = tpu.memref_squeeze %dma_start3A_34 : memref<1x126x80xi32, #tpu.memory_space<hbm>> -> memref<126x80xi32, #tpu.memory_space<hbm>>
      tpu.enqueue_dma source(%dma_start3A_35 : memref<126x80xi32, #tpu.memory_space<hbm>>) target(%arg7 : memref<126x80xi32, #tpu.memory_space<vmem>>) target_semaphore(%run_scoped3A : memref<!tpu.dma_semaphore, #tpu.memory_space<semaphore_mem>>)
      %dma_wait3A_36 = arith.constant 0 : i32
      %dma_wait3A_37 = arith.constant 0 : i32
      %dma_wait3A_38 = tpu.memref_slice %arg4[%arg1, %dma_wait3A_36, %dma_wait3A_37] : memref<16x126x80xi32, #tpu.memory_space<hbm>> -> memref<1x126x80xi32, #tpu.memory_space<hbm>>
      %dma_wait3A_39 = tpu.memref_squeeze %dma_wait3A_38 : memref<1x126x80xi32, #tpu.memory_space<hbm>> -> memref<126x80xi32, #tpu.memory_space<hbm>>
      %dma_wait3A_40 = arith.constant 0 : i32
      %dma_wait3A_41 = arith.constant 0 : i32
      %dma_wait3A_42 = tpu.memref_slice %arg4[%arg1, %dma_wait3A_40, %dma_wait3A_41] : memref<16x126x80xi32, #tpu.memory_space<hbm>> -> memref<1x126x80xi32, #tpu.memory_space<hbm>>
      %dma_wait3A_43 = tpu.memref_squeeze %dma_wait3A_42 : memref<1x126x80xi32, #tpu.memory_space<hbm>> -> memref<126x80xi32, #tpu.memory_space<hbm>>
      tpu.wait_dma2 semaphore(%run_scoped3A : memref<!tpu.dma_semaphore, #tpu.memory_space<semaphore_mem>>) src(%dma_wait3A_43 : memref<126x80xi32, #tpu.memory_space<hbm>>) dst(%arg7 : memref<126x80xi32, #tpu.memory_space<vmem>>)
      tpu.yield
    }) : () -> ()
    %mul3A_1 = arith.constant 10000 : i32
    %mul3A_2 = arith.muli %arg0, %mul3A_1 : i32
    %add3A = arith.addi %mul3A_2, %mul3A_0 : i32
    "tpu.region"() ({
      %run_scoped3A = tpu.sem_alloc : memref<!tpu.dma_semaphore, #tpu.memory_space<semaphore_mem>>
      %dma_start3A_28 = arith.constant 0 : i32
      %dma_start3A_29 = tpu.memref_slice %arg11[%mul3A_0, %dma_start3A_28] : memref<10008x128xf32, #tpu.memory_space<vmem_shared>> -> memref<625x128xf32, #tpu.memory_space<vmem_shared>>
      %dma_start3A_30 = arith.constant 0 : i32
      %dma_start3A_31 = tpu.memref_slice %arg2[%add3A, %dma_start3A_30] : memref<20000x128xf32, #tpu.memory_space<hbm>> -> memref<625x128xf32, #tpu.memory_space<hbm>>
      tpu.enqueue_dma source(%dma_start3A_31 : memref<625x128xf32, #tpu.memory_space<hbm>>) target(%dma_start3A_29 : memref<625x128xf32, #tpu.memory_space<vmem_shared>>) target_semaphore(%run_scoped3A : memref<!tpu.dma_semaphore, #tpu.memory_space<semaphore_mem>>)
      %dma_wait3A_32 = arith.constant 0 : i32
      %dma_wait3A_33 = tpu.memref_slice %arg11[%mul3A_0, %dma_wait3A_32] : memref<10008x128xf32, #tpu.memory_space<vmem_shared>> -> memref<625x128xf32, #tpu.memory_space<vmem_shared>>
      %dma_wait3A_34 = arith.constant 0 : i32
      %dma_wait3A_35 = tpu.memref_slice %arg2[%add3A, %dma_wait3A_34] : memref<20000x128xf32, #tpu.memory_space<hbm>> -> memref<625x128xf32, #tpu.memory_space<hbm>>
      tpu.wait_dma2 semaphore(%run_scoped3A : memref<!tpu.dma_semaphore, #tpu.memory_space<semaphore_mem>>) src(%dma_wait3A_35 : memref<625x128xf32, #tpu.memory_space<hbm>>) dst(%dma_wait3A_33 : memref<625x128xf32, #tpu.memory_space<vmem_shared>>)
      tpu.yield
    }) : () -> ()
    "tpu.region"() ({
      %run_scoped3A = tpu.sem_alloc : memref<!tpu.dma_semaphore, #tpu.memory_space<semaphore_mem>>
      %dma_start3A_28 = arith.constant 0 : i32
      %dma_start3A_29 = arith.constant 0 : i32
      %dma_start3A_30 = tpu.memref_slice %arg3[%arg0, %arg1, %dma_start3A_28, %dma_start3A_29] : memref<2x16x126x80xi32, #tpu.memory_space<hbm>> -> memref<1x1x126x80xi32, #tpu.memory_space<hbm>>
      %dma_start3A_31 = tpu.memref_squeeze %dma_start3A_30 : memref<1x1x126x80xi32, #tpu.memory_space<hbm>> -> memref<126x80xi32, #tpu.memory_space<hbm>>
      %dma_start3A_32 = arith.constant 0 : i32
      %dma_start3A_33 = arith.constant 0 : i32
      %dma_start3A_34 = tpu.memref_slice %arg3[%arg0, %arg1, %dma_start3A_32, %dma_start3A_33] : memref<2x16x126x80xi32, #tpu.memory_space<hbm>> -> memref<1x1x126x80xi32, #tpu.memory_space<hbm>>
      %dma_start3A_35 = tpu.memref_squeeze %dma_start3A_34 : memref<1x1x126x80xi32, #tpu.memory_space<hbm>> -> memref<126x80xi32, #tpu.memory_space<hbm>>
      tpu.enqueue_dma source(%dma_start3A_35 : memref<126x80xi32, #tpu.memory_space<hbm>>) target(%arg6 : memref<126x80xi32, #tpu.memory_space<vmem>>) target_semaphore(%run_scoped3A : memref<!tpu.dma_semaphore, #tpu.memory_space<semaphore_mem>>)
      %dma_wait3A_36 = arith.constant 0 : i32
      %dma_wait3A_37 = arith.constant 0 : i32
      %dma_wait3A_38 = tpu.memref_slice %arg3[%arg0, %arg1, %dma_wait3A_36, %dma_wait3A_37] : memref<2x16x126x80xi32, #tpu.memory_space<hbm>> -> memref<1x1x126x80xi32, #tpu.memory_space<hbm>>
      %dma_wait3A_39 = tpu.memref_squeeze %dma_wait3A_38 : memref<1x1x126x80xi32, #tpu.memory_space<hbm>> -> memref<126x80xi32, #tpu.memory_space<hbm>>
      %dma_wait3A_40 = arith.constant 0 : i32
      %dma_wait3A_41 = arith.constant 0 : i32
      %dma_wait3A_42 = tpu.memref_slice %arg3[%arg0, %arg1, %dma_wait3A_40, %dma_wait3A_41] : memref<2x16x126x80xi32, #tpu.memory_space<hbm>> -> memref<1x1x126x80xi32, #tpu.memory_space<hbm>>
      %dma_wait3A_43 = tpu.memref_squeeze %dma_wait3A_42 : memref<1x1x126x80xi32, #tpu.memory_space<hbm>> -> memref<126x80xi32, #tpu.memory_space<hbm>>
      tpu.wait_dma2 semaphore(%run_scoped3A : memref<!tpu.dma_semaphore, #tpu.memory_space<semaphore_mem>>) src(%dma_wait3A_43 : memref<126x80xi32, #tpu.memory_space<hbm>>) dst(%arg6 : memref<126x80xi32, #tpu.memory_space<vmem>>)
      tpu.yield
    }) : () -> ()
    %barrier3A = arith.constant 0 : index
    tpu.barrier barrier_id(%barrier3A)
    %dma_start3A = arith.constant 0 : i32
    %dma_start3A_3 = arith.constant 0 : i32
    %dma_start3A_4 = tpu.memref_slice %arg6[%dma_start3A, %dma_start3A_3] : memref<126x80xi32, #tpu.memory_space<vmem>> -> memref<1x80xi32, #tpu.memory_space<vmem>>
    %dma_start3A_5 = tpu.memref_squeeze %dma_start3A_4 : memref<1x80xi32, #tpu.memory_space<vmem>> -> memref<80xi32, #tpu.memory_space<vmem>>
    %dma_start3A_6 = arith.constant 0 : i32
    %dma_start3A_7 = arith.constant 0 : i32
    %dma_start3A_8 = tpu.memref_slice %arg2[%dma_start3A_6, %dma_start3A_7] : memref<20000x128xf32, #tpu.memory_space<hbm>> -> memref<20000x128xf32, #tpu.memory_space<hbm>>
    tpu.enqueue_indirect_dma source(%dma_start3A_8 : memref<20000x128xf32, #tpu.memory_space<hbm>>) target(%arg8 : memref<80x128xf32, #tpu.memory_space<vmem>>) offsets(%dma_start3A_5 : memref<80xi32, #tpu.memory_space<vmem>>) semaphore(%arg12 : memref<!tpu.dma_semaphore, #tpu.memory_space<semaphore_mem>>)
    %dma_start3A_9 = arith.constant 1 : i32
    %dma_start3A_10 = arith.constant 0 : i32
    %dma_start3A_11 = tpu.memref_slice %arg6[%dma_start3A_9, %dma_start3A_10] : memref<126x80xi32, #tpu.memory_space<vmem>> -> memref<1x80xi32, #tpu.memory_space<vmem>>
    %dma_start3A_12 = tpu.memref_squeeze %dma_start3A_11 : memref<1x80xi32, #tpu.memory_space<vmem>> -> memref<80xi32, #tpu.memory_space<vmem>>
    %dma_start3A_13 = arith.constant 0 : i32
    %dma_start3A_14 = arith.constant 0 : i32
    %dma_start3A_15 = tpu.memref_slice %arg2[%dma_start3A_13, %dma_start3A_14] : memref<20000x128xf32, #tpu.memory_space<hbm>> -> memref<20000x128xf32, #tpu.memory_space<hbm>>
    tpu.enqueue_indirect_dma source(%dma_start3A_15 : memref<20000x128xf32, #tpu.memory_space<hbm>>) target(%arg9 : memref<80x128xf32, #tpu.memory_space<vmem>>) offsets(%dma_start3A_12 : memref<80xi32, #tpu.memory_space<vmem>>) semaphore(%arg13 : memref<!tpu.dma_semaphore, #tpu.memory_space<semaphore_mem>>)
    %scan3A = arith.constant 0 : i32
    %scan3A_16 = arith.constant 0 : i32
    %scan3A_17 = arith.constant 42 : i32
    %scan3A_18 = arith.addi %scan3A_16, %scan3A_17 : i32
    %scan3A_19 = arith.constant 1 : i32
    scf.for %scan3A_28 = %scan3A_16 to %scan3A_18 step %scan3A_19  : i32 {
      %mul3A_29 = arith.constant 3 : i32
      %mul3A_30 = arith.muli %mul3A_29, %scan3A_28 : i32
      %add3A_31 = arith.constant 0 : i32
      %add3A_32 = arith.addi %mul3A_30, %add3A_31 : i32
      %dma_wait3A_33 = arith.constant 0 : i32
      %dma_wait3A_34 = arith.constant 0 : i32
      %dma_wait3A_35 = tpu.memref_slice %arg2[%dma_wait3A_33, %dma_wait3A_34] : memref<20000x128xf32, #tpu.memory_space<hbm>> -> memref<80x128xf32, #tpu.memory_space<hbm>>
      %dma_wait3A_36 = arith.constant 0 : i32
      %dma_wait3A_37 = arith.constant 0 : i32
      %dma_wait3A_38 = tpu.memref_slice %arg2[%dma_wait3A_36, %dma_wait3A_37] : memref<20000x128xf32, #tpu.memory_space<hbm>> -> memref<80x128xf32, #tpu.memory_space<hbm>>
      tpu.wait_dma2 semaphore(%arg12 : memref<!tpu.dma_semaphore, #tpu.memory_space<semaphore_mem>>) src(%dma_wait3A_38 : memref<80x128xf32, #tpu.memory_space<hbm>>) dst(%arg8 : memref<80x128xf32, #tpu.memory_space<vmem>>)
      %dma_start3A_39 = arith.constant 0 : i32
      %dma_start3A_40 = tpu.memref_slice %arg7[%add3A_32, %dma_start3A_39] : memref<126x80xi32, #tpu.memory_space<vmem>> -> memref<1x80xi32, #tpu.memory_space<vmem>>
      %dma_start3A_41 = tpu.memref_squeeze %dma_start3A_40 : memref<1x80xi32, #tpu.memory_space<vmem>> -> memref<80xi32, #tpu.memory_space<vmem>>
      %dma_start3A_42 = arith.constant 0 : i32
      %dma_start3A_43 = arith.constant 0 : i32
      %dma_start3A_44 = tpu.memref_slice %arg11[%dma_start3A_42, %dma_start3A_43] : memref<10008x128xf32, #tpu.memory_space<vmem_shared>> -> memref<10008x128xf32, #tpu.memory_space<vmem_shared>>
      tpu.enqueue_indirect_dma source(%arg8 : memref<80x128xf32, #tpu.memory_space<vmem>>) target(%dma_start3A_44 : memref<10008x128xf32, #tpu.memory_space<vmem_shared>>) offsets(%dma_start3A_41 : memref<80xi32, #tpu.memory_space<vmem>>) semaphore(%arg15 : memref<!tpu.dma_semaphore, #tpu.memory_space<semaphore_mem>>) {add = true}
      %ge3A = arith.constant 1 : i32
      %ge3A_45 = arith.cmpi sge, %add3A_32, %ge3A : i32
      %convert_element_type3A = arith.extui %ge3A_45 : i1 to i32
      %cond3A = arith.constant 0 : i32
      %cond3A_46 = arith.cmpi ne, %convert_element_type3A, %cond3A : i32
      scf.if %cond3A_46 {
        %dma_wait3A_109 = arith.constant 0 : i32
        %dma_wait3A_110 = arith.constant 0 : i32
        %dma_wait3A_111 = tpu.memref_slice %arg2[%dma_wait3A_109, %dma_wait3A_110] : memref<20000x128xf32, #tpu.memory_space<hbm>> -> memref<80x128xf32, #tpu.memory_space<hbm>>
        %dma_wait3A_112 = arith.constant 0 : i32
        %dma_wait3A_113 = arith.constant 0 : i32
        %dma_wait3A_114 = tpu.memref_slice %arg2[%dma_wait3A_112, %dma_wait3A_113] : memref<20000x128xf32, #tpu.memory_space<hbm>> -> memref<80x128xf32, #tpu.memory_space<hbm>>
        tpu.wait_dma2 semaphore(%arg17 : memref<!tpu.dma_semaphore, #tpu.memory_space<semaphore_mem>>) src(%dma_wait3A_114 : memref<80x128xf32, #tpu.memory_space<hbm>>) dst(%arg10 : memref<80x128xf32, #tpu.memory_space<vmem>>)
      } else {
      }
      %add3A_47 = arith.constant 2 : i32
      %add3A_48 = arith.addi %add3A_32, %add3A_47 : i32
      %lt3A = arith.constant 126 : i32
      %lt3A_49 = arith.cmpi slt, %add3A_48, %lt3A : i32
      %convert_element_type3A_50 = arith.extui %lt3A_49 : i1 to i32
      %cond3A_51 = arith.constant 0 : i32
      %cond3A_52 = arith.cmpi ne, %convert_element_type3A_50, %cond3A_51 : i32
      scf.if %cond3A_52 {
        %add3A_109 = arith.constant 2 : i32
        %add3A_110 = arith.addi %add3A_32, %add3A_109 : i32
        %dma_start3A_111 = arith.constant 0 : i32
        %dma_start3A_112 = tpu.memref_slice %arg6[%add3A_110, %dma_start3A_111] : memref<126x80xi32, #tpu.memory_space<vmem>> -> memref<1x80xi32, #tpu.memory_space<vmem>>
        %dma_start3A_113 = tpu.memref_squeeze %dma_start3A_112 : memref<1x80xi32, #tpu.memory_space<vmem>> -> memref<80xi32, #tpu.memory_space<vmem>>
        %dma_start3A_114 = arith.constant 0 : i32
        %dma_start3A_115 = arith.constant 0 : i32
        %dma_start3A_116 = tpu.memref_slice %arg2[%dma_start3A_114, %dma_start3A_115] : memref<20000x128xf32, #tpu.memory_space<hbm>> -> memref<20000x128xf32, #tpu.memory_space<hbm>>
        tpu.enqueue_indirect_dma source(%dma_start3A_116 : memref<20000x128xf32, #tpu.memory_space<hbm>>) target(%arg10 : memref<80x128xf32, #tpu.memory_space<vmem>>) offsets(%dma_start3A_113 : memref<80xi32, #tpu.memory_space<vmem>>) semaphore(%arg14 : memref<!tpu.dma_semaphore, #tpu.memory_space<semaphore_mem>>)
      } else {
      }
      %mul3A_53 = arith.constant 3 : i32
      %mul3A_54 = arith.muli %mul3A_53, %scan3A_28 : i32
      %add3A_55 = arith.constant 1 : i32
      %add3A_56 = arith.addi %mul3A_54, %add3A_55 : i32
      %dma_wait3A_57 = arith.constant 0 : i32
      %dma_wait3A_58 = arith.constant 0 : i32
      %dma_wait3A_59 = tpu.memref_slice %arg2[%dma_wait3A_57, %dma_wait3A_58] : memref<20000x128xf32, #tpu.memory_space<hbm>> -> memref<80x128xf32, #tpu.memory_space<hbm>>
      %dma_wait3A_60 = arith.constant 0 : i32
      %dma_wait3A_61 = arith.constant 0 : i32
      %dma_wait3A_62 = tpu.memref_slice %arg2[%dma_wait3A_60, %dma_wait3A_61] : memref<20000x128xf32, #tpu.memory_space<hbm>> -> memref<80x128xf32, #tpu.memory_space<hbm>>
      tpu.wait_dma2 semaphore(%arg13 : memref<!tpu.dma_semaphore, #tpu.memory_space<semaphore_mem>>) src(%dma_wait3A_62 : memref<80x128xf32, #tpu.memory_space<hbm>>) dst(%arg9 : memref<80x128xf32, #tpu.memory_space<vmem>>)
      %dma_start3A_63 = arith.constant 0 : i32
      %dma_start3A_64 = tpu.memref_slice %arg7[%add3A_56, %dma_start3A_63] : memref<126x80xi32, #tpu.memory_space<vmem>> -> memref<1x80xi32, #tpu.memory_space<vmem>>
      %dma_start3A_65 = tpu.memref_squeeze %dma_start3A_64 : memref<1x80xi32, #tpu.memory_space<vmem>> -> memref<80xi32, #tpu.memory_space<vmem>>
      %dma_start3A_66 = arith.constant 0 : i32
      %dma_start3A_67 = arith.constant 0 : i32
      %dma_start3A_68 = tpu.memref_slice %arg11[%dma_start3A_66, %dma_start3A_67] : memref<10008x128xf32, #tpu.memory_space<vmem_shared>> -> memref<10008x128xf32, #tpu.memory_space<vmem_shared>>
      tpu.enqueue_indirect_dma source(%arg9 : memref<80x128xf32, #tpu.memory_space<vmem>>) target(%dma_start3A_68 : memref<10008x128xf32, #tpu.memory_space<vmem_shared>>) offsets(%dma_start3A_65 : memref<80xi32, #tpu.memory_space<vmem>>) semaphore(%arg16 : memref<!tpu.dma_semaphore, #tpu.memory_space<semaphore_mem>>) {add = true}
      %ge3A_69 = arith.constant 1 : i32
      %ge3A_70 = arith.cmpi sge, %add3A_56, %ge3A_69 : i32
      %convert_element_type3A_71 = arith.extui %ge3A_70 : i1 to i32
      %cond3A_72 = arith.constant 0 : i32
      %cond3A_73 = arith.cmpi ne, %convert_element_type3A_71, %cond3A_72 : i32
      scf.if %cond3A_73 {
        %dma_wait3A_109 = arith.constant 0 : i32
        %dma_wait3A_110 = arith.constant 0 : i32
        %dma_wait3A_111 = tpu.memref_slice %arg2[%dma_wait3A_109, %dma_wait3A_110] : memref<20000x128xf32, #tpu.memory_space<hbm>> -> memref<80x128xf32, #tpu.memory_space<hbm>>
        %dma_wait3A_112 = arith.constant 0 : i32
        %dma_wait3A_113 = arith.constant 0 : i32
        %dma_wait3A_114 = tpu.memref_slice %arg2[%dma_wait3A_112, %dma_wait3A_113] : memref<20000x128xf32, #tpu.memory_space<hbm>> -> memref<80x128xf32, #tpu.memory_space<hbm>>
        tpu.wait_dma2 semaphore(%arg15 : memref<!tpu.dma_semaphore, #tpu.memory_space<semaphore_mem>>) src(%dma_wait3A_114 : memref<80x128xf32, #tpu.memory_space<hbm>>) dst(%arg8 : memref<80x128xf32, #tpu.memory_space<vmem>>)
      } else {
      }
      %add3A_74 = arith.constant 2 : i32
      %add3A_75 = arith.addi %add3A_56, %add3A_74 : i32
      %lt3A_76 = arith.constant 126 : i32
      %lt3A_77 = arith.cmpi slt, %add3A_75, %lt3A_76 : i32
      %convert_element_type3A_78 = arith.extui %lt3A_77 : i1 to i32
      %cond3A_79 = arith.constant 0 : i32
      %cond3A_80 = arith.cmpi ne, %convert_element_type3A_78, %cond3A_79 : i32
      scf.if %cond3A_80 {
        %add3A_109 = arith.constant 2 : i32
        %add3A_110 = arith.addi %add3A_56, %add3A_109 : i32
        %dma_start3A_111 = arith.constant 0 : i32
        %dma_start3A_112 = tpu.memref_slice %arg6[%add3A_110, %dma_start3A_111] : memref<126x80xi32, #tpu.memory_space<vmem>> -> memref<1x80xi32, #tpu.memory_space<vmem>>
        %dma_start3A_113 = tpu.memref_squeeze %dma_start3A_112 : memref<1x80xi32, #tpu.memory_space<vmem>> -> memref<80xi32, #tpu.memory_space<vmem>>
        %dma_start3A_114 = arith.constant 0 : i32
        %dma_start3A_115 = arith.constant 0 : i32
        %dma_start3A_116 = tpu.memref_slice %arg2[%dma_start3A_114, %dma_start3A_115] : memref<20000x128xf32, #tpu.memory_space<hbm>> -> memref<20000x128xf32, #tpu.memory_space<hbm>>
        tpu.enqueue_indirect_dma source(%dma_start3A_116 : memref<20000x128xf32, #tpu.memory_space<hbm>>) target(%arg8 : memref<80x128xf32, #tpu.memory_space<vmem>>) offsets(%dma_start3A_113 : memref<80xi32, #tpu.memory_space<vmem>>) semaphore(%arg12 : memref<!tpu.dma_semaphore, #tpu.memory_space<semaphore_mem>>)
      } else {
      }
      %mul3A_81 = arith.constant 3 : i32
      %mul3A_82 = arith.muli %mul3A_81, %scan3A_28 : i32
      %add3A_83 = arith.constant 2 : i32
      %add3A_84 = arith.addi %mul3A_82, %add3A_83 : i32
      %dma_wait3A_85 = arith.constant 0 : i32
      %dma_wait3A_86 = arith.constant 0 : i32
      %dma_wait3A_87 = tpu.memref_slice %arg2[%dma_wait3A_85, %dma_wait3A_86] : memref<20000x128xf32, #tpu.memory_space<hbm>> -> memref<80x128xf32, #tpu.memory_space<hbm>>
      %dma_wait3A_88 = arith.constant 0 : i32
      %dma_wait3A_89 = arith.constant 0 : i32
      %dma_wait3A_90 = tpu.memref_slice %arg2[%dma_wait3A_88, %dma_wait3A_89] : memref<20000x128xf32, #tpu.memory_space<hbm>> -> memref<80x128xf32, #tpu.memory_space<hbm>>
      tpu.wait_dma2 semaphore(%arg14 : memref<!tpu.dma_semaphore, #tpu.memory_space<semaphore_mem>>) src(%dma_wait3A_90 : memref<80x128xf32, #tpu.memory_space<hbm>>) dst(%arg10 : memref<80x128xf32, #tpu.memory_space<vmem>>)
      %dma_start3A_91 = arith.constant 0 : i32
      %dma_start3A_92 = tpu.memref_slice %arg7[%add3A_84, %dma_start3A_91] : memref<126x80xi32, #tpu.memory_space<vmem>> -> memref<1x80xi32, #tpu.memory_space<vmem>>
      %dma_start3A_93 = tpu.memref_squeeze %dma_start3A_92 : memref<1x80xi32, #tpu.memory_space<vmem>> -> memref<80xi32, #tpu.memory_space<vmem>>
      %dma_start3A_94 = arith.constant 0 : i32
      %dma_start3A_95 = arith.constant 0 : i32
      %dma_start3A_96 = tpu.memref_slice %arg11[%dma_start3A_94, %dma_start3A_95] : memref<10008x128xf32, #tpu.memory_space<vmem_shared>> -> memref<10008x128xf32, #tpu.memory_space<vmem_shared>>
      tpu.enqueue_indirect_dma source(%arg10 : memref<80x128xf32, #tpu.memory_space<vmem>>) target(%dma_start3A_96 : memref<10008x128xf32, #tpu.memory_space<vmem_shared>>) offsets(%dma_start3A_93 : memref<80xi32, #tpu.memory_space<vmem>>) semaphore(%arg17 : memref<!tpu.dma_semaphore, #tpu.memory_space<semaphore_mem>>) {add = true}
      %ge3A_97 = arith.constant 1 : i32
      %ge3A_98 = arith.cmpi sge, %add3A_84, %ge3A_97 : i32
      %convert_element_type3A_99 = arith.extui %ge3A_98 : i1 to i32
      %cond3A_100 = arith.constant 0 : i32
      %cond3A_101 = arith.cmpi ne, %convert_element_type3A_99, %cond3A_100 : i32
      scf.if %cond3A_101 {
        %dma_wait3A_109 = arith.constant 0 : i32
        %dma_wait3A_110 = arith.constant 0 : i32
        %dma_wait3A_111 = tpu.memref_slice %arg2[%dma_wait3A_109, %dma_wait3A_110] : memref<20000x128xf32, #tpu.memory_space<hbm>> -> memref<80x128xf32, #tpu.memory_space<hbm>>
        %dma_wait3A_112 = arith.constant 0 : i32
        %dma_wait3A_113 = arith.constant 0 : i32
        %dma_wait3A_114 = tpu.memref_slice %arg2[%dma_wait3A_112, %dma_wait3A_113] : memref<20000x128xf32, #tpu.memory_space<hbm>> -> memref<80x128xf32, #tpu.memory_space<hbm>>
        tpu.wait_dma2 semaphore(%arg16 : memref<!tpu.dma_semaphore, #tpu.memory_space<semaphore_mem>>) src(%dma_wait3A_114 : memref<80x128xf32, #tpu.memory_space<hbm>>) dst(%arg9 : memref<80x128xf32, #tpu.memory_space<vmem>>)
      } else {
      }
      %add3A_102 = arith.constant 2 : i32
      %add3A_103 = arith.addi %add3A_84, %add3A_102 : i32
      %lt3A_104 = arith.constant 126 : i32
      %lt3A_105 = arith.cmpi slt, %add3A_103, %lt3A_104 : i32
      %convert_element_type3A_106 = arith.extui %lt3A_105 : i1 to i32
      %cond3A_107 = arith.constant 0 : i32
      %cond3A_108 = arith.cmpi ne, %convert_element_type3A_106, %cond3A_107 : i32
      scf.if %cond3A_108 {
        %add3A_109 = arith.constant 2 : i32
        %add3A_110 = arith.addi %add3A_84, %add3A_109 : i32
        %dma_start3A_111 = arith.constant 0 : i32
        %dma_start3A_112 = tpu.memref_slice %arg6[%add3A_110, %dma_start3A_111] : memref<126x80xi32, #tpu.memory_space<vmem>> -> memref<1x80xi32, #tpu.memory_space<vmem>>
        %dma_start3A_113 = tpu.memref_squeeze %dma_start3A_112 : memref<1x80xi32, #tpu.memory_space<vmem>> -> memref<80xi32, #tpu.memory_space<vmem>>
        %dma_start3A_114 = arith.constant 0 : i32
        %dma_start3A_115 = arith.constant 0 : i32
        %dma_start3A_116 = tpu.memref_slice %arg2[%dma_start3A_114, %dma_start3A_115] : memref<20000x128xf32, #tpu.memory_space<hbm>> -> memref<20000x128xf32, #tpu.memory_space<hbm>>
        tpu.enqueue_indirect_dma source(%dma_start3A_116 : memref<20000x128xf32, #tpu.memory_space<hbm>>) target(%arg9 : memref<80x128xf32, #tpu.memory_space<vmem>>) offsets(%dma_start3A_113 : memref<80xi32, #tpu.memory_space<vmem>>) semaphore(%arg13 : memref<!tpu.dma_semaphore, #tpu.memory_space<semaphore_mem>>)
      } else {
      }
    }
    %scan3A_20 = arith.constant 42 : i32
    %dma_wait3A = arith.constant 0 : i32
    %dma_wait3A_21 = arith.constant 0 : i32
    %dma_wait3A_22 = tpu.memref_slice %arg2[%dma_wait3A, %dma_wait3A_21] : memref<20000x128xf32, #tpu.memory_space<hbm>> -> memref<80x128xf32, #tpu.memory_space<hbm>>
    %dma_wait3A_23 = arith.constant 0 : i32
    %dma_wait3A_24 = arith.constant 0 : i32
    %dma_wait3A_25 = tpu.memref_slice %arg2[%dma_wait3A_23, %dma_wait3A_24] : memref<20000x128xf32, #tpu.memory_space<hbm>> -> memref<80x128xf32, #tpu.memory_space<hbm>>
    tpu.wait_dma2 semaphore(%arg17 : memref<!tpu.dma_semaphore, #tpu.memory_space<semaphore_mem>>) src(%dma_wait3A_25 : memref<80x128xf32, #tpu.memory_space<hbm>>) dst(%arg10 : memref<80x128xf32, #tpu.memory_space<vmem>>)
    %barrier3A_26 = arith.constant 0 : index
    tpu.barrier barrier_id(%barrier3A_26)
    %add3A_27 = arith.addi %mul3A_2, %mul3A_0 : i32
    "tpu.region"() ({
      %run_scoped3A = tpu.sem_alloc : memref<!tpu.dma_semaphore, #tpu.memory_space<semaphore_mem>>
      %dma_start3A_28 = arith.constant 0 : i32
      %dma_start3A_29 = tpu.memref_slice %arg5[%add3A_27, %dma_start3A_28] : memref<20000x128xf32, #tpu.memory_space<hbm>> -> memref<625x128xf32, #tpu.memory_space<hbm>>
      %dma_start3A_30 = arith.constant 0 : i32
      %dma_start3A_31 = tpu.memref_slice %arg11[%mul3A_0, %dma_start3A_30] : memref<10008x128xf32, #tpu.memory_space<vmem_shared>> -> memref<625x128xf32, #tpu.memory_space<vmem_shared>>
      tpu.enqueue_dma source(%dma_start3A_31 : memref<625x128xf32, #tpu.memory_space<vmem_shared>>) target(%dma_start3A_29 : memref<625x128xf32, #tpu.memory_space<hbm>>) target_semaphore(%run_scoped3A : memref<!tpu.dma_semaphore, #tpu.memory_space<semaphore_mem>>)
      %dma_wait3A_32 = arith.constant 0 : i32
      %dma_wait3A_33 = tpu.memref_slice %arg5[%add3A_27, %dma_wait3A_32] : memref<20000x128xf32, #tpu.memory_space<hbm>> -> memref<625x128xf32, #tpu.memory_space<hbm>>
      %dma_wait3A_34 = arith.constant 0 : i32
      %dma_wait3A_35 = tpu.memref_slice %arg11[%mul3A_0, %dma_wait3A_34] : memref<10008x128xf32, #tpu.memory_space<vmem_shared>> -> memref<625x128xf32, #tpu.memory_space<vmem_shared>>
      tpu.wait_dma2 semaphore(%run_scoped3A : memref<!tpu.dma_semaphore, #tpu.memory_space<semaphore_mem>>) src(%dma_wait3A_35 : memref<625x128xf32, #tpu.memory_space<vmem_shared>>) dst(%dma_wait3A_33 : memref<625x128xf32, #tpu.memory_space<hbm>>)
      tpu.yield
    }) : () -> ()
    return
  }
}

#map = affine_map<(d0, d1) -> (0, 0)>
#map1 = affine_map<(d0, d1) -> (0, 0, 0, 0)>
#map2 = affine_map<(d0, d1) -> (0, 0, 0)>
module attributes {stable_mosaic.version = 14 : i64} {
  func.func @run(%arg0: i32, %arg1: i32, %arg2: memref<20000x128xf32, #tpu.memory_space<hbm>>, %arg3: memref<2x16x126x80xi32, #tpu.memory_space<hbm>>, %arg4: memref<16x126x80xi32, #tpu.memory_space<hbm>>, %arg5: memref<20000x128xf32, #tpu.memory_space<hbm>>, %arg6: memref<126x80xi32, #tpu.memory_space<vmem>>, %arg7: memref<126x80xi32, #tpu.memory_space<vmem>>, %arg8: memref<80x128xf32, #tpu.memory_space<vmem>>, %arg9: memref<80x128xf32, #tpu.memory_space<vmem>>, %arg10: memref<80x128xf32, #tpu.memory_space<vmem>>, %arg11: memref<10008x128xf32, #tpu.memory_space<vmem_shared>>, %arg12: memref<!tpu.dma_semaphore, #tpu.memory_space<semaphore_mem>>, %arg13: memref<!tpu.dma_semaphore, #tpu.memory_space<semaphore_mem>>, %arg14: memref<!tpu.dma_semaphore, #tpu.memory_space<semaphore_mem>>, %arg15: memref<!tpu.dma_semaphore, #tpu.memory_space<semaphore_mem>>, %arg16: memref<!tpu.dma_semaphore, #tpu.memory_space<semaphore_mem>>, %arg17: memref<!tpu.dma_semaphore, #tpu.memory_space<semaphore_mem>>) attributes {dimension_semantics = [#tpu.dimension_semantics<core_parallel>, #tpu.dimension_semantics<subcore_parallel>], iteration_bounds = array<i64: 2, 16>, scalar_prefetch = 0 : i64, scratch_operands = 12 : i64, tpu.core_type = #tpu.core_type<sc_vector_subcore>, window_params = [{transform_indices = #map}, {transform_indices = #map1}, {transform_indices = #map2}, {transform_indices = #map}]} {
    %mul3A = arith.constant 625 : i32
    %mul3A_0 = arith.muli %arg1, %mul3A : i32
    "tpu.region"() ({
      %run_scoped3A = tpu.sem_alloc : memref<!tpu.dma_semaphore, #tpu.memory_space<semaphore_mem>>
      %dma_start3A_28 = arith.constant 0 : i32
      %dma_start3A_29 = arith.constant 0 : i32
      %dma_start3A_30 = tpu.memref_slice %arg4[%arg1, %dma_start3A_28, %dma_start3A_29] : memref<16x126x80xi32, #tpu.memory_space<hbm>> -> memref<1x126x80xi32, #tpu.memory_space<hbm>>
      %dma_start3A_31 = tpu.memref_squeeze %dma_start3A_30 : memref<1x126x80xi32, #tpu.memory_space<hbm>> -> memref<126x80xi32, #tpu.memory_space<hbm>>
      %dma_start3A_32 = arith.constant 0 : i32
      %dma_start3A_33 = arith.constant 0 : i32
      %dma_start3A_34 = tpu.memref_slice %arg4[%arg1, %dma_start3A_32, %dma_start3A_33] : memref<16x126x80xi32, #tpu.memory_space<hbm>> -> memref<1x126x80xi32, #tpu.memory_space<hbm>>
      %dma_start3A_35 = tpu.memref_squeeze %dma_start3A_34 : memref<1x126x80xi32, #tpu.memory_space<hbm>> -> memref<126x80xi32, #tpu.memory_space<hbm>>
      tpu.enqueue_dma source(%dma_start3A_35 : memref<126x80xi32, #tpu.memory_space<hbm>>) target(%arg7 : memref<126x80xi32, #tpu.memory_space<vmem>>) target_semaphore(%run_scoped3A : memref<!tpu.dma_semaphore, #tpu.memory_space<semaphore_mem>>)
      %dma_wait3A_36 = arith.constant 0 : i32
      %dma_wait3A_37 = arith.constant 0 : i32
      %dma_wait3A_38 = tpu.memref_slice %arg4[%arg1, %dma_wait3A_36, %dma_wait3A_37] : memref<16x126x80xi32, #tpu.memory_space<hbm>> -> memref<1x126x80xi32, #tpu.memory_space<hbm>>
      %dma_wait3A_39 = tpu.memref_squeeze %dma_wait3A_38 : memref<1x126x80xi32, #tpu.memory_space<hbm>> -> memref<126x80xi32, #tpu.memory_space<hbm>>
      %dma_wait3A_40 = arith.constant 0 : i32
      %dma_wait3A_41 = arith.constant 0 : i32
      %dma_wait3A_42 = tpu.memref_slice %arg4[%arg1, %dma_wait3A_40, %dma_wait3A_41] : memref<16x126x80xi32, #tpu.memory_space<hbm>> -> memref<1x126x80xi32, #tpu.memory_space<hbm>>
      %dma_wait3A_43 = tpu.memref_squeeze %dma_wait3A_42 : memref<1x126x80xi32, #tpu.memory_space<hbm>> -> memref<126x80xi32, #tpu.memory_space<hbm>>
      tpu.wait_dma2 semaphore(%run_scoped3A : memref<!tpu.dma_semaphore, #tpu.memory_space<semaphore_mem>>) src(%dma_wait3A_43 : memref<126x80xi32, #tpu.memory_space<hbm>>) dst(%arg7 : memref<126x80xi32, #tpu.memory_space<vmem>>)
      tpu.yield
    }) : () -> ()
    %mul3A_1 = arith.constant 10000 : i32
    %mul3A_2 = arith.muli %arg0, %mul3A_1 : i32
    %add3A = arith.addi %mul3A_2, %mul3A_0 : i32
    "tpu.region"() ({
      %run_scoped3A = tpu.sem_alloc : memref<!tpu.dma_semaphore, #tpu.memory_space<semaphore_mem>>
      %dma_start3A_28 = arith.constant 0 : i32
      %dma_start3A_29 = tpu.memref_slice %arg11[%mul3A_0, %dma_start3A_28] : memref<10008x128xf32, #tpu.memory_space<vmem_shared>> -> memref<625x128xf32, #tpu.memory_space<vmem_shared>>
      %dma_start3A_30 = arith.constant 0 : i32
      %dma_start3A_31 = tpu.memref_slice %arg2[%add3A, %dma_start3A_30] : memref<20000x128xf32, #tpu.memory_space<hbm>> -> memref<625x128xf32, #tpu.memory_space<hbm>>
      tpu.enqueue_dma source(%dma_start3A_31 : memref<625x128xf32, #tpu.memory_space<hbm>>) target(%dma_start3A_29 : memref<625x128xf32, #tpu.memory_space<vmem_shared>>) target_semaphore(%run_scoped3A : memref<!tpu.dma_semaphore, #tpu.memory_space<semaphore_mem>>)
      %dma_wait3A_32 = arith.constant 0 : i32
      %dma_wait3A_33 = tpu.memref_slice %arg11[%mul3A_0, %dma_wait3A_32] : memref<10008x128xf32, #tpu.memory_space<vmem_shared>> -> memref<625x128xf32, #tpu.memory_space<vmem_shared>>
      %dma_wait3A_34 = arith.constant 0 : i32
      %dma_wait3A_35 = tpu.memref_slice %arg2[%add3A, %dma_wait3A_34] : memref<20000x128xf32, #tpu.memory_space<hbm>> -> memref<625x128xf32, #tpu.memory_space<hbm>>
      tpu.wait_dma2 semaphore(%run_scoped3A : memref<!tpu.dma_semaphore, #tpu.memory_space<semaphore_mem>>) src(%dma_wait3A_35 : memref<625x128xf32, #tpu.memory_space<hbm>>) dst(%dma_wait3A_33 : memref<625x128xf32, #tpu.memory_space<vmem_shared>>)
      tpu.yield
    }) : () -> ()
    "tpu.region"() ({
      %run_scoped3A = tpu.sem_alloc : memref<!tpu.dma_semaphore, #tpu.memory_space<semaphore_mem>>
      %dma_start3A_28 = arith.constant 0 : i32
      %dma_start3A_29 = arith.constant 0 : i32
      %dma_start3A_30 = tpu.memref_slice %arg3[%arg0, %arg1, %dma_start3A_28, %dma_start3A_29] : memref<2x16x126x80xi32, #tpu.memory_space<hbm>> -> memref<1x1x126x80xi32, #tpu.memory_space<hbm>>
      %dma_start3A_31 = tpu.memref_squeeze %dma_start3A_30 : memref<1x1x126x80xi32, #tpu.memory_space<hbm>> -> memref<126x80xi32, #tpu.memory_space<hbm>>
      %dma_start3A_32 = arith.constant 0 : i32
      %dma_start3A_33 = arith.constant 0 : i32
      %dma_start3A_34 = tpu.memref_slice %arg3[%arg0, %arg1, %dma_start3A_32, %dma_start3A_33] : memref<2x16x126x80xi32, #tpu.memory_space<hbm>> -> memref<1x1x126x80xi32, #tpu.memory_space<hbm>>
      %dma_start3A_35 = tpu.memref_squeeze %dma_start3A_34 : memref<1x1x126x80xi32, #tpu.memory_space<hbm>> -> memref<126x80xi32, #tpu.memory_space<hbm>>
      tpu.enqueue_dma source(%dma_start3A_35 : memref<126x80xi32, #tpu.memory_space<hbm>>) target(%arg6 : memref<126x80xi32, #tpu.memory_space<vmem>>) target_semaphore(%run_scoped3A : memref<!tpu.dma_semaphore, #tpu.memory_space<semaphore_mem>>)
      %dma_wait3A_36 = arith.constant 0 : i32
      %dma_wait3A_37 = arith.constant 0 : i32
      %dma_wait3A_38 = tpu.memref_slice %arg3[%arg0, %arg1, %dma_wait3A_36, %dma_wait3A_37] : memref<2x16x126x80xi32, #tpu.memory_space<hbm>> -> memref<1x1x126x80xi32, #tpu.memory_space<hbm>>
      %dma_wait3A_39 = tpu.memref_squeeze %dma_wait3A_38 : memref<1x1x126x80xi32, #tpu.memory_space<hbm>> -> memref<126x80xi32, #tpu.memory_space<hbm>>
      %dma_wait3A_40 = arith.constant 0 : i32
      %dma_wait3A_41 = arith.constant 0 : i32
      %dma_wait3A_42 = tpu.memref_slice %arg3[%arg0, %arg1, %dma_wait3A_40, %dma_wait3A_41] : memref<2x16x126x80xi32, #tpu.memory_space<hbm>> -> memref<1x1x126x80xi32, #tpu.memory_space<hbm>>
      %dma_wait3A_43 = tpu.memref_squeeze %dma_wait3A_42 : memref<1x1x126x80xi32, #tpu.memory_space<hbm>> -> memref<126x80xi32, #tpu.memory_space<hbm>>
      tpu.wait_dma2 semaphore(%run_scoped3A : memref<!tpu.dma_semaphore, #tpu.memory_space<semaphore_mem>>) src(%dma_wait3A_43 : memref<126x80xi32, #tpu.memory_space<hbm>>) dst(%arg6 : memref<126x80xi32, #tpu.memory_space<vmem>>)
      tpu.yield
    }) : () -> ()
    %barrier3A = arith.constant 0 : index
    tpu.barrier barrier_id(%barrier3A)
    %dma_start3A = arith.constant 0 : i32
    %dma_start3A_3 = arith.constant 0 : i32
    %dma_start3A_4 = tpu.memref_slice %arg6[%dma_start3A, %dma_start3A_3] : memref<126x80xi32, #tpu.memory_space<vmem>> -> memref<1x80xi32, #tpu.memory_space<vmem>>
    %dma_start3A_5 = tpu.memref_squeeze %dma_start3A_4 : memref<1x80xi32, #tpu.memory_space<vmem>> -> memref<80xi32, #tpu.memory_space<vmem>>
    %dma_start3A_6 = arith.constant 0 : i32
    %dma_start3A_7 = arith.constant 0 : i32
    %dma_start3A_8 = tpu.memref_slice %arg2[%dma_start3A_6, %dma_start3A_7] : memref<20000x128xf32, #tpu.memory_space<hbm>> -> memref<20000x128xf32, #tpu.memory_space<hbm>>
    tpu.enqueue_indirect_dma source(%dma_start3A_8 : memref<20000x128xf32, #tpu.memory_space<hbm>>) target(%arg8 : memref<80x128xf32, #tpu.memory_space<vmem>>) offsets(%dma_start3A_5 : memref<80xi32, #tpu.memory_space<vmem>>) semaphore(%arg12 : memref<!tpu.dma_semaphore, #tpu.memory_space<semaphore_mem>>)
    %dma_start3A_9 = arith.constant 1 : i32
    %dma_start3A_10 = arith.constant 0 : i32
    %dma_start3A_11 = tpu.memref_slice %arg6[%dma_start3A_9, %dma_start3A_10] : memref<126x80xi32, #tpu.memory_space<vmem>> -> memref<1x80xi32, #tpu.memory_space<vmem>>
    %dma_start3A_12 = tpu.memref_squeeze %dma_start3A_11 : memref<1x80xi32, #tpu.memory_space<vmem>> -> memref<80xi32, #tpu.memory_space<vmem>>
    %dma_start3A_13 = arith.constant 0 : i32
    %dma_start3A_14 = arith.constant 0 : i32
    %dma_start3A_15 = tpu.memref_slice %arg2[%dma_start3A_13, %dma_start3A_14] : memref<20000x128xf32, #tpu.memory_space<hbm>> -> memref<20000x128xf32, #tpu.memory_space<hbm>>
    tpu.enqueue_indirect_dma source(%dma_start3A_15 : memref<20000x128xf32, #tpu.memory_space<hbm>>) target(%arg9 : memref<80x128xf32, #tpu.memory_space<vmem>>) offsets(%dma_start3A_12 : memref<80xi32, #tpu.memory_space<vmem>>) semaphore(%arg13 : memref<!tpu.dma_semaphore, #tpu.memory_space<semaphore_mem>>)
    %scan3A = arith.constant 0 : i32
    %scan3A_16 = arith.constant 0 : i32
    %scan3A_17 = arith.constant 42 : i32
    %scan3A_18 = arith.addi %scan3A_16, %scan3A_17 : i32
    %scan3A_19 = arith.constant 1 : i32
    scf.for %scan3A_28 = %scan3A_16 to %scan3A_18 step %scan3A_19  : i32 {
      %mul3A_29 = arith.constant 3 : i32
      %mul3A_30 = arith.muli %mul3A_29, %scan3A_28 : i32
      %add3A_31 = arith.constant 0 : i32
      %add3A_32 = arith.addi %mul3A_30, %add3A_31 : i32
      %dma_wait3A_33 = arith.constant 0 : i32
      %dma_wait3A_34 = arith.constant 0 : i32
      %dma_wait3A_35 = tpu.memref_slice %arg2[%dma_wait3A_33, %dma_wait3A_34] : memref<20000x128xf32, #tpu.memory_space<hbm>> -> memref<80x128xf32, #tpu.memory_space<hbm>>
      %dma_wait3A_36 = arith.constant 0 : i32
      %dma_wait3A_37 = arith.constant 0 : i32
      %dma_wait3A_38 = tpu.memref_slice %arg2[%dma_wait3A_36, %dma_wait3A_37] : memref<20000x128xf32, #tpu.memory_space<hbm>> -> memref<80x128xf32, #tpu.memory_space<hbm>>
      tpu.wait_dma2 semaphore(%arg12 : memref<!tpu.dma_semaphore, #tpu.memory_space<semaphore_mem>>) src(%dma_wait3A_38 : memref<80x128xf32, #tpu.memory_space<hbm>>) dst(%arg8 : memref<80x128xf32, #tpu.memory_space<vmem>>)
      %dma_start3A_39 = arith.constant 0 : i32
      %dma_start3A_40 = tpu.memref_slice %arg7[%add3A_32, %dma_start3A_39] : memref<126x80xi32, #tpu.memory_space<vmem>> -> memref<1x80xi32, #tpu.memory_space<vmem>>
      %dma_start3A_41 = tpu.memref_squeeze %dma_start3A_40 : memref<1x80xi32, #tpu.memory_space<vmem>> -> memref<80xi32, #tpu.memory_space<vmem>>
      %dma_start3A_42 = arith.constant 0 : i32
      %dma_start3A_43 = arith.constant 0 : i32
      %dma_start3A_44 = tpu.memref_slice %arg11[%dma_start3A_42, %dma_start3A_43] : memref<10008x128xf32, #tpu.memory_space<vmem_shared>> -> memref<10008x128xf32, #tpu.memory_space<vmem_shared>>
      tpu.enqueue_indirect_dma source(%arg8 : memref<80x128xf32, #tpu.memory_space<vmem>>) target(%dma_start3A_44 : memref<10008x128xf32, #tpu.memory_space<vmem_shared>>) offsets(%dma_start3A_41 : memref<80xi32, #tpu.memory_space<vmem>>) semaphore(%arg15 : memref<!tpu.dma_semaphore, #tpu.memory_space<semaphore_mem>>) {add = true}
      %ge3A = arith.constant 1 : i32
      %ge3A_45 = arith.cmpi sge, %add3A_32, %ge3A : i32
      %convert_element_type3A = arith.extui %ge3A_45 : i1 to i32
      %cond3A = arith.constant 0 : i32
      %cond3A_46 = arith.cmpi ne, %convert_element_type3A, %cond3A : i32
      scf.if %cond3A_46 {
        %dma_wait3A_109 = arith.constant 0 : i32
        %dma_wait3A_110 = arith.constant 0 : i32
        %dma_wait3A_111 = tpu.memref_slice %arg2[%dma_wait3A_109, %dma_wait3A_110] : memref<20000x128xf32, #tpu.memory_space<hbm>> -> memref<80x128xf32, #tpu.memory_space<hbm>>
        %dma_wait3A_112 = arith.constant 0 : i32
        %dma_wait3A_113 = arith.constant 0 : i32
        %dma_wait3A_114 = tpu.memref_slice %arg2[%dma_wait3A_112, %dma_wait3A_113] : memref<20000x128xf32, #tpu.memory_space<hbm>> -> memref<80x128xf32, #tpu.memory_space<hbm>>
        tpu.wait_dma2 semaphore(%arg17 : memref<!tpu.dma_semaphore, #tpu.memory_space<semaphore_mem>>) src(%dma_wait3A_114 : memref<80x128xf32, #tpu.memory_space<hbm>>) dst(%arg10 : memref<80x128xf32, #tpu.memory_space<vmem>>)
      } else {
      }
      %add3A_47 = arith.constant 2 : i32
      %add3A_48 = arith.addi %add3A_32, %add3A_47 : i32
      %lt3A = arith.constant 126 : i32
      %lt3A_49 = arith.cmpi slt, %add3A_48, %lt3A : i32
      %convert_element_type3A_50 = arith.extui %lt3A_49 : i1 to i32
      %cond3A_51 = arith.constant 0 : i32
      %cond3A_52 = arith.cmpi ne, %convert_element_type3A_50, %cond3A_51 : i32
      scf.if %cond3A_52 {
        %add3A_109 = arith.constant 2 : i32
        %add3A_110 = arith.addi %add3A_32, %add3A_109 : i32
        %dma_start3A_111 = arith.constant 0 : i32
        %dma_start3A_112 = tpu.memref_slice %arg6[%add3A_110, %dma_start3A_111] : memref<126x80xi32, #tpu.memory_space<vmem>> -> memref<1x80xi32, #tpu.memory_space<vmem>>
        %dma_start3A_113 = tpu.memref_squeeze %dma_start3A_112 : memref<1x80xi32, #tpu.memory_space<vmem>> -> memref<80xi32, #tpu.memory_space<vmem>>
        %dma_start3A_114 = arith.constant 0 : i32
        %dma_start3A_115 = arith.constant 0 : i32
        %dma_start3A_116 = tpu.memref_slice %arg2[%dma_start3A_114, %dma_start3A_115] : memref<20000x128xf32, #tpu.memory_space<hbm>> -> memref<20000x128xf32, #tpu.memory_space<hbm>>
        tpu.enqueue_indirect_dma source(%dma_start3A_116 : memref<20000x128xf32, #tpu.memory_space<hbm>>) target(%arg10 : memref<80x128xf32, #tpu.memory_space<vmem>>) offsets(%dma_start3A_113 : memref<80xi32, #tpu.memory_space<vmem>>) semaphore(%arg14 : memref<!tpu.dma_semaphore, #tpu.memory_space<semaphore_mem>>)
      } else {
      }
      %mul3A_53 = arith.constant 3 : i32
      %mul3A_54 = arith.muli %mul3A_53, %scan3A_28 : i32
      %add3A_55 = arith.constant 1 : i32
      %add3A_56 = arith.addi %mul3A_54, %add3A_55 : i32
      %dma_wait3A_57 = arith.constant 0 : i32
      %dma_wait3A_58 = arith.constant 0 : i32
      %dma_wait3A_59 = tpu.memref_slice %arg2[%dma_wait3A_57, %dma_wait3A_58] : memref<20000x128xf32, #tpu.memory_space<hbm>> -> memref<80x128xf32, #tpu.memory_space<hbm>>
      %dma_wait3A_60 = arith.constant 0 : i32
      %dma_wait3A_61 = arith.constant 0 : i32
      %dma_wait3A_62 = tpu.memref_slice %arg2[%dma_wait3A_60, %dma_wait3A_61] : memref<20000x128xf32, #tpu.memory_space<hbm>> -> memref<80x128xf32, #tpu.memory_space<hbm>>
      tpu.wait_dma2 semaphore(%arg13 : memref<!tpu.dma_semaphore, #tpu.memory_space<semaphore_mem>>) src(%dma_wait3A_62 : memref<80x128xf32, #tpu.memory_space<hbm>>) dst(%arg9 : memref<80x128xf32, #tpu.memory_space<vmem>>)
      %dma_start3A_63 = arith.constant 0 : i32
      %dma_start3A_64 = tpu.memref_slice %arg7[%add3A_56, %dma_start3A_63] : memref<126x80xi32, #tpu.memory_space<vmem>> -> memref<1x80xi32, #tpu.memory_space<vmem>>
      %dma_start3A_65 = tpu.memref_squeeze %dma_start3A_64 : memref<1x80xi32, #tpu.memory_space<vmem>> -> memref<80xi32, #tpu.memory_space<vmem>>
      %dma_start3A_66 = arith.constant 0 : i32
      %dma_start3A_67 = arith.constant 0 : i32
      %dma_start3A_68 = tpu.memref_slice %arg11[%dma_start3A_66, %dma_start3A_67] : memref<10008x128xf32, #tpu.memory_space<vmem_shared>> -> memref<10008x128xf32, #tpu.memory_space<vmem_shared>>
      tpu.enqueue_indirect_dma source(%arg9 : memref<80x128xf32, #tpu.memory_space<vmem>>) target(%dma_start3A_68 : memref<10008x128xf32, #tpu.memory_space<vmem_shared>>) offsets(%dma_start3A_65 : memref<80xi32, #tpu.memory_space<vmem>>) semaphore(%arg16 : memref<!tpu.dma_semaphore, #tpu.memory_space<semaphore_mem>>) {add = true}
      %ge3A_69 = arith.constant 1 : i32
      %ge3A_70 = arith.cmpi sge, %add3A_56, %ge3A_69 : i32
      %convert_element_type3A_71 = arith.extui %ge3A_70 : i1 to i32
      %cond3A_72 = arith.constant 0 : i32
      %cond3A_73 = arith.cmpi ne, %convert_element_type3A_71, %cond3A_72 : i32
      scf.if %cond3A_73 {
        %dma_wait3A_109 = arith.constant 0 : i32
        %dma_wait3A_110 = arith.constant 0 : i32
        %dma_wait3A_111 = tpu.memref_slice %arg2[%dma_wait3A_109, %dma_wait3A_110] : memref<20000x128xf32, #tpu.memory_space<hbm>> -> memref<80x128xf32, #tpu.memory_space<hbm>>
        %dma_wait3A_112 = arith.constant 0 : i32
        %dma_wait3A_113 = arith.constant 0 : i32
        %dma_wait3A_114 = tpu.memref_slice %arg2[%dma_wait3A_112, %dma_wait3A_113] : memref<20000x128xf32, #tpu.memory_space<hbm>> -> memref<80x128xf32, #tpu.memory_space<hbm>>
        tpu.wait_dma2 semaphore(%arg15 : memref<!tpu.dma_semaphore, #tpu.memory_space<semaphore_mem>>) src(%dma_wait3A_114 : memref<80x128xf32, #tpu.memory_space<hbm>>) dst(%arg8 : memref<80x128xf32, #tpu.memory_space<vmem>>)
      } else {
      }
      %add3A_74 = arith.constant 2 : i32
      %add3A_75 = arith.addi %add3A_56, %add3A_74 : i32
      %lt3A_76 = arith.constant 126 : i32
      %lt3A_77 = arith.cmpi slt, %add3A_75, %lt3A_76 : i32
      %convert_element_type3A_78 = arith.extui %lt3A_77 : i1 to i32
      %cond3A_79 = arith.constant 0 : i32
      %cond3A_80 = arith.cmpi ne, %convert_element_type3A_78, %cond3A_79 : i32
      scf.if %cond3A_80 {
        %add3A_109 = arith.constant 2 : i32
        %add3A_110 = arith.addi %add3A_56, %add3A_109 : i32
        %dma_start3A_111 = arith.constant 0 : i32
        %dma_start3A_112 = tpu.memref_slice %arg6[%add3A_110, %dma_start3A_111] : memref<126x80xi32, #tpu.memory_space<vmem>> -> memref<1x80xi32, #tpu.memory_space<vmem>>
        %dma_start3A_113 = tpu.memref_squeeze %dma_start3A_112 : memref<1x80xi32, #tpu.memory_space<vmem>> -> memref<80xi32, #tpu.memory_space<vmem>>
        %dma_start3A_114 = arith.constant 0 : i32
        %dma_start3A_115 = arith.constant 0 : i32
        %dma_start3A_116 = tpu.memref_slice %arg2[%dma_start3A_114, %dma_start3A_115] : memref<20000x128xf32, #tpu.memory_space<hbm>> -> memref<20000x128xf32, #tpu.memory_space<hbm>>
        tpu.enqueue_indirect_dma source(%dma_start3A_116 : memref<20000x128xf32, #tpu.memory_space<hbm>>) target(%arg8 : memref<80x128xf32, #tpu.memory_space<vmem>>) offsets(%dma_start3A_113 : memref<80xi32, #tpu.memory_space<vmem>>) semaphore(%arg12 : memref<!tpu.dma_semaphore, #tpu.memory_space<semaphore_mem>>)
      } else {
      }
      %mul3A_81 = arith.constant 3 : i32
      %mul3A_82 = arith.muli %mul3A_81, %scan3A_28 : i32
      %add3A_83 = arith.constant 2 : i32
      %add3A_84 = arith.addi %mul3A_82, %add3A_83 : i32
      %dma_wait3A_85 = arith.constant 0 : i32
      %dma_wait3A_86 = arith.constant 0 : i32
      %dma_wait3A_87 = tpu.memref_slice %arg2[%dma_wait3A_85, %dma_wait3A_86] : memref<20000x128xf32, #tpu.memory_space<hbm>> -> memref<80x128xf32, #tpu.memory_space<hbm>>
      %dma_wait3A_88 = arith.constant 0 : i32
      %dma_wait3A_89 = arith.constant 0 : i32
      %dma_wait3A_90 = tpu.memref_slice %arg2[%dma_wait3A_88, %dma_wait3A_89] : memref<20000x128xf32, #tpu.memory_space<hbm>> -> memref<80x128xf32, #tpu.memory_space<hbm>>
      tpu.wait_dma2 semaphore(%arg14 : memref<!tpu.dma_semaphore, #tpu.memory_space<semaphore_mem>>) src(%dma_wait3A_90 : memref<80x128xf32, #tpu.memory_space<hbm>>) dst(%arg10 : memref<80x128xf32, #tpu.memory_space<vmem>>)
      %dma_start3A_91 = arith.constant 0 : i32
      %dma_start3A_92 = tpu.memref_slice %arg7[%add3A_84, %dma_start3A_91] : memref<126x80xi32, #tpu.memory_space<vmem>> -> memref<1x80xi32, #tpu.memory_space<vmem>>
      %dma_start3A_93 = tpu.memref_squeeze %dma_start3A_92 : memref<1x80xi32, #tpu.memory_space<vmem>> -> memref<80xi32, #tpu.memory_space<vmem>>
      %dma_start3A_94 = arith.constant 0 : i32
      %dma_start3A_95 = arith.constant 0 : i32
      %dma_start3A_96 = tpu.memref_slice %arg11[%dma_start3A_94, %dma_start3A_95] : memref<10008x128xf32, #tpu.memory_space<vmem_shared>> -> memref<10008x128xf32, #tpu.memory_space<vmem_shared>>
      tpu.enqueue_indirect_dma source(%arg10 : memref<80x128xf32, #tpu.memory_space<vmem>>) target(%dma_start3A_96 : memref<10008x128xf32, #tpu.memory_space<vmem_shared>>) offsets(%dma_start3A_93 : memref<80xi32, #tpu.memory_space<vmem>>) semaphore(%arg17 : memref<!tpu.dma_semaphore, #tpu.memory_space<semaphore_mem>>) {add = true}
      %ge3A_97 = arith.constant 1 : i32
      %ge3A_98 = arith.cmpi sge, %add3A_84, %ge3A_97 : i32
      %convert_element_type3A_99 = arith.extui %ge3A_98 : i1 to i32
      %cond3A_100 = arith.constant 0 : i32
      %cond3A_101 = arith.cmpi ne, %convert_element_type3A_99, %cond3A_100 : i32
      scf.if %cond3A_101 {
        %dma_wait3A_109 = arith.constant 0 : i32
        %dma_wait3A_110 = arith.constant 0 : i32
        %dma_wait3A_111 = tpu.memref_slice %arg2[%dma_wait3A_109, %dma_wait3A_110] : memref<20000x128xf32, #tpu.memory_space<hbm>> -> memref<80x128xf32, #tpu.memory_space<hbm>>
        %dma_wait3A_112 = arith.constant 0 : i32
        %dma_wait3A_113 = arith.constant 0 : i32
        %dma_wait3A_114 = tpu.memref_slice %arg2[%dma_wait3A_112, %dma_wait3A_113] : memref<20000x128xf32, #tpu.memory_space<hbm>> -> memref<80x128xf32, #tpu.memory_space<hbm>>
        tpu.wait_dma2 semaphore(%arg16 : memref<!tpu.dma_semaphore, #tpu.memory_space<semaphore_mem>>) src(%dma_wait3A_114 : memref<80x128xf32, #tpu.memory_space<hbm>>) dst(%arg9 : memref<80x128xf32, #tpu.memory_space<vmem>>)
      } else {
      }
      %add3A_102 = arith.constant 2 : i32
      %add3A_103 = arith.addi %add3A_84, %add3A_102 : i32
      %lt3A_104 = arith.constant 126 : i32
      %lt3A_105 = arith.cmpi slt, %add3A_103, %lt3A_104 : i32
      %convert_element_type3A_106 = arith.extui %lt3A_105 : i1 to i32
      %cond3A_107 = arith.constant 0 : i32
      %cond3A_108 = arith.cmpi ne, %convert_element_type3A_106, %cond3A_107 : i32
      scf.if %cond3A_108 {
        %add3A_109 = arith.constant 2 : i32
        %add3A_110 = arith.addi %add3A_84, %add3A_109 : i32
        %dma_start3A_111 = arith.constant 0 : i32
        %dma_start3A_112 = tpu.memref_slice %arg6[%add3A_110, %dma_start3A_111] : memref<126x80xi32, #tpu.memory_space<vmem>> -> memref<1x80xi32, #tpu.memory_space<vmem>>
        %dma_start3A_113 = tpu.memref_squeeze %dma_start3A_112 : memref<1x80xi32, #tpu.memory_space<vmem>> -> memref<80xi32, #tpu.memory_space<vmem>>
        %dma_start3A_114 = arith.constant 0 : i32
        %dma_start3A_115 = arith.constant 0 : i32
        %dma_start3A_116 = tpu.memref_slice %arg2[%dma_start3A_114, %dma_start3A_115] : memref<20000x128xf32, #tpu.memory_space<hbm>> -> memref<20000x128xf32, #tpu.memory_space<hbm>>
        tpu.enqueue_indirect_dma source(%dma_start3A_116 : memref<20000x128xf32, #tpu.memory_space<hbm>>) target(%arg9 : memref<80x128xf32, #tpu.memory_space<vmem>>) offsets(%dma_start3A_113 : memref<80xi32, #tpu.memory_space<vmem>>) semaphore(%arg13 : memref<!tpu.dma_semaphore, #tpu.memory_space<semaphore_mem>>)
      } else {
      }
    }
    %scan3A_20 = arith.constant 42 : i32
    %dma_wait3A = arith.constant 0 : i32
    %dma_wait3A_21 = arith.constant 0 : i32
    %dma_wait3A_22 = tpu.memref_slice %arg2[%dma_wait3A, %dma_wait3A_21] : memref<20000x128xf32, #tpu.memory_space<hbm>> -> memref<80x128xf32, #tpu.memory_space<hbm>>
    %dma_wait3A_23 = arith.constant 0 : i32
    %dma_wait3A_24 = arith.constant 0 : i32
    %dma_wait3A_25 = tpu.memref_slice %arg2[%dma_wait3A_23, %dma_wait3A_24] : memref<20000x128xf32, #tpu.memory_space<hbm>> -> memref<80x128xf32, #tpu.memory_space<hbm>>
    tpu.wait_dma2 semaphore(%arg17 : memref<!tpu.dma_semaphore, #tpu.memory_space<semaphore_mem>>) src(%dma_wait3A_25 : memref<80x128xf32, #tpu.memory_space<hbm>>) dst(%arg10 : memref<80x128xf32, #tpu.memory_space<vmem>>)
    %barrier3A_26 = arith.constant 0 : index
    tpu.barrier barrier_id(%barrier3A_26)
    %add3A_27 = arith.addi %mul3A_2, %mul3A_0 : i32
    "tpu.region"() ({
      %run_scoped3A = tpu.sem_alloc : memref<!tpu.dma_semaphore, #tpu.memory_space<semaphore_mem>>
      %dma_start3A_28 = arith.constant 0 : i32
      %dma_start3A_29 = tpu.memref_slice %arg5[%add3A_27, %dma_start3A_28] : memref<20000x128xf32, #tpu.memory_space<hbm>> -> memref<625x128xf32, #tpu.memory_space<hbm>>
      %dma_start3A_30 = arith.constant 0 : i32
      %dma_start3A_31 = tpu.memref_slice %arg11[%mul3A_0, %dma_start3A_30] : memref<10008x128xf32, #tpu.memory_space<vmem_shared>> -> memref<625x128xf32, #tpu.memory_space<vmem_shared>>
      tpu.enqueue_dma source(%dma_start3A_31 : memref<625x128xf32, #tpu.memory_space<vmem_shared>>) target(%dma_start3A_29 : memref<625x128xf32, #tpu.memory_space<hbm>>) target_semaphore(%run_scoped3A : memref<!tpu.dma_semaphore, #tpu.memory_space<semaphore_mem>>)
      %dma_wait3A_32 = arith.constant 0 : i32
      %dma_wait3A_33 = tpu.memref_slice %arg5[%add3A_27, %dma_wait3A_32] : memref<20000x128xf32, #tpu.memory_space<hbm>> -> memref<625x128xf32, #tpu.memory_space<hbm>>
      %dma_wait3A_34 = arith.constant 0 : i32
      %dma_wait3A_35 = tpu.memref_slice %arg11[%mul3A_0, %dma_wait3A_34] : memref<10008x128xf32, #tpu.memory_space<vmem_shared>> -> memref<625x128xf32, #tpu.memory_space<vmem_shared>>
      tpu.wait_dma2 semaphore(%run_scoped3A : memref<!tpu.dma_semaphore, #tpu.memory_space<semaphore_mem>>) src(%dma_wait3A_35 : memref<625x128xf32, #tpu.memory_space<vmem_shared>>) dst(%dma_wait3A_33 : memref<625x128xf32, #tpu.memory_space<hbm>>)
      tpu.yield
    }) : () -> ()
    return
  }
}

#map = affine_map<(d0, d1) -> (0, 0)>
#map1 = affine_map<(d0, d1) -> (0, 0, 0, 0)>
#map2 = affine_map<(d0, d1) -> (0, 0, 0)>
module attributes {stable_mosaic.version = 14 : i64} {
  func.func @run(%arg0: i32, %arg1: i32, %arg2: memref<20000x128xf32, #tpu.memory_space<hbm>>, %arg3: memref<2x16x126x80xi32, #tpu.memory_space<hbm>>, %arg4: memref<16x126x80xi32, #tpu.memory_space<hbm>>, %arg5: memref<20000x128xf32, #tpu.memory_space<hbm>>, %arg6: memref<126x80xi32, #tpu.memory_space<vmem>>, %arg7: memref<126x80xi32, #tpu.memory_space<vmem>>, %arg8: memref<80x128xf32, #tpu.memory_space<vmem>>, %arg9: memref<80x128xf32, #tpu.memory_space<vmem>>, %arg10: memref<80x128xf32, #tpu.memory_space<vmem>>, %arg11: memref<10008x128xf32, #tpu.memory_space<vmem_shared>>, %arg12: memref<!tpu.dma_semaphore, #tpu.memory_space<semaphore_mem>>, %arg13: memref<!tpu.dma_semaphore, #tpu.memory_space<semaphore_mem>>, %arg14: memref<!tpu.dma_semaphore, #tpu.memory_space<semaphore_mem>>, %arg15: memref<!tpu.dma_semaphore, #tpu.memory_space<semaphore_mem>>, %arg16: memref<!tpu.dma_semaphore, #tpu.memory_space<semaphore_mem>>, %arg17: memref<!tpu.dma_semaphore, #tpu.memory_space<semaphore_mem>>) attributes {dimension_semantics = [#tpu.dimension_semantics<core_parallel>, #tpu.dimension_semantics<subcore_parallel>], iteration_bounds = array<i64: 2, 16>, scalar_prefetch = 0 : i64, scratch_operands = 12 : i64, tpu.core_type = #tpu.core_type<sc_vector_subcore>, window_params = [{transform_indices = #map}, {transform_indices = #map1}, {transform_indices = #map2}, {transform_indices = #map}]} {
    %mul3A = arith.constant 625 : i32
    %mul3A_0 = arith.muli %arg1, %mul3A : i32
    "tpu.region"() ({
      %run_scoped3A = tpu.sem_alloc : memref<!tpu.dma_semaphore, #tpu.memory_space<semaphore_mem>>
      %dma_start3A_28 = arith.constant 0 : i32
      %dma_start3A_29 = arith.constant 0 : i32
      %dma_start3A_30 = tpu.memref_slice %arg4[%arg1, %dma_start3A_28, %dma_start3A_29] : memref<16x126x80xi32, #tpu.memory_space<hbm>> -> memref<1x126x80xi32, #tpu.memory_space<hbm>>
      %dma_start3A_31 = tpu.memref_squeeze %dma_start3A_30 : memref<1x126x80xi32, #tpu.memory_space<hbm>> -> memref<126x80xi32, #tpu.memory_space<hbm>>
      %dma_start3A_32 = arith.constant 0 : i32
      %dma_start3A_33 = arith.constant 0 : i32
      %dma_start3A_34 = tpu.memref_slice %arg4[%arg1, %dma_start3A_32, %dma_start3A_33] : memref<16x126x80xi32, #tpu.memory_space<hbm>> -> memref<1x126x80xi32, #tpu.memory_space<hbm>>
      %dma_start3A_35 = tpu.memref_squeeze %dma_start3A_34 : memref<1x126x80xi32, #tpu.memory_space<hbm>> -> memref<126x80xi32, #tpu.memory_space<hbm>>
      tpu.enqueue_dma source(%dma_start3A_35 : memref<126x80xi32, #tpu.memory_space<hbm>>) target(%arg7 : memref<126x80xi32, #tpu.memory_space<vmem>>) target_semaphore(%run_scoped3A : memref<!tpu.dma_semaphore, #tpu.memory_space<semaphore_mem>>)
      %dma_wait3A_36 = arith.constant 0 : i32
      %dma_wait3A_37 = arith.constant 0 : i32
      %dma_wait3A_38 = tpu.memref_slice %arg4[%arg1, %dma_wait3A_36, %dma_wait3A_37] : memref<16x126x80xi32, #tpu.memory_space<hbm>> -> memref<1x126x80xi32, #tpu.memory_space<hbm>>
      %dma_wait3A_39 = tpu.memref_squeeze %dma_wait3A_38 : memref<1x126x80xi32, #tpu.memory_space<hbm>> -> memref<126x80xi32, #tpu.memory_space<hbm>>
      %dma_wait3A_40 = arith.constant 0 : i32
      %dma_wait3A_41 = arith.constant 0 : i32
      %dma_wait3A_42 = tpu.memref_slice %arg4[%arg1, %dma_wait3A_40, %dma_wait3A_41] : memref<16x126x80xi32, #tpu.memory_space<hbm>> -> memref<1x126x80xi32, #tpu.memory_space<hbm>>
      %dma_wait3A_43 = tpu.memref_squeeze %dma_wait3A_42 : memref<1x126x80xi32, #tpu.memory_space<hbm>> -> memref<126x80xi32, #tpu.memory_space<hbm>>
      tpu.wait_dma2 semaphore(%run_scoped3A : memref<!tpu.dma_semaphore, #tpu.memory_space<semaphore_mem>>) src(%dma_wait3A_43 : memref<126x80xi32, #tpu.memory_space<hbm>>) dst(%arg7 : memref<126x80xi32, #tpu.memory_space<vmem>>)
      tpu.yield
    }) : () -> ()
    %mul3A_1 = arith.constant 10000 : i32
    %mul3A_2 = arith.muli %arg0, %mul3A_1 : i32
    %add3A = arith.addi %mul3A_2, %mul3A_0 : i32
    "tpu.region"() ({
      %run_scoped3A = tpu.sem_alloc : memref<!tpu.dma_semaphore, #tpu.memory_space<semaphore_mem>>
      %dma_start3A_28 = arith.constant 0 : i32
      %dma_start3A_29 = tpu.memref_slice %arg11[%mul3A_0, %dma_start3A_28] : memref<10008x128xf32, #tpu.memory_space<vmem_shared>> -> memref<625x128xf32, #tpu.memory_space<vmem_shared>>
      %dma_start3A_30 = arith.constant 0 : i32
      %dma_start3A_31 = tpu.memref_slice %arg2[%add3A, %dma_start3A_30] : memref<20000x128xf32, #tpu.memory_space<hbm>> -> memref<625x128xf32, #tpu.memory_space<hbm>>
      tpu.enqueue_dma source(%dma_start3A_31 : memref<625x128xf32, #tpu.memory_space<hbm>>) target(%dma_start3A_29 : memref<625x128xf32, #tpu.memory_space<vmem_shared>>) target_semaphore(%run_scoped3A : memref<!tpu.dma_semaphore, #tpu.memory_space<semaphore_mem>>)
      %dma_wait3A_32 = arith.constant 0 : i32
      %dma_wait3A_33 = tpu.memref_slice %arg11[%mul3A_0, %dma_wait3A_32] : memref<10008x128xf32, #tpu.memory_space<vmem_shared>> -> memref<625x128xf32, #tpu.memory_space<vmem_shared>>
      %dma_wait3A_34 = arith.constant 0 : i32
      %dma_wait3A_35 = tpu.memref_slice %arg2[%add3A, %dma_wait3A_34] : memref<20000x128xf32, #tpu.memory_space<hbm>> -> memref<625x128xf32, #tpu.memory_space<hbm>>
      tpu.wait_dma2 semaphore(%run_scoped3A : memref<!tpu.dma_semaphore, #tpu.memory_space<semaphore_mem>>) src(%dma_wait3A_35 : memref<625x128xf32, #tpu.memory_space<hbm>>) dst(%dma_wait3A_33 : memref<625x128xf32, #tpu.memory_space<vmem_shared>>)
      tpu.yield
    }) : () -> ()
    "tpu.region"() ({
      %run_scoped3A = tpu.sem_alloc : memref<!tpu.dma_semaphore, #tpu.memory_space<semaphore_mem>>
      %dma_start3A_28 = arith.constant 0 : i32
      %dma_start3A_29 = arith.constant 0 : i32
      %dma_start3A_30 = tpu.memref_slice %arg3[%arg0, %arg1, %dma_start3A_28, %dma_start3A_29] : memref<2x16x126x80xi32, #tpu.memory_space<hbm>> -> memref<1x1x126x80xi32, #tpu.memory_space<hbm>>
      %dma_start3A_31 = tpu.memref_squeeze %dma_start3A_30 : memref<1x1x126x80xi32, #tpu.memory_space<hbm>> -> memref<126x80xi32, #tpu.memory_space<hbm>>
      %dma_start3A_32 = arith.constant 0 : i32
      %dma_start3A_33 = arith.constant 0 : i32
      %dma_start3A_34 = tpu.memref_slice %arg3[%arg0, %arg1, %dma_start3A_32, %dma_start3A_33] : memref<2x16x126x80xi32, #tpu.memory_space<hbm>> -> memref<1x1x126x80xi32, #tpu.memory_space<hbm>>
      %dma_start3A_35 = tpu.memref_squeeze %dma_start3A_34 : memref<1x1x126x80xi32, #tpu.memory_space<hbm>> -> memref<126x80xi32, #tpu.memory_space<hbm>>
      tpu.enqueue_dma source(%dma_start3A_35 : memref<126x80xi32, #tpu.memory_space<hbm>>) target(%arg6 : memref<126x80xi32, #tpu.memory_space<vmem>>) target_semaphore(%run_scoped3A : memref<!tpu.dma_semaphore, #tpu.memory_space<semaphore_mem>>)
      %dma_wait3A_36 = arith.constant 0 : i32
      %dma_wait3A_37 = arith.constant 0 : i32
      %dma_wait3A_38 = tpu.memref_slice %arg3[%arg0, %arg1, %dma_wait3A_36, %dma_wait3A_37] : memref<2x16x126x80xi32, #tpu.memory_space<hbm>> -> memref<1x1x126x80xi32, #tpu.memory_space<hbm>>
      %dma_wait3A_39 = tpu.memref_squeeze %dma_wait3A_38 : memref<1x1x126x80xi32, #tpu.memory_space<hbm>> -> memref<126x80xi32, #tpu.memory_space<hbm>>
      %dma_wait3A_40 = arith.constant 0 : i32
      %dma_wait3A_41 = arith.constant 0 : i32
      %dma_wait3A_42 = tpu.memref_slice %arg3[%arg0, %arg1, %dma_wait3A_40, %dma_wait3A_41] : memref<2x16x126x80xi32, #tpu.memory_space<hbm>> -> memref<1x1x126x80xi32, #tpu.memory_space<hbm>>
      %dma_wait3A_43 = tpu.memref_squeeze %dma_wait3A_42 : memref<1x1x126x80xi32, #tpu.memory_space<hbm>> -> memref<126x80xi32, #tpu.memory_space<hbm>>
      tpu.wait_dma2 semaphore(%run_scoped3A : memref<!tpu.dma_semaphore, #tpu.memory_space<semaphore_mem>>) src(%dma_wait3A_43 : memref<126x80xi32, #tpu.memory_space<hbm>>) dst(%arg6 : memref<126x80xi32, #tpu.memory_space<vmem>>)
      tpu.yield
    }) : () -> ()
    %barrier3A = arith.constant 0 : index
    tpu.barrier barrier_id(%barrier3A)
    %dma_start3A = arith.constant 0 : i32
    %dma_start3A_3 = arith.constant 0 : i32
    %dma_start3A_4 = tpu.memref_slice %arg6[%dma_start3A, %dma_start3A_3] : memref<126x80xi32, #tpu.memory_space<vmem>> -> memref<1x80xi32, #tpu.memory_space<vmem>>
    %dma_start3A_5 = tpu.memref_squeeze %dma_start3A_4 : memref<1x80xi32, #tpu.memory_space<vmem>> -> memref<80xi32, #tpu.memory_space<vmem>>
    %dma_start3A_6 = arith.constant 0 : i32
    %dma_start3A_7 = arith.constant 0 : i32
    %dma_start3A_8 = tpu.memref_slice %arg2[%dma_start3A_6, %dma_start3A_7] : memref<20000x128xf32, #tpu.memory_space<hbm>> -> memref<20000x128xf32, #tpu.memory_space<hbm>>
    tpu.enqueue_indirect_dma source(%dma_start3A_8 : memref<20000x128xf32, #tpu.memory_space<hbm>>) target(%arg8 : memref<80x128xf32, #tpu.memory_space<vmem>>) offsets(%dma_start3A_5 : memref<80xi32, #tpu.memory_space<vmem>>) semaphore(%arg12 : memref<!tpu.dma_semaphore, #tpu.memory_space<semaphore_mem>>)
    %dma_start3A_9 = arith.constant 1 : i32
    %dma_start3A_10 = arith.constant 0 : i32
    %dma_start3A_11 = tpu.memref_slice %arg6[%dma_start3A_9, %dma_start3A_10] : memref<126x80xi32, #tpu.memory_space<vmem>> -> memref<1x80xi32, #tpu.memory_space<vmem>>
    %dma_start3A_12 = tpu.memref_squeeze %dma_start3A_11 : memref<1x80xi32, #tpu.memory_space<vmem>> -> memref<80xi32, #tpu.memory_space<vmem>>
    %dma_start3A_13 = arith.constant 0 : i32
    %dma_start3A_14 = arith.constant 0 : i32
    %dma_start3A_15 = tpu.memref_slice %arg2[%dma_start3A_13, %dma_start3A_14] : memref<20000x128xf32, #tpu.memory_space<hbm>> -> memref<20000x128xf32, #tpu.memory_space<hbm>>
    tpu.enqueue_indirect_dma source(%dma_start3A_15 : memref<20000x128xf32, #tpu.memory_space<hbm>>) target(%arg9 : memref<80x128xf32, #tpu.memory_space<vmem>>) offsets(%dma_start3A_12 : memref<80xi32, #tpu.memory_space<vmem>>) semaphore(%arg13 : memref<!tpu.dma_semaphore, #tpu.memory_space<semaphore_mem>>)
    %scan3A = arith.constant 0 : i32
    %scan3A_16 = arith.constant 0 : i32
    %scan3A_17 = arith.constant 42 : i32
    %scan3A_18 = arith.addi %scan3A_16, %scan3A_17 : i32
    %scan3A_19 = arith.constant 1 : i32
    scf.for %scan3A_28 = %scan3A_16 to %scan3A_18 step %scan3A_19  : i32 {
      %mul3A_29 = arith.constant 3 : i32
      %mul3A_30 = arith.muli %mul3A_29, %scan3A_28 : i32
      %add3A_31 = arith.constant 0 : i32
      %add3A_32 = arith.addi %mul3A_30, %add3A_31 : i32
      %dma_wait3A_33 = arith.constant 0 : i32
      %dma_wait3A_34 = arith.constant 0 : i32
      %dma_wait3A_35 = tpu.memref_slice %arg2[%dma_wait3A_33, %dma_wait3A_34] : memref<20000x128xf32, #tpu.memory_space<hbm>> -> memref<80x128xf32, #tpu.memory_space<hbm>>
      %dma_wait3A_36 = arith.constant 0 : i32
      %dma_wait3A_37 = arith.constant 0 : i32
      %dma_wait3A_38 = tpu.memref_slice %arg2[%dma_wait3A_36, %dma_wait3A_37] : memref<20000x128xf32, #tpu.memory_space<hbm>> -> memref<80x128xf32, #tpu.memory_space<hbm>>
      tpu.wait_dma2 semaphore(%arg12 : memref<!tpu.dma_semaphore, #tpu.memory_space<semaphore_mem>>) src(%dma_wait3A_38 : memref<80x128xf32, #tpu.memory_space<hbm>>) dst(%arg8 : memref<80x128xf32, #tpu.memory_space<vmem>>)
      %dma_start3A_39 = arith.constant 0 : i32
      %dma_start3A_40 = tpu.memref_slice %arg7[%add3A_32, %dma_start3A_39] : memref<126x80xi32, #tpu.memory_space<vmem>> -> memref<1x80xi32, #tpu.memory_space<vmem>>
      %dma_start3A_41 = tpu.memref_squeeze %dma_start3A_40 : memref<1x80xi32, #tpu.memory_space<vmem>> -> memref<80xi32, #tpu.memory_space<vmem>>
      %dma_start3A_42 = arith.constant 0 : i32
      %dma_start3A_43 = arith.constant 0 : i32
      %dma_start3A_44 = tpu.memref_slice %arg11[%dma_start3A_42, %dma_start3A_43] : memref<10008x128xf32, #tpu.memory_space<vmem_shared>> -> memref<10008x128xf32, #tpu.memory_space<vmem_shared>>
      tpu.enqueue_indirect_dma source(%arg8 : memref<80x128xf32, #tpu.memory_space<vmem>>) target(%dma_start3A_44 : memref<10008x128xf32, #tpu.memory_space<vmem_shared>>) offsets(%dma_start3A_41 : memref<80xi32, #tpu.memory_space<vmem>>) semaphore(%arg15 : memref<!tpu.dma_semaphore, #tpu.memory_space<semaphore_mem>>) {add = true}
      %ge3A = arith.constant 1 : i32
      %ge3A_45 = arith.cmpi sge, %add3A_32, %ge3A : i32
      %convert_element_type3A = arith.extui %ge3A_45 : i1 to i32
      %cond3A = arith.constant 0 : i32
      %cond3A_46 = arith.cmpi ne, %convert_element_type3A, %cond3A : i32
      scf.if %cond3A_46 {
        %dma_wait3A_109 = arith.constant 0 : i32
        %dma_wait3A_110 = arith.constant 0 : i32
        %dma_wait3A_111 = tpu.memref_slice %arg2[%dma_wait3A_109, %dma_wait3A_110] : memref<20000x128xf32, #tpu.memory_space<hbm>> -> memref<80x128xf32, #tpu.memory_space<hbm>>
        %dma_wait3A_112 = arith.constant 0 : i32
        %dma_wait3A_113 = arith.constant 0 : i32
        %dma_wait3A_114 = tpu.memref_slice %arg2[%dma_wait3A_112, %dma_wait3A_113] : memref<20000x128xf32, #tpu.memory_space<hbm>> -> memref<80x128xf32, #tpu.memory_space<hbm>>
        tpu.wait_dma2 semaphore(%arg17 : memref<!tpu.dma_semaphore, #tpu.memory_space<semaphore_mem>>) src(%dma_wait3A_114 : memref<80x128xf32, #tpu.memory_space<hbm>>) dst(%arg10 : memref<80x128xf32, #tpu.memory_space<vmem>>)
      } else {
      }
      %add3A_47 = arith.constant 2 : i32
      %add3A_48 = arith.addi %add3A_32, %add3A_47 : i32
      %lt3A = arith.constant 126 : i32
      %lt3A_49 = arith.cmpi slt, %add3A_48, %lt3A : i32
      %convert_element_type3A_50 = arith.extui %lt3A_49 : i1 to i32
      %cond3A_51 = arith.constant 0 : i32
      %cond3A_52 = arith.cmpi ne, %convert_element_type3A_50, %cond3A_51 : i32
      scf.if %cond3A_52 {
        %add3A_109 = arith.constant 2 : i32
        %add3A_110 = arith.addi %add3A_32, %add3A_109 : i32
        %dma_start3A_111 = arith.constant 0 : i32
        %dma_start3A_112 = tpu.memref_slice %arg6[%add3A_110, %dma_start3A_111] : memref<126x80xi32, #tpu.memory_space<vmem>> -> memref<1x80xi32, #tpu.memory_space<vmem>>
        %dma_start3A_113 = tpu.memref_squeeze %dma_start3A_112 : memref<1x80xi32, #tpu.memory_space<vmem>> -> memref<80xi32, #tpu.memory_space<vmem>>
        %dma_start3A_114 = arith.constant 0 : i32
        %dma_start3A_115 = arith.constant 0 : i32
        %dma_start3A_116 = tpu.memref_slice %arg2[%dma_start3A_114, %dma_start3A_115] : memref<20000x128xf32, #tpu.memory_space<hbm>> -> memref<20000x128xf32, #tpu.memory_space<hbm>>
        tpu.enqueue_indirect_dma source(%dma_start3A_116 : memref<20000x128xf32, #tpu.memory_space<hbm>>) target(%arg10 : memref<80x128xf32, #tpu.memory_space<vmem>>) offsets(%dma_start3A_113 : memref<80xi32, #tpu.memory_space<vmem>>) semaphore(%arg14 : memref<!tpu.dma_semaphore, #tpu.memory_space<semaphore_mem>>)
      } else {
      }
      %mul3A_53 = arith.constant 3 : i32
      %mul3A_54 = arith.muli %mul3A_53, %scan3A_28 : i32
      %add3A_55 = arith.constant 1 : i32
      %add3A_56 = arith.addi %mul3A_54, %add3A_55 : i32
      %dma_wait3A_57 = arith.constant 0 : i32
      %dma_wait3A_58 = arith.constant 0 : i32
      %dma_wait3A_59 = tpu.memref_slice %arg2[%dma_wait3A_57, %dma_wait3A_58] : memref<20000x128xf32, #tpu.memory_space<hbm>> -> memref<80x128xf32, #tpu.memory_space<hbm>>
      %dma_wait3A_60 = arith.constant 0 : i32
      %dma_wait3A_61 = arith.constant 0 : i32
      %dma_wait3A_62 = tpu.memref_slice %arg2[%dma_wait3A_60, %dma_wait3A_61] : memref<20000x128xf32, #tpu.memory_space<hbm>> -> memref<80x128xf32, #tpu.memory_space<hbm>>
      tpu.wait_dma2 semaphore(%arg13 : memref<!tpu.dma_semaphore, #tpu.memory_space<semaphore_mem>>) src(%dma_wait3A_62 : memref<80x128xf32, #tpu.memory_space<hbm>>) dst(%arg9 : memref<80x128xf32, #tpu.memory_space<vmem>>)
      %dma_start3A_63 = arith.constant 0 : i32
      %dma_start3A_64 = tpu.memref_slice %arg7[%add3A_56, %dma_start3A_63] : memref<126x80xi32, #tpu.memory_space<vmem>> -> memref<1x80xi32, #tpu.memory_space<vmem>>
      %dma_start3A_65 = tpu.memref_squeeze %dma_start3A_64 : memref<1x80xi32, #tpu.memory_space<vmem>> -> memref<80xi32, #tpu.memory_space<vmem>>
      %dma_start3A_66 = arith.constant 0 : i32
      %dma_start3A_67 = arith.constant 0 : i32
      %dma_start3A_68 = tpu.memref_slice %arg11[%dma_start3A_66, %dma_start3A_67] : memref<10008x128xf32, #tpu.memory_space<vmem_shared>> -> memref<10008x128xf32, #tpu.memory_space<vmem_shared>>
      tpu.enqueue_indirect_dma source(%arg9 : memref<80x128xf32, #tpu.memory_space<vmem>>) target(%dma_start3A_68 : memref<10008x128xf32, #tpu.memory_space<vmem_shared>>) offsets(%dma_start3A_65 : memref<80xi32, #tpu.memory_space<vmem>>) semaphore(%arg16 : memref<!tpu.dma_semaphore, #tpu.memory_space<semaphore_mem>>) {add = true}
      %ge3A_69 = arith.constant 1 : i32
      %ge3A_70 = arith.cmpi sge, %add3A_56, %ge3A_69 : i32
      %convert_element_type3A_71 = arith.extui %ge3A_70 : i1 to i32
      %cond3A_72 = arith.constant 0 : i32
      %cond3A_73 = arith.cmpi ne, %convert_element_type3A_71, %cond3A_72 : i32
      scf.if %cond3A_73 {
        %dma_wait3A_109 = arith.constant 0 : i32
        %dma_wait3A_110 = arith.constant 0 : i32
        %dma_wait3A_111 = tpu.memref_slice %arg2[%dma_wait3A_109, %dma_wait3A_110] : memref<20000x128xf32, #tpu.memory_space<hbm>> -> memref<80x128xf32, #tpu.memory_space<hbm>>
        %dma_wait3A_112 = arith.constant 0 : i32
        %dma_wait3A_113 = arith.constant 0 : i32
        %dma_wait3A_114 = tpu.memref_slice %arg2[%dma_wait3A_112, %dma_wait3A_113] : memref<20000x128xf32, #tpu.memory_space<hbm>> -> memref<80x128xf32, #tpu.memory_space<hbm>>
        tpu.wait_dma2 semaphore(%arg15 : memref<!tpu.dma_semaphore, #tpu.memory_space<semaphore_mem>>) src(%dma_wait3A_114 : memref<80x128xf32, #tpu.memory_space<hbm>>) dst(%arg8 : memref<80x128xf32, #tpu.memory_space<vmem>>)
      } else {
      }
      %add3A_74 = arith.constant 2 : i32
      %add3A_75 = arith.addi %add3A_56, %add3A_74 : i32
      %lt3A_76 = arith.constant 126 : i32
      %lt3A_77 = arith.cmpi slt, %add3A_75, %lt3A_76 : i32
      %convert_element_type3A_78 = arith.extui %lt3A_77 : i1 to i32
      %cond3A_79 = arith.constant 0 : i32
      %cond3A_80 = arith.cmpi ne, %convert_element_type3A_78, %cond3A_79 : i32
      scf.if %cond3A_80 {
        %add3A_109 = arith.constant 2 : i32
        %add3A_110 = arith.addi %add3A_56, %add3A_109 : i32
        %dma_start3A_111 = arith.constant 0 : i32
        %dma_start3A_112 = tpu.memref_slice %arg6[%add3A_110, %dma_start3A_111] : memref<126x80xi32, #tpu.memory_space<vmem>> -> memref<1x80xi32, #tpu.memory_space<vmem>>
        %dma_start3A_113 = tpu.memref_squeeze %dma_start3A_112 : memref<1x80xi32, #tpu.memory_space<vmem>> -> memref<80xi32, #tpu.memory_space<vmem>>
        %dma_start3A_114 = arith.constant 0 : i32
        %dma_start3A_115 = arith.constant 0 : i32
        %dma_start3A_116 = tpu.memref_slice %arg2[%dma_start3A_114, %dma_start3A_115] : memref<20000x128xf32, #tpu.memory_space<hbm>> -> memref<20000x128xf32, #tpu.memory_space<hbm>>
        tpu.enqueue_indirect_dma source(%dma_start3A_116 : memref<20000x128xf32, #tpu.memory_space<hbm>>) target(%arg8 : memref<80x128xf32, #tpu.memory_space<vmem>>) offsets(%dma_start3A_113 : memref<80xi32, #tpu.memory_space<vmem>>) semaphore(%arg12 : memref<!tpu.dma_semaphore, #tpu.memory_space<semaphore_mem>>)
      } else {
      }
      %mul3A_81 = arith.constant 3 : i32
      %mul3A_82 = arith.muli %mul3A_81, %scan3A_28 : i32
      %add3A_83 = arith.constant 2 : i32
      %add3A_84 = arith.addi %mul3A_82, %add3A_83 : i32
      %dma_wait3A_85 = arith.constant 0 : i32
      %dma_wait3A_86 = arith.constant 0 : i32
      %dma_wait3A_87 = tpu.memref_slice %arg2[%dma_wait3A_85, %dma_wait3A_86] : memref<20000x128xf32, #tpu.memory_space<hbm>> -> memref<80x128xf32, #tpu.memory_space<hbm>>
      %dma_wait3A_88 = arith.constant 0 : i32
      %dma_wait3A_89 = arith.constant 0 : i32
      %dma_wait3A_90 = tpu.memref_slice %arg2[%dma_wait3A_88, %dma_wait3A_89] : memref<20000x128xf32, #tpu.memory_space<hbm>> -> memref<80x128xf32, #tpu.memory_space<hbm>>
      tpu.wait_dma2 semaphore(%arg14 : memref<!tpu.dma_semaphore, #tpu.memory_space<semaphore_mem>>) src(%dma_wait3A_90 : memref<80x128xf32, #tpu.memory_space<hbm>>) dst(%arg10 : memref<80x128xf32, #tpu.memory_space<vmem>>)
      %dma_start3A_91 = arith.constant 0 : i32
      %dma_start3A_92 = tpu.memref_slice %arg7[%add3A_84, %dma_start3A_91] : memref<126x80xi32, #tpu.memory_space<vmem>> -> memref<1x80xi32, #tpu.memory_space<vmem>>
      %dma_start3A_93 = tpu.memref_squeeze %dma_start3A_92 : memref<1x80xi32, #tpu.memory_space<vmem>> -> memref<80xi32, #tpu.memory_space<vmem>>
      %dma_start3A_94 = arith.constant 0 : i32
      %dma_start3A_95 = arith.constant 0 : i32
      %dma_start3A_96 = tpu.memref_slice %arg11[%dma_start3A_94, %dma_start3A_95] : memref<10008x128xf32, #tpu.memory_space<vmem_shared>> -> memref<10008x128xf32, #tpu.memory_space<vmem_shared>>
      tpu.enqueue_indirect_dma source(%arg10 : memref<80x128xf32, #tpu.memory_space<vmem>>) target(%dma_start3A_96 : memref<10008x128xf32, #tpu.memory_space<vmem_shared>>) offsets(%dma_start3A_93 : memref<80xi32, #tpu.memory_space<vmem>>) semaphore(%arg17 : memref<!tpu.dma_semaphore, #tpu.memory_space<semaphore_mem>>) {add = true}
      %ge3A_97 = arith.constant 1 : i32
      %ge3A_98 = arith.cmpi sge, %add3A_84, %ge3A_97 : i32
      %convert_element_type3A_99 = arith.extui %ge3A_98 : i1 to i32
      %cond3A_100 = arith.constant 0 : i32
      %cond3A_101 = arith.cmpi ne, %convert_element_type3A_99, %cond3A_100 : i32
      scf.if %cond3A_101 {
        %dma_wait3A_109 = arith.constant 0 : i32
        %dma_wait3A_110 = arith.constant 0 : i32
        %dma_wait3A_111 = tpu.memref_slice %arg2[%dma_wait3A_109, %dma_wait3A_110] : memref<20000x128xf32, #tpu.memory_space<hbm>> -> memref<80x128xf32, #tpu.memory_space<hbm>>
        %dma_wait3A_112 = arith.constant 0 : i32
        %dma_wait3A_113 = arith.constant 0 : i32
        %dma_wait3A_114 = tpu.memref_slice %arg2[%dma_wait3A_112, %dma_wait3A_113] : memref<20000x128xf32, #tpu.memory_space<hbm>> -> memref<80x128xf32, #tpu.memory_space<hbm>>
        tpu.wait_dma2 semaphore(%arg16 : memref<!tpu.dma_semaphore, #tpu.memory_space<semaphore_mem>>) src(%dma_wait3A_114 : memref<80x128xf32, #tpu.memory_space<hbm>>) dst(%arg9 : memref<80x128xf32, #tpu.memory_space<vmem>>)
      } else {
      }
      %add3A_102 = arith.constant 2 : i32
      %add3A_103 = arith.addi %add3A_84, %add3A_102 : i32
      %lt3A_104 = arith.constant 126 : i32
      %lt3A_105 = arith.cmpi slt, %add3A_103, %lt3A_104 : i32
      %convert_element_type3A_106 = arith.extui %lt3A_105 : i1 to i32
      %cond3A_107 = arith.constant 0 : i32
      %cond3A_108 = arith.cmpi ne, %convert_element_type3A_106, %cond3A_107 : i32
      scf.if %cond3A_108 {
        %add3A_109 = arith.constant 2 : i32
        %add3A_110 = arith.addi %add3A_84, %add3A_109 : i32
        %dma_start3A_111 = arith.constant 0 : i32
        %dma_start3A_112 = tpu.memref_slice %arg6[%add3A_110, %dma_start3A_111] : memref<126x80xi32, #tpu.memory_space<vmem>> -> memref<1x80xi32, #tpu.memory_space<vmem>>
        %dma_start3A_113 = tpu.memref_squeeze %dma_start3A_112 : memref<1x80xi32, #tpu.memory_space<vmem>> -> memref<80xi32, #tpu.memory_space<vmem>>
        %dma_start3A_114 = arith.constant 0 : i32
        %dma_start3A_115 = arith.constant 0 : i32
        %dma_start3A_116 = tpu.memref_slice %arg2[%dma_start3A_114, %dma_start3A_115] : memref<20000x128xf32, #tpu.memory_space<hbm>> -> memref<20000x128xf32, #tpu.memory_space<hbm>>
        tpu.enqueue_indirect_dma source(%dma_start3A_116 : memref<20000x128xf32, #tpu.memory_space<hbm>>) target(%arg9 : memref<80x128xf32, #tpu.memory_space<vmem>>) offsets(%dma_start3A_113 : memref<80xi32, #tpu.memory_space<vmem>>) semaphore(%arg13 : memref<!tpu.dma_semaphore, #tpu.memory_space<semaphore_mem>>)
      } else {
      }
    }
    %scan3A_20 = arith.constant 42 : i32
    %dma_wait3A = arith.constant 0 : i32
    %dma_wait3A_21 = arith.constant 0 : i32
    %dma_wait3A_22 = tpu.memref_slice %arg2[%dma_wait3A, %dma_wait3A_21] : memref<20000x128xf32, #tpu.memory_space<hbm>> -> memref<80x128xf32, #tpu.memory_space<hbm>>
    %dma_wait3A_23 = arith.constant 0 : i32
    %dma_wait3A_24 = arith.constant 0 : i32
    %dma_wait3A_25 = tpu.memref_slice %arg2[%dma_wait3A_23, %dma_wait3A_24] : memref<20000x128xf32, #tpu.memory_space<hbm>> -> memref<80x128xf32, #tpu.memory_space<hbm>>
    tpu.wait_dma2 semaphore(%arg17 : memref<!tpu.dma_semaphore, #tpu.memory_space<semaphore_mem>>) src(%dma_wait3A_25 : memref<80x128xf32, #tpu.memory_space<hbm>>) dst(%arg10 : memref<80x128xf32, #tpu.memory_space<vmem>>)
    %barrier3A_26 = arith.constant 0 : index
    tpu.barrier barrier_id(%barrier3A_26)
    %add3A_27 = arith.addi %mul3A_2, %mul3A_0 : i32
    "tpu.region"() ({
      %run_scoped3A = tpu.sem_alloc : memref<!tpu.dma_semaphore, #tpu.memory_space<semaphore_mem>>
      %dma_start3A_28 = arith.constant 0 : i32
      %dma_start3A_29 = tpu.memref_slice %arg5[%add3A_27, %dma_start3A_28] : memref<20000x128xf32, #tpu.memory_space<hbm>> -> memref<625x128xf32, #tpu.memory_space<hbm>>
      %dma_start3A_30 = arith.constant 0 : i32
      %dma_start3A_31 = tpu.memref_slice %arg11[%mul3A_0, %dma_start3A_30] : memref<10008x128xf32, #tpu.memory_space<vmem_shared>> -> memref<625x128xf32, #tpu.memory_space<vmem_shared>>
      tpu.enqueue_dma source(%dma_start3A_31 : memref<625x128xf32, #tpu.memory_space<vmem_shared>>) target(%dma_start3A_29 : memref<625x128xf32, #tpu.memory_space<hbm>>) target_semaphore(%run_scoped3A : memref<!tpu.dma_semaphore, #tpu.memory_space<semaphore_mem>>)
      %dma_wait3A_32 = arith.constant 0 : i32
      %dma_wait3A_33 = tpu.memref_slice %arg5[%add3A_27, %dma_wait3A_32] : memref<20000x128xf32, #tpu.memory_space<hbm>> -> memref<625x128xf32, #tpu.memory_space<hbm>>
      %dma_wait3A_34 = arith.constant 0 : i32
      %dma_wait3A_35 = tpu.memref_slice %arg11[%mul3A_0, %dma_wait3A_34] : memref<10008x128xf32, #tpu.memory_space<vmem_shared>> -> memref<625x128xf32, #tpu.memory_space<vmem_shared>>
      tpu.wait_dma2 semaphore(%run_scoped3A : memref<!tpu.dma_semaphore, #tpu.memory_space<semaphore_mem>>) src(%dma_wait3A_35 : memref<625x128xf32, #tpu.memory_space<vmem_shared>>) dst(%dma_wait3A_33 : memref<625x128xf32, #tpu.memory_space<hbm>>)
      tpu.yield
    }) : () -> ()
    return
  }
}

#map = affine_map<(d0, d1) -> (0, 0)>
#map1 = affine_map<(d0, d1) -> (0, 0, 0, 0)>
#map2 = affine_map<(d0, d1) -> (0, 0, 0)>
module attributes {stable_mosaic.version = 14 : i64} {
  func.func @run(%arg0: i32, %arg1: i32, %arg2: memref<20000x128xf32, #tpu.memory_space<hbm>>, %arg3: memref<2x16x126x80xi32, #tpu.memory_space<hbm>>, %arg4: memref<16x126x80xi32, #tpu.memory_space<hbm>>, %arg5: memref<20000x128xf32, #tpu.memory_space<hbm>>, %arg6: memref<126x80xi32, #tpu.memory_space<vmem>>, %arg7: memref<126x80xi32, #tpu.memory_space<vmem>>, %arg8: memref<80x128xf32, #tpu.memory_space<vmem>>, %arg9: memref<80x128xf32, #tpu.memory_space<vmem>>, %arg10: memref<80x128xf32, #tpu.memory_space<vmem>>, %arg11: memref<10008x128xf32, #tpu.memory_space<vmem_shared>>, %arg12: memref<!tpu.dma_semaphore, #tpu.memory_space<semaphore_mem>>, %arg13: memref<!tpu.dma_semaphore, #tpu.memory_space<semaphore_mem>>, %arg14: memref<!tpu.dma_semaphore, #tpu.memory_space<semaphore_mem>>, %arg15: memref<!tpu.dma_semaphore, #tpu.memory_space<semaphore_mem>>, %arg16: memref<!tpu.dma_semaphore, #tpu.memory_space<semaphore_mem>>, %arg17: memref<!tpu.dma_semaphore, #tpu.memory_space<semaphore_mem>>) attributes {dimension_semantics = [#tpu.dimension_semantics<core_parallel>, #tpu.dimension_semantics<subcore_parallel>], iteration_bounds = array<i64: 2, 16>, scalar_prefetch = 0 : i64, scratch_operands = 12 : i64, tpu.core_type = #tpu.core_type<sc_vector_subcore>, window_params = [{transform_indices = #map}, {transform_indices = #map1}, {transform_indices = #map2}, {transform_indices = #map}]} {
    %mul3A = arith.constant 625 : i32
    %mul3A_0 = arith.muli %arg1, %mul3A : i32
    "tpu.region"() ({
      %run_scoped3A = tpu.sem_alloc : memref<!tpu.dma_semaphore, #tpu.memory_space<semaphore_mem>>
      %dma_start3A_28 = arith.constant 0 : i32
      %dma_start3A_29 = arith.constant 0 : i32
      %dma_start3A_30 = tpu.memref_slice %arg4[%arg1, %dma_start3A_28, %dma_start3A_29] : memref<16x126x80xi32, #tpu.memory_space<hbm>> -> memref<1x126x80xi32, #tpu.memory_space<hbm>>
      %dma_start3A_31 = tpu.memref_squeeze %dma_start3A_30 : memref<1x126x80xi32, #tpu.memory_space<hbm>> -> memref<126x80xi32, #tpu.memory_space<hbm>>
      %dma_start3A_32 = arith.constant 0 : i32
      %dma_start3A_33 = arith.constant 0 : i32
      %dma_start3A_34 = tpu.memref_slice %arg4[%arg1, %dma_start3A_32, %dma_start3A_33] : memref<16x126x80xi32, #tpu.memory_space<hbm>> -> memref<1x126x80xi32, #tpu.memory_space<hbm>>
      %dma_start3A_35 = tpu.memref_squeeze %dma_start3A_34 : memref<1x126x80xi32, #tpu.memory_space<hbm>> -> memref<126x80xi32, #tpu.memory_space<hbm>>
      tpu.enqueue_dma source(%dma_start3A_35 : memref<126x80xi32, #tpu.memory_space<hbm>>) target(%arg7 : memref<126x80xi32, #tpu.memory_space<vmem>>) target_semaphore(%run_scoped3A : memref<!tpu.dma_semaphore, #tpu.memory_space<semaphore_mem>>)
      %dma_wait3A_36 = arith.constant 0 : i32
      %dma_wait3A_37 = arith.constant 0 : i32
      %dma_wait3A_38 = tpu.memref_slice %arg4[%arg1, %dma_wait3A_36, %dma_wait3A_37] : memref<16x126x80xi32, #tpu.memory_space<hbm>> -> memref<1x126x80xi32, #tpu.memory_space<hbm>>
      %dma_wait3A_39 = tpu.memref_squeeze %dma_wait3A_38 : memref<1x126x80xi32, #tpu.memory_space<hbm>> -> memref<126x80xi32, #tpu.memory_space<hbm>>
      %dma_wait3A_40 = arith.constant 0 : i32
      %dma_wait3A_41 = arith.constant 0 : i32
      %dma_wait3A_42 = tpu.memref_slice %arg4[%arg1, %dma_wait3A_40, %dma_wait3A_41] : memref<16x126x80xi32, #tpu.memory_space<hbm>> -> memref<1x126x80xi32, #tpu.memory_space<hbm>>
      %dma_wait3A_43 = tpu.memref_squeeze %dma_wait3A_42 : memref<1x126x80xi32, #tpu.memory_space<hbm>> -> memref<126x80xi32, #tpu.memory_space<hbm>>
      tpu.wait_dma2 semaphore(%run_scoped3A : memref<!tpu.dma_semaphore, #tpu.memory_space<semaphore_mem>>) src(%dma_wait3A_43 : memref<126x80xi32, #tpu.memory_space<hbm>>) dst(%arg7 : memref<126x80xi32, #tpu.memory_space<vmem>>)
      tpu.yield
    }) : () -> ()
    %mul3A_1 = arith.constant 10000 : i32
    %mul3A_2 = arith.muli %arg0, %mul3A_1 : i32
    %add3A = arith.addi %mul3A_2, %mul3A_0 : i32
    "tpu.region"() ({
      %run_scoped3A = tpu.sem_alloc : memref<!tpu.dma_semaphore, #tpu.memory_space<semaphore_mem>>
      %dma_start3A_28 = arith.constant 0 : i32
      %dma_start3A_29 = tpu.memref_slice %arg11[%mul3A_0, %dma_start3A_28] : memref<10008x128xf32, #tpu.memory_space<vmem_shared>> -> memref<625x128xf32, #tpu.memory_space<vmem_shared>>
      %dma_start3A_30 = arith.constant 0 : i32
      %dma_start3A_31 = tpu.memref_slice %arg2[%add3A, %dma_start3A_30] : memref<20000x128xf32, #tpu.memory_space<hbm>> -> memref<625x128xf32, #tpu.memory_space<hbm>>
      tpu.enqueue_dma source(%dma_start3A_31 : memref<625x128xf32, #tpu.memory_space<hbm>>) target(%dma_start3A_29 : memref<625x128xf32, #tpu.memory_space<vmem_shared>>) target_semaphore(%run_scoped3A : memref<!tpu.dma_semaphore, #tpu.memory_space<semaphore_mem>>)
      %dma_wait3A_32 = arith.constant 0 : i32
      %dma_wait3A_33 = tpu.memref_slice %arg11[%mul3A_0, %dma_wait3A_32] : memref<10008x128xf32, #tpu.memory_space<vmem_shared>> -> memref<625x128xf32, #tpu.memory_space<vmem_shared>>
      %dma_wait3A_34 = arith.constant 0 : i32
      %dma_wait3A_35 = tpu.memref_slice %arg2[%add3A, %dma_wait3A_34] : memref<20000x128xf32, #tpu.memory_space<hbm>> -> memref<625x128xf32, #tpu.memory_space<hbm>>
      tpu.wait_dma2 semaphore(%run_scoped3A : memref<!tpu.dma_semaphore, #tpu.memory_space<semaphore_mem>>) src(%dma_wait3A_35 : memref<625x128xf32, #tpu.memory_space<hbm>>) dst(%dma_wait3A_33 : memref<625x128xf32, #tpu.memory_space<vmem_shared>>)
      tpu.yield
    }) : () -> ()
    "tpu.region"() ({
      %run_scoped3A = tpu.sem_alloc : memref<!tpu.dma_semaphore, #tpu.memory_space<semaphore_mem>>
      %dma_start3A_28 = arith.constant 0 : i32
      %dma_start3A_29 = arith.constant 0 : i32
      %dma_start3A_30 = tpu.memref_slice %arg3[%arg0, %arg1, %dma_start3A_28, %dma_start3A_29] : memref<2x16x126x80xi32, #tpu.memory_space<hbm>> -> memref<1x1x126x80xi32, #tpu.memory_space<hbm>>
      %dma_start3A_31 = tpu.memref_squeeze %dma_start3A_30 : memref<1x1x126x80xi32, #tpu.memory_space<hbm>> -> memref<126x80xi32, #tpu.memory_space<hbm>>
      %dma_start3A_32 = arith.constant 0 : i32
      %dma_start3A_33 = arith.constant 0 : i32
      %dma_start3A_34 = tpu.memref_slice %arg3[%arg0, %arg1, %dma_start3A_32, %dma_start3A_33] : memref<2x16x126x80xi32, #tpu.memory_space<hbm>> -> memref<1x1x126x80xi32, #tpu.memory_space<hbm>>
      %dma_start3A_35 = tpu.memref_squeeze %dma_start3A_34 : memref<1x1x126x80xi32, #tpu.memory_space<hbm>> -> memref<126x80xi32, #tpu.memory_space<hbm>>
      tpu.enqueue_dma source(%dma_start3A_35 : memref<126x80xi32, #tpu.memory_space<hbm>>) target(%arg6 : memref<126x80xi32, #tpu.memory_space<vmem>>) target_semaphore(%run_scoped3A : memref<!tpu.dma_semaphore, #tpu.memory_space<semaphore_mem>>)
      %dma_wait3A_36 = arith.constant 0 : i32
      %dma_wait3A_37 = arith.constant 0 : i32
      %dma_wait3A_38 = tpu.memref_slice %arg3[%arg0, %arg1, %dma_wait3A_36, %dma_wait3A_37] : memref<2x16x126x80xi32, #tpu.memory_space<hbm>> -> memref<1x1x126x80xi32, #tpu.memory_space<hbm>>
      %dma_wait3A_39 = tpu.memref_squeeze %dma_wait3A_38 : memref<1x1x126x80xi32, #tpu.memory_space<hbm>> -> memref<126x80xi32, #tpu.memory_space<hbm>>
      %dma_wait3A_40 = arith.constant 0 : i32
      %dma_wait3A_41 = arith.constant 0 : i32
      %dma_wait3A_42 = tpu.memref_slice %arg3[%arg0, %arg1, %dma_wait3A_40, %dma_wait3A_41] : memref<2x16x126x80xi32, #tpu.memory_space<hbm>> -> memref<1x1x126x80xi32, #tpu.memory_space<hbm>>
      %dma_wait3A_43 = tpu.memref_squeeze %dma_wait3A_42 : memref<1x1x126x80xi32, #tpu.memory_space<hbm>> -> memref<126x80xi32, #tpu.memory_space<hbm>>
      tpu.wait_dma2 semaphore(%run_scoped3A : memref<!tpu.dma_semaphore, #tpu.memory_space<semaphore_mem>>) src(%dma_wait3A_43 : memref<126x80xi32, #tpu.memory_space<hbm>>) dst(%arg6 : memref<126x80xi32, #tpu.memory_space<vmem>>)
      tpu.yield
    }) : () -> ()
    %barrier3A = arith.constant 0 : index
    tpu.barrier barrier_id(%barrier3A)
    %dma_start3A = arith.constant 0 : i32
    %dma_start3A_3 = arith.constant 0 : i32
    %dma_start3A_4 = tpu.memref_slice %arg6[%dma_start3A, %dma_start3A_3] : memref<126x80xi32, #tpu.memory_space<vmem>> -> memref<1x80xi32, #tpu.memory_space<vmem>>
    %dma_start3A_5 = tpu.memref_squeeze %dma_start3A_4 : memref<1x80xi32, #tpu.memory_space<vmem>> -> memref<80xi32, #tpu.memory_space<vmem>>
    %dma_start3A_6 = arith.constant 0 : i32
    %dma_start3A_7 = arith.constant 0 : i32
    %dma_start3A_8 = tpu.memref_slice %arg2[%dma_start3A_6, %dma_start3A_7] : memref<20000x128xf32, #tpu.memory_space<hbm>> -> memref<20000x128xf32, #tpu.memory_space<hbm>>
    tpu.enqueue_indirect_dma source(%dma_start3A_8 : memref<20000x128xf32, #tpu.memory_space<hbm>>) target(%arg8 : memref<80x128xf32, #tpu.memory_space<vmem>>) offsets(%dma_start3A_5 : memref<80xi32, #tpu.memory_space<vmem>>) semaphore(%arg12 : memref<!tpu.dma_semaphore, #tpu.memory_space<semaphore_mem>>)
    %dma_start3A_9 = arith.constant 1 : i32
    %dma_start3A_10 = arith.constant 0 : i32
    %dma_start3A_11 = tpu.memref_slice %arg6[%dma_start3A_9, %dma_start3A_10] : memref<126x80xi32, #tpu.memory_space<vmem>> -> memref<1x80xi32, #tpu.memory_space<vmem>>
    %dma_start3A_12 = tpu.memref_squeeze %dma_start3A_11 : memref<1x80xi32, #tpu.memory_space<vmem>> -> memref<80xi32, #tpu.memory_space<vmem>>
    %dma_start3A_13 = arith.constant 0 : i32
    %dma_start3A_14 = arith.constant 0 : i32
    %dma_start3A_15 = tpu.memref_slice %arg2[%dma_start3A_13, %dma_start3A_14] : memref<20000x128xf32, #tpu.memory_space<hbm>> -> memref<20000x128xf32, #tpu.memory_space<hbm>>
    tpu.enqueue_indirect_dma source(%dma_start3A_15 : memref<20000x128xf32, #tpu.memory_space<hbm>>) target(%arg9 : memref<80x128xf32, #tpu.memory_space<vmem>>) offsets(%dma_start3A_12 : memref<80xi32, #tpu.memory_space<vmem>>) semaphore(%arg13 : memref<!tpu.dma_semaphore, #tpu.memory_space<semaphore_mem>>)
    %scan3A = arith.constant 0 : i32
    %scan3A_16 = arith.constant 0 : i32
    %scan3A_17 = arith.constant 42 : i32
    %scan3A_18 = arith.addi %scan3A_16, %scan3A_17 : i32
    %scan3A_19 = arith.constant 1 : i32
    scf.for %scan3A_28 = %scan3A_16 to %scan3A_18 step %scan3A_19  : i32 {
      %mul3A_29 = arith.constant 3 : i32
      %mul3A_30 = arith.muli %mul3A_29, %scan3A_28 : i32
      %add3A_31 = arith.constant 0 : i32
      %add3A_32 = arith.addi %mul3A_30, %add3A_31 : i32
      %dma_wait3A_33 = arith.constant 0 : i32
      %dma_wait3A_34 = arith.constant 0 : i32
      %dma_wait3A_35 = tpu.memref_slice %arg2[%dma_wait3A_33, %dma_wait3A_34] : memref<20000x128xf32, #tpu.memory_space<hbm>> -> memref<80x128xf32, #tpu.memory_space<hbm>>
      %dma_wait3A_36 = arith.constant 0 : i32
      %dma_wait3A_37 = arith.constant 0 : i32
      %dma_wait3A_38 = tpu.memref_slice %arg2[%dma_wait3A_36, %dma_wait3A_37] : memref<20000x128xf32, #tpu.memory_space<hbm>> -> memref<80x128xf32, #tpu.memory_space<hbm>>
      tpu.wait_dma2 semaphore(%arg12 : memref<!tpu.dma_semaphore, #tpu.memory_space<semaphore_mem>>) src(%dma_wait3A_38 : memref<80x128xf32, #tpu.memory_space<hbm>>) dst(%arg8 : memref<80x128xf32, #tpu.memory_space<vmem>>)
      %dma_start3A_39 = arith.constant 0 : i32
      %dma_start3A_40 = tpu.memref_slice %arg7[%add3A_32, %dma_start3A_39] : memref<126x80xi32, #tpu.memory_space<vmem>> -> memref<1x80xi32, #tpu.memory_space<vmem>>
      %dma_start3A_41 = tpu.memref_squeeze %dma_start3A_40 : memref<1x80xi32, #tpu.memory_space<vmem>> -> memref<80xi32, #tpu.memory_space<vmem>>
      %dma_start3A_42 = arith.constant 0 : i32
      %dma_start3A_43 = arith.constant 0 : i32
      %dma_start3A_44 = tpu.memref_slice %arg11[%dma_start3A_42, %dma_start3A_43] : memref<10008x128xf32, #tpu.memory_space<vmem_shared>> -> memref<10008x128xf32, #tpu.memory_space<vmem_shared>>
      tpu.enqueue_indirect_dma source(%arg8 : memref<80x128xf32, #tpu.memory_space<vmem>>) target(%dma_start3A_44 : memref<10008x128xf32, #tpu.memory_space<vmem_shared>>) offsets(%dma_start3A_41 : memref<80xi32, #tpu.memory_space<vmem>>) semaphore(%arg15 : memref<!tpu.dma_semaphore, #tpu.memory_space<semaphore_mem>>) {add = true}
      %ge3A = arith.constant 1 : i32
      %ge3A_45 = arith.cmpi sge, %add3A_32, %ge3A : i32
      %convert_element_type3A = arith.extui %ge3A_45 : i1 to i32
      %cond3A = arith.constant 0 : i32
      %cond3A_46 = arith.cmpi ne, %convert_element_type3A, %cond3A : i32
      scf.if %cond3A_46 {
        %dma_wait3A_109 = arith.constant 0 : i32
        %dma_wait3A_110 = arith.constant 0 : i32
        %dma_wait3A_111 = tpu.memref_slice %arg2[%dma_wait3A_109, %dma_wait3A_110] : memref<20000x128xf32, #tpu.memory_space<hbm>> -> memref<80x128xf32, #tpu.memory_space<hbm>>
        %dma_wait3A_112 = arith.constant 0 : i32
        %dma_wait3A_113 = arith.constant 0 : i32
        %dma_wait3A_114 = tpu.memref_slice %arg2[%dma_wait3A_112, %dma_wait3A_113] : memref<20000x128xf32, #tpu.memory_space<hbm>> -> memref<80x128xf32, #tpu.memory_space<hbm>>
        tpu.wait_dma2 semaphore(%arg17 : memref<!tpu.dma_semaphore, #tpu.memory_space<semaphore_mem>>) src(%dma_wait3A_114 : memref<80x128xf32, #tpu.memory_space<hbm>>) dst(%arg10 : memref<80x128xf32, #tpu.memory_space<vmem>>)
      } else {
      }
      %add3A_47 = arith.constant 2 : i32
      %add3A_48 = arith.addi %add3A_32, %add3A_47 : i32
      %lt3A = arith.constant 126 : i32
      %lt3A_49 = arith.cmpi slt, %add3A_48, %lt3A : i32
      %convert_element_type3A_50 = arith.extui %lt3A_49 : i1 to i32
      %cond3A_51 = arith.constant 0 : i32
      %cond3A_52 = arith.cmpi ne, %convert_element_type3A_50, %cond3A_51 : i32
      scf.if %cond3A_52 {
        %add3A_109 = arith.constant 2 : i32
        %add3A_110 = arith.addi %add3A_32, %add3A_109 : i32
        %dma_start3A_111 = arith.constant 0 : i32
        %dma_start3A_112 = tpu.memref_slice %arg6[%add3A_110, %dma_start3A_111] : memref<126x80xi32, #tpu.memory_space<vmem>> -> memref<1x80xi32, #tpu.memory_space<vmem>>
        %dma_start3A_113 = tpu.memref_squeeze %dma_start3A_112 : memref<1x80xi32, #tpu.memory_space<vmem>> -> memref<80xi32, #tpu.memory_space<vmem>>
        %dma_start3A_114 = arith.constant 0 : i32
        %dma_start3A_115 = arith.constant 0 : i32
        %dma_start3A_116 = tpu.memref_slice %arg2[%dma_start3A_114, %dma_start3A_115] : memref<20000x128xf32, #tpu.memory_space<hbm>> -> memref<20000x128xf32, #tpu.memory_space<hbm>>
        tpu.enqueue_indirect_dma source(%dma_start3A_116 : memref<20000x128xf32, #tpu.memory_space<hbm>>) target(%arg10 : memref<80x128xf32, #tpu.memory_space<vmem>>) offsets(%dma_start3A_113 : memref<80xi32, #tpu.memory_space<vmem>>) semaphore(%arg14 : memref<!tpu.dma_semaphore, #tpu.memory_space<semaphore_mem>>)
      } else {
      }
      %mul3A_53 = arith.constant 3 : i32
      %mul3A_54 = arith.muli %mul3A_53, %scan3A_28 : i32
      %add3A_55 = arith.constant 1 : i32
      %add3A_56 = arith.addi %mul3A_54, %add3A_55 : i32
      %dma_wait3A_57 = arith.constant 0 : i32
      %dma_wait3A_58 = arith.constant 0 : i32
      %dma_wait3A_59 = tpu.memref_slice %arg2[%dma_wait3A_57, %dma_wait3A_58] : memref<20000x128xf32, #tpu.memory_space<hbm>> -> memref<80x128xf32, #tpu.memory_space<hbm>>
      %dma_wait3A_60 = arith.constant 0 : i32
      %dma_wait3A_61 = arith.constant 0 : i32
      %dma_wait3A_62 = tpu.memref_slice %arg2[%dma_wait3A_60, %dma_wait3A_61] : memref<20000x128xf32, #tpu.memory_space<hbm>> -> memref<80x128xf32, #tpu.memory_space<hbm>>
      tpu.wait_dma2 semaphore(%arg13 : memref<!tpu.dma_semaphore, #tpu.memory_space<semaphore_mem>>) src(%dma_wait3A_62 : memref<80x128xf32, #tpu.memory_space<hbm>>) dst(%arg9 : memref<80x128xf32, #tpu.memory_space<vmem>>)
      %dma_start3A_63 = arith.constant 0 : i32
      %dma_start3A_64 = tpu.memref_slice %arg7[%add3A_56, %dma_start3A_63] : memref<126x80xi32, #tpu.memory_space<vmem>> -> memref<1x80xi32, #tpu.memory_space<vmem>>
      %dma_start3A_65 = tpu.memref_squeeze %dma_start3A_64 : memref<1x80xi32, #tpu.memory_space<vmem>> -> memref<80xi32, #tpu.memory_space<vmem>>
      %dma_start3A_66 = arith.constant 0 : i32
      %dma_start3A_67 = arith.constant 0 : i32
      %dma_start3A_68 = tpu.memref_slice %arg11[%dma_start3A_66, %dma_start3A_67] : memref<10008x128xf32, #tpu.memory_space<vmem_shared>> -> memref<10008x128xf32, #tpu.memory_space<vmem_shared>>
      tpu.enqueue_indirect_dma source(%arg9 : memref<80x128xf32, #tpu.memory_space<vmem>>) target(%dma_start3A_68 : memref<10008x128xf32, #tpu.memory_space<vmem_shared>>) offsets(%dma_start3A_65 : memref<80xi32, #tpu.memory_space<vmem>>) semaphore(%arg16 : memref<!tpu.dma_semaphore, #tpu.memory_space<semaphore_mem>>) {add = true}
      %ge3A_69 = arith.constant 1 : i32
      %ge3A_70 = arith.cmpi sge, %add3A_56, %ge3A_69 : i32
      %convert_element_type3A_71 = arith.extui %ge3A_70 : i1 to i32
      %cond3A_72 = arith.constant 0 : i32
      %cond3A_73 = arith.cmpi ne, %convert_element_type3A_71, %cond3A_72 : i32
      scf.if %cond3A_73 {
        %dma_wait3A_109 = arith.constant 0 : i32
        %dma_wait3A_110 = arith.constant 0 : i32
        %dma_wait3A_111 = tpu.memref_slice %arg2[%dma_wait3A_109, %dma_wait3A_110] : memref<20000x128xf32, #tpu.memory_space<hbm>> -> memref<80x128xf32, #tpu.memory_space<hbm>>
        %dma_wait3A_112 = arith.constant 0 : i32
        %dma_wait3A_113 = arith.constant 0 : i32
        %dma_wait3A_114 = tpu.memref_slice %arg2[%dma_wait3A_112, %dma_wait3A_113] : memref<20000x128xf32, #tpu.memory_space<hbm>> -> memref<80x128xf32, #tpu.memory_space<hbm>>
        tpu.wait_dma2 semaphore(%arg15 : memref<!tpu.dma_semaphore, #tpu.memory_space<semaphore_mem>>) src(%dma_wait3A_114 : memref<80x128xf32, #tpu.memory_space<hbm>>) dst(%arg8 : memref<80x128xf32, #tpu.memory_space<vmem>>)
      } else {
      }
      %add3A_74 = arith.constant 2 : i32
      %add3A_75 = arith.addi %add3A_56, %add3A_74 : i32
      %lt3A_76 = arith.constant 126 : i32
      %lt3A_77 = arith.cmpi slt, %add3A_75, %lt3A_76 : i32
      %convert_element_type3A_78 = arith.extui %lt3A_77 : i1 to i32
      %cond3A_79 = arith.constant 0 : i32
      %cond3A_80 = arith.cmpi ne, %convert_element_type3A_78, %cond3A_79 : i32
      scf.if %cond3A_80 {
        %add3A_109 = arith.constant 2 : i32
        %add3A_110 = arith.addi %add3A_56, %add3A_109 : i32
        %dma_start3A_111 = arith.constant 0 : i32
        %dma_start3A_112 = tpu.memref_slice %arg6[%add3A_110, %dma_start3A_111] : memref<126x80xi32, #tpu.memory_space<vmem>> -> memref<1x80xi32, #tpu.memory_space<vmem>>
        %dma_start3A_113 = tpu.memref_squeeze %dma_start3A_112 : memref<1x80xi32, #tpu.memory_space<vmem>> -> memref<80xi32, #tpu.memory_space<vmem>>
        %dma_start3A_114 = arith.constant 0 : i32
        %dma_start3A_115 = arith.constant 0 : i32
        %dma_start3A_116 = tpu.memref_slice %arg2[%dma_start3A_114, %dma_start3A_115] : memref<20000x128xf32, #tpu.memory_space<hbm>> -> memref<20000x128xf32, #tpu.memory_space<hbm>>
        tpu.enqueue_indirect_dma source(%dma_start3A_116 : memref<20000x128xf32, #tpu.memory_space<hbm>>) target(%arg8 : memref<80x128xf32, #tpu.memory_space<vmem>>) offsets(%dma_start3A_113 : memref<80xi32, #tpu.memory_space<vmem>>) semaphore(%arg12 : memref<!tpu.dma_semaphore, #tpu.memory_space<semaphore_mem>>)
      } else {
      }
      %mul3A_81 = arith.constant 3 : i32
      %mul3A_82 = arith.muli %mul3A_81, %scan3A_28 : i32
      %add3A_83 = arith.constant 2 : i32
      %add3A_84 = arith.addi %mul3A_82, %add3A_83 : i32
      %dma_wait3A_85 = arith.constant 0 : i32
      %dma_wait3A_86 = arith.constant 0 : i32
      %dma_wait3A_87 = tpu.memref_slice %arg2[%dma_wait3A_85, %dma_wait3A_86] : memref<20000x128xf32, #tpu.memory_space<hbm>> -> memref<80x128xf32, #tpu.memory_space<hbm>>
      %dma_wait3A_88 = arith.constant 0 : i32
      %dma_wait3A_89 = arith.constant 0 : i32
      %dma_wait3A_90 = tpu.memref_slice %arg2[%dma_wait3A_88, %dma_wait3A_89] : memref<20000x128xf32, #tpu.memory_space<hbm>> -> memref<80x128xf32, #tpu.memory_space<hbm>>
      tpu.wait_dma2 semaphore(%arg14 : memref<!tpu.dma_semaphore, #tpu.memory_space<semaphore_mem>>) src(%dma_wait3A_90 : memref<80x128xf32, #tpu.memory_space<hbm>>) dst(%arg10 : memref<80x128xf32, #tpu.memory_space<vmem>>)
      %dma_start3A_91 = arith.constant 0 : i32
      %dma_start3A_92 = tpu.memref_slice %arg7[%add3A_84, %dma_start3A_91] : memref<126x80xi32, #tpu.memory_space<vmem>> -> memref<1x80xi32, #tpu.memory_space<vmem>>
      %dma_start3A_93 = tpu.memref_squeeze %dma_start3A_92 : memref<1x80xi32, #tpu.memory_space<vmem>> -> memref<80xi32, #tpu.memory_space<vmem>>
      %dma_start3A_94 = arith.constant 0 : i32
      %dma_start3A_95 = arith.constant 0 : i32
      %dma_start3A_96 = tpu.memref_slice %arg11[%dma_start3A_94, %dma_start3A_95] : memref<10008x128xf32, #tpu.memory_space<vmem_shared>> -> memref<10008x128xf32, #tpu.memory_space<vmem_shared>>
      tpu.enqueue_indirect_dma source(%arg10 : memref<80x128xf32, #tpu.memory_space<vmem>>) target(%dma_start3A_96 : memref<10008x128xf32, #tpu.memory_space<vmem_shared>>) offsets(%dma_start3A_93 : memref<80xi32, #tpu.memory_space<vmem>>) semaphore(%arg17 : memref<!tpu.dma_semaphore, #tpu.memory_space<semaphore_mem>>) {add = true}
      %ge3A_97 = arith.constant 1 : i32
      %ge3A_98 = arith.cmpi sge, %add3A_84, %ge3A_97 : i32
      %convert_element_type3A_99 = arith.extui %ge3A_98 : i1 to i32
      %cond3A_100 = arith.constant 0 : i32
      %cond3A_101 = arith.cmpi ne, %convert_element_type3A_99, %cond3A_100 : i32
      scf.if %cond3A_101 {
        %dma_wait3A_109 = arith.constant 0 : i32
        %dma_wait3A_110 = arith.constant 0 : i32
        %dma_wait3A_111 = tpu.memref_slice %arg2[%dma_wait3A_109, %dma_wait3A_110] : memref<20000x128xf32, #tpu.memory_space<hbm>> -> memref<80x128xf32, #tpu.memory_space<hbm>>
        %dma_wait3A_112 = arith.constant 0 : i32
        %dma_wait3A_113 = arith.constant 0 : i32
        %dma_wait3A_114 = tpu.memref_slice %arg2[%dma_wait3A_112, %dma_wait3A_113] : memref<20000x128xf32, #tpu.memory_space<hbm>> -> memref<80x128xf32, #tpu.memory_space<hbm>>
        tpu.wait_dma2 semaphore(%arg16 : memref<!tpu.dma_semaphore, #tpu.memory_space<semaphore_mem>>) src(%dma_wait3A_114 : memref<80x128xf32, #tpu.memory_space<hbm>>) dst(%arg9 : memref<80x128xf32, #tpu.memory_space<vmem>>)
      } else {
      }
      %add3A_102 = arith.constant 2 : i32
      %add3A_103 = arith.addi %add3A_84, %add3A_102 : i32
      %lt3A_104 = arith.constant 126 : i32
      %lt3A_105 = arith.cmpi slt, %add3A_103, %lt3A_104 : i32
      %convert_element_type3A_106 = arith.extui %lt3A_105 : i1 to i32
      %cond3A_107 = arith.constant 0 : i32
      %cond3A_108 = arith.cmpi ne, %convert_element_type3A_106, %cond3A_107 : i32
      scf.if %cond3A_108 {
        %add3A_109 = arith.constant 2 : i32
        %add3A_110 = arith.addi %add3A_84, %add3A_109 : i32
        %dma_start3A_111 = arith.constant 0 : i32
        %dma_start3A_112 = tpu.memref_slice %arg6[%add3A_110, %dma_start3A_111] : memref<126x80xi32, #tpu.memory_space<vmem>> -> memref<1x80xi32, #tpu.memory_space<vmem>>
        %dma_start3A_113 = tpu.memref_squeeze %dma_start3A_112 : memref<1x80xi32, #tpu.memory_space<vmem>> -> memref<80xi32, #tpu.memory_space<vmem>>
        %dma_start3A_114 = arith.constant 0 : i32
        %dma_start3A_115 = arith.constant 0 : i32
        %dma_start3A_116 = tpu.memref_slice %arg2[%dma_start3A_114, %dma_start3A_115] : memref<20000x128xf32, #tpu.memory_space<hbm>> -> memref<20000x128xf32, #tpu.memory_space<hbm>>
        tpu.enqueue_indirect_dma source(%dma_start3A_116 : memref<20000x128xf32, #tpu.memory_space<hbm>>) target(%arg9 : memref<80x128xf32, #tpu.memory_space<vmem>>) offsets(%dma_start3A_113 : memref<80xi32, #tpu.memory_space<vmem>>) semaphore(%arg13 : memref<!tpu.dma_semaphore, #tpu.memory_space<semaphore_mem>>)
      } else {
      }
    }
    %scan3A_20 = arith.constant 42 : i32
    %dma_wait3A = arith.constant 0 : i32
    %dma_wait3A_21 = arith.constant 0 : i32
    %dma_wait3A_22 = tpu.memref_slice %arg2[%dma_wait3A, %dma_wait3A_21] : memref<20000x128xf32, #tpu.memory_space<hbm>> -> memref<80x128xf32, #tpu.memory_space<hbm>>
    %dma_wait3A_23 = arith.constant 0 : i32
    %dma_wait3A_24 = arith.constant 0 : i32
    %dma_wait3A_25 = tpu.memref_slice %arg2[%dma_wait3A_23, %dma_wait3A_24] : memref<20000x128xf32, #tpu.memory_space<hbm>> -> memref<80x128xf32, #tpu.memory_space<hbm>>
    tpu.wait_dma2 semaphore(%arg17 : memref<!tpu.dma_semaphore, #tpu.memory_space<semaphore_mem>>) src(%dma_wait3A_25 : memref<80x128xf32, #tpu.memory_space<hbm>>) dst(%arg10 : memref<80x128xf32, #tpu.memory_space<vmem>>)
    %barrier3A_26 = arith.constant 0 : index
    tpu.barrier barrier_id(%barrier3A_26)
    %add3A_27 = arith.addi %mul3A_2, %mul3A_0 : i32
    "tpu.region"() ({
      %run_scoped3A = tpu.sem_alloc : memref<!tpu.dma_semaphore, #tpu.memory_space<semaphore_mem>>
      %dma_start3A_28 = arith.constant 0 : i32
      %dma_start3A_29 = tpu.memref_slice %arg5[%add3A_27, %dma_start3A_28] : memref<20000x128xf32, #tpu.memory_space<hbm>> -> memref<625x128xf32, #tpu.memory_space<hbm>>
      %dma_start3A_30 = arith.constant 0 : i32
      %dma_start3A_31 = tpu.memref_slice %arg11[%mul3A_0, %dma_start3A_30] : memref<10008x128xf32, #tpu.memory_space<vmem_shared>> -> memref<625x128xf32, #tpu.memory_space<vmem_shared>>
      tpu.enqueue_dma source(%dma_start3A_31 : memref<625x128xf32, #tpu.memory_space<vmem_shared>>) target(%dma_start3A_29 : memref<625x128xf32, #tpu.memory_space<hbm>>) target_semaphore(%run_scoped3A : memref<!tpu.dma_semaphore, #tpu.memory_space<semaphore_mem>>)
      %dma_wait3A_32 = arith.constant 0 : i32
      %dma_wait3A_33 = tpu.memref_slice %arg5[%add3A_27, %dma_wait3A_32] : memref<20000x128xf32, #tpu.memory_space<hbm>> -> memref<625x128xf32, #tpu.memory_space<hbm>>
      %dma_wait3A_34 = arith.constant 0 : i32
      %dma_wait3A_35 = tpu.memref_slice %arg11[%mul3A_0, %dma_wait3A_34] : memref<10008x128xf32, #tpu.memory_space<vmem_shared>> -> memref<625x128xf32, #tpu.memory_space<vmem_shared>>
      tpu.wait_dma2 semaphore(%run_scoped3A : memref<!tpu.dma_semaphore, #tpu.memory_space<semaphore_mem>>) src(%dma_wait3A_35 : memref<625x128xf32, #tpu.memory_space<vmem_shared>>) dst(%dma_wait3A_33 : memref<625x128xf32, #tpu.memory_space<hbm>>)
      tpu.yield
    }) : () -> ()
    return
  }
}

#map = affine_map<(d0, d1) -> (0, 0)>
#map1 = affine_map<(d0, d1) -> (0, 0, 0, 0)>
#map2 = affine_map<(d0, d1) -> (0, 0, 0)>
module attributes {stable_mosaic.version = 14 : i64} {
  func.func @run(%arg0: i32, %arg1: i32, %arg2: memref<20000x128xf32, #tpu.memory_space<hbm>>, %arg3: memref<2x16x126x80xi32, #tpu.memory_space<hbm>>, %arg4: memref<16x126x80xi32, #tpu.memory_space<hbm>>, %arg5: memref<20000x128xf32, #tpu.memory_space<hbm>>, %arg6: memref<126x80xi32, #tpu.memory_space<vmem>>, %arg7: memref<126x80xi32, #tpu.memory_space<vmem>>, %arg8: memref<80x128xf32, #tpu.memory_space<vmem>>, %arg9: memref<80x128xf32, #tpu.memory_space<vmem>>, %arg10: memref<80x128xf32, #tpu.memory_space<vmem>>, %arg11: memref<10008x128xf32, #tpu.memory_space<vmem_shared>>, %arg12: memref<!tpu.dma_semaphore, #tpu.memory_space<semaphore_mem>>, %arg13: memref<!tpu.dma_semaphore, #tpu.memory_space<semaphore_mem>>, %arg14: memref<!tpu.dma_semaphore, #tpu.memory_space<semaphore_mem>>, %arg15: memref<!tpu.dma_semaphore, #tpu.memory_space<semaphore_mem>>, %arg16: memref<!tpu.dma_semaphore, #tpu.memory_space<semaphore_mem>>, %arg17: memref<!tpu.dma_semaphore, #tpu.memory_space<semaphore_mem>>) attributes {dimension_semantics = [#tpu.dimension_semantics<core_parallel>, #tpu.dimension_semantics<subcore_parallel>], iteration_bounds = array<i64: 2, 16>, scalar_prefetch = 0 : i64, scratch_operands = 12 : i64, tpu.core_type = #tpu.core_type<sc_vector_subcore>, window_params = [{transform_indices = #map}, {transform_indices = #map1}, {transform_indices = #map2}, {transform_indices = #map}]} {
    %mul3A = arith.constant 625 : i32
    %mul3A_0 = arith.muli %arg1, %mul3A : i32
    "tpu.region"() ({
      %run_scoped3A = tpu.sem_alloc : memref<!tpu.dma_semaphore, #tpu.memory_space<semaphore_mem>>
      %dma_start3A_28 = arith.constant 0 : i32
      %dma_start3A_29 = arith.constant 0 : i32
      %dma_start3A_30 = tpu.memref_slice %arg4[%arg1, %dma_start3A_28, %dma_start3A_29] : memref<16x126x80xi32, #tpu.memory_space<hbm>> -> memref<1x126x80xi32, #tpu.memory_space<hbm>>
      %dma_start3A_31 = tpu.memref_squeeze %dma_start3A_30 : memref<1x126x80xi32, #tpu.memory_space<hbm>> -> memref<126x80xi32, #tpu.memory_space<hbm>>
      %dma_start3A_32 = arith.constant 0 : i32
      %dma_start3A_33 = arith.constant 0 : i32
      %dma_start3A_34 = tpu.memref_slice %arg4[%arg1, %dma_start3A_32, %dma_start3A_33] : memref<16x126x80xi32, #tpu.memory_space<hbm>> -> memref<1x126x80xi32, #tpu.memory_space<hbm>>
      %dma_start3A_35 = tpu.memref_squeeze %dma_start3A_34 : memref<1x126x80xi32, #tpu.memory_space<hbm>> -> memref<126x80xi32, #tpu.memory_space<hbm>>
      tpu.enqueue_dma source(%dma_start3A_35 : memref<126x80xi32, #tpu.memory_space<hbm>>) target(%arg7 : memref<126x80xi32, #tpu.memory_space<vmem>>) target_semaphore(%run_scoped3A : memref<!tpu.dma_semaphore, #tpu.memory_space<semaphore_mem>>)
      %dma_wait3A_36 = arith.constant 0 : i32
      %dma_wait3A_37 = arith.constant 0 : i32
      %dma_wait3A_38 = tpu.memref_slice %arg4[%arg1, %dma_wait3A_36, %dma_wait3A_37] : memref<16x126x80xi32, #tpu.memory_space<hbm>> -> memref<1x126x80xi32, #tpu.memory_space<hbm>>
      %dma_wait3A_39 = tpu.memref_squeeze %dma_wait3A_38 : memref<1x126x80xi32, #tpu.memory_space<hbm>> -> memref<126x80xi32, #tpu.memory_space<hbm>>
      %dma_wait3A_40 = arith.constant 0 : i32
      %dma_wait3A_41 = arith.constant 0 : i32
      %dma_wait3A_42 = tpu.memref_slice %arg4[%arg1, %dma_wait3A_40, %dma_wait3A_41] : memref<16x126x80xi32, #tpu.memory_space<hbm>> -> memref<1x126x80xi32, #tpu.memory_space<hbm>>
      %dma_wait3A_43 = tpu.memref_squeeze %dma_wait3A_42 : memref<1x126x80xi32, #tpu.memory_space<hbm>> -> memref<126x80xi32, #tpu.memory_space<hbm>>
      tpu.wait_dma2 semaphore(%run_scoped3A : memref<!tpu.dma_semaphore, #tpu.memory_space<semaphore_mem>>) src(%dma_wait3A_43 : memref<126x80xi32, #tpu.memory_space<hbm>>) dst(%arg7 : memref<126x80xi32, #tpu.memory_space<vmem>>)
      tpu.yield
    }) : () -> ()
    %mul3A_1 = arith.constant 10000 : i32
    %mul3A_2 = arith.muli %arg0, %mul3A_1 : i32
    %add3A = arith.addi %mul3A_2, %mul3A_0 : i32
    "tpu.region"() ({
      %run_scoped3A = tpu.sem_alloc : memref<!tpu.dma_semaphore, #tpu.memory_space<semaphore_mem>>
      %dma_start3A_28 = arith.constant 0 : i32
      %dma_start3A_29 = tpu.memref_slice %arg11[%mul3A_0, %dma_start3A_28] : memref<10008x128xf32, #tpu.memory_space<vmem_shared>> -> memref<625x128xf32, #tpu.memory_space<vmem_shared>>
      %dma_start3A_30 = arith.constant 0 : i32
      %dma_start3A_31 = tpu.memref_slice %arg2[%add3A, %dma_start3A_30] : memref<20000x128xf32, #tpu.memory_space<hbm>> -> memref<625x128xf32, #tpu.memory_space<hbm>>
      tpu.enqueue_dma source(%dma_start3A_31 : memref<625x128xf32, #tpu.memory_space<hbm>>) target(%dma_start3A_29 : memref<625x128xf32, #tpu.memory_space<vmem_shared>>) target_semaphore(%run_scoped3A : memref<!tpu.dma_semaphore, #tpu.memory_space<semaphore_mem>>)
      %dma_wait3A_32 = arith.constant 0 : i32
      %dma_wait3A_33 = tpu.memref_slice %arg11[%mul3A_0, %dma_wait3A_32] : memref<10008x128xf32, #tpu.memory_space<vmem_shared>> -> memref<625x128xf32, #tpu.memory_space<vmem_shared>>
      %dma_wait3A_34 = arith.constant 0 : i32
      %dma_wait3A_35 = tpu.memref_slice %arg2[%add3A, %dma_wait3A_34] : memref<20000x128xf32, #tpu.memory_space<hbm>> -> memref<625x128xf32, #tpu.memory_space<hbm>>
      tpu.wait_dma2 semaphore(%run_scoped3A : memref<!tpu.dma_semaphore, #tpu.memory_space<semaphore_mem>>) src(%dma_wait3A_35 : memref<625x128xf32, #tpu.memory_space<hbm>>) dst(%dma_wait3A_33 : memref<625x128xf32, #tpu.memory_space<vmem_shared>>)
      tpu.yield
    }) : () -> ()
    "tpu.region"() ({
      %run_scoped3A = tpu.sem_alloc : memref<!tpu.dma_semaphore, #tpu.memory_space<semaphore_mem>>
      %dma_start3A_28 = arith.constant 0 : i32
      %dma_start3A_29 = arith.constant 0 : i32
      %dma_start3A_30 = tpu.memref_slice %arg3[%arg0, %arg1, %dma_start3A_28, %dma_start3A_29] : memref<2x16x126x80xi32, #tpu.memory_space<hbm>> -> memref<1x1x126x80xi32, #tpu.memory_space<hbm>>
      %dma_start3A_31 = tpu.memref_squeeze %dma_start3A_30 : memref<1x1x126x80xi32, #tpu.memory_space<hbm>> -> memref<126x80xi32, #tpu.memory_space<hbm>>
      %dma_start3A_32 = arith.constant 0 : i32
      %dma_start3A_33 = arith.constant 0 : i32
      %dma_start3A_34 = tpu.memref_slice %arg3[%arg0, %arg1, %dma_start3A_32, %dma_start3A_33] : memref<2x16x126x80xi32, #tpu.memory_space<hbm>> -> memref<1x1x126x80xi32, #tpu.memory_space<hbm>>
      %dma_start3A_35 = tpu.memref_squeeze %dma_start3A_34 : memref<1x1x126x80xi32, #tpu.memory_space<hbm>> -> memref<126x80xi32, #tpu.memory_space<hbm>>
      tpu.enqueue_dma source(%dma_start3A_35 : memref<126x80xi32, #tpu.memory_space<hbm>>) target(%arg6 : memref<126x80xi32, #tpu.memory_space<vmem>>) target_semaphore(%run_scoped3A : memref<!tpu.dma_semaphore, #tpu.memory_space<semaphore_mem>>)
      %dma_wait3A_36 = arith.constant 0 : i32
      %dma_wait3A_37 = arith.constant 0 : i32
      %dma_wait3A_38 = tpu.memref_slice %arg3[%arg0, %arg1, %dma_wait3A_36, %dma_wait3A_37] : memref<2x16x126x80xi32, #tpu.memory_space<hbm>> -> memref<1x1x126x80xi32, #tpu.memory_space<hbm>>
      %dma_wait3A_39 = tpu.memref_squeeze %dma_wait3A_38 : memref<1x1x126x80xi32, #tpu.memory_space<hbm>> -> memref<126x80xi32, #tpu.memory_space<hbm>>
      %dma_wait3A_40 = arith.constant 0 : i32
      %dma_wait3A_41 = arith.constant 0 : i32
      %dma_wait3A_42 = tpu.memref_slice %arg3[%arg0, %arg1, %dma_wait3A_40, %dma_wait3A_41] : memref<2x16x126x80xi32, #tpu.memory_space<hbm>> -> memref<1x1x126x80xi32, #tpu.memory_space<hbm>>
      %dma_wait3A_43 = tpu.memref_squeeze %dma_wait3A_42 : memref<1x1x126x80xi32, #tpu.memory_space<hbm>> -> memref<126x80xi32, #tpu.memory_space<hbm>>
      tpu.wait_dma2 semaphore(%run_scoped3A : memref<!tpu.dma_semaphore, #tpu.memory_space<semaphore_mem>>) src(%dma_wait3A_43 : memref<126x80xi32, #tpu.memory_space<hbm>>) dst(%arg6 : memref<126x80xi32, #tpu.memory_space<vmem>>)
      tpu.yield
    }) : () -> ()
    %barrier3A = arith.constant 0 : index
    tpu.barrier barrier_id(%barrier3A)
    %dma_start3A = arith.constant 0 : i32
    %dma_start3A_3 = arith.constant 0 : i32
    %dma_start3A_4 = tpu.memref_slice %arg6[%dma_start3A, %dma_start3A_3] : memref<126x80xi32, #tpu.memory_space<vmem>> -> memref<1x80xi32, #tpu.memory_space<vmem>>
    %dma_start3A_5 = tpu.memref_squeeze %dma_start3A_4 : memref<1x80xi32, #tpu.memory_space<vmem>> -> memref<80xi32, #tpu.memory_space<vmem>>
    %dma_start3A_6 = arith.constant 0 : i32
    %dma_start3A_7 = arith.constant 0 : i32
    %dma_start3A_8 = tpu.memref_slice %arg2[%dma_start3A_6, %dma_start3A_7] : memref<20000x128xf32, #tpu.memory_space<hbm>> -> memref<20000x128xf32, #tpu.memory_space<hbm>>
    tpu.enqueue_indirect_dma source(%dma_start3A_8 : memref<20000x128xf32, #tpu.memory_space<hbm>>) target(%arg8 : memref<80x128xf32, #tpu.memory_space<vmem>>) offsets(%dma_start3A_5 : memref<80xi32, #tpu.memory_space<vmem>>) semaphore(%arg12 : memref<!tpu.dma_semaphore, #tpu.memory_space<semaphore_mem>>)
    %dma_start3A_9 = arith.constant 1 : i32
    %dma_start3A_10 = arith.constant 0 : i32
    %dma_start3A_11 = tpu.memref_slice %arg6[%dma_start3A_9, %dma_start3A_10] : memref<126x80xi32, #tpu.memory_space<vmem>> -> memref<1x80xi32, #tpu.memory_space<vmem>>
    %dma_start3A_12 = tpu.memref_squeeze %dma_start3A_11 : memref<1x80xi32, #tpu.memory_space<vmem>> -> memref<80xi32, #tpu.memory_space<vmem>>
    %dma_start3A_13 = arith.constant 0 : i32
    %dma_start3A_14 = arith.constant 0 : i32
    %dma_start3A_15 = tpu.memref_slice %arg2[%dma_start3A_13, %dma_start3A_14] : memref<20000x128xf32, #tpu.memory_space<hbm>> -> memref<20000x128xf32, #tpu.memory_space<hbm>>
    tpu.enqueue_indirect_dma source(%dma_start3A_15 : memref<20000x128xf32, #tpu.memory_space<hbm>>) target(%arg9 : memref<80x128xf32, #tpu.memory_space<vmem>>) offsets(%dma_start3A_12 : memref<80xi32, #tpu.memory_space<vmem>>) semaphore(%arg13 : memref<!tpu.dma_semaphore, #tpu.memory_space<semaphore_mem>>)
    %scan3A = arith.constant 0 : i32
    %scan3A_16 = arith.constant 0 : i32
    %scan3A_17 = arith.constant 42 : i32
    %scan3A_18 = arith.addi %scan3A_16, %scan3A_17 : i32
    %scan3A_19 = arith.constant 1 : i32
    scf.for %scan3A_28 = %scan3A_16 to %scan3A_18 step %scan3A_19  : i32 {
      %mul3A_29 = arith.constant 3 : i32
      %mul3A_30 = arith.muli %mul3A_29, %scan3A_28 : i32
      %add3A_31 = arith.constant 0 : i32
      %add3A_32 = arith.addi %mul3A_30, %add3A_31 : i32
      %dma_wait3A_33 = arith.constant 0 : i32
      %dma_wait3A_34 = arith.constant 0 : i32
      %dma_wait3A_35 = tpu.memref_slice %arg2[%dma_wait3A_33, %dma_wait3A_34] : memref<20000x128xf32, #tpu.memory_space<hbm>> -> memref<80x128xf32, #tpu.memory_space<hbm>>
      %dma_wait3A_36 = arith.constant 0 : i32
      %dma_wait3A_37 = arith.constant 0 : i32
      %dma_wait3A_38 = tpu.memref_slice %arg2[%dma_wait3A_36, %dma_wait3A_37] : memref<20000x128xf32, #tpu.memory_space<hbm>> -> memref<80x128xf32, #tpu.memory_space<hbm>>
      tpu.wait_dma2 semaphore(%arg12 : memref<!tpu.dma_semaphore, #tpu.memory_space<semaphore_mem>>) src(%dma_wait3A_38 : memref<80x128xf32, #tpu.memory_space<hbm>>) dst(%arg8 : memref<80x128xf32, #tpu.memory_space<vmem>>)
      %dma_start3A_39 = arith.constant 0 : i32
      %dma_start3A_40 = tpu.memref_slice %arg7[%add3A_32, %dma_start3A_39] : memref<126x80xi32, #tpu.memory_space<vmem>> -> memref<1x80xi32, #tpu.memory_space<vmem>>
      %dma_start3A_41 = tpu.memref_squeeze %dma_start3A_40 : memref<1x80xi32, #tpu.memory_space<vmem>> -> memref<80xi32, #tpu.memory_space<vmem>>
      %dma_start3A_42 = arith.constant 0 : i32
      %dma_start3A_43 = arith.constant 0 : i32
      %dma_start3A_44 = tpu.memref_slice %arg11[%dma_start3A_42, %dma_start3A_43] : memref<10008x128xf32, #tpu.memory_space<vmem_shared>> -> memref<10008x128xf32, #tpu.memory_space<vmem_shared>>
      tpu.enqueue_indirect_dma source(%arg8 : memref<80x128xf32, #tpu.memory_space<vmem>>) target(%dma_start3A_44 : memref<10008x128xf32, #tpu.memory_space<vmem_shared>>) offsets(%dma_start3A_41 : memref<80xi32, #tpu.memory_space<vmem>>) semaphore(%arg15 : memref<!tpu.dma_semaphore, #tpu.memory_space<semaphore_mem>>) {add = true}
      %ge3A = arith.constant 1 : i32
      %ge3A_45 = arith.cmpi sge, %add3A_32, %ge3A : i32
      %convert_element_type3A = arith.extui %ge3A_45 : i1 to i32
      %cond3A = arith.constant 0 : i32
      %cond3A_46 = arith.cmpi ne, %convert_element_type3A, %cond3A : i32
      scf.if %cond3A_46 {
        %dma_wait3A_109 = arith.constant 0 : i32
        %dma_wait3A_110 = arith.constant 0 : i32
        %dma_wait3A_111 = tpu.memref_slice %arg2[%dma_wait3A_109, %dma_wait3A_110] : memref<20000x128xf32, #tpu.memory_space<hbm>> -> memref<80x128xf32, #tpu.memory_space<hbm>>
        %dma_wait3A_112 = arith.constant 0 : i32
        %dma_wait3A_113 = arith.constant 0 : i32
        %dma_wait3A_114 = tpu.memref_slice %arg2[%dma_wait3A_112, %dma_wait3A_113] : memref<20000x128xf32, #tpu.memory_space<hbm>> -> memref<80x128xf32, #tpu.memory_space<hbm>>
        tpu.wait_dma2 semaphore(%arg17 : memref<!tpu.dma_semaphore, #tpu.memory_space<semaphore_mem>>) src(%dma_wait3A_114 : memref<80x128xf32, #tpu.memory_space<hbm>>) dst(%arg10 : memref<80x128xf32, #tpu.memory_space<vmem>>)
      } else {
      }
      %add3A_47 = arith.constant 2 : i32
      %add3A_48 = arith.addi %add3A_32, %add3A_47 : i32
      %lt3A = arith.constant 126 : i32
      %lt3A_49 = arith.cmpi slt, %add3A_48, %lt3A : i32
      %convert_element_type3A_50 = arith.extui %lt3A_49 : i1 to i32
      %cond3A_51 = arith.constant 0 : i32
      %cond3A_52 = arith.cmpi ne, %convert_element_type3A_50, %cond3A_51 : i32
      scf.if %cond3A_52 {
        %add3A_109 = arith.constant 2 : i32
        %add3A_110 = arith.addi %add3A_32, %add3A_109 : i32
        %dma_start3A_111 = arith.constant 0 : i32
        %dma_start3A_112 = tpu.memref_slice %arg6[%add3A_110, %dma_start3A_111] : memref<126x80xi32, #tpu.memory_space<vmem>> -> memref<1x80xi32, #tpu.memory_space<vmem>>
        %dma_start3A_113 = tpu.memref_squeeze %dma_start3A_112 : memref<1x80xi32, #tpu.memory_space<vmem>> -> memref<80xi32, #tpu.memory_space<vmem>>
        %dma_start3A_114 = arith.constant 0 : i32
        %dma_start3A_115 = arith.constant 0 : i32
        %dma_start3A_116 = tpu.memref_slice %arg2[%dma_start3A_114, %dma_start3A_115] : memref<20000x128xf32, #tpu.memory_space<hbm>> -> memref<20000x128xf32, #tpu.memory_space<hbm>>
        tpu.enqueue_indirect_dma source(%dma_start3A_116 : memref<20000x128xf32, #tpu.memory_space<hbm>>) target(%arg10 : memref<80x128xf32, #tpu.memory_space<vmem>>) offsets(%dma_start3A_113 : memref<80xi32, #tpu.memory_space<vmem>>) semaphore(%arg14 : memref<!tpu.dma_semaphore, #tpu.memory_space<semaphore_mem>>)
      } else {
      }
      %mul3A_53 = arith.constant 3 : i32
      %mul3A_54 = arith.muli %mul3A_53, %scan3A_28 : i32
      %add3A_55 = arith.constant 1 : i32
      %add3A_56 = arith.addi %mul3A_54, %add3A_55 : i32
      %dma_wait3A_57 = arith.constant 0 : i32
      %dma_wait3A_58 = arith.constant 0 : i32
      %dma_wait3A_59 = tpu.memref_slice %arg2[%dma_wait3A_57, %dma_wait3A_58] : memref<20000x128xf32, #tpu.memory_space<hbm>> -> memref<80x128xf32, #tpu.memory_space<hbm>>
      %dma_wait3A_60 = arith.constant 0 : i32
      %dma_wait3A_61 = arith.constant 0 : i32
      %dma_wait3A_62 = tpu.memref_slice %arg2[%dma_wait3A_60, %dma_wait3A_61] : memref<20000x128xf32, #tpu.memory_space<hbm>> -> memref<80x128xf32, #tpu.memory_space<hbm>>
      tpu.wait_dma2 semaphore(%arg13 : memref<!tpu.dma_semaphore, #tpu.memory_space<semaphore_mem>>) src(%dma_wait3A_62 : memref<80x128xf32, #tpu.memory_space<hbm>>) dst(%arg9 : memref<80x128xf32, #tpu.memory_space<vmem>>)
      %dma_start3A_63 = arith.constant 0 : i32
      %dma_start3A_64 = tpu.memref_slice %arg7[%add3A_56, %dma_start3A_63] : memref<126x80xi32, #tpu.memory_space<vmem>> -> memref<1x80xi32, #tpu.memory_space<vmem>>
      %dma_start3A_65 = tpu.memref_squeeze %dma_start3A_64 : memref<1x80xi32, #tpu.memory_space<vmem>> -> memref<80xi32, #tpu.memory_space<vmem>>
      %dma_start3A_66 = arith.constant 0 : i32
      %dma_start3A_67 = arith.constant 0 : i32
      %dma_start3A_68 = tpu.memref_slice %arg11[%dma_start3A_66, %dma_start3A_67] : memref<10008x128xf32, #tpu.memory_space<vmem_shared>> -> memref<10008x128xf32, #tpu.memory_space<vmem_shared>>
      tpu.enqueue_indirect_dma source(%arg9 : memref<80x128xf32, #tpu.memory_space<vmem>>) target(%dma_start3A_68 : memref<10008x128xf32, #tpu.memory_space<vmem_shared>>) offsets(%dma_start3A_65 : memref<80xi32, #tpu.memory_space<vmem>>) semaphore(%arg16 : memref<!tpu.dma_semaphore, #tpu.memory_space<semaphore_mem>>) {add = true}
      %ge3A_69 = arith.constant 1 : i32
      %ge3A_70 = arith.cmpi sge, %add3A_56, %ge3A_69 : i32
      %convert_element_type3A_71 = arith.extui %ge3A_70 : i1 to i32
      %cond3A_72 = arith.constant 0 : i32
      %cond3A_73 = arith.cmpi ne, %convert_element_type3A_71, %cond3A_72 : i32
      scf.if %cond3A_73 {
        %dma_wait3A_109 = arith.constant 0 : i32
        %dma_wait3A_110 = arith.constant 0 : i32
        %dma_wait3A_111 = tpu.memref_slice %arg2[%dma_wait3A_109, %dma_wait3A_110] : memref<20000x128xf32, #tpu.memory_space<hbm>> -> memref<80x128xf32, #tpu.memory_space<hbm>>
        %dma_wait3A_112 = arith.constant 0 : i32
        %dma_wait3A_113 = arith.constant 0 : i32
        %dma_wait3A_114 = tpu.memref_slice %arg2[%dma_wait3A_112, %dma_wait3A_113] : memref<20000x128xf32, #tpu.memory_space<hbm>> -> memref<80x128xf32, #tpu.memory_space<hbm>>
        tpu.wait_dma2 semaphore(%arg15 : memref<!tpu.dma_semaphore, #tpu.memory_space<semaphore_mem>>) src(%dma_wait3A_114 : memref<80x128xf32, #tpu.memory_space<hbm>>) dst(%arg8 : memref<80x128xf32, #tpu.memory_space<vmem>>)
      } else {
      }
      %add3A_74 = arith.constant 2 : i32
      %add3A_75 = arith.addi %add3A_56, %add3A_74 : i32
      %lt3A_76 = arith.constant 126 : i32
      %lt3A_77 = arith.cmpi slt, %add3A_75, %lt3A_76 : i32
      %convert_element_type3A_78 = arith.extui %lt3A_77 : i1 to i32
      %cond3A_79 = arith.constant 0 : i32
      %cond3A_80 = arith.cmpi ne, %convert_element_type3A_78, %cond3A_79 : i32
      scf.if %cond3A_80 {
        %add3A_109 = arith.constant 2 : i32
        %add3A_110 = arith.addi %add3A_56, %add3A_109 : i32
        %dma_start3A_111 = arith.constant 0 : i32
        %dma_start3A_112 = tpu.memref_slice %arg6[%add3A_110, %dma_start3A_111] : memref<126x80xi32, #tpu.memory_space<vmem>> -> memref<1x80xi32, #tpu.memory_space<vmem>>
        %dma_start3A_113 = tpu.memref_squeeze %dma_start3A_112 : memref<1x80xi32, #tpu.memory_space<vmem>> -> memref<80xi32, #tpu.memory_space<vmem>>
        %dma_start3A_114 = arith.constant 0 : i32
        %dma_start3A_115 = arith.constant 0 : i32
        %dma_start3A_116 = tpu.memref_slice %arg2[%dma_start3A_114, %dma_start3A_115] : memref<20000x128xf32, #tpu.memory_space<hbm>> -> memref<20000x128xf32, #tpu.memory_space<hbm>>
        tpu.enqueue_indirect_dma source(%dma_start3A_116 : memref<20000x128xf32, #tpu.memory_space<hbm>>) target(%arg8 : memref<80x128xf32, #tpu.memory_space<vmem>>) offsets(%dma_start3A_113 : memref<80xi32, #tpu.memory_space<vmem>>) semaphore(%arg12 : memref<!tpu.dma_semaphore, #tpu.memory_space<semaphore_mem>>)
      } else {
      }
      %mul3A_81 = arith.constant 3 : i32
      %mul3A_82 = arith.muli %mul3A_81, %scan3A_28 : i32
      %add3A_83 = arith.constant 2 : i32
      %add3A_84 = arith.addi %mul3A_82, %add3A_83 : i32
      %dma_wait3A_85 = arith.constant 0 : i32
      %dma_wait3A_86 = arith.constant 0 : i32
      %dma_wait3A_87 = tpu.memref_slice %arg2[%dma_wait3A_85, %dma_wait3A_86] : memref<20000x128xf32, #tpu.memory_space<hbm>> -> memref<80x128xf32, #tpu.memory_space<hbm>>
      %dma_wait3A_88 = arith.constant 0 : i32
      %dma_wait3A_89 = arith.constant 0 : i32
      %dma_wait3A_90 = tpu.memref_slice %arg2[%dma_wait3A_88, %dma_wait3A_89] : memref<20000x128xf32, #tpu.memory_space<hbm>> -> memref<80x128xf32, #tpu.memory_space<hbm>>
      tpu.wait_dma2 semaphore(%arg14 : memref<!tpu.dma_semaphore, #tpu.memory_space<semaphore_mem>>) src(%dma_wait3A_90 : memref<80x128xf32, #tpu.memory_space<hbm>>) dst(%arg10 : memref<80x128xf32, #tpu.memory_space<vmem>>)
      %dma_start3A_91 = arith.constant 0 : i32
      %dma_start3A_92 = tpu.memref_slice %arg7[%add3A_84, %dma_start3A_91] : memref<126x80xi32, #tpu.memory_space<vmem>> -> memref<1x80xi32, #tpu.memory_space<vmem>>
      %dma_start3A_93 = tpu.memref_squeeze %dma_start3A_92 : memref<1x80xi32, #tpu.memory_space<vmem>> -> memref<80xi32, #tpu.memory_space<vmem>>
      %dma_start3A_94 = arith.constant 0 : i32
      %dma_start3A_95 = arith.constant 0 : i32
      %dma_start3A_96 = tpu.memref_slice %arg11[%dma_start3A_94, %dma_start3A_95] : memref<10008x128xf32, #tpu.memory_space<vmem_shared>> -> memref<10008x128xf32, #tpu.memory_space<vmem_shared>>
      tpu.enqueue_indirect_dma source(%arg10 : memref<80x128xf32, #tpu.memory_space<vmem>>) target(%dma_start3A_96 : memref<10008x128xf32, #tpu.memory_space<vmem_shared>>) offsets(%dma_start3A_93 : memref<80xi32, #tpu.memory_space<vmem>>) semaphore(%arg17 : memref<!tpu.dma_semaphore, #tpu.memory_space<semaphore_mem>>) {add = true}
      %ge3A_97 = arith.constant 1 : i32
      %ge3A_98 = arith.cmpi sge, %add3A_84, %ge3A_97 : i32
      %convert_element_type3A_99 = arith.extui %ge3A_98 : i1 to i32
      %cond3A_100 = arith.constant 0 : i32
      %cond3A_101 = arith.cmpi ne, %convert_element_type3A_99, %cond3A_100 : i32
      scf.if %cond3A_101 {
        %dma_wait3A_109 = arith.constant 0 : i32
        %dma_wait3A_110 = arith.constant 0 : i32
        %dma_wait3A_111 = tpu.memref_slice %arg2[%dma_wait3A_109, %dma_wait3A_110] : memref<20000x128xf32, #tpu.memory_space<hbm>> -> memref<80x128xf32, #tpu.memory_space<hbm>>
        %dma_wait3A_112 = arith.constant 0 : i32
        %dma_wait3A_113 = arith.constant 0 : i32
        %dma_wait3A_114 = tpu.memref_slice %arg2[%dma_wait3A_112, %dma_wait3A_113] : memref<20000x128xf32, #tpu.memory_space<hbm>> -> memref<80x128xf32, #tpu.memory_space<hbm>>
        tpu.wait_dma2 semaphore(%arg16 : memref<!tpu.dma_semaphore, #tpu.memory_space<semaphore_mem>>) src(%dma_wait3A_114 : memref<80x128xf32, #tpu.memory_space<hbm>>) dst(%arg9 : memref<80x128xf32, #tpu.memory_space<vmem>>)
      } else {
      }
      %add3A_102 = arith.constant 2 : i32
      %add3A_103 = arith.addi %add3A_84, %add3A_102 : i32
      %lt3A_104 = arith.constant 126 : i32
      %lt3A_105 = arith.cmpi slt, %add3A_103, %lt3A_104 : i32
      %convert_element_type3A_106 = arith.extui %lt3A_105 : i1 to i32
      %cond3A_107 = arith.constant 0 : i32
      %cond3A_108 = arith.cmpi ne, %convert_element_type3A_106, %cond3A_107 : i32
      scf.if %cond3A_108 {
        %add3A_109 = arith.constant 2 : i32
        %add3A_110 = arith.addi %add3A_84, %add3A_109 : i32
        %dma_start3A_111 = arith.constant 0 : i32
        %dma_start3A_112 = tpu.memref_slice %arg6[%add3A_110, %dma_start3A_111] : memref<126x80xi32, #tpu.memory_space<vmem>> -> memref<1x80xi32, #tpu.memory_space<vmem>>
        %dma_start3A_113 = tpu.memref_squeeze %dma_start3A_112 : memref<1x80xi32, #tpu.memory_space<vmem>> -> memref<80xi32, #tpu.memory_space<vmem>>
        %dma_start3A_114 = arith.constant 0 : i32
        %dma_start3A_115 = arith.constant 0 : i32
        %dma_start3A_116 = tpu.memref_slice %arg2[%dma_start3A_114, %dma_start3A_115] : memref<20000x128xf32, #tpu.memory_space<hbm>> -> memref<20000x128xf32, #tpu.memory_space<hbm>>
        tpu.enqueue_indirect_dma source(%dma_start3A_116 : memref<20000x128xf32, #tpu.memory_space<hbm>>) target(%arg9 : memref<80x128xf32, #tpu.memory_space<vmem>>) offsets(%dma_start3A_113 : memref<80xi32, #tpu.memory_space<vmem>>) semaphore(%arg13 : memref<!tpu.dma_semaphore, #tpu.memory_space<semaphore_mem>>)
      } else {
      }
    }
    %scan3A_20 = arith.constant 42 : i32
    %dma_wait3A = arith.constant 0 : i32
    %dma_wait3A_21 = arith.constant 0 : i32
    %dma_wait3A_22 = tpu.memref_slice %arg2[%dma_wait3A, %dma_wait3A_21] : memref<20000x128xf32, #tpu.memory_space<hbm>> -> memref<80x128xf32, #tpu.memory_space<hbm>>
    %dma_wait3A_23 = arith.constant 0 : i32
    %dma_wait3A_24 = arith.constant 0 : i32
    %dma_wait3A_25 = tpu.memref_slice %arg2[%dma_wait3A_23, %dma_wait3A_24] : memref<20000x128xf32, #tpu.memory_space<hbm>> -> memref<80x128xf32, #tpu.memory_space<hbm>>
    tpu.wait_dma2 semaphore(%arg17 : memref<!tpu.dma_semaphore, #tpu.memory_space<semaphore_mem>>) src(%dma_wait3A_25 : memref<80x128xf32, #tpu.memory_space<hbm>>) dst(%arg10 : memref<80x128xf32, #tpu.memory_space<vmem>>)
    %barrier3A_26 = arith.constant 0 : index
    tpu.barrier barrier_id(%barrier3A_26)
    %add3A_27 = arith.addi %mul3A_2, %mul3A_0 : i32
    "tpu.region"() ({
      %run_scoped3A = tpu.sem_alloc : memref<!tpu.dma_semaphore, #tpu.memory_space<semaphore_mem>>
      %dma_start3A_28 = arith.constant 0 : i32
      %dma_start3A_29 = tpu.memref_slice %arg5[%add3A_27, %dma_start3A_28] : memref<20000x128xf32, #tpu.memory_space<hbm>> -> memref<625x128xf32, #tpu.memory_space<hbm>>
      %dma_start3A_30 = arith.constant 0 : i32
      %dma_start3A_31 = tpu.memref_slice %arg11[%mul3A_0, %dma_start3A_30] : memref<10008x128xf32, #tpu.memory_space<vmem_shared>> -> memref<625x128xf32, #tpu.memory_space<vmem_shared>>
      tpu.enqueue_dma source(%dma_start3A_31 : memref<625x128xf32, #tpu.memory_space<vmem_shared>>) target(%dma_start3A_29 : memref<625x128xf32, #tpu.memory_space<hbm>>) target_semaphore(%run_scoped3A : memref<!tpu.dma_semaphore, #tpu.memory_space<semaphore_mem>>)
      %dma_wait3A_32 = arith.constant 0 : i32
      %dma_wait3A_33 = tpu.memref_slice %arg5[%add3A_27, %dma_wait3A_32] : memref<20000x128xf32, #tpu.memory_space<hbm>> -> memref<625x128xf32, #tpu.memory_space<hbm>>
      %dma_wait3A_34 = arith.constant 0 : i32
      %dma_wait3A_35 = tpu.memref_slice %arg11[%mul3A_0, %dma_wait3A_34] : memref<10008x128xf32, #tpu.memory_space<vmem_shared>> -> memref<625x128xf32, #tpu.memory_space<vmem_shared>>
      tpu.wait_dma2 semaphore(%run_scoped3A : memref<!tpu.dma_semaphore, #tpu.memory_space<semaphore_mem>>) src(%dma_wait3A_35 : memref<625x128xf32, #tpu.memory_space<vmem_shared>>) dst(%dma_wait3A_33 : memref<625x128xf32, #tpu.memory_space<hbm>>)
      tpu.yield
    }) : () -> ()
    return
  }
}

module attributes {stable_mosaic.version = 14 : i64} {
  func.func @body(%arg0: i32, %arg1: memref<2000x128xf32, #tpu.memory_space<vmem>>, %arg2: memref<1x128xf32, #tpu.memory_space<vmem>>, %arg3: memref<1x128xf32, #tpu.memory_space<vmem>>, %arg4: memref<128x128xf32, #tpu.memory_space<vmem>>, %arg5: memref<2x2000x16xf32, #tpu.memory_space<vmem>>, %arg6: memref<2000x128xf32, #tpu.memory_space<vmem>>) attributes {dimension_semantics = [#tpu.dimension_semantics<arbitrary>], iteration_bounds = array<i64: 10>, scalar_prefetch = 0 : i64, scratch_operands = 0 : i64, tpu.core_type = #tpu.core_type<tc>, window_params = [{transform_indices = @transform_0, window_bounds = array<i64: 2000, 128>}, {pipeline_mode = #tpu.pipeline_mode<synchronous>, transform_indices = @transform_1, window_bounds = array<i64: 1, 128>}, {pipeline_mode = #tpu.pipeline_mode<synchronous>, transform_indices = @transform_2, window_bounds = array<i64: 1, 128>}, {pipeline_mode = #tpu.pipeline_mode<synchronous>, transform_indices = @transform_3, window_bounds = array<i64: 128, 128>}, {transform_indices = @transform_4, window_bounds = array<i64: 2, 2000, 16>}, {transform_indices = @transform_5, window_bounds = array<i64: 2000, 128>}]} {
    %get3A = arith.constant 0 : index
    %get3A_0 = arith.constant 0 : index
    %get3A_1 = arith.constant 0 : index
    %get3A_2 = vector.load %arg5[%get3A, %get3A_0, %get3A_1] : memref<2x2000x16xf32, #tpu.memory_space<vmem>>, vector<2x2000x16xf32>
    %slice3A = vector.extract_strided_slice %get3A_2 {offsets = [0, 0, 0], sizes = [1, 2000, 1], strides = [1, 1, 1]} : vector<2x2000x16xf32> to vector<1x2000x1xf32>
    %squeeze3A = vector.shape_cast %slice3A : vector<1x2000x1xf32> to vector<2000x1xf32>
    %add3A = arith.constant 1.000000e+00 : f32
    %add3A_3 = vector.broadcast %add3A : f32 to vector<2000x1xf32>
    %add3A_4 = arith.addf %add3A_3, %squeeze3A : vector<2000x1xf32>
    %slice3A_5 = vector.extract_strided_slice %get3A_2 {offsets = [1, 0, 0], sizes = [1, 2000, 1], strides = [1, 1, 1]} : vector<2x2000x16xf32> to vector<1x2000x1xf32>
    %squeeze3A_6 = vector.shape_cast %slice3A_5 : vector<1x2000x1xf32> to vector<2000x1xf32>
    %add3A_7 = arith.addf %add3A_4, %squeeze3A_6 : vector<2000x1xf32>
    %rsqrt3A = math.rsqrt %add3A_7 : vector<2000x1xf32>
    %get3A_8 = arith.constant 0 : index
    %get3A_9 = arith.constant 0 : index
    %get3A_10 = vector.load %arg1[%get3A_8, %get3A_9] : memref<2000x128xf32, #tpu.memory_space<vmem>>, vector<2000x128xf32>
    %get3A_11 = arith.constant 0 : index
    %get3A_12 = arith.constant 0 : index
    %get3A_13 = vector.load %arg2[%get3A_11, %get3A_12] : memref<1x128xf32, #tpu.memory_space<vmem>>, vector<1x128xf32>
    %mul3A = vector.broadcast %get3A_13 : vector<1x128xf32> to vector<2000x128xf32>
    %mul3A_14 = arith.mulf %get3A_10, %mul3A : vector<2000x128xf32>
    %get3A_15 = arith.constant 0 : index
    %get3A_16 = arith.constant 0 : index
    %get3A_17 = vector.load %arg3[%get3A_15, %get3A_16] : memref<1x128xf32, #tpu.memory_space<vmem>>, vector<1x128xf32>
    %add3A_18 = vector.broadcast %get3A_17 : vector<1x128xf32> to vector<2000x128xf32>
    %add3A_19 = arith.addf %mul3A_14, %add3A_18 : vector<2000x128xf32>
    %get3A_20 = arith.constant 0 : index
    %get3A_21 = arith.constant 0 : index
    %get3A_22 = vector.load %arg4[%get3A_20, %get3A_21] : memref<128x128xf32, #tpu.memory_space<vmem>>, vector<128x128xf32>
    %dot_general3A = arith.constant dense<0.000000e+00> : vector<2000x128xf32>
    %dot_general3A_23 = tpu.matmul %add3A_19, %get3A_22, %dot_general3A {dimension_numbers = #tpu.dot_dimension_numbers<[1], [1], [0], [0], [0, 0, 1, 0], [], []>, transpose_lhs_hint = false} : vector<2000x128xf32>, vector<128x128xf32>, vector<2000x128xf32> -> vector<2000x128xf32>
    %mul3A_24 = vector.broadcast %rsqrt3A : vector<2000x1xf32> to vector<2000x128xf32>
    %mul3A_25 = arith.mulf %dot_general3A_23, %mul3A_24 : vector<2000x128xf32>
    %swap3A = arith.constant 0 : index
    %swap3A_26 = arith.constant 0 : index
    %swap3A_27 = vector.load %arg6[%swap3A, %swap3A_26] : memref<2000x128xf32, #tpu.memory_space<vmem>>, vector<2000x128xf32>
    tpu.vector_store %arg6[%swap3A, %swap3A_26], %mul3A_25 {strides = array<i32>} : memref<2000x128xf32, #tpu.memory_space<vmem>>, vector<2000x128xf32>,
    return
  }
  func.func @transform_0(%arg0: i32) -> (i32, i32) {
    %c0_i32 = arith.constant 0 : i32
    %c0_i32_0 = arith.constant 0 : i32
    return %arg0, %c0_i32 : i32, i32
  }
  func.func @transform_1(%arg0: i32) -> (i32, i32) {
    %c0_i32 = arith.constant 0 : i32
    %c0_i32_0 = arith.constant 0 : i32
    %c0_i32_1 = arith.constant 0 : i32
    return %c0_i32, %c0_i32_0 : i32, i32
  }
  func.func @transform_2(%arg0: i32) -> (i32, i32) {
    %c0_i32 = arith.constant 0 : i32
    %c0_i32_0 = arith.constant 0 : i32
    %c0_i32_1 = arith.constant 0 : i32
    return %c0_i32, %c0_i32_0 : i32, i32
  }
  func.func @transform_3(%arg0: i32) -> (i32, i32) {
    %c0_i32 = arith.constant 0 : i32
    %c0_i32_0 = arith.constant 0 : i32
    %c0_i32_1 = arith.constant 0 : i32
    return %c0_i32, %c0_i32_0 : i32, i32
  }
  func.func @transform_4(%arg0: i32) -> (i32, i32, i32) {
    %jit3A = arith.constant 5 : i32
    %eq3A = arith.constant 0 : i32
    %eq3A_0 = arith.cmpi eq, %jit3A, %eq3A : i32
    %jit3A_1 = arith.constant 1 : i32
    %select_n3A = arith.select %eq3A_0, %jit3A_1, %jit3A : i32
    %rem3A = arith.remsi %arg0, %select_n3A : i32
    %ne3A = arith.constant 0 : i32
    %ne3A_2 = arith.cmpi ne, %rem3A, %ne3A : i32
    %lt3A = arith.constant 0 : i32
    %lt3A_3 = arith.cmpi slt, %rem3A, %lt3A : i32
    %lt3A_4 = arith.constant 0 : i32
    %lt3A_5 = arith.cmpi slt, %select_n3A, %lt3A_4 : i32
    %ne3A_6 = arith.xori %lt3A_3, %lt3A_5 : i1
    %and3A = arith.andi %ne3A_6, %ne3A_2 : i1
    %add3A = arith.addi %rem3A, %select_n3A : i32
    %select_n3A_7 = arith.select %and3A, %add3A, %rem3A : i32
    %c0_i32 = arith.constant 0 : i32
    %c0_i32_8 = arith.constant 0 : i32
    %c0_i32_9 = arith.constant 0 : i32
    return %c0_i32, %select_n3A_7, %c0_i32_8 : i32, i32, i32
  }
  func.func @transform_5(%arg0: i32) -> (i32, i32) {
    %c0_i32 = arith.constant 0 : i32
    %c0_i32_0 = arith.constant 0 : i32
    return %arg0, %c0_i32 : i32, i32
  }
}

module attributes {stable_mosaic.version = 14 : i64} {
  func.func @body(%arg0: i32, %arg1: memref<2000x128xf32, #tpu.memory_space<vmem>>, %arg2: memref<1x128xf32, #tpu.memory_space<vmem>>, %arg3: memref<128x128xf32, #tpu.memory_space<vmem>>, %arg4: memref<2x2000x16xf32, #tpu.memory_space<vmem>>, %arg5: memref<2000x128xf32, #tpu.memory_space<vmem>>) attributes {dimension_semantics = [#tpu.dimension_semantics<arbitrary>], iteration_bounds = array<i64: 10>, scalar_prefetch = 0 : i64, scratch_operands = 0 : i64, tpu.core_type = #tpu.core_type<tc>, window_params = [{transform_indices = @transform_0, window_bounds = array<i64: 2000, 128>}, {pipeline_mode = #tpu.pipeline_mode<synchronous>, transform_indices = @transform_1, window_bounds = array<i64: 1, 128>}, {pipeline_mode = #tpu.pipeline_mode<synchronous>, transform_indices = @transform_2, window_bounds = array<i64: 128, 128>}, {transform_indices = @transform_3, window_bounds = array<i64: 2, 2000, 16>}, {transform_indices = @transform_4, window_bounds = array<i64: 2000, 128>}]} {
    %get3A = arith.constant 0 : index
    %get3A_0 = arith.constant 0 : index
    %get3A_1 = arith.constant 0 : index
    %get3A_2 = vector.load %arg4[%get3A, %get3A_0, %get3A_1] : memref<2x2000x16xf32, #tpu.memory_space<vmem>>, vector<2x2000x16xf32>
    %slice3A = vector.extract_strided_slice %get3A_2 {offsets = [0, 0, 0], sizes = [1, 2000, 1], strides = [1, 1, 1]} : vector<2x2000x16xf32> to vector<1x2000x1xf32>
    %squeeze3A = vector.shape_cast %slice3A : vector<1x2000x1xf32> to vector<2000x1xf32>
    %add3A = arith.constant 1.000000e+00 : f32
    %add3A_3 = vector.broadcast %add3A : f32 to vector<2000x1xf32>
    %add3A_4 = arith.addf %add3A_3, %squeeze3A : vector<2000x1xf32>
    %slice3A_5 = vector.extract_strided_slice %get3A_2 {offsets = [1, 0, 0], sizes = [1, 2000, 1], strides = [1, 1, 1]} : vector<2x2000x16xf32> to vector<1x2000x1xf32>
    %squeeze3A_6 = vector.shape_cast %slice3A_5 : vector<1x2000x1xf32> to vector<2000x1xf32>
    %add3A_7 = arith.addf %add3A_4, %squeeze3A_6 : vector<2000x1xf32>
    %rsqrt3A = math.rsqrt %add3A_7 : vector<2000x1xf32>
    %get3A_8 = arith.constant 0 : index
    %get3A_9 = arith.constant 0 : index
    %get3A_10 = vector.load %arg1[%get3A_8, %get3A_9] : memref<2000x128xf32, #tpu.memory_space<vmem>>, vector<2000x128xf32>
    %mul3A = vector.broadcast %rsqrt3A : vector<2000x1xf32> to vector<2000x128xf32>
    %mul3A_11 = arith.mulf %get3A_10, %mul3A : vector<2000x128xf32>
    %get3A_12 = arith.constant 0 : index
    %get3A_13 = arith.constant 0 : index
    %get3A_14 = vector.load %arg2[%get3A_12, %get3A_13] : memref<1x128xf32, #tpu.memory_space<vmem>>, vector<1x128xf32>
    %add3A_15 = vector.broadcast %get3A_14 : vector<1x128xf32> to vector<2000x128xf32>
    %add3A_16 = arith.addf %mul3A_11, %add3A_15 : vector<2000x128xf32>
    %logistic3A = arith.negf %add3A_16 : vector<2000x128xf32>
    %logistic3A_17 = math.exp %logistic3A : vector<2000x128xf32>
    %logistic3A_18 = arith.constant 1.000000e+00 : f32
    %logistic3A_19 = vector.broadcast %logistic3A_18 : f32 to vector<2000x128xf32>
    %logistic3A_20 = arith.addf %logistic3A_19, %logistic3A_17 : vector<2000x128xf32>
    %logistic3A_21 = arith.divf %logistic3A_19, %logistic3A_20 : vector<2000x128xf32>
    %mul3A_22 = arith.mulf %add3A_16, %logistic3A_21 : vector<2000x128xf32>
    %get3A_23 = arith.constant 0 : index
    %get3A_24 = arith.constant 0 : index
    %get3A_25 = vector.load %arg3[%get3A_23, %get3A_24] : memref<128x128xf32, #tpu.memory_space<vmem>>, vector<128x128xf32>
    %dot_general3A = arith.constant dense<0.000000e+00> : vector<2000x128xf32>
    %dot_general3A_26 = tpu.matmul %mul3A_22, %get3A_25, %dot_general3A {dimension_numbers = #tpu.dot_dimension_numbers<[1], [1], [0], [0], [0, 0, 1, 0], [], []>, transpose_lhs_hint = false} : vector<2000x128xf32>, vector<128x128xf32>, vector<2000x128xf32> -> vector<2000x128xf32>
    %mul3A_27 = vector.broadcast %rsqrt3A : vector<2000x1xf32> to vector<2000x128xf32>
    %mul3A_28 = arith.mulf %dot_general3A_26, %mul3A_27 : vector<2000x128xf32>
    %swap3A = arith.constant 0 : index
    %swap3A_29 = arith.constant 0 : index
    %swap3A_30 = vector.load %arg5[%swap3A, %swap3A_29] : memref<2000x128xf32, #tpu.memory_space<vmem>>, vector<2000x128xf32>
    tpu.vector_store %arg5[%swap3A, %swap3A_29], %mul3A_28 {strides = array<i32>} : memref<2000x128xf32, #tpu.memory_space<vmem>>, vector<2000x128xf32>,
    return
  }
  func.func @transform_0(%arg0: i32) -> (i32, i32) {
    %c0_i32 = arith.constant 0 : i32
    %c0_i32_0 = arith.constant 0 : i32
    return %arg0, %c0_i32 : i32, i32
  }
  func.func @transform_1(%arg0: i32) -> (i32, i32) {
    %c0_i32 = arith.constant 0 : i32
    %c0_i32_0 = arith.constant 0 : i32
    %c0_i32_1 = arith.constant 0 : i32
    return %c0_i32, %c0_i32_0 : i32, i32
  }
  func.func @transform_2(%arg0: i32) -> (i32, i32) {
    %c0_i32 = arith.constant 0 : i32
    %c0_i32_0 = arith.constant 0 : i32
    %c0_i32_1 = arith.constant 0 : i32
    return %c0_i32, %c0_i32_0 : i32, i32
  }
  func.func @transform_3(%arg0: i32) -> (i32, i32, i32) {
    %jit3A = arith.constant 5 : i32
    %eq3A = arith.constant 0 : i32
    %eq3A_0 = arith.cmpi eq, %jit3A, %eq3A : i32
    %jit3A_1 = arith.constant 1 : i32
    %select_n3A = arith.select %eq3A_0, %jit3A_1, %jit3A : i32
    %rem3A = arith.remsi %arg0, %select_n3A : i32
    %ne3A = arith.constant 0 : i32
    %ne3A_2 = arith.cmpi ne, %rem3A, %ne3A : i32
    %lt3A = arith.constant 0 : i32
    %lt3A_3 = arith.cmpi slt, %rem3A, %lt3A : i32
    %lt3A_4 = arith.constant 0 : i32
    %lt3A_5 = arith.cmpi slt, %select_n3A, %lt3A_4 : i32
    %ne3A_6 = arith.xori %lt3A_3, %lt3A_5 : i1
    %and3A = arith.andi %ne3A_6, %ne3A_2 : i1
    %add3A = arith.addi %rem3A, %select_n3A : i32
    %select_n3A_7 = arith.select %and3A, %add3A, %rem3A : i32
    %c0_i32 = arith.constant 0 : i32
    %c0_i32_8 = arith.constant 0 : i32
    %c0_i32_9 = arith.constant 0 : i32
    return %c0_i32, %select_n3A_7, %c0_i32_8 : i32, i32, i32
  }
  func.func @transform_4(%arg0: i32) -> (i32, i32) {
    %c0_i32 = arith.constant 0 : i32
    %c0_i32_0 = arith.constant 0 : i32
    return %arg0, %c0_i32 : i32, i32
  }
}

module attributes {stable_mosaic.version = 14 : i64} {
  func.func @body(%arg0: i32, %arg1: memref<2000x128xf32, #tpu.memory_space<vmem>>, %arg2: memref<1x128xf32, #tpu.memory_space<vmem>>, %arg3: memref<2x2000x16xf32, #tpu.memory_space<vmem>>, %arg4: memref<1x1x128xf32, #tpu.memory_space<vmem>>) attributes {dimension_semantics = [#tpu.dimension_semantics<arbitrary>], iteration_bounds = array<i64: 10>, scalar_prefetch = 0 : i64, scratch_operands = 0 : i64, tpu.core_type = #tpu.core_type<tc>, window_params = [{transform_indices = @transform_0, window_bounds = array<i64: 2000, 128>}, {pipeline_mode = #tpu.pipeline_mode<synchronous>, transform_indices = @transform_1, window_bounds = array<i64: 1, 128>}, {transform_indices = @transform_2, window_bounds = array<i64: 2, 2000, 16>}, {transform_indices = @transform_3, window_bounds = array<i64: 1, 1, 128>}]} {
    %jit3A = arith.constant 5 : i32
    %eq3A = arith.constant 0 : i32
    %eq3A_0 = arith.cmpi eq, %jit3A, %eq3A : i32
    %jit3A_1 = arith.constant 1 : i32
    %select_n3A = arith.select %eq3A_0, %jit3A_1, %jit3A : i32
    %rem3A = arith.remsi %arg0, %select_n3A : i32
    %ne3A = arith.constant 0 : i32
    %ne3A_2 = arith.cmpi ne, %rem3A, %ne3A : i32
    %lt3A = arith.constant 0 : i32
    %lt3A_3 = arith.cmpi slt, %rem3A, %lt3A : i32
    %lt3A_4 = arith.constant 0 : i32
    %lt3A_5 = arith.cmpi slt, %select_n3A, %lt3A_4 : i32
    %ne3A_6 = arith.xori %lt3A_3, %lt3A_5 : i1
    %and3A = arith.andi %ne3A_6, %ne3A_2 : i1
    %add3A = arith.addi %rem3A, %select_n3A : i32
    %select_n3A_7 = arith.select %and3A, %add3A, %rem3A : i32
    %get3A = arith.constant 0 : index
    %get3A_8 = arith.constant 0 : index
    %get3A_9 = arith.constant 0 : index
    %get3A_10 = vector.load %arg3[%get3A, %get3A_8, %get3A_9] : memref<2x2000x16xf32, #tpu.memory_space<vmem>>, vector<2x2000x16xf32>
    %slice3A = vector.extract_strided_slice %get3A_10 {offsets = [0, 0, 0], sizes = [1, 2000, 1], strides = [1, 1, 1]} : vector<2x2000x16xf32> to vector<1x2000x1xf32>
    %squeeze3A = vector.shape_cast %slice3A : vector<1x2000x1xf32> to vector<2000x1xf32>
    %add3A_11 = arith.constant 1.000000e+00 : f32
    %add3A_12 = vector.broadcast %add3A_11 : f32 to vector<2000x1xf32>
    %add3A_13 = arith.addf %add3A_12, %squeeze3A : vector<2000x1xf32>
    %slice3A_14 = vector.extract_strided_slice %get3A_10 {offsets = [1, 0, 0], sizes = [1, 2000, 1], strides = [1, 1, 1]} : vector<2x2000x16xf32> to vector<1x2000x1xf32>
    %squeeze3A_15 = vector.shape_cast %slice3A_14 : vector<1x2000x1xf32> to vector<2000x1xf32>
    %add3A_16 = arith.addf %add3A_13, %squeeze3A_15 : vector<2000x1xf32>
    %rsqrt3A = math.rsqrt %add3A_16 : vector<2000x1xf32>
    %get3A_17 = arith.constant 0 : index
    %get3A_18 = arith.constant 0 : index
    %get3A_19 = vector.load %arg1[%get3A_17, %get3A_18] : memref<2000x128xf32, #tpu.memory_space<vmem>>, vector<2000x128xf32>
    %mul3A = vector.broadcast %rsqrt3A : vector<2000x1xf32> to vector<2000x128xf32>
    %mul3A_20 = arith.mulf %get3A_19, %mul3A : vector<2000x128xf32>
    %get3A_21 = arith.constant 0 : index
    %get3A_22 = arith.constant 0 : index
    %get3A_23 = vector.load %arg2[%get3A_21, %get3A_22] : memref<1x128xf32, #tpu.memory_space<vmem>>, vector<1x128xf32>
    %add3A_24 = vector.broadcast %get3A_23 : vector<1x128xf32> to vector<2000x128xf32>
    %add3A_25 = arith.addf %mul3A_20, %add3A_24 : vector<2000x128xf32>
    %logistic3A = arith.negf %add3A_25 : vector<2000x128xf32>
    %logistic3A_26 = math.exp %logistic3A : vector<2000x128xf32>
    %logistic3A_27 = arith.constant 1.000000e+00 : f32
    %logistic3A_28 = vector.broadcast %logistic3A_27 : f32 to vector<2000x128xf32>
    %logistic3A_29 = arith.addf %logistic3A_28, %logistic3A_26 : vector<2000x128xf32>
    %logistic3A_30 = arith.divf %logistic3A_28, %logistic3A_29 : vector<2000x128xf32>
    %mul3A_31 = arith.mulf %add3A_25, %logistic3A_30 : vector<2000x128xf32>
    %reduce_sum3A = arith.constant dense<0.000000e+00> : vector<128xf32>
    %reduce_sum3A_32 = vector.multi_reduction <add>, %mul3A_31, %reduce_sum3A [0] : vector<2000x128xf32> to vector<128xf32>
    %broadcast_in_dim3A = vector.shape_cast %reduce_sum3A_32 : vector<128xf32> to vector<1x128xf32>
    %broadcast_in_dim3A_33 = vector.shape_cast %broadcast_in_dim3A : vector<1x128xf32> to vector<1x1x128xf32>
    %eq3A_34 = arith.constant 0 : i32
    %eq3A_35 = arith.cmpi eq, %select_n3A_7, %eq3A_34 : i32
    %convert_element_type3A = arith.extui %eq3A_35 : i1 to i32
    %cond3A = arith.constant 0 : i32
    %cond3A_36 = arith.cmpi ne, %convert_element_type3A, %cond3A : i32
    scf.if %cond3A_36 {
      %swap3A = arith.constant 0 : index
      %swap3A_42 = arith.constant 0 : index
      %swap3A_43 = arith.constant 0 : index
      %swap3A_44 = vector.load %arg4[%swap3A, %swap3A_42, %swap3A_43] : memref<1x1x128xf32, #tpu.memory_space<vmem>>, vector<1x1x128xf32>
      tpu.vector_store %arg4[%swap3A, %swap3A_42, %swap3A_43], %broadcast_in_dim3A_33 {strides = array<i32>} : memref<1x1x128xf32, #tpu.memory_space<vmem>>, vector<1x1x128xf32>,
    } else {
    }
    %ne3A_37 = arith.constant 0 : i32
    %ne3A_38 = arith.cmpi ne, %select_n3A_7, %ne3A_37 : i32
    %convert_element_type3A_39 = arith.extui %ne3A_38 : i1 to i32
    %cond3A_40 = arith.constant 0 : i32
    %cond3A_41 = arith.cmpi ne, %convert_element_type3A_39, %cond3A_40 : i32
    scf.if %cond3A_41 {
      %get3A_42 = arith.constant 0 : index
      %get3A_43 = arith.constant 0 : index
      %get3A_44 = arith.constant 0 : index
      %get3A_45 = vector.load %arg4[%get3A_42, %get3A_43, %get3A_44] : memref<1x1x128xf32, #tpu.memory_space<vmem>>, vector<1x1x128xf32>
      %add3A_46 = arith.addf %get3A_45, %broadcast_in_dim3A_33 : vector<1x1x128xf32>
      %swap3A = arith.constant 0 : index
      %swap3A_47 = arith.constant 0 : index
      %swap3A_48 = arith.constant 0 : index
      %swap3A_49 = vector.load %arg4[%swap3A, %swap3A_47, %swap3A_48] : memref<1x1x128xf32, #tpu.memory_space<vmem>>, vector<1x1x128xf32>
      tpu.vector_store %arg4[%swap3A, %swap3A_47, %swap3A_48], %add3A_46 {strides = array<i32>} : memref<1x1x128xf32, #tpu.memory_space<vmem>>, vector<1x1x128xf32>,
    } else {
    }
    return
  }
  func.func @transform_0(%arg0: i32) -> (i32, i32) {
    %c0_i32 = arith.constant 0 : i32
    %c0_i32_0 = arith.constant 0 : i32
    return %arg0, %c0_i32 : i32, i32
  }
  func.func @transform_1(%arg0: i32) -> (i32, i32) {
    %c0_i32 = arith.constant 0 : i32
    %c0_i32_0 = arith.constant 0 : i32
    %c0_i32_1 = arith.constant 0 : i32
    return %c0_i32, %c0_i32_0 : i32, i32
  }
  func.func @transform_2(%arg0: i32) -> (i32, i32, i32) {
    %jit3A = arith.constant 5 : i32
    %eq3A = arith.constant 0 : i32
    %eq3A_0 = arith.cmpi eq, %jit3A, %eq3A : i32
    %jit3A_1 = arith.constant 1 : i32
    %select_n3A = arith.select %eq3A_0, %jit3A_1, %jit3A : i32
    %rem3A = arith.remsi %arg0, %select_n3A : i32
    %ne3A = arith.constant 0 : i32
    %ne3A_2 = arith.cmpi ne, %rem3A, %ne3A : i32
    %lt3A = arith.constant 0 : i32
    %lt3A_3 = arith.cmpi slt, %rem3A, %lt3A : i32
    %lt3A_4 = arith.constant 0 : i32
    %lt3A_5 = arith.cmpi slt, %select_n3A, %lt3A_4 : i32
    %ne3A_6 = arith.xori %lt3A_3, %lt3A_5 : i1
    %and3A = arith.andi %ne3A_6, %ne3A_2 : i1
    %add3A = arith.addi %rem3A, %select_n3A : i32
    %select_n3A_7 = arith.select %and3A, %add3A, %rem3A : i32
    %c0_i32 = arith.constant 0 : i32
    %c0_i32_8 = arith.constant 0 : i32
    %c0_i32_9 = arith.constant 0 : i32
    return %c0_i32, %select_n3A_7, %c0_i32_8 : i32, i32, i32
  }
  func.func @transform_3(%arg0: i32) -> (i32, i32, i32) {
    %jit3A = arith.constant 5 : i32
    %div3A = arith.divsi %arg0, %jit3A : i32
    %sign3A = arith.constant 0 : i32
    %sign3A_0 = arith.cmpi sgt, %arg0, %sign3A : i32
    %sign3A_1 = arith.extui %sign3A_0 : i1 to i32
    %sign3A_2 = arith.constant 0 : i32
    %sign3A_3 = arith.cmpi slt, %arg0, %sign3A_2 : i32
    %sign3A_4 = arith.extui %sign3A_3 : i1 to i32
    %sign3A_5 = arith.subi %sign3A_1, %sign3A_4 : i32
    %sign3A_6 = arith.constant 0 : i32
    %sign3A_7 = arith.cmpi sgt, %jit3A, %sign3A_6 : i32
    %sign3A_8 = arith.extui %sign3A_7 : i1 to i32
    %sign3A_9 = arith.constant 0 : i32
    %sign3A_10 = arith.cmpi slt, %jit3A, %sign3A_9 : i32
    %sign3A_11 = arith.extui %sign3A_10 : i1 to i32
    %sign3A_12 = arith.subi %sign3A_8, %sign3A_11 : i32
    %ne3A = arith.cmpi ne, %sign3A_5, %sign3A_12 : i32
    %rem3A = arith.remsi %arg0, %jit3A : i32
    %ne3A_13 = arith.constant 0 : i32
    %ne3A_14 = arith.cmpi ne, %rem3A, %ne3A_13 : i32
    %and3A = arith.andi %ne3A, %ne3A_14 : i1
    %sub3A = arith.constant 1 : i32
    %sub3A_15 = arith.subi %div3A, %sub3A : i32
    %select_n3A = arith.select %and3A, %sub3A_15, %div3A : i32
    %c0_i32 = arith.constant 0 : i32
    %c0_i32_16 = arith.constant 0 : i32
    %c0_i32_17 = arith.constant 0 : i32
    return %select_n3A, %c0_i32, %c0_i32_16 : i32, i32, i32
  }
}

module attributes {stable_mosaic.version = 14 : i64} {
  func.func @body(%arg0: memref<4x128xf32, #tpu.memory_space<vmem>>, %arg1: memref<512x128xf32, #tpu.memory_space<vmem>>, %arg2: memref<512x128xf32, #tpu.memory_space<vmem>>, %arg3: memref<1x512xf32, #tpu.memory_space<vmem>>, %arg4: memref<1x512xf32, #tpu.memory_space<vmem>>, %arg5: memref<512x128xf32, #tpu.memory_space<vmem>>, %arg6: memref<512x128xf32, #tpu.memory_space<vmem>>, %arg7: memref<1x512xf32, #tpu.memory_space<vmem>>, %arg8: memref<1x512xf32, #tpu.memory_space<vmem>>, %arg9: memref<128x128xf32, #tpu.memory_space<vmem>>, %arg10: memref<1x128xf32, #tpu.memory_space<vmem>>, %arg11: memref<64x128xf32, #tpu.memory_space<vmem>>, %arg12: memref<1x64xf32, #tpu.memory_space<vmem>>, %arg13: memref<128x64xf32, #tpu.memory_space<vmem>>, %arg14: memref<1x128xf32, #tpu.memory_space<vmem>>, %arg15: memref<1x128xf32, #tpu.memory_space<vmem>>) attributes {dimension_semantics = [], scalar_prefetch = 0 : i64, scratch_operands = 0 : i64, tpu.core_type = #tpu.core_type<tc>} {
    %get3A = arith.constant 0 : index
    %get3A_0 = arith.constant 0 : index
    %get3A_1 = vector.load %arg0[%get3A, %get3A_0] : memref<4x128xf32, #tpu.memory_space<vmem>>, vector<4x128xf32>
    %mul3A = arith.constant 9.99999974E-5 : f32
    %mul3A_2 = vector.broadcast %mul3A : f32 to vector<4x128xf32>
    %mul3A_3 = arith.mulf %get3A_1, %mul3A_2 : vector<4x128xf32>
    %broadcast_in_dim3A = arith.constant 0.000000e+00 : f32
    %broadcast_in_dim3A_4 = vector.broadcast %broadcast_in_dim3A : f32 to vector<1x128xf32>
    %broadcast_in_dim3A_5 = arith.constant 0.000000e+00 : f32
    %broadcast_in_dim3A_6 = vector.broadcast %broadcast_in_dim3A_5 : f32 to vector<1x128xf32>
    %slice3A = vector.extract_strided_slice %mul3A_3 {offsets = [0, 0], sizes = [1, 128], strides = [1, 1]} : vector<4x128xf32> to vector<1x128xf32>
    %get3A_7 = arith.constant 0 : index
    %get3A_8 = arith.constant 0 : index
    %get3A_9 = vector.load %arg1[%get3A_7, %get3A_8] : memref<512x128xf32, #tpu.memory_space<vmem>>, vector<512x128xf32>
    %get3A_10 = arith.constant 0 : index
    %get3A_11 = arith.constant 0 : index
    %get3A_12 = vector.load %arg2[%get3A_10, %get3A_11] : memref<512x128xf32, #tpu.memory_space<vmem>>, vector<512x128xf32>
    %get3A_13 = arith.constant 0 : index
    %get3A_14 = arith.constant 0 : index
    %get3A_15 = vector.load %arg3[%get3A_13, %get3A_14] : memref<1x512xf32, #tpu.memory_space<vmem>>, vector<1x512xf32>
    %get3A_16 = arith.constant 0 : index
    %get3A_17 = arith.constant 0 : index
    %get3A_18 = vector.load %arg4[%get3A_16, %get3A_17] : memref<1x512xf32, #tpu.memory_space<vmem>>, vector<1x512xf32>
    %dot_general3A = arith.constant dense<0.000000e+00> : vector<1x512xf32>
    %dot_general3A_19 = tpu.matmul %slice3A, %get3A_9, %dot_general3A {dimension_numbers = #tpu.dot_dimension_numbers<[1], [1], [0], [0], [0, 0, 1, 0], [], []>, transpose_lhs_hint = false} : vector<1x128xf32>, vector<512x128xf32>, vector<1x512xf32> -> vector<1x512xf32>
    %dot_general3A_20 = arith.constant dense<0.000000e+00> : vector<1x512xf32>
    %dot_general3A_21 = tpu.matmul %broadcast_in_dim3A_4, %get3A_12, %dot_general3A_20 {dimension_numbers = #tpu.dot_dimension_numbers<[1], [1], [0], [0], [0, 0, 1, 0], [], []>, transpose_lhs_hint = false} : vector<1x128xf32>, vector<512x128xf32>, vector<1x512xf32> -> vector<1x512xf32>
    %add3A = arith.addf %dot_general3A_19, %dot_general3A_21 : vector<1x512xf32>
    %add3A_22 = arith.addf %add3A, %get3A_15 : vector<1x512xf32>
    %add3A_23 = arith.addf %add3A_22, %get3A_18 : vector<1x512xf32>
    %slice3A_24 = vector.extract_strided_slice %add3A_23 {offsets = [0, 0], sizes = [1, 128], strides = [1, 1]} : vector<1x512xf32> to vector<1x128xf32>
    %logistic3A = arith.negf %slice3A_24 : vector<1x128xf32>
    %logistic3A_25 = math.exp %logistic3A : vector<1x128xf32>
    %logistic3A_26 = arith.constant 1.000000e+00 : f32
    %logistic3A_27 = vector.broadcast %logistic3A_26 : f32 to vector<1x128xf32>
    %logistic3A_28 = arith.addf %logistic3A_27, %logistic3A_25 : vector<1x128xf32>
    %logistic3A_29 = arith.divf %logistic3A_27, %logistic3A_28 : vector<1x128xf32>
    %slice3A_30 = vector.extract_strided_slice %add3A_23 {offsets = [0, 128], sizes = [1, 128], strides = [1, 1]} : vector<1x512xf32> to vector<1x128xf32>
    %logistic3A_31 = arith.negf %slice3A_30 : vector<1x128xf32>
    %logistic3A_32 = math.exp %logistic3A_31 : vector<1x128xf32>
    %logistic3A_33 = arith.constant 1.000000e+00 : f32
    %logistic3A_34 = vector.broadcast %logistic3A_33 : f32 to vector<1x128xf32>
    %logistic3A_35 = arith.addf %logistic3A_34, %logistic3A_32 : vector<1x128xf32>
    %logistic3A_36 = arith.divf %logistic3A_34, %logistic3A_35 : vector<1x128xf32>
    %slice3A_37 = vector.extract_strided_slice %add3A_23 {offsets = [0, 256], sizes = [1, 128], strides = [1, 1]} : vector<1x512xf32> to vector<1x128xf32>
    %tanh3A = math.tanh %slice3A_37 : vector<1x128xf32>
    %slice3A_38 = vector.extract_strided_slice %add3A_23 {offsets = [0, 384], sizes = [1, 128], strides = [1, 1]} : vector<1x512xf32> to vector<1x128xf32>
    %logistic3A_39 = arith.negf %slice3A_38 : vector<1x128xf32>
    %logistic3A_40 = math.exp %logistic3A_39 : vector<1x128xf32>
    %logistic3A_41 = arith.constant 1.000000e+00 : f32
    %logistic3A_42 = vector.broadcast %logistic3A_41 : f32 to vector<1x128xf32>
    %logistic3A_43 = arith.addf %logistic3A_42, %logistic3A_40 : vector<1x128xf32>
    %logistic3A_44 = arith.divf %logistic3A_42, %logistic3A_43 : vector<1x128xf32>
    %mul3A_45 = arith.mulf %logistic3A_36, %broadcast_in_dim3A_6 : vector<1x128xf32>
    %mul3A_46 = arith.mulf %logistic3A_29, %tanh3A : vector<1x128xf32>
    %add3A_47 = arith.addf %mul3A_45, %mul3A_46 : vector<1x128xf32>
    %tanh3A_48 = math.tanh %add3A_47 : vector<1x128xf32>
    %mul3A_49 = arith.mulf %logistic3A_44, %tanh3A_48 : vector<1x128xf32>
    %slice3A_50 = vector.extract_strided_slice %mul3A_3 {offsets = [1, 0], sizes = [1, 128], strides = [1, 1]} : vector<4x128xf32> to vector<1x128xf32>
    %get3A_51 = arith.constant 0 : index
    %get3A_52 = arith.constant 0 : index
    %get3A_53 = vector.load %arg1[%get3A_51, %get3A_52] : memref<512x128xf32, #tpu.memory_space<vmem>>, vector<512x128xf32>
    %get3A_54 = arith.constant 0 : index
    %get3A_55 = arith.constant 0 : index
    %get3A_56 = vector.load %arg2[%get3A_54, %get3A_55] : memref<512x128xf32, #tpu.memory_space<vmem>>, vector<512x128xf32>
    %get3A_57 = arith.constant 0 : index
    %get3A_58 = arith.constant 0 : index
    %get3A_59 = vector.load %arg3[%get3A_57, %get3A_58] : memref<1x512xf32, #tpu.memory_space<vmem>>, vector<1x512xf32>
    %get3A_60 = arith.constant 0 : index
    %get3A_61 = arith.constant 0 : index
    %get3A_62 = vector.load %arg4[%get3A_60, %get3A_61] : memref<1x512xf32, #tpu.memory_space<vmem>>, vector<1x512xf32>
    %dot_general3A_63 = arith.constant dense<0.000000e+00> : vector<1x512xf32>
    %dot_general3A_64 = tpu.matmul %slice3A_50, %get3A_53, %dot_general3A_63 {dimension_numbers = #tpu.dot_dimension_numbers<[1], [1], [0], [0], [0, 0, 1, 0], [], []>, transpose_lhs_hint = false} : vector<1x128xf32>, vector<512x128xf32>, vector<1x512xf32> -> vector<1x512xf32>
    %dot_general3A_65 = arith.constant dense<0.000000e+00> : vector<1x512xf32>
    %dot_general3A_66 = tpu.matmul %mul3A_49, %get3A_56, %dot_general3A_65 {dimension_numbers = #tpu.dot_dimension_numbers<[1], [1], [0], [0], [0, 0, 1, 0], [], []>, transpose_lhs_hint = false} : vector<1x128xf32>, vector<512x128xf32>, vector<1x512xf32> -> vector<1x512xf32>
    %add3A_67 = arith.addf %dot_general3A_64, %dot_general3A_66 : vector<1x512xf32>
    %add3A_68 = arith.addf %add3A_67, %get3A_59 : vector<1x512xf32>
    %add3A_69 = arith.addf %add3A_68, %get3A_62 : vector<1x512xf32>
    %slice3A_70 = vector.extract_strided_slice %add3A_69 {offsets = [0, 0], sizes = [1, 128], strides = [1, 1]} : vector<1x512xf32> to vector<1x128xf32>
    %logistic3A_71 = arith.negf %slice3A_70 : vector<1x128xf32>
    %logistic3A_72 = math.exp %logistic3A_71 : vector<1x128xf32>
    %logistic3A_73 = arith.constant 1.000000e+00 : f32
    %logistic3A_74 = vector.broadcast %logistic3A_73 : f32 to vector<1x128xf32>
    %logistic3A_75 = arith.addf %logistic3A_74, %logistic3A_72 : vector<1x128xf32>
    %logistic3A_76 = arith.divf %logistic3A_74, %logistic3A_75 : vector<1x128xf32>
    %slice3A_77 = vector.extract_strided_slice %add3A_69 {offsets = [0, 128], sizes = [1, 128], strides = [1, 1]} : vector<1x512xf32> to vector<1x128xf32>
    %logistic3A_78 = arith.negf %slice3A_77 : vector<1x128xf32>
    %logistic3A_79 = math.exp %logistic3A_78 : vector<1x128xf32>
    %logistic3A_80 = arith.constant 1.000000e+00 : f32
    %logistic3A_81 = vector.broadcast %logistic3A_80 : f32 to vector<1x128xf32>
    %logistic3A_82 = arith.addf %logistic3A_81, %logistic3A_79 : vector<1x128xf32>
    %logistic3A_83 = arith.divf %logistic3A_81, %logistic3A_82 : vector<1x128xf32>
    %slice3A_84 = vector.extract_strided_slice %add3A_69 {offsets = [0, 256], sizes = [1, 128], strides = [1, 1]} : vector<1x512xf32> to vector<1x128xf32>
    %tanh3A_85 = math.tanh %slice3A_84 : vector<1x128xf32>
    %slice3A_86 = vector.extract_strided_slice %add3A_69 {offsets = [0, 384], sizes = [1, 128], strides = [1, 1]} : vector<1x512xf32> to vector<1x128xf32>
    %logistic3A_87 = arith.negf %slice3A_86 : vector<1x128xf32>
    %logistic3A_88 = math.exp %logistic3A_87 : vector<1x128xf32>
    %logistic3A_89 = arith.constant 1.000000e+00 : f32
    %logistic3A_90 = vector.broadcast %logistic3A_89 : f32 to vector<1x128xf32>
    %logistic3A_91 = arith.addf %logistic3A_90, %logistic3A_88 : vector<1x128xf32>
    %logistic3A_92 = arith.divf %logistic3A_90, %logistic3A_91 : vector<1x128xf32>
    %mul3A_93 = arith.mulf %logistic3A_83, %add3A_47 : vector<1x128xf32>
    %mul3A_94 = arith.mulf %logistic3A_76, %tanh3A_85 : vector<1x128xf32>
    %add3A_95 = arith.addf %mul3A_93, %mul3A_94 : vector<1x128xf32>
    %tanh3A_96 = math.tanh %add3A_95 : vector<1x128xf32>
    %mul3A_97 = arith.mulf %logistic3A_92, %tanh3A_96 : vector<1x128xf32>
    %slice3A_98 = vector.extract_strided_slice %mul3A_3 {offsets = [2, 0], sizes = [1, 128], strides = [1, 1]} : vector<4x128xf32> to vector<1x128xf32>
    %get3A_99 = arith.constant 0 : index
    %get3A_100 = arith.constant 0 : index
    %get3A_101 = vector.load %arg1[%get3A_99, %get3A_100] : memref<512x128xf32, #tpu.memory_space<vmem>>, vector<512x128xf32>
    %get3A_102 = arith.constant 0 : index
    %get3A_103 = arith.constant 0 : index
    %get3A_104 = vector.load %arg2[%get3A_102, %get3A_103] : memref<512x128xf32, #tpu.memory_space<vmem>>, vector<512x128xf32>
    %get3A_105 = arith.constant 0 : index
    %get3A_106 = arith.constant 0 : index
    %get3A_107 = vector.load %arg3[%get3A_105, %get3A_106] : memref<1x512xf32, #tpu.memory_space<vmem>>, vector<1x512xf32>
    %get3A_108 = arith.constant 0 : index
    %get3A_109 = arith.constant 0 : index
    %get3A_110 = vector.load %arg4[%get3A_108, %get3A_109] : memref<1x512xf32, #tpu.memory_space<vmem>>, vector<1x512xf32>
    %dot_general3A_111 = arith.constant dense<0.000000e+00> : vector<1x512xf32>
    %dot_general3A_112 = tpu.matmul %slice3A_98, %get3A_101, %dot_general3A_111 {dimension_numbers = #tpu.dot_dimension_numbers<[1], [1], [0], [0], [0, 0, 1, 0], [], []>, transpose_lhs_hint = false} : vector<1x128xf32>, vector<512x128xf32>, vector<1x512xf32> -> vector<1x512xf32>
    %dot_general3A_113 = arith.constant dense<0.000000e+00> : vector<1x512xf32>
    %dot_general3A_114 = tpu.matmul %mul3A_97, %get3A_104, %dot_general3A_113 {dimension_numbers = #tpu.dot_dimension_numbers<[1], [1], [0], [0], [0, 0, 1, 0], [], []>, transpose_lhs_hint = false} : vector<1x128xf32>, vector<512x128xf32>, vector<1x512xf32> -> vector<1x512xf32>
    %add3A_115 = arith.addf %dot_general3A_112, %dot_general3A_114 : vector<1x512xf32>
    %add3A_116 = arith.addf %add3A_115, %get3A_107 : vector<1x512xf32>
    %add3A_117 = arith.addf %add3A_116, %get3A_110 : vector<1x512xf32>
    %slice3A_118 = vector.extract_strided_slice %add3A_117 {offsets = [0, 0], sizes = [1, 128], strides = [1, 1]} : vector<1x512xf32> to vector<1x128xf32>
    %logistic3A_119 = arith.negf %slice3A_118 : vector<1x128xf32>
    %logistic3A_120 = math.exp %logistic3A_119 : vector<1x128xf32>
    %logistic3A_121 = arith.constant 1.000000e+00 : f32
    %logistic3A_122 = vector.broadcast %logistic3A_121 : f32 to vector<1x128xf32>
    %logistic3A_123 = arith.addf %logistic3A_122, %logistic3A_120 : vector<1x128xf32>
    %logistic3A_124 = arith.divf %logistic3A_122, %logistic3A_123 : vector<1x128xf32>
    %slice3A_125 = vector.extract_strided_slice %add3A_117 {offsets = [0, 128], sizes = [1, 128], strides = [1, 1]} : vector<1x512xf32> to vector<1x128xf32>
    %logistic3A_126 = arith.negf %slice3A_125 : vector<1x128xf32>
    %logistic3A_127 = math.exp %logistic3A_126 : vector<1x128xf32>
    %logistic3A_128 = arith.constant 1.000000e+00 : f32
    %logistic3A_129 = vector.broadcast %logistic3A_128 : f32 to vector<1x128xf32>
    %logistic3A_130 = arith.addf %logistic3A_129, %logistic3A_127 : vector<1x128xf32>
    %logistic3A_131 = arith.divf %logistic3A_129, %logistic3A_130 : vector<1x128xf32>
    %slice3A_132 = vector.extract_strided_slice %add3A_117 {offsets = [0, 256], sizes = [1, 128], strides = [1, 1]} : vector<1x512xf32> to vector<1x128xf32>
    %tanh3A_133 = math.tanh %slice3A_132 : vector<1x128xf32>
    %slice3A_134 = vector.extract_strided_slice %add3A_117 {offsets = [0, 384], sizes = [1, 128], strides = [1, 1]} : vector<1x512xf32> to vector<1x128xf32>
    %logistic3A_135 = arith.negf %slice3A_134 : vector<1x128xf32>
    %logistic3A_136 = math.exp %logistic3A_135 : vector<1x128xf32>
    %logistic3A_137 = arith.constant 1.000000e+00 : f32
    %logistic3A_138 = vector.broadcast %logistic3A_137 : f32 to vector<1x128xf32>
    %logistic3A_139 = arith.addf %logistic3A_138, %logistic3A_136 : vector<1x128xf32>
    %logistic3A_140 = arith.divf %logistic3A_138, %logistic3A_139 : vector<1x128xf32>
    %mul3A_141 = arith.mulf %logistic3A_131, %add3A_95 : vector<1x128xf32>
    %mul3A_142 = arith.mulf %logistic3A_124, %tanh3A_133 : vector<1x128xf32>
    %add3A_143 = arith.addf %mul3A_141, %mul3A_142 : vector<1x128xf32>
    %tanh3A_144 = math.tanh %add3A_143 : vector<1x128xf32>
    %mul3A_145 = arith.mulf %logistic3A_140, %tanh3A_144 : vector<1x128xf32>
    %slice3A_146 = vector.extract_strided_slice %mul3A_3 {offsets = [3, 0], sizes = [1, 128], strides = [1, 1]} : vector<4x128xf32> to vector<1x128xf32>
    %get3A_147 = arith.constant 0 : index
    %get3A_148 = arith.constant 0 : index
    %get3A_149 = vector.load %arg1[%get3A_147, %get3A_148] : memref<512x128xf32, #tpu.memory_space<vmem>>, vector<512x128xf32>
    %get3A_150 = arith.constant 0 : index
    %get3A_151 = arith.constant 0 : index
    %get3A_152 = vector.load %arg2[%get3A_150, %get3A_151] : memref<512x128xf32, #tpu.memory_space<vmem>>, vector<512x128xf32>
    %get3A_153 = arith.constant 0 : index
    %get3A_154 = arith.constant 0 : index
    %get3A_155 = vector.load %arg3[%get3A_153, %get3A_154] : memref<1x512xf32, #tpu.memory_space<vmem>>, vector<1x512xf32>
    %get3A_156 = arith.constant 0 : index
    %get3A_157 = arith.constant 0 : index
    %get3A_158 = vector.load %arg4[%get3A_156, %get3A_157] : memref<1x512xf32, #tpu.memory_space<vmem>>, vector<1x512xf32>
    %dot_general3A_159 = arith.constant dense<0.000000e+00> : vector<1x512xf32>
    %dot_general3A_160 = tpu.matmul %slice3A_146, %get3A_149, %dot_general3A_159 {dimension_numbers = #tpu.dot_dimension_numbers<[1], [1], [0], [0], [0, 0, 1, 0], [], []>, transpose_lhs_hint = false} : vector<1x128xf32>, vector<512x128xf32>, vector<1x512xf32> -> vector<1x512xf32>
    %dot_general3A_161 = arith.constant dense<0.000000e+00> : vector<1x512xf32>
    %dot_general3A_162 = tpu.matmul %mul3A_145, %get3A_152, %dot_general3A_161 {dimension_numbers = #tpu.dot_dimension_numbers<[1], [1], [0], [0], [0, 0, 1, 0], [], []>, transpose_lhs_hint = false} : vector<1x128xf32>, vector<512x128xf32>, vector<1x512xf32> -> vector<1x512xf32>
    %add3A_163 = arith.addf %dot_general3A_160, %dot_general3A_162 : vector<1x512xf32>
    %add3A_164 = arith.addf %add3A_163, %get3A_155 : vector<1x512xf32>
    %add3A_165 = arith.addf %add3A_164, %get3A_158 : vector<1x512xf32>
    %slice3A_166 = vector.extract_strided_slice %add3A_165 {offsets = [0, 0], sizes = [1, 128], strides = [1, 1]} : vector<1x512xf32> to vector<1x128xf32>
    %logistic3A_167 = arith.negf %slice3A_166 : vector<1x128xf32>
    %logistic3A_168 = math.exp %logistic3A_167 : vector<1x128xf32>
    %logistic3A_169 = arith.constant 1.000000e+00 : f32
    %logistic3A_170 = vector.broadcast %logistic3A_169 : f32 to vector<1x128xf32>
    %logistic3A_171 = arith.addf %logistic3A_170, %logistic3A_168 : vector<1x128xf32>
    %logistic3A_172 = arith.divf %logistic3A_170, %logistic3A_171 : vector<1x128xf32>
    %slice3A_173 = vector.extract_strided_slice %add3A_165 {offsets = [0, 128], sizes = [1, 128], strides = [1, 1]} : vector<1x512xf32> to vector<1x128xf32>
    %logistic3A_174 = arith.negf %slice3A_173 : vector<1x128xf32>
    %logistic3A_175 = math.exp %logistic3A_174 : vector<1x128xf32>
    %logistic3A_176 = arith.constant 1.000000e+00 : f32
    %logistic3A_177 = vector.broadcast %logistic3A_176 : f32 to vector<1x128xf32>
    %logistic3A_178 = arith.addf %logistic3A_177, %logistic3A_175 : vector<1x128xf32>
    %logistic3A_179 = arith.divf %logistic3A_177, %logistic3A_178 : vector<1x128xf32>
    %slice3A_180 = vector.extract_strided_slice %add3A_165 {offsets = [0, 256], sizes = [1, 128], strides = [1, 1]} : vector<1x512xf32> to vector<1x128xf32>
    %tanh3A_181 = math.tanh %slice3A_180 : vector<1x128xf32>
    %slice3A_182 = vector.extract_strided_slice %add3A_165 {offsets = [0, 384], sizes = [1, 128], strides = [1, 1]} : vector<1x512xf32> to vector<1x128xf32>
    %logistic3A_183 = arith.negf %slice3A_182 : vector<1x128xf32>
    %logistic3A_184 = math.exp %logistic3A_183 : vector<1x128xf32>
    %logistic3A_185 = arith.constant 1.000000e+00 : f32
    %logistic3A_186 = vector.broadcast %logistic3A_185 : f32 to vector<1x128xf32>
    %logistic3A_187 = arith.addf %logistic3A_186, %logistic3A_184 : vector<1x128xf32>
    %logistic3A_188 = arith.divf %logistic3A_186, %logistic3A_187 : vector<1x128xf32>
    %mul3A_189 = arith.mulf %logistic3A_179, %add3A_143 : vector<1x128xf32>
    %mul3A_190 = arith.mulf %logistic3A_172, %tanh3A_181 : vector<1x128xf32>
    %add3A_191 = arith.addf %mul3A_189, %mul3A_190 : vector<1x128xf32>
    %tanh3A_192 = math.tanh %add3A_191 : vector<1x128xf32>
    %mul3A_193 = arith.mulf %logistic3A_188, %tanh3A_192 : vector<1x128xf32>
    %broadcast_in_dim3A_194 = arith.constant 0.000000e+00 : f32
    %broadcast_in_dim3A_195 = vector.broadcast %broadcast_in_dim3A_194 : f32 to vector<1x128xf32>
    %broadcast_in_dim3A_196 = arith.constant 0.000000e+00 : f32
    %broadcast_in_dim3A_197 = vector.broadcast %broadcast_in_dim3A_196 : f32 to vector<1x128xf32>
    %get3A_198 = arith.constant 0 : index
    %get3A_199 = arith.constant 0 : index
    %get3A_200 = vector.load %arg5[%get3A_198, %get3A_199] : memref<512x128xf32, #tpu.memory_space<vmem>>, vector<512x128xf32>
    %get3A_201 = arith.constant 0 : index
    %get3A_202 = arith.constant 0 : index
    %get3A_203 = vector.load %arg6[%get3A_201, %get3A_202] : memref<512x128xf32, #tpu.memory_space<vmem>>, vector<512x128xf32>
    %get3A_204 = arith.constant 0 : index
    %get3A_205 = arith.constant 0 : index
    %get3A_206 = vector.load %arg7[%get3A_204, %get3A_205] : memref<1x512xf32, #tpu.memory_space<vmem>>, vector<1x512xf32>
    %get3A_207 = arith.constant 0 : index
    %get3A_208 = arith.constant 0 : index
    %get3A_209 = vector.load %arg8[%get3A_207, %get3A_208] : memref<1x512xf32, #tpu.memory_space<vmem>>, vector<1x512xf32>
    %dot_general3A_210 = arith.constant dense<0.000000e+00> : vector<1x512xf32>
    %dot_general3A_211 = tpu.matmul %mul3A_49, %get3A_200, %dot_general3A_210 {dimension_numbers = #tpu.dot_dimension_numbers<[1], [1], [0], [0], [0, 0, 1, 0], [], []>, transpose_lhs_hint = false} : vector<1x128xf32>, vector<512x128xf32>, vector<1x512xf32> -> vector<1x512xf32>
    %dot_general3A_212 = arith.constant dense<0.000000e+00> : vector<1x512xf32>
    %dot_general3A_213 = tpu.matmul %broadcast_in_dim3A_195, %get3A_203, %dot_general3A_212 {dimension_numbers = #tpu.dot_dimension_numbers<[1], [1], [0], [0], [0, 0, 1, 0], [], []>, transpose_lhs_hint = false} : vector<1x128xf32>, vector<512x128xf32>, vector<1x512xf32> -> vector<1x512xf32>
    %add3A_214 = arith.addf %dot_general3A_211, %dot_general3A_213 : vector<1x512xf32>
    %add3A_215 = arith.addf %add3A_214, %get3A_206 : vector<1x512xf32>
    %add3A_216 = arith.addf %add3A_215, %get3A_209 : vector<1x512xf32>
    %slice3A_217 = vector.extract_strided_slice %add3A_216 {offsets = [0, 0], sizes = [1, 128], strides = [1, 1]} : vector<1x512xf32> to vector<1x128xf32>
    %logistic3A_218 = arith.negf %slice3A_217 : vector<1x128xf32>
    %logistic3A_219 = math.exp %logistic3A_218 : vector<1x128xf32>
    %logistic3A_220 = arith.constant 1.000000e+00 : f32
    %logistic3A_221 = vector.broadcast %logistic3A_220 : f32 to vector<1x128xf32>
    %logistic3A_222 = arith.addf %logistic3A_221, %logistic3A_219 : vector<1x128xf32>
    %logistic3A_223 = arith.divf %logistic3A_221, %logistic3A_222 : vector<1x128xf32>
    %slice3A_224 = vector.extract_strided_slice %add3A_216 {offsets = [0, 128], sizes = [1, 128], strides = [1, 1]} : vector<1x512xf32> to vector<1x128xf32>
    %logistic3A_225 = arith.negf %slice3A_224 : vector<1x128xf32>
    %logistic3A_226 = math.exp %logistic3A_225 : vector<1x128xf32>
    %logistic3A_227 = arith.constant 1.000000e+00 : f32
    %logistic3A_228 = vector.broadcast %logistic3A_227 : f32 to vector<1x128xf32>
    %logistic3A_229 = arith.addf %logistic3A_228, %logistic3A_226 : vector<1x128xf32>
    %logistic3A_230 = arith.divf %logistic3A_228, %logistic3A_229 : vector<1x128xf32>
    %slice3A_231 = vector.extract_strided_slice %add3A_216 {offsets = [0, 256], sizes = [1, 128], strides = [1, 1]} : vector<1x512xf32> to vector<1x128xf32>
    %tanh3A_232 = math.tanh %slice3A_231 : vector<1x128xf32>
    %slice3A_233 = vector.extract_strided_slice %add3A_216 {offsets = [0, 384], sizes = [1, 128], strides = [1, 1]} : vector<1x512xf32> to vector<1x128xf32>
    %logistic3A_234 = arith.negf %slice3A_233 : vector<1x128xf32>
    %logistic3A_235 = math.exp %logistic3A_234 : vector<1x128xf32>
    %logistic3A_236 = arith.constant 1.000000e+00 : f32
    %logistic3A_237 = vector.broadcast %logistic3A_236 : f32 to vector<1x128xf32>
    %logistic3A_238 = arith.addf %logistic3A_237, %logistic3A_235 : vector<1x128xf32>
    %logistic3A_239 = arith.divf %logistic3A_237, %logistic3A_238 : vector<1x128xf32>
    %mul3A_240 = arith.mulf %logistic3A_230, %broadcast_in_dim3A_197 : vector<1x128xf32>
    %mul3A_241 = arith.mulf %logistic3A_223, %tanh3A_232 : vector<1x128xf32>
    %add3A_242 = arith.addf %mul3A_240, %mul3A_241 : vector<1x128xf32>
    %tanh3A_243 = math.tanh %add3A_242 : vector<1x128xf32>
    %mul3A_244 = arith.mulf %logistic3A_239, %tanh3A_243 : vector<1x128xf32>
    %get3A_245 = arith.constant 0 : index
    %get3A_246 = arith.constant 0 : index
    %get3A_247 = vector.load %arg5[%get3A_245, %get3A_246] : memref<512x128xf32, #tpu.memory_space<vmem>>, vector<512x128xf32>
    %get3A_248 = arith.constant 0 : index
    %get3A_249 = arith.constant 0 : index
    %get3A_250 = vector.load %arg6[%get3A_248, %get3A_249] : memref<512x128xf32, #tpu.memory_space<vmem>>, vector<512x128xf32>
    %get3A_251 = arith.constant 0 : index
    %get3A_252 = arith.constant 0 : index
    %get3A_253 = vector.load %arg7[%get3A_251, %get3A_252] : memref<1x512xf32, #tpu.memory_space<vmem>>, vector<1x512xf32>
    %get3A_254 = arith.constant 0 : index
    %get3A_255 = arith.constant 0 : index
    %get3A_256 = vector.load %arg8[%get3A_254, %get3A_255] : memref<1x512xf32, #tpu.memory_space<vmem>>, vector<1x512xf32>
    %dot_general3A_257 = arith.constant dense<0.000000e+00> : vector<1x512xf32>
    %dot_general3A_258 = tpu.matmul %mul3A_97, %get3A_247, %dot_general3A_257 {dimension_numbers = #tpu.dot_dimension_numbers<[1], [1], [0], [0], [0, 0, 1, 0], [], []>, transpose_lhs_hint = false} : vector<1x128xf32>, vector<512x128xf32>, vector<1x512xf32> -> vector<1x512xf32>
    %dot_general3A_259 = arith.constant dense<0.000000e+00> : vector<1x512xf32>
    %dot_general3A_260 = tpu.matmul %mul3A_244, %get3A_250, %dot_general3A_259 {dimension_numbers = #tpu.dot_dimension_numbers<[1], [1], [0], [0], [0, 0, 1, 0], [], []>, transpose_lhs_hint = false} : vector<1x128xf32>, vector<512x128xf32>, vector<1x512xf32> -> vector<1x512xf32>
    %add3A_261 = arith.addf %dot_general3A_258, %dot_general3A_260 : vector<1x512xf32>
    %add3A_262 = arith.addf %add3A_261, %get3A_253 : vector<1x512xf32>
    %add3A_263 = arith.addf %add3A_262, %get3A_256 : vector<1x512xf32>
    %slice3A_264 = vector.extract_strided_slice %add3A_263 {offsets = [0, 0], sizes = [1, 128], strides = [1, 1]} : vector<1x512xf32> to vector<1x128xf32>
    %logistic3A_265 = arith.negf %slice3A_264 : vector<1x128xf32>
    %logistic3A_266 = math.exp %logistic3A_265 : vector<1x128xf32>
    %logistic3A_267 = arith.constant 1.000000e+00 : f32
    %logistic3A_268 = vector.broadcast %logistic3A_267 : f32 to vector<1x128xf32>
    %logistic3A_269 = arith.addf %logistic3A_268, %logistic3A_266 : vector<1x128xf32>
    %logistic3A_270 = arith.divf %logistic3A_268, %logistic3A_269 : vector<1x128xf32>
    %slice3A_271 = vector.extract_strided_slice %add3A_263 {offsets = [0, 128], sizes = [1, 128], strides = [1, 1]} : vector<1x512xf32> to vector<1x128xf32>
    %logistic3A_272 = arith.negf %slice3A_271 : vector<1x128xf32>
    %logistic3A_273 = math.exp %logistic3A_272 : vector<1x128xf32>
    %logistic3A_274 = arith.constant 1.000000e+00 : f32
    %logistic3A_275 = vector.broadcast %logistic3A_274 : f32 to vector<1x128xf32>
    %logistic3A_276 = arith.addf %logistic3A_275, %logistic3A_273 : vector<1x128xf32>
    %logistic3A_277 = arith.divf %logistic3A_275, %logistic3A_276 : vector<1x128xf32>
    %slice3A_278 = vector.extract_strided_slice %add3A_263 {offsets = [0, 256], sizes = [1, 128], strides = [1, 1]} : vector<1x512xf32> to vector<1x128xf32>
    %tanh3A_279 = math.tanh %slice3A_278 : vector<1x128xf32>
    %slice3A_280 = vector.extract_strided_slice %add3A_263 {offsets = [0, 384], sizes = [1, 128], strides = [1, 1]} : vector<1x512xf32> to vector<1x128xf32>
    %logistic3A_281 = arith.negf %slice3A_280 : vector<1x128xf32>
    %logistic3A_282 = math.exp %logistic3A_281 : vector<1x128xf32>
    %logistic3A_283 = arith.constant 1.000000e+00 : f32
    %logistic3A_284 = vector.broadcast %logistic3A_283 : f32 to vector<1x128xf32>
    %logistic3A_285 = arith.addf %logistic3A_284, %logistic3A_282 : vector<1x128xf32>
    %logistic3A_286 = arith.divf %logistic3A_284, %logistic3A_285 : vector<1x128xf32>
    %mul3A_287 = arith.mulf %logistic3A_277, %add3A_242 : vector<1x128xf32>
    %mul3A_288 = arith.mulf %logistic3A_270, %tanh3A_279 : vector<1x128xf32>
    %add3A_289 = arith.addf %mul3A_287, %mul3A_288 : vector<1x128xf32>
    %tanh3A_290 = math.tanh %add3A_289 : vector<1x128xf32>
    %mul3A_291 = arith.mulf %logistic3A_286, %tanh3A_290 : vector<1x128xf32>
    %get3A_292 = arith.constant 0 : index
    %get3A_293 = arith.constant 0 : index
    %get3A_294 = vector.load %arg5[%get3A_292, %get3A_293] : memref<512x128xf32, #tpu.memory_space<vmem>>, vector<512x128xf32>
    %get3A_295 = arith.constant 0 : index
    %get3A_296 = arith.constant 0 : index
    %get3A_297 = vector.load %arg6[%get3A_295, %get3A_296] : memref<512x128xf32, #tpu.memory_space<vmem>>, vector<512x128xf32>
    %get3A_298 = arith.constant 0 : index
    %get3A_299 = arith.constant 0 : index
    %get3A_300 = vector.load %arg7[%get3A_298, %get3A_299] : memref<1x512xf32, #tpu.memory_space<vmem>>, vector<1x512xf32>
    %get3A_301 = arith.constant 0 : index
    %get3A_302 = arith.constant 0 : index
    %get3A_303 = vector.load %arg8[%get3A_301, %get3A_302] : memref<1x512xf32, #tpu.memory_space<vmem>>, vector<1x512xf32>
    %dot_general3A_304 = arith.constant dense<0.000000e+00> : vector<1x512xf32>
    %dot_general3A_305 = tpu.matmul %mul3A_145, %get3A_294, %dot_general3A_304 {dimension_numbers = #tpu.dot_dimension_numbers<[1], [1], [0], [0], [0, 0, 1, 0], [], []>, transpose_lhs_hint = false} : vector<1x128xf32>, vector<512x128xf32>, vector<1x512xf32> -> vector<1x512xf32>
    %dot_general3A_306 = arith.constant dense<0.000000e+00> : vector<1x512xf32>
    %dot_general3A_307 = tpu.matmul %mul3A_291, %get3A_297, %dot_general3A_306 {dimension_numbers = #tpu.dot_dimension_numbers<[1], [1], [0], [0], [0, 0, 1, 0], [], []>, transpose_lhs_hint = false} : vector<1x128xf32>, vector<512x128xf32>, vector<1x512xf32> -> vector<1x512xf32>
    %add3A_308 = arith.addf %dot_general3A_305, %dot_general3A_307 : vector<1x512xf32>
    %add3A_309 = arith.addf %add3A_308, %get3A_300 : vector<1x512xf32>
    %add3A_310 = arith.addf %add3A_309, %get3A_303 : vector<1x512xf32>
    %slice3A_311 = vector.extract_strided_slice %add3A_310 {offsets = [0, 0], sizes = [1, 128], strides = [1, 1]} : vector<1x512xf32> to vector<1x128xf32>
    %logistic3A_312 = arith.negf %slice3A_311 : vector<1x128xf32>
    %logistic3A_313 = math.exp %logistic3A_312 : vector<1x128xf32>
    %logistic3A_314 = arith.constant 1.000000e+00 : f32
    %logistic3A_315 = vector.broadcast %logistic3A_314 : f32 to vector<1x128xf32>
    %logistic3A_316 = arith.addf %logistic3A_315, %logistic3A_313 : vector<1x128xf32>
    %logistic3A_317 = arith.divf %logistic3A_315, %logistic3A_316 : vector<1x128xf32>
    %slice3A_318 = vector.extract_strided_slice %add3A_310 {offsets = [0, 128], sizes = [1, 128], strides = [1, 1]} : vector<1x512xf32> to vector<1x128xf32>
    %logistic3A_319 = arith.negf %slice3A_318 : vector<1x128xf32>
    %logistic3A_320 = math.exp %logistic3A_319 : vector<1x128xf32>
    %logistic3A_321 = arith.constant 1.000000e+00 : f32
    %logistic3A_322 = vector.broadcast %logistic3A_321 : f32 to vector<1x128xf32>
    %logistic3A_323 = arith.addf %logistic3A_322, %logistic3A_320 : vector<1x128xf32>
    %logistic3A_324 = arith.divf %logistic3A_322, %logistic3A_323 : vector<1x128xf32>
    %slice3A_325 = vector.extract_strided_slice %add3A_310 {offsets = [0, 256], sizes = [1, 128], strides = [1, 1]} : vector<1x512xf32> to vector<1x128xf32>
    %tanh3A_326 = math.tanh %slice3A_325 : vector<1x128xf32>
    %slice3A_327 = vector.extract_strided_slice %add3A_310 {offsets = [0, 384], sizes = [1, 128], strides = [1, 1]} : vector<1x512xf32> to vector<1x128xf32>
    %logistic3A_328 = arith.negf %slice3A_327 : vector<1x128xf32>
    %logistic3A_329 = math.exp %logistic3A_328 : vector<1x128xf32>
    %logistic3A_330 = arith.constant 1.000000e+00 : f32
    %logistic3A_331 = vector.broadcast %logistic3A_330 : f32 to vector<1x128xf32>
    %logistic3A_332 = arith.addf %logistic3A_331, %logistic3A_329 : vector<1x128xf32>
    %logistic3A_333 = arith.divf %logistic3A_331, %logistic3A_332 : vector<1x128xf32>
    %mul3A_334 = arith.mulf %logistic3A_324, %add3A_289 : vector<1x128xf32>
    %mul3A_335 = arith.mulf %logistic3A_317, %tanh3A_326 : vector<1x128xf32>
    %add3A_336 = arith.addf %mul3A_334, %mul3A_335 : vector<1x128xf32>
    %tanh3A_337 = math.tanh %add3A_336 : vector<1x128xf32>
    %mul3A_338 = arith.mulf %logistic3A_333, %tanh3A_337 : vector<1x128xf32>
    %get3A_339 = arith.constant 0 : index
    %get3A_340 = arith.constant 0 : index
    %get3A_341 = vector.load %arg5[%get3A_339, %get3A_340] : memref<512x128xf32, #tpu.memory_space<vmem>>, vector<512x128xf32>
    %get3A_342 = arith.constant 0 : index
    %get3A_343 = arith.constant 0 : index
    %get3A_344 = vector.load %arg6[%get3A_342, %get3A_343] : memref<512x128xf32, #tpu.memory_space<vmem>>, vector<512x128xf32>
    %get3A_345 = arith.constant 0 : index
    %get3A_346 = arith.constant 0 : index
    %get3A_347 = vector.load %arg7[%get3A_345, %get3A_346] : memref<1x512xf32, #tpu.memory_space<vmem>>, vector<1x512xf32>
    %get3A_348 = arith.constant 0 : index
    %get3A_349 = arith.constant 0 : index
    %get3A_350 = vector.load %arg8[%get3A_348, %get3A_349] : memref<1x512xf32, #tpu.memory_space<vmem>>, vector<1x512xf32>
    %dot_general3A_351 = arith.constant dense<0.000000e+00> : vector<1x512xf32>
    %dot_general3A_352 = tpu.matmul %mul3A_193, %get3A_341, %dot_general3A_351 {dimension_numbers = #tpu.dot_dimension_numbers<[1], [1], [0], [0], [0, 0, 1, 0], [], []>, transpose_lhs_hint = false} : vector<1x128xf32>, vector<512x128xf32>, vector<1x512xf32> -> vector<1x512xf32>
    %dot_general3A_353 = arith.constant dense<0.000000e+00> : vector<1x512xf32>
    %dot_general3A_354 = tpu.matmul %mul3A_338, %get3A_344, %dot_general3A_353 {dimension_numbers = #tpu.dot_dimension_numbers<[1], [1], [0], [0], [0, 0, 1, 0], [], []>, transpose_lhs_hint = false} : vector<1x128xf32>, vector<512x128xf32>, vector<1x512xf32> -> vector<1x512xf32>
    %add3A_355 = arith.addf %dot_general3A_352, %dot_general3A_354 : vector<1x512xf32>
    %add3A_356 = arith.addf %add3A_355, %get3A_347 : vector<1x512xf32>
    %add3A_357 = arith.addf %add3A_356, %get3A_350 : vector<1x512xf32>
    %slice3A_358 = vector.extract_strided_slice %add3A_357 {offsets = [0, 0], sizes = [1, 128], strides = [1, 1]} : vector<1x512xf32> to vector<1x128xf32>
    %logistic3A_359 = arith.negf %slice3A_358 : vector<1x128xf32>
    %logistic3A_360 = math.exp %logistic3A_359 : vector<1x128xf32>
    %logistic3A_361 = arith.constant 1.000000e+00 : f32
    %logistic3A_362 = vector.broadcast %logistic3A_361 : f32 to vector<1x128xf32>
    %logistic3A_363 = arith.addf %logistic3A_362, %logistic3A_360 : vector<1x128xf32>
    %logistic3A_364 = arith.divf %logistic3A_362, %logistic3A_363 : vector<1x128xf32>
    %slice3A_365 = vector.extract_strided_slice %add3A_357 {offsets = [0, 128], sizes = [1, 128], strides = [1, 1]} : vector<1x512xf32> to vector<1x128xf32>
    %logistic3A_366 = arith.negf %slice3A_365 : vector<1x128xf32>
    %logistic3A_367 = math.exp %logistic3A_366 : vector<1x128xf32>
    %logistic3A_368 = arith.constant 1.000000e+00 : f32
    %logistic3A_369 = vector.broadcast %logistic3A_368 : f32 to vector<1x128xf32>
    %logistic3A_370 = arith.addf %logistic3A_369, %logistic3A_367 : vector<1x128xf32>
    %logistic3A_371 = arith.divf %logistic3A_369, %logistic3A_370 : vector<1x128xf32>
    %slice3A_372 = vector.extract_strided_slice %add3A_357 {offsets = [0, 256], sizes = [1, 128], strides = [1, 1]} : vector<1x512xf32> to vector<1x128xf32>
    %tanh3A_373 = math.tanh %slice3A_372 : vector<1x128xf32>
    %slice3A_374 = vector.extract_strided_slice %add3A_357 {offsets = [0, 384], sizes = [1, 128], strides = [1, 1]} : vector<1x512xf32> to vector<1x128xf32>
    %logistic3A_375 = arith.negf %slice3A_374 : vector<1x128xf32>
    %logistic3A_376 = math.exp %logistic3A_375 : vector<1x128xf32>
    %logistic3A_377 = arith.constant 1.000000e+00 : f32
    %logistic3A_378 = vector.broadcast %logistic3A_377 : f32 to vector<1x128xf32>
    %logistic3A_379 = arith.addf %logistic3A_378, %logistic3A_376 : vector<1x128xf32>
    %logistic3A_380 = arith.divf %logistic3A_378, %logistic3A_379 : vector<1x128xf32>
    %mul3A_381 = arith.mulf %logistic3A_371, %add3A_336 : vector<1x128xf32>
    %mul3A_382 = arith.mulf %logistic3A_364, %tanh3A_373 : vector<1x128xf32>
    %add3A_383 = arith.addf %mul3A_381, %mul3A_382 : vector<1x128xf32>
    %tanh3A_384 = math.tanh %add3A_383 : vector<1x128xf32>
    %mul3A_385 = arith.mulf %logistic3A_380, %tanh3A_384 : vector<1x128xf32>
    %get3A_386 = arith.constant 0 : index
    %get3A_387 = arith.constant 0 : index
    %get3A_388 = vector.load %arg9[%get3A_386, %get3A_387] : memref<128x128xf32, #tpu.memory_space<vmem>>, vector<128x128xf32>
    %dot_general3A_389 = arith.constant dense<0.000000e+00> : vector<1x128xf32>
    %dot_general3A_390 = tpu.matmul %mul3A_385, %get3A_388, %dot_general3A_389 {dimension_numbers = #tpu.dot_dimension_numbers<[1], [1], [0], [0], [0, 0, 1, 0], [], []>, transpose_lhs_hint = false} : vector<1x128xf32>, vector<128x128xf32>, vector<1x128xf32> -> vector<1x128xf32>
    %get3A_391 = arith.constant 0 : index
    %get3A_392 = arith.constant 0 : index
    %get3A_393 = vector.load %arg10[%get3A_391, %get3A_392] : memref<1x128xf32, #tpu.memory_space<vmem>>, vector<1x128xf32>
    %add3A_394 = arith.addf %dot_general3A_390, %get3A_393 : vector<1x128xf32>
    %logistic3A_395 = arith.negf %add3A_394 : vector<1x128xf32>
    %logistic3A_396 = math.exp %logistic3A_395 : vector<1x128xf32>
    %logistic3A_397 = arith.constant 1.000000e+00 : f32
    %logistic3A_398 = vector.broadcast %logistic3A_397 : f32 to vector<1x128xf32>
    %logistic3A_399 = arith.addf %logistic3A_398, %logistic3A_396 : vector<1x128xf32>
    %logistic3A_400 = arith.divf %logistic3A_398, %logistic3A_399 : vector<1x128xf32>
    %mul3A_401 = arith.mulf %add3A_394, %logistic3A_400 : vector<1x128xf32>
    %get3A_402 = arith.constant 0 : index
    %get3A_403 = arith.constant 0 : index
    %get3A_404 = vector.load %arg11[%get3A_402, %get3A_403] : memref<64x128xf32, #tpu.memory_space<vmem>>, vector<64x128xf32>
    %dot_general3A_405 = arith.constant dense<0.000000e+00> : vector<1x64xf32>
    %dot_general3A_406 = tpu.matmul %mul3A_401, %get3A_404, %dot_general3A_405 {dimension_numbers = #tpu.dot_dimension_numbers<[1], [1], [0], [0], [0, 0, 1, 0], [], []>, transpose_lhs_hint = false} : vector<1x128xf32>, vector<64x128xf32>, vector<1x64xf32> -> vector<1x64xf32>
    %get3A_407 = arith.constant 0 : index
    %get3A_408 = arith.constant 0 : index
    %get3A_409 = vector.load %arg12[%get3A_407, %get3A_408] : memref<1x64xf32, #tpu.memory_space<vmem>>, vector<1x64xf32>
    %add3A_410 = arith.addf %dot_general3A_406, %get3A_409 : vector<1x64xf32>
    %logistic3A_411 = arith.negf %add3A_410 : vector<1x64xf32>
    %logistic3A_412 = math.exp %logistic3A_411 : vector<1x64xf32>
    %logistic3A_413 = arith.constant 1.000000e+00 : f32
    %logistic3A_414 = vector.broadcast %logistic3A_413 : f32 to vector<1x64xf32>
    %logistic3A_415 = arith.addf %logistic3A_414, %logistic3A_412 : vector<1x64xf32>
    %logistic3A_416 = arith.divf %logistic3A_414, %logistic3A_415 : vector<1x64xf32>
    %mul3A_417 = arith.mulf %add3A_410, %logistic3A_416 : vector<1x64xf32>
    %get3A_418 = arith.constant 0 : index
    %get3A_419 = arith.constant 0 : index
    %get3A_420 = vector.load %arg13[%get3A_418, %get3A_419] : memref<128x64xf32, #tpu.memory_space<vmem>>, vector<128x64xf32>
    %dot_general3A_421 = arith.constant dense<0.000000e+00> : vector<1x128xf32>
    %dot_general3A_422 = tpu.matmul %mul3A_417, %get3A_420, %dot_general3A_421 {dimension_numbers = #tpu.dot_dimension_numbers<[1], [1], [0], [0], [0, 0, 1, 0], [], []>, transpose_lhs_hint = false} : vector<1x64xf32>, vector<128x64xf32>, vector<1x128xf32> -> vector<1x128xf32>
    %get3A_423 = arith.constant 0 : index
    %get3A_424 = arith.constant 0 : index
    %get3A_425 = vector.load %arg14[%get3A_423, %get3A_424] : memref<1x128xf32, #tpu.memory_space<vmem>>, vector<1x128xf32>
    %add3A_426 = arith.addf %dot_general3A_422, %get3A_425 : vector<1x128xf32>
    %max3A = arith.constant 0.000000e+00 : f32
    %max3A_427 = vector.broadcast %max3A : f32 to vector<1x128xf32>
    %max3A_428 = arith.maximumf %add3A_426, %max3A_427 : vector<1x128xf32>
    %abs3A = math.absf %add3A_426 : vector<1x128xf32>
    %neg3A = arith.constant 0.000000e+00 : f32
    %neg3A_429 = vector.broadcast %neg3A : f32 to vector<1x128xf32>
    %neg3A_430 = arith.subf %neg3A_429, %abs3A : vector<1x128xf32>
    %exp3A = math.exp %neg3A_430 : vector<1x128xf32>
    %add3A_431 = arith.constant 1.000000e+00 : f32
    %add3A_432 = vector.broadcast %add3A_431 : f32 to vector<1x128xf32>
    %add3A_433 = arith.addf %add3A_432, %exp3A : vector<1x128xf32>
    %log3A = math.log %add3A_433 : vector<1x128xf32>
    %add3A_434 = arith.addf %max3A_428, %log3A : vector<1x128xf32>
    %add3A_435 = arith.constant 9.99999997E-7 : f32
    %add3A_436 = vector.broadcast %add3A_435 : f32 to vector<1x128xf32>
    %add3A_437 = arith.addf %add3A_434, %add3A_436 : vector<1x128xf32>
    %swap3A = arith.constant 0 : index
    %swap3A_438 = arith.constant 0 : index
    %swap3A_439 = vector.load %arg15[%swap3A, %swap3A_438] : memref<1x128xf32, #tpu.memory_space<vmem>>, vector<1x128xf32>
    tpu.vector_store %arg15[%swap3A, %swap3A_438], %add3A_437 {strides = array<i32>} : memref<1x128xf32, #tpu.memory_space<vmem>>, vector<1x128xf32>,
    return
  }
}

</mosaic_0001>

<sc_bundles>
// kernel: kernel.18.cloned.1.call-start
scs
__scs_entry_jumppad:
0x0: {  	(pc) =	sbr.rel $0x88, $3  }
0x1: {  	(tag) =	ssettag $0x0;
	lr =	simm.s32 $0x1  }
0x2: {  	[smem:$0x3F89] =	sst lr;
	_ =	strace $0xD0000000  }
0x3: {  	_ = 	snop  }
0x4: {  	_ = 	snop  }
0x5: {  	_ = 	snop  }
0x6: {  	_ = 	snop  }
0x7: {  	_ = 	snop  }
__scs_overlays_trampoline_lowered:
0x8: {  	[smem:$0x3F98] =	sst s0  }
0x9: {  	[smem:$0x3F99] =	sst s1  }
0xa: {  	[smem:$0x3F9A] =	sst s2  }
0xb: {  	[smem:$0x3F9B] =	sst s3  }
0xc: {  	[smem:$0x3F9C] =	sst s4  }
0xd: {  	[smem:$0x3F9D] =	sst s5  }
0xe: {  	[smem:$0x3F9E] =	sst s6  }
0xf: {  	[smem:$0x3F9F] =	sst s7  }
0x10: {  	[smem:$0x3FA0] =	sst s8  }
0x11: {  	[smem:$0x3FA1] =	sst s9;
	s0 =	simm.s32 @!p0 $0x0  }
0x12: {  	s1 =	sld [smem:$0x3F87];
	s0 =	simm.s32 @p0 $0x1  }
0x13: {  	[smem:$0x3FA2] =	sst s0;
	s0 =	simm.s32 @!p1 $0x0  }
0x14: {  	s2 =	sld [smem:$0x3F86];
	s0 =	simm.s32 @p1 $0x1  }
0x15: {  	[smem:$0x3FA3] =	sst s0;
	s0 =	simm.s32 @!p2 $0x0  }
0x16: {  	s3 =	sld [smem:$0x3FDB];
	s0 =	simm.s32 @p2 $0x1  }
0x17: {  	s4 =	simm.s32 $0x1BF5;
	[smem:$0x3FA5] =	sst s0  }
0x18: {  	s0 =	sld [smem:$0x3F88];
	_ =	swait.ge [sflag:s4], $0x0  }
0x19: {  	s7 =	sld [smem:$0x3F89]  }
0x1a: {  	s8 =	sadd.s32 $0xFFFFE003, lr  }
0x1b: {  	s9 =	sadd.s32 $0xFFFFFEF7, lr;
	s5 =	simm.s32 $0xFFFFFFFF;
	p2 =	slt.u32 s8, $0xFFFFF086  }
0x1c: {  	p1 =	slt.u32 s9, $0xF7A;
	s5 =	simm.s32 @!p2 $0x0  }
0x1d: {  	s5 =	simm.s32 @p1 $0x1;
	p0 =	seq.s32 s7, s2  }
0x1e: {  	s7 =	smul.u32 @!p0 $0xF7A, s2;
	p2 =	seq.s32 @!p0 s5, $0x0  }
0x1f: {  	s9 =	smul.u32 $0xF7A, s1;
	s8 =	simm.s32 @!p0 $0x1BF5;
	p2 =	por !p2, p0  }
0x20: {  	[sflag:s8] =	ssyncset.s32 @!p0 $0xFFFFF086;
	s6 =	sadd.s32 @!p0 s3, s7;
	s7 =	simm.s32 @!p0 $0x108  }
0x21: {  	s3 =	sadd.s32 s3, s9;
	s6 =	sadd.s32 @!p0 $0x88, s6;
	s7 =	simm.s32 @p2 $0x1082  }
0x22: {  	[simem:s7], [sflag:s8] =	dma.local @!p0 [hbm:s6], $0xF7A  }
0x23: {  	s9 =	sor.u32 $0xD0000000, s2;
	s6 =	simm.s32 $0x108;
	_ =	swait.ge @!p0 [sflag:s8], $0x0  }
0x24: {  	s3 =	sadd.s32 $0x88, s3;
	s6 =	simm.s32 @!p1 $0x1082;
	[sflag:s4] =	ssyncset.s32 $0xFFFFF086  }
0x25: {  	[simem:s6], [sflag:s4] =	dma.local [hbm:s3], $0xF7A  }
0x26: {  	[smem:$0x3F89] =	sst s1;
	(tag) =	ssettag s2;
	_ =	strace s9  }
0x27: {  	s1 =	sld [smem:$0x3F99]  }
0x28: {  	s2 =	sld [smem:$0x3F9A]  }
0x29: {  	s4 =	sld [smem:$0x3F9C]  }
0x2a: {  	p0 =	seq.s32 s5, $0x0;
	s5 =	sld [smem:$0x3F9D]  }
0x2b: {  	s6 =	sld [smem:$0x3F9E]  }
0x2c: {  	s7 =	sld [smem:$0x3F9F]  }
0x2d: {  	s3 =	simm.s32 $0x108;
	s8 =	sld [smem:$0x3FA0]  }
0x2e: {  	s3 =	simm.s32 @!p0 $0x1082;
	s9 =	sld [smem:$0x3FA1]  }
0x2f: {  	lr =	sadd.s32 s0, s3;
	s0 =	sld [smem:$0x3F98]  }
0x30: {  	s3 =	sld [smem:$0x3F9B]  }
0x31: {  	[smem:$0x3FA4] =	sst s10  }
0x32: {  	s10 =	sld [smem:$0x3FA2];
	_ =	sdelay $0x3  }
0x33: {  	p0 =	seq.s32 s10, $0x1;
	s10 =	sld [smem:$0x3FA4];
	_ =	sdelay $0x3  }
0x34: {  	[smem:$0x3FA4] =	sst s10  }
0x35: {  	s10 =	sld [smem:$0x3FA3];
	_ =	sdelay $0x3  }
0x36: {  	p1 =	seq.s32 s10, $0x1;
	s10 =	sld [smem:$0x3FA4];
	_ =	sdelay $0x3  }
0x37: {  	[smem:$0x3FA4] =	sst s10  }
0x38: {  	s10 =	sld [smem:$0x3FA5]  }
0x39: {  	_ = 	snop;
	(pc) =	sbr.ind lr, $3  }
0x3a: {  	_ = 	snop  }
0x3b: {  	_ = 	snop  }
0x3c: {  	p2 =	seq.s32 s10, $0x1;
	s10 =	sld [smem:$0x3FA4]  }
0x3d: {  	_ =	shalt  }
0x3e: {  	_ =	shalt  }
0x3f: {  	_ =	shalt  }
0x40: {  	_ =	shalt  }
0x41: {  	_ =	shalt  }
0x42: {  	_ =	shalt  }
0x43: {  	_ =	shalt  }
0x44: {  	_ =	shalt  }
0x45: {  	_ =	shalt  }
0x46: {  	_ =	shalt  }
0x47: {  	_ =	shalt  }
0x48: {  	_ =	shalt  }
0x49: {  	_ =	shalt  }
0x4a: {  	_ =	shalt  }
0x4b: {  	_ =	shalt  }
0x4c: {  	_ =	shalt  }
0x4d: {  	_ =	shalt  }
0x4e: {  	_ =	shalt  }
0x4f: {  	_ =	shalt  }
0x50: {  	_ =	shalt  }
0x51: {  	_ =	shalt  }
0x52: {  	_ =	shalt  }
0x53: {  	_ =	shalt  }
0x54: {  	_ =	shalt  }
0x55: {  	_ =	shalt  }
0x56: {  	_ =	shalt  }
0x57: {  	_ =	shalt  }
0x58: {  	_ =	shalt  }
0x59: {  	_ =	shalt  }
0x5a: {  	_ =	shalt  }
0x5b: {  	_ =	shalt  }
0x5c: {  	_ =	shalt  }
0x5d: {  	_ =	shalt  }
0x5e: {  	_ =	shalt  }
0x5f: {  	_ =	shalt  }
0x60: {  	_ =	shalt  }
0x61: {  	_ =	shalt  }
0x62: {  	_ =	shalt  }
0x63: {  	_ =	shalt  }
0x64: {  	_ =	shalt  }
0x65: {  	_ =	shalt  }
0x66: {  	_ =	shalt  }
0x67: {  	_ =	shalt  }
0x68: {  	_ =	shalt  }
0x69: {  	_ =	shalt  }
0x6a: {  	_ =	shalt  }
0x6b: {  	_ =	shalt  }
0x6c: {  	_ =	shalt  }
0x6d: {  	_ =	shalt  }
0x6e: {  	_ =	shalt  }
0x6f: {  	_ =	shalt  }
0x70: {  	_ =	shalt  }
0x71: {  	_ =	shalt  }
0x72: {  	_ =	shalt  }
0x73: {  	_ =	shalt  }
0x74: {  	_ =	shalt  }
0x75: {  	_ =	shalt  }
0x76: {  	_ =	shalt  }
0x77: {  	_ =	shalt  }
0x78: {  	_ =	shalt  }
0x79: {  	_ =	shalt  }
0x7a: {  	_ =	shalt  }
0x7b: {  	_ =	shalt  }
0x7c: {  	_ =	shalt  }
0x7d: {  	_ =	shalt  }
0x7e: {  	_ =	shalt  }
0x7f: {  	_ =	shalt  }
0x80: {  	_ =	shalt  }
0x81: {  	_ =	shalt  }
0x82: {  	_ =	shalt  }
0x83: {  	_ =	shalt  }
0x84: {  	_ =	shalt  }
0x85: {  	_ =	shalt  }
0x86: {  	_ =	shalt  }
0x87: {  	_ =	shalt  }
.Lfunc_end0:
.L_simem_size_0:
called_computation_lowered:
.L_overlay_start_0:
0x88: {  	s2 =	sld [smem:$0x3FD9]  }
0x89: {  	s3 =	sld [smem:$0x3FFE];
	_ =	sdelay $0x1  }
0x8a: {  	s1 =	srdreg.scid  }
0x8b: {  	s0 =	sand.u32 $0x1, s1  }
0x8c: {  	s16 =	sshll.u32 s0, $0xA;
	s2 =	sadd.s32 s3, s2  }
0x8d: {  	s2 =	sadd.s32 s2, s16  }
0x8e: {  	[smem:$0x3FB0] =	sst s2  }
0x8f: {  	_ = 	snop  }
0x90: {  	(tm) =	ssettm $0x1  }
0x91: {  	s17 =	sld [smem:$0x3FFB];
	_ =	sdelay $0x3  }
0x92: {  	_ =	strace s17  }
0x93: {  	s2 =	sld [smem:$0x3FFC];
	_ =	sdelay $0x3  }
0x94: {  	_ =	strace s2  }
0x95: {  	s2 =	sld [smem:$0x3FFD];
	_ =	sdelay $0x3  }
0x96: {  	_ =	strace s2  }
0x97: {  	_ =	strace $0x8FFFFFFF  }
0x98: {  	s18 =	sld [smem:$0x3FDB];
	_ =	sdelay $0x1  }
0x99: {  	s19 =	simm.s32 $_scs_section_size  }
0x9a: {  	s4 =	simm.s32 $_size__tile_overlayer_lowered;
	s5 =	simm.s32 $_tile_overlayer_lowered  }
0x9b: {  	s22 =	simm.s32 $0x1BFF;
	s21 =	sshll.u32 s5, $0x1;
	s2 =	sadd.s32 s19, s18  }
0x9c: {  	s6 =	simm.s32 $0x0;
	s20 =	sshll.u32 s4, $0x1;
	s4 =	sadd.s32 s21, s2  }
0x9d: {  	[timem:s6], [sflag:s22] =	dma.local [hbm:s4], s20  }
0x9e: {  	_ =	swait.ge [sflag:s22], s20  }
0x9f: {  	s3 =	ssub.s32 $0x0, s20;
	[sflag:s22] =	ssyncset.done $0x0  }
0xa0: {  	[sflag:s22] =	ssyncadd.s32 s3;
	_ =	sdelay $0x1  }
0xa1: {  	s23 =	simm.s32 $0x1B8B  }
0xa2: {  	_ =	swait.ge [sflag:s23], $0x1  }
0xa3: {  	[sflag:s23] =	ssyncset.done $0x0  }
0xa4: {  	s25 =	simm.s32 $0x1B8E;
	s24 =	sld [smem:$0x3FFE];
	[sflag:s23] =	ssyncadd.s32 $0xFFFFFFFF  }
0xa5: {  	s26 =	simm.s32 $execute0_lowered;
	[smem:$0x3FD2] =	sst s25  }
0xa6: {  	s4 =	sshll.u32 s26, $0x1;
	_ =	strace $0x80000046;
	[dreg:$0x1] =	wrdreg $0xFFFFFFFF  }
0xa7: {  	s28 =	simm.s32 $_size_execute0_lowered;
	s2 =	sadd.s32 s2, s4;
	[dreg:$0x0] =	wrdreg $0x0  }
0xa8: {  	s4 =	sshll.u32 s28, $0x1;
	[dreg:$0x2] =	wrdreg s2  }
0xa9: {  	[dreg:$0x3] =	wrdreg s4  }
0xaa: {  	[dreg:$0x4] =	wrdreg $0xC0  }
0xab: {  	_ =	task [dreg:s6], $0x5FFFF  }
0xac: {  	[dreg:$0x1] =	wrdreg $0xFFFFFFFF  }
0xad: {  	[dreg:$0x0] =	wrdreg $0x60  }
0xae: {  	[dreg:$0x2] =	wrdreg s24  }
0xaf: {  	[dreg:$0x3] =	wrdreg $0x8800  }
0xb0: {  	[dreg:$0x4] =	wrdreg $0x9  }
0xb1: {  	_ =	task.clear_ibuf [dreg:s6], $0x5FFFF;
	_ =	strace $0x90000046  }
0xb2: {  	s29 =	simm.s32 $0x9;
	_ =	strace $0x80000048  }
0xb3: {  	_ =	swait.ge [sflag:s29], $0x1  }
0xb4: {  	[sflag:s29] =	ssyncadd.s32 $0xFFFFFFFF  }
0xb5: {  	_ =	strace $0x90000048  }
0xb6: {  	_ =	sfence  }
0xb7: {  	s30 =	sld [smem:$0x0];
	_ =	sdelay $0x2  }
0xb8: {  	s31 =	sshll.u32 s1, $0xD;
	s1 =	sshrl.u32 s1, $0x2  }
0xb9: {  	s3 =	sand.u32 $0x4000, s31;
	s1 =	sadd.s32 s1, s30  }
0xba: {  	s0 =	sor.u32 s3, s0;
	s1 =	sshll.u32 s1, $0x11  }
0xbb: {  	s0 =	sor.u32 s1, s0  }
0xbc: {  	s0 =	sadd.s32 $0x8F2B, s0  }
0xbd: {  	[sflag:s0] =	ssyncadd.remote.s32 $0x1  }
0xbe: {  	_ =	sfence.sel $0xFFFF  }
0xbf: {  	[dreg:$0x0] =	wrdreg $0xFFFFFFFF;
	(pc) =	sbr.abs _section_cstart, $3  }
0xc0: {  	[dreg:$0x1] =	wrdreg $0xFFFFFFFF  }
0xc1: {  	_ =	task.clear_ibuf [dreg:s6], $0x2FFFF;
	_ =	strace $0x9FFFFFFF  }
0xc2: {  	(tm) =	ssettm $0x7FFFFFFF  }
0xc3: {  	_ =	shalt  }
tec
execute0_lowered:
.L_overlay_start_1:
0x0: {  	(tag) =	ssettag $0x1  }
0x1: {  	s0 =	srdreg.scid;
	s5 =	rddreg [dreg:$0x0]  }
0x2: {  	s2 =	rddreg [dreg:$0x1];
	s4 =	sand.u32 $0x1, s0  }
0x3: {  	s0 =	stileid.u32;
	s6 =	smul.u32 $0x14000, s4  }
0x4: {  	s1 =	rddreg [dreg:$0x2];
	s3 =	simm.s32 $0x0;
	s7 =	smul.u32 $0x1400, s0  }
0x5: {  	s12 =	simm.s32 $0x80;
	[smem:$0x7FF] =	sst s3;
	s8 =	smul.u32 $0x2720, s0  }
0x6: {  	s13 =	simm.s32 $0x0;
	s28 =	smul.u32 $0x27200, s4;
	_ =	strace $0x80000047  }
0x7: {  	s10 =	ssub.s32 $0x2, s4;
	s4 =	sadd.s32 $0x10E00, s5;
	s31 =	sshll.u32 s0, $0x6  }
0x8: {  	s30 =	sshrl.u32 s10, $0x1;
	s6 =	sadd.s32 s7, s6;
	s29 =	sshrl.u32 s8, $0x3  }
0x9: {  	s7 =	sadd.s32 s8, s28;
	s10 =	ssub.s32 s10, s30;
	s11 =	sadd.s32 s8, s2  }
0xa: {  	s6 =	sshrl.u32 s6, $0x3;
	s7 =	sshrl.u32 s7, $0x3;
	s8 =	smax.u32 s10, $0x1  }
0xb: {  	s10 =	sshrl.u32 s11, $0x3;
	s9 =	sadd.s32 s6, s5;
	s6 =	sadd.s32 s29, s5  }
0xc: {  	s11 =	simm.s32 $0x1;
	s7 =	sadd.s32 s7, s5;
	s5 =	sadd.s32 $0xBE00, s6  }
0xd: {  	s6 =	sor.u32 $0x1C01, s31;
	s7 =	sadd.s32 $0x11000, s7;
	s9 =	sadd.s32 $0x6E00, s9  }
.LBB2_1:
0xe: {  	[spmem:s10], [sflag:s6] =	dma.local [hbm:s5], $0x4E4  }
0xf: {  	_ =	swait.ge [sflag:s11], $0x4E4  }
0x10: {  	[sflag:s11] =	ssyncset.done $0x0  }
0x11: {  	[sflag:s11] =	ssyncadd.s32 $0xFFFFFB1C  }
0x12: {  	[tilespmem:s12], [sflag:$0x1] =	stream.linear.gather [hbm4b:s4+s3], $0x800, $0x38;
	[tilespmem:$0x2FA0] =	vst v63  }
0x13: {  	_ =	swait.ge [sflag:s11], $0x800  }
0x14: {  	[sflag:s11] =	ssyncset.done $0x0  }
0x15: {  	[sflag:s11] =	ssyncadd.s32 $0xFFFFF800  }
0x16: {  	s14 =	sadd.s32 $0x0, s9;
	[bflag:$0x0] =	sbarrier.arrive $0xFFFF  }
0x17: {  	[tilespmem:s3], [sflag:$0x1] =	stream.linear.gather [hbm4b:s14+s3], $0x80, $0x38;
	[tilespmem:$0x2FA0] =	vst v63  }
0x18: {  	_ =	swait.ge [sflag:s11], $0x80  }
0x19: {  	[sflag:s11] =	ssyncset.done $0x0  }
0x1a: {  	[sflag:s11] =	ssyncadd.s32 $0xFFFFFF80  }
0x1b: {  	[spmem:s2] =	stream.indirect.scatter.add.f32 [tilespmem:s12], [sflag:$0x1], $0x10, s3, s12, $0xb8;
	[tilespmem:$0x2FA0] =	vst v63  }
0x1c: {  	_ =	swait.ge [sflag:s11], $0x800  }
0x1d: {  	s15 =	simm.s32 $0x20;
	s14 =	simm.s32 $0x10;
	[sflag:s11] =	ssyncset.done $0x0  }
.LBB2_2:
0x1e: {  	s16 =	sadd.s32 s14, s9  }
0x1f: {  	[sflag:s11] =	ssyncadd.s32 $0xFFFFF800;
	s14 =	smov.u32 s15;
	s17 =	sadd.s32 $0x10, s15  }
0x20: {  	[tilespmem:s3], [sflag:$0x1] =	stream.linear.gather [hbm4b:s16+s3], $0x80, $0x38;
	[tilespmem:$0x2FA0] =	vst v63  }
0x21: {  	p0 =	sne.s32 s15, $0x270;
	_ =	swait.ge [sflag:s11], $0x80  }
.Ltmp0:
0x22: {  	[sflag:s11] =	ssyncset.done $0x0;
	(pc) =	sbr.rel @p0 .LBB2_2-.Ltmp0, $4  }
0x23: {  	[sflag:s11] =	ssyncadd.s32 $0xFFFFFF80  }
0x24: {  	[spmem:s2] =	stream.indirect.scatter.add.f32 [tilespmem:s12], [sflag:$0x1], $0x10, s3, s12, $0xb8;
	[tilespmem:$0x2FA0] =	vst v63  }
0x25: {  	_ =	swait.ge [sflag:s11], $0x800  }
0x26: {  	s15 =	smov.u32 s17;
	[sflag:s11] =	ssyncset.done $0x0  }
0x27: {  	s14 =	sadd.s32 s14, s9;
	[sflag:s11] =	ssyncadd.s32 $0xFFFFF800  }
0x28: {  	[tilespmem:s3], [sflag:$0x1] =	stream.linear.gather [hbm4b:s14+s3], $0x80, $0x38;
	[tilespmem:$0x2FA0] =	vst v63  }
0x29: {  	_ =	swait.ge [sflag:s11], $0x80  }
0x2a: {  	[sflag:s11] =	ssyncset.done $0x0  }
0x2b: {  	[sflag:s11] =	ssyncadd.s32 $0xFFFFFF80  }
0x2c: {  	[spmem:s2] =	stream.indirect.scatter.add.f32 [tilespmem:s12], [sflag:$0x1], $0x10, s3, s12, $0xb8;
	[tilespmem:$0x2FA0] =	vst v63  }
0x2d: {  	_ =	swait.ge [sflag:s11], $0x800  }
0x2e: {  	s13 =	sadd.s32 $0x1, s13;
	[sflag:s11] =	ssyncset.done $0x0  }
0x2f: {  	p0 =	sne.s32 s13, s8;
	[sflag:s11] =	ssyncadd.s32 $0xFFFFF800  }
.Ltmp1:
0x30: {  	[bflag:$0x0] =	sbarrier.arrive $0xFFFF;
	(pc) =	sbr.rel @p0 .LBB2_1-.Ltmp1, $4  }
0x31: {  	[hbm:s7], [sflag:s6] =	dma.local [spmem:s10], $0x4E4  }
0x32: {  	_ =	swait.ge [sflag:s11], $0x4E4  }
0x33: {  	[sflag:s11] =	ssyncset.done $0x0  }
0x34: {  	[sflag:s11] =	ssyncadd.s32 $0xFFFFFB1C  }
0x35: {  	_ =	sfence.sel $0x180000  }
0x36: {  	[bflag:$0x0] =	sbarrier.arrive $0xFFFF  }
0x37: {  	p0 =	sne.s32 s0, $0x0;
	_ =	strace $0x90000047  }
0x38: {  	s0 =	sadd.s32 @!p0 $0x100000, s1;
	[bflag:$0x2] =	sbarrier.arrive $0xFFFF  }
0x39: {  	[sflag:s0] =	ssyncadd.tile.s32 @!p0 $0x1;
	_ =	shalt  }
.Lfunc_end2:
_tile_overlayer_lowered:
.L_overlay_start_2:
0x3a: {  	(tag) =	ssettag $0x2  }
0x3b: {  	s0 =	rddreg [dreg:$0x0];
	s2 =	stileid.u32  }
0x3c: {  	s1 =	rddreg [dreg:$0x1];
	p0 =	sne.s32 s2, $0x0  }
0x3d: {  	s3 =	rddreg [dreg:$0x2];
	[bflag:$0x3] =	sbarrier.arrive $0xFFFF;
	s2 =	simm.s32 @!p0 $0x1C01  }
0x3e: {  	[timem:s3], [sflag:s2] =	dma.local @!p0 [hbm:s0], s1  }
0x3f: {  	s0 =	simm.s32 @!p0 $0x1  }
0x40: {  	_ =	swait.ge @!p0 [sflag:s0], s1  }
0x41: {  	s1 =	ssub.s32 @!p0 $0x0, s1;
	[sflag:s0] =	ssyncset.done @!p0 $0x0  }
0x42: {  	[sflag:s0] =	ssyncadd.s32 @!p0 s1  }
0x43: {  	[bflag:$0x3] =	sbarrier.arrive $0xFFFF  }
0x44: {  	_ =	shalt  }

// kernel: kernel.21.cloned.1.call-start
scs
__scs_entry_jumppad:
0x0: {  	(pc) =	sbr.rel $0x88, $3  }
0x1: {  	(tag) =	ssettag $0x0;
	lr =	simm.s32 $0x1  }
0x2: {  	[smem:$0x3F89] =	sst lr;
	_ =	strace $0xD0000000  }
0x3: {  	_ = 	snop  }
0x4: {  	_ = 	snop  }
0x5: {  	_ = 	snop  }
0x6: {  	_ = 	snop  }
0x7: {  	_ = 	snop  }
__scs_overlays_trampoline_lowered:
0x8: {  	[smem:$0x3F98] =	sst s0  }
0x9: {  	[smem:$0x3F99] =	sst s1  }
0xa: {  	[smem:$0x3F9A] =	sst s2  }
0xb: {  	[smem:$0x3F9B] =	sst s3  }
0xc: {  	[smem:$0x3F9C] =	sst s4  }
0xd: {  	[smem:$0x3F9D] =	sst s5  }
0xe: {  	[smem:$0x3F9E] =	sst s6  }
0xf: {  	[smem:$0x3F9F] =	sst s7  }
0x10: {  	[smem:$0x3FA0] =	sst s8  }
0x11: {  	[smem:$0x3FA1] =	sst s9;
	s0 =	simm.s32 @!p0 $0x0  }
0x12: {  	s1 =	sld [smem:$0x3F87];
	s0 =	simm.s32 @p0 $0x1  }
0x13: {  	[smem:$0x3FA2] =	sst s0;
	s0 =	simm.s32 @!p1 $0x0  }
0x14: {  	s2 =	sld [smem:$0x3F86];
	s0 =	simm.s32 @p1 $0x1  }
0x15: {  	[smem:$0x3FA3] =	sst s0;
	s0 =	simm.s32 @!p2 $0x0  }
0x16: {  	s3 =	sld [smem:$0x3FDB];
	s0 =	simm.s32 @p2 $0x1  }
0x17: {  	s4 =	simm.s32 $0x1BF5;
	[smem:$0x3FA5] =	sst s0  }
0x18: {  	s0 =	sld [smem:$0x3F88];
	_ =	swait.ge [sflag:s4], $0x0  }
0x19: {  	s7 =	sld [smem:$0x3F89]  }
0x1a: {  	s8 =	sadd.s32 $0xFFFFE003, lr  }
0x1b: {  	s9 =	sadd.s32 $0xFFFFFEF7, lr;
	s5 =	simm.s32 $0xFFFFFFFF;
	p2 =	slt.u32 s8, $0xFFFFF086  }
0x1c: {  	p1 =	slt.u32 s9, $0xF7A;
	s5 =	simm.s32 @!p2 $0x0  }
0x1d: {  	s5 =	simm.s32 @p1 $0x1;
	p0 =	seq.s32 s7, s2  }
0x1e: {  	s7 =	smul.u32 @!p0 $0xF7A, s2;
	p2 =	seq.s32 @!p0 s5, $0x0  }
0x1f: {  	s9 =	smul.u32 $0xF7A, s1;
	s8 =	simm.s32 @!p0 $0x1BF5;
	p2 =	por !p2, p0  }
0x20: {  	[sflag:s8] =	ssyncset.s32 @!p0 $0xFFFFF086;
	s6 =	sadd.s32 @!p0 s3, s7;
	s7 =	simm.s32 @!p0 $0x108  }
0x21: {  	s3 =	sadd.s32 s3, s9;
	s6 =	sadd.s32 @!p0 $0x88, s6;
	s7 =	simm.s32 @p2 $0x1082  }
0x22: {  	[simem:s7], [sflag:s8] =	dma.local @!p0 [hbm:s6], $0xF7A  }
0x23: {  	s9 =	sor.u32 $0xD0000000, s2;
	s6 =	simm.s32 $0x108;
	_ =	swait.ge @!p0 [sflag:s8], $0x0  }
0x24: {  	s3 =	sadd.s32 $0x88, s3;
	s6 =	simm.s32 @!p1 $0x1082;
	[sflag:s4] =	ssyncset.s32 $0xFFFFF086  }
0x25: {  	[simem:s6], [sflag:s4] =	dma.local [hbm:s3], $0xF7A  }
0x26: {  	[smem:$0x3F89] =	sst s1;
	(tag) =	ssettag s2;
	_ =	strace s9  }
0x27: {  	s1 =	sld [smem:$0x3F99]  }
0x28: {  	s2 =	sld [smem:$0x3F9A]  }
0x29: {  	s4 =	sld [smem:$0x3F9C]  }
0x2a: {  	p0 =	seq.s32 s5, $0x0;
	s5 =	sld [smem:$0x3F9D]  }
0x2b: {  	s6 =	sld [smem:$0x3F9E]  }
0x2c: {  	s7 =	sld [smem:$0x3F9F]  }
0x2d: {  	s3 =	simm.s32 $0x108;
	s8 =	sld [smem:$0x3FA0]  }
0x2e: {  	s3 =	simm.s32 @!p0 $0x1082;
	s9 =	sld [smem:$0x3FA1]  }
0x2f: {  	lr =	sadd.s32 s0, s3;
	s0 =	sld [smem:$0x3F98]  }
0x30: {  	s3 =	sld [smem:$0x3F9B]  }
0x31: {  	[smem:$0x3FA4] =	sst s10  }
0x32: {  	s10 =	sld [smem:$0x3FA2];
	_ =	sdelay $0x3  }
0x33: {  	p0 =	seq.s32 s10, $0x1;
	s10 =	sld [smem:$0x3FA4];
	_ =	sdelay $0x3  }
0x34: {  	[smem:$0x3FA4] =	sst s10  }
0x35: {  	s10 =	sld [smem:$0x3FA3];
	_ =	sdelay $0x3  }
0x36: {  	p1 =	seq.s32 s10, $0x1;
	s10 =	sld [smem:$0x3FA4];
	_ =	sdelay $0x3  }
0x37: {  	[smem:$0x3FA4] =	sst s10  }
0x38: {  	s10 =	sld [smem:$0x3FA5]  }
0x39: {  	_ = 	snop;
	(pc) =	sbr.ind lr, $3  }
0x3a: {  	_ = 	snop  }
0x3b: {  	_ = 	snop  }
0x3c: {  	p2 =	seq.s32 s10, $0x1;
	s10 =	sld [smem:$0x3FA4]  }
0x3d: {  	_ =	shalt  }
0x3e: {  	_ =	shalt  }
0x3f: {  	_ =	shalt  }
0x40: {  	_ =	shalt  }
0x41: {  	_ =	shalt  }
0x42: {  	_ =	shalt  }
0x43: {  	_ =	shalt  }
0x44: {  	_ =	shalt  }
0x45: {  	_ =	shalt  }
0x46: {  	_ =	shalt  }
0x47: {  	_ =	shalt  }
0x48: {  	_ =	shalt  }
0x49: {  	_ =	shalt  }
0x4a: {  	_ =	shalt  }
0x4b: {  	_ =	shalt  }
0x4c: {  	_ =	shalt  }
0x4d: {  	_ =	shalt  }
0x4e: {  	_ =	shalt  }
0x4f: {  	_ =	shalt  }
0x50: {  	_ =	shalt  }
0x51: {  	_ =	shalt  }
0x52: {  	_ =	shalt  }
0x53: {  	_ =	shalt  }
0x54: {  	_ =	shalt  }
0x55: {  	_ =	shalt  }
0x56: {  	_ =	shalt  }
0x57: {  	_ =	shalt  }
0x58: {  	_ =	shalt  }
0x59: {  	_ =	shalt  }
0x5a: {  	_ =	shalt  }
0x5b: {  	_ =	shalt  }
0x5c: {  	_ =	shalt  }
0x5d: {  	_ =	shalt  }
0x5e: {  	_ =	shalt  }
0x5f: {  	_ =	shalt  }
0x60: {  	_ =	shalt  }
0x61: {  	_ =	shalt  }
0x62: {  	_ =	shalt  }
0x63: {  	_ =	shalt  }
0x64: {  	_ =	shalt  }
0x65: {  	_ =	shalt  }
0x66: {  	_ =	shalt  }
0x67: {  	_ =	shalt  }
0x68: {  	_ =	shalt  }
0x69: {  	_ =	shalt  }
0x6a: {  	_ =	shalt  }
0x6b: {  	_ =	shalt  }
0x6c: {  	_ =	shalt  }
0x6d: {  	_ =	shalt  }
0x6e: {  	_ =	shalt  }
0x6f: {  	_ =	shalt  }
0x70: {  	_ =	shalt  }
0x71: {  	_ =	shalt  }
0x72: {  	_ =	shalt  }
0x73: {  	_ =	shalt  }
0x74: {  	_ =	shalt  }
0x75: {  	_ =	shalt  }
0x76: {  	_ =	shalt  }
0x77: {  	_ =	shalt  }
0x78: {  	_ =	shalt  }
0x79: {  	_ =	shalt  }
0x7a: {  	_ =	shalt  }
0x7b: {  	_ =	shalt  }
0x7c: {  	_ =	shalt  }
0x7d: {  	_ =	shalt  }
0x7e: {  	_ =	shalt  }
0x7f: {  	_ =	shalt  }
0x80: {  	_ =	shalt  }
0x81: {  	_ =	shalt  }
0x82: {  	_ =	shalt  }
0x83: {  	_ =	shalt  }
0x84: {  	_ =	shalt  }
0x85: {  	_ =	shalt  }
0x86: {  	_ =	shalt  }
0x87: {  	_ =	shalt  }
.Lfunc_end0:
.L_simem_size_0:
called_computation.1_lowered:
.L_overlay_start_0:
0x88: {  	s2 =	sld [smem:$0x3FD9]  }
0x89: {  	s3 =	sld [smem:$0x3FFE];
	_ =	sdelay $0x1  }
0x8a: {  	s1 =	srdreg.scid  }
0x8b: {  	s0 =	sand.u32 $0x1, s1  }
0x8c: {  	s17 =	sshll.u32 s0, $0xA;
	s2 =	sadd.s32 s3, s2  }
0x8d: {  	s2 =	sadd.s32 s2, s17  }
0x8e: {  	[smem:$0x3FB0] =	sst s2  }
0x8f: {  	_ = 	snop  }
0x90: {  	(tm) =	ssettm $0x1  }
0x91: {  	s18 =	sld [smem:$0x3FFB];
	_ =	sdelay $0x3  }
0x92: {  	_ =	strace s18  }
0x93: {  	s2 =	sld [smem:$0x3FFC];
	_ =	sdelay $0x3  }
0x94: {  	_ =	strace s2  }
0x95: {  	s2 =	sld [smem:$0x3FFD];
	_ =	sdelay $0x3  }
0x96: {  	_ =	strace s2  }
0x97: {  	_ =	strace $0x8FFFFFFF  }
0x98: {  	s19 =	sld [smem:$0x3FDB];
	_ =	sdelay $0x1  }
0x99: {  	s20 =	simm.s32 $_scs_section_size  }
0x9a: {  	s4 =	simm.s32 $_size__tile_overlayer_lowered;
	s5 =	simm.s32 $_tile_overlayer_lowered  }
0x9b: {  	s6 =	simm.s32 $0x1BFF;
	s21 =	sshll.u32 s5, $0x1;
	s3 =	sadd.s32 s20, s19  }
0x9c: {  	s22 =	simm.s32 $0x0;
	s4 =	sshll.u32 s4, $0x1;
	s5 =	sadd.s32 s21, s3  }
0x9d: {  	[timem:s22], [sflag:s6] =	dma.local [hbm:s5], s4  }
0x9e: {  	_ =	swait.ge [sflag:s6], s4  }
0x9f: {  	s4 =	ssub.s32 $0x0, s4;
	[sflag:s6] =	ssyncset.done $0x0  }
0xa0: {  	[sflag:s6] =	ssyncadd.s32 s4;
	_ =	sdelay $0x1  }
0xa1: {  	s23 =	simm.s32 $0x1B8B  }
0xa2: {  	_ =	swait.ge [sflag:s23], $0x1  }
0xa3: {  	[sflag:s23] =	ssyncset.done $0x0  }
0xa4: {  	[sflag:s23] =	ssyncadd.s32 $0xFFFFFFFF  }
0xa5: {  	s4 =	sld [smem:$0x0]  }
0xa6: {  	s5 =	sand.u32 $0xFFFFFFFE, s1  }
0xa7: {  	p0 =	sne.s32 s1, s5  }
0xa8: {  	s5 =	sshll.u32 @p0 s5, $0xE  }
0xa9: {  	s5 =	sadd.s32 @p0 $0x11B8D, s5;
	s6 =	sshll.u32 @p0 s4, $0x11  }
0xaa: {  	s5 =	sor.u32 @p0 s6, s5  }
0xab: {  	[sflag:s5] =	ssyncadd.remote.s32 @p0 $0x1;
	_ =	sdelay $0x1  }
0xac: {  	s5 =	simm.s32 @p0 $0x1B8D  }
0xad: {  	_ =	swait.eq @p0 [sflag:s5], $0x1  }
0xae: {  	[sflag:s5] =	ssyncadd.s32 @p0 $0xFFFFFFFF  }
0xaf: {  	s6 =	sshll.u32 @!p0 s1, $0xE  }
0xb0: {  	s6 =	sor.u32 @!p0 $0x4000, s6;
	s5 =	simm.s32 @!p0 $0x1B8D  }
0xb1: {  	s4 =	sshll.u32 @!p0 s4, $0x11;
	s6 =	sadd.s32 @!p0 $0x11B8D, s6;
	_ =	swait.eq @!p0 [sflag:s5], $0x1  }
0xb2: {  	s4 =	sor.u32 @!p0 s4, s6;
	[sflag:s5] =	ssyncadd.s32 @!p0 $0xFFFFFFFF  }
0xb3: {  	s25 =	simm.s32 $0x1B8E;
	s24 =	sld [smem:$0x3FFE];
	[sflag:s4] =	ssyncadd.remote.s32 @!p0 $0x1  }
0xb4: {  	s26 =	simm.s32 $execute0_lowered;
	[smem:$0x3FD2] =	sst s25  }
0xb5: {  	s5 =	sshll.u32 s26, $0x1;
	_ =	strace $0x8000004C;
	[dreg:$0x1] =	wrdreg $0xFFFFFFFF  }
0xb6: {  	s28 =	simm.s32 $_size_execute0_lowered;
	s3 =	sadd.s32 s3, s5;
	[dreg:$0x0] =	wrdreg $0x0  }
0xb7: {  	s5 =	sshll.u32 s28, $0x1;
	[dreg:$0x2] =	wrdreg s3  }
0xb8: {  	[dreg:$0x3] =	wrdreg s5  }
0xb9: {  	[dreg:$0x4] =	wrdreg $0xC0  }
0xba: {  	_ =	task [dreg:s22], $0x5FFFF  }
0xbb: {  	[dreg:$0x1] =	wrdreg $0xFFFFFFFF  }
0xbc: {  	[dreg:$0x0] =	wrdreg $0x60  }
0xbd: {  	[dreg:$0x2] =	wrdreg s24  }
0xbe: {  	[dreg:$0x3] =	wrdreg $0xC6C00  }
0xbf: {  	[dreg:$0x4] =	wrdreg $0x9  }
0xc0: {  	_ =	task.clear_ibuf [dreg:s22], $0x5FFFF;
	_ =	strace $0x9000004C  }
0xc1: {  	s29 =	simm.s32 $0x9;
	_ =	strace $0x8000004E  }
0xc2: {  	_ =	swait.ge [sflag:s29], $0x1  }
0xc3: {  	[sflag:s29] =	ssyncadd.s32 $0xFFFFFFFF  }
0xc4: {  	_ =	strace $0x9000004E  }
0xc5: {  	_ =	sfence  }
0xc6: {  	s30 =	sld [smem:$0x0];
	_ =	sdelay $0x2  }
0xc7: {  	s31 =	sshll.u32 s1, $0xD;
	s1 =	sshrl.u32 s1, $0x2  }
0xc8: {  	s4 =	sand.u32 $0x4000, s31;
	s1 =	sadd.s32 s1, s30  }
0xc9: {  	s0 =	sor.u32 s4, s0;
	s1 =	sshll.u32 s1, $0x11  }
0xca: {  	s0 =	sor.u32 s1, s0  }
0xcb: {  	s0 =	sadd.s32 $0x8F2B, s0  }
0xcc: {  	[sflag:s0] =	ssyncadd.remote.s32 $0x1  }
0xcd: {  	_ =	sfence.sel $0xFFFF  }
0xce: {  	[dreg:$0x0] =	wrdreg $0xFFFFFFFF;
	(pc) =	sbr.abs _section_cstart, $3  }
0xcf: {  	[dreg:$0x1] =	wrdreg $0xFFFFFFFF  }
0xd0: {  	_ =	task.clear_ibuf [dreg:s22], $0x2FFFF;
	_ =	strace $0x9FFFFFFF  }
0xd1: {  	(tm) =	ssettm $0x7FFFFFFF  }
tec
execute0_lowered:
.L_overlay_start_1:
0x0: {  	(tag) =	ssettag $0x1  }
0x1: {  	s0 =	srdreg.scid;
	s1 =	rddreg [dreg:$0x0]  }
0x2: {  	s12 =	stileid.u32;
	s2 =	rddreg [dreg:$0x1];
	s3 =	simm.s32 $0x0  }
0x3: {  	s10 =	simm.s32 $0x2760;
	s11 =	simm.s32 $0x7;
	s14 =	simm.s32 $0x50  }
0x4: {  	s15 =	simm.s32 $0x4EC0;
	s16 =	simm.s32 $0x76C0;
	s17 =	simm.s32 $0x1  }
0x5: {  	s19 =	simm.s32 $0x9EC0;
	s20 =	simm.s32 $0x2;
	s21 =	simm.s32 $0x27B0  }
0x6: {  	s22 =	simm.s32 $0x4;
	s23 =	simm.s32 $0xF0;
	s5 =	smul.u32 $0x2760, s12  }
0x7: {  	s24 =	simm.s32 $0x3;
	s25 =	simm.s32 $0x2800;
	s8 =	smul.u32 $0x271, s12  }
0x8: {  	s28 =	simm.s32 $0x140;
	s0 =	sand.u32 $0x1, s0;
	s26 =	smul.u32 $0x4E200, s12  }
0x9: {  	s29 =	simm.s32 $0x6;
	s30 =	simm.s32 $0x0;
	s4 =	smul.u32 $0x27600, s0  }
0xa: {  	[smem:$0x7FF] =	sst s3;
	s31 =	sshll.u32 s12, $0x6;
	s6 =	smul.u32 $0x2710, s0  }
0xb: {  	_ =	strace $0x8000004D;
	s0 =	ssub.s32 $0x2, s0;
	s12 =	sor.u32 $0x1C07, s31  }
0xc: {  	s9 =	sshrl.u32 s0, $0x1;
	s4 =	sadd.s32 s5, s4;
	s5 =	sshrl.u32 s5, $0x3  }
0xd: {  	s6 =	sadd.s32 s8, s6;
	s0 =	ssub.s32 s0, s9;
	s8 =	sshrl.u32 s26, $0x2  }
.Ltmp0:
0xe: {  	s26 =	simm.s32 $0x5;
	s7 =	sshrl.u32 s4, $0x3;
	(pc) =	sbr.rel .LBB2_1-.Ltmp0, $4  }
0xf: {  	s4 =	sadd.s32 $0x114200, s1;
	s5 =	sadd.s32 s5, s1;
	s6 =	sshll.u32 s6, $0x4  }
0x10: {  	s13 =	sadd.s32 s8, s2;
	s9 =	smax.u32 s0, $0x1;
	s7 =	sadd.s32 s7, s1  }
0x11: {  	s1 =	sadd.s32 s6, s1;
	s5 =	sadd.s32 $0x1AE00, s5;
	s6 =	sadd.s32 s4, s6  }
0x12: {  	s13 =	sshrl.u32 s13, $0x3;
	s7 =	sadd.s32 $0x1FE00, s7;
	s8 =	sadd.s32 $0x162400, s1  }
.LBB2_4:
0x13: {  	_ =	swait.ge [sflag:s24], $0x2800  }
0x14: {  	[sflag:s24] =	ssyncset.done $0x0  }
0x15: {  	[sflag:s24] =	ssyncadd.s32 $0xFFFFD800  }
0x16: {  	[spmem:s2] =	stream.indirect.scatter.add.f32 [tilespmem:s19], [sflag:$0x6], $0x80, s0, s14, $0xb8;
	[tilespmem:$0x1FF80] =	vst v63  }
0x17: {  	_ =	swait.ge [sflag:s26], $0x2800  }
0x18: {  	[sflag:s26] =	ssyncset.done $0x0  }
0x19: {  	[sflag:s26] =	ssyncadd.s32 $0xFFFFD800  }
0x1a: {  	_ =	swait.ge [sflag:s29], $0x2800  }
0x1b: {  	s30 =	sadd.s32 $0x1, s30;
	[sflag:s29] =	ssyncset.done $0x0  }
0x1c: {  	p0 =	sne.s32 s30, s9;
	[sflag:s29] =	ssyncadd.s32 $0xFFFFD800  }
.Ltmp1:
0x1d: {  	[bflag:$0x0] =	sbarrier.arrive $0xFFFF;
	(pc) =	sbr.rel @!p0 .LBB2_5-.Ltmp1, $4  }
0x1e: {  	[hbm:s8], [sflag:s12] =	dma.local [spmem:s13], $0x2710  }
0x1f: {  	_ =	swait.ge [sflag:s11], $0x2710  }
0x20: {  	[sflag:s11] =	ssyncset.done $0x0  }
0x21: {  	[sflag:s11] =	ssyncadd.s32 $0xFFFFD8F0  }
.LBB2_1:
0x22: {  	[tilespmem:s10], [sflag:$0x7] =	stream.linear.gather [hbm4b:s5+s3], $0x2760, $0x38;
	[tilespmem:$0x1FF80] =	vst v63  }
0x23: {  	_ =	swait.ge [sflag:s11], $0x2760  }
0x24: {  	[sflag:s11] =	ssyncset.done $0x0  }
0x25: {  	[sflag:s11] =	ssyncadd.s32 $0xFFFFD8A0  }
0x26: {  	[spmem:s13], [sflag:s12] =	dma.local [hbm:s6], $0x2710  }
0x27: {  	_ =	swait.ge [sflag:s11], $0x2710  }
0x28: {  	[sflag:s11] =	ssyncset.done $0x0  }
0x29: {  	[sflag:s11] =	ssyncadd.s32 $0xFFFFD8F0  }
0x2a: {  	[tilespmem:s3], [sflag:$0x7] =	stream.linear.gather [hbm4b:s7+s3], $0x2760, $0x38;
	[tilespmem:$0x1FF80] =	vst v63  }
0x2b: {  	_ =	swait.ge [sflag:s11], $0x2760  }
0x2c: {  	[sflag:s11] =	ssyncset.done $0x0  }
0x2d: {  	[sflag:s11] =	ssyncadd.s32 $0xFFFFD8A0  }
0x2e: {  	[bflag:$0x0] =	sbarrier.arrive $0xFFFF  }
0x2f: {  	[tilespmem:s15], [sflag:$0x1] =	stream.indirect.gather [hbm4b:s4+s14], $0x80, s3, s14, $0xb8;
	[tilespmem:$0x1FF80] =	vst v63  }
0x30: {  	_ = 	snop  }
0x31: {  	[tilespmem:s16], [sflag:$0x2] =	stream.indirect.gather [hbm4b:s4+s14], $0x80, s14, s14, $0xb8;
	[tilespmem:$0x1FF80] =	vst v63  }
0x32: {  	_ =	swait.ge [sflag:s17], $0x2800  }
0x33: {  	[sflag:s17] =	ssyncset.done $0x0  }
0x34: {  	[sflag:s17] =	ssyncadd.s32 $0xFFFFD800  }
0x35: {  	[spmem:s2] =	stream.indirect.scatter.add.f32 [tilespmem:s15], [sflag:$0x4], $0x80, s10, s14, $0xb8;
	[tilespmem:$0x1FF80] =	vst v63  }
0x36: {  	s0 =	simm.s32 $0xA0  }
0x37: {  	[tilespmem:s19], [sflag:$0x3] =	stream.indirect.gather [hbm4b:s4+s14], $0x80, s0, s14, $0xb8;
	[tilespmem:$0x1FF80] =	vst v63  }
0x38: {  	_ =	swait.ge [sflag:s20], $0x2800  }
0x39: {  	[sflag:s20] =	ssyncset.done $0x0  }
0x3a: {  	[sflag:s20] =	ssyncadd.s32 $0xFFFFD800  }
0x3b: {  	[spmem:s2] =	stream.indirect.scatter.add.f32 [tilespmem:s16], [sflag:$0x5], $0x80, s21, s14, $0xb8;
	[tilespmem:$0x1FF80] =	vst v63  }
0x3c: {  	_ =	swait.ge [sflag:s22], $0x2800  }
0x3d: {  	[sflag:s22] =	ssyncset.done $0x0  }
0x3e: {  	[sflag:s22] =	ssyncadd.s32 $0xFFFFD800  }
0x3f: {  	[tilespmem:s15], [sflag:$0x1] =	stream.indirect.gather [hbm4b:s4+s14], $0x80, s23, s14, $0xb8;
	[tilespmem:$0x1FF80] =	vst v63  }
0x40: {  	_ =	swait.ge [sflag:s24], $0x2800  }
0x41: {  	[sflag:s24] =	ssyncset.done $0x0  }
0x42: {  	[sflag:s24] =	ssyncadd.s32 $0xFFFFD800  }
0x43: {  	[spmem:s2] =	stream.indirect.scatter.add.f32 [tilespmem:s19], [sflag:$0x6], $0x80, s25, s14, $0xb8;
	[tilespmem:$0x1FF80] =	vst v63  }
0x44: {  	_ =	swait.ge [sflag:s26], $0x2800  }
0x45: {  	[sflag:s26] =	ssyncset.done $0x0  }
0x46: {  	s31 =	simm.s32 $0x0;
	[sflag:s26] =	ssyncadd.s32 $0xFFFFD800  }
0x47: {  	[tilespmem:s16], [sflag:$0x2] =	stream.indirect.gather [hbm4b:s4+s14], $0x80, s28, s14, $0xb8;
	[tilespmem:$0x1FF80] =	vst v63  }
.LBB2_2:
0x48: {  	_ =	swait.ge [sflag:s17], $0x2800  }
0x49: {  	s1 =	sshra.s32 s31, $0x2;
	[sflag:s17] =	ssyncset.done $0x0  }
0x4a: {  	s0 =	sadd.s32 $0x2850, s1;
	[sflag:s17] =	ssyncadd.s32 $0xFFFFD800  }
0x4b: {  	[spmem:s2] =	stream.indirect.scatter.add.f32 [tilespmem:s15], [sflag:$0x4], $0x80, s0, s14, $0xb8;
	[tilespmem:$0x1FF80] =	vst v63  }
0x4c: {  	_ =	swait.ge [sflag:s29], $0x2800  }
0x4d: {  	[sflag:s29] =	ssyncset.done $0x0  }
0x4e: {  	s18 =	sadd.s32 $0x190, s1;
	[sflag:s29] =	ssyncadd.s32 $0xFFFFD800  }
0x4f: {  	[tilespmem:s19], [sflag:$0x3] =	stream.indirect.gather [hbm4b:s4+s14], $0x80, s18, s14, $0xb8;
	[tilespmem:$0x1FF80] =	vst v63  }
0x50: {  	_ =	swait.ge [sflag:s20], $0x2800  }
0x51: {  	p0 =	seq.s32 s31, $0x9600;
	[sflag:s20] =	ssyncset.done $0x0  }
.Ltmp2:
0x52: {  	s18 =	sadd.s32 $0x28A0, s1;
	[sflag:s20] =	ssyncadd.s32 $0xFFFFD800;
	(pc) =	sbr.rel @p0 .LBB2_4-.Ltmp2, $4  }
0x53: {  	[spmem:s2] =	stream.indirect.scatter.add.f32 [tilespmem:s16], [sflag:$0x5], $0x80, s18, s14, $0xb8;
	[tilespmem:$0x1FF80] =	vst v63  }
0x54: {  	_ =	swait.ge [sflag:s22], $0x2800  }
0x55: {  	[sflag:s22] =	ssyncset.done $0x0  }
0x56: {  	s0 =	sadd.s32 $0x28F0, s1;
	[sflag:s22] =	ssyncadd.s32 $0xFFFFD800  }
0x57: {  	s18 =	sadd.s32 $0x1E0, s1  }
0x58: {  	[tilespmem:s15], [sflag:$0x1] =	stream.indirect.gather [hbm4b:s4+s14], $0x80, s18, s14, $0xb8;
	[tilespmem:$0x1FF80] =	vst v63  }
0x59: {  	_ =	swait.ge [sflag:s24], $0x2800  }
0x5a: {  	[sflag:s24] =	ssyncset.done $0x0  }
0x5b: {  	[sflag:s24] =	ssyncadd.s32 $0xFFFFD800  }
0x5c: {  	[spmem:s2] =	stream.indirect.scatter.add.f32 [tilespmem:s19], [sflag:$0x6], $0x80, s0, s14, $0xb8;
	[tilespmem:$0x1FF80] =	vst v63  }
.Ltmp3:
0x5d: {  	_ = 	snop;
	(pc) =	sbr.rel .LBB2_2-.Ltmp3, $4  }
0x5e: {  	_ =	swait.ge [sflag:s26], $0x2800  }
0x5f: {  	[sflag:s26] =	ssyncset.done $0x0  }
0x60: {  	s31 =	sadd.s32 $0x3C0, s31;
	s18 =	sadd.s32 $0x230, s1;
	[sflag:s26] =	ssyncadd.s32 $0xFFFFD800  }
0x61: {  	[tilespmem:s16], [sflag:$0x2] =	stream.indirect.gather [hbm4b:s4+s14], $0x80, s18, s14, $0xb8;
	[tilespmem:$0x1FF80] =	vst v63  }
.LBB2_5:
0x62: {  	_ =	sfence.sel $0x180000  }
0x63: {  	[bflag:$0x0] =	sbarrier.arrive $0xFFFF  }
0x64: {  	_ =	strace $0x9000004D  }
0x65: {  	s0 =	stileid.u32;
	[bflag:$0x2] =	sbarrier.arrive $0xFFFF  }
0x66: {  	p0 =	sne.s32 s0, $0x0;
	s0 =	rddreg [dreg:$0x2]  }
0x67: {  	s0 =	sadd.s32 @!p0 $0x100000, s0  }
0x68: {  	[sflag:s0] =	ssyncadd.tile.s32 @!p0 $0x1;
	_ =	shalt  }
.Lfunc_end2:
_tile_overlayer_lowered:
.L_overlay_start_2:
0x69: {  	(tag) =	ssettag $0x2  }
0x6a: {  	s0 =	rddreg [dreg:$0x0];
	s2 =	stileid.u32  }
0x6b: {  	s1 =	rddreg [dreg:$0x1];
	p0 =	sne.s32 s2, $0x0  }
0x6c: {  	s3 =	rddreg [dreg:$0x2];
	[bflag:$0x3] =	sbarrier.arrive $0xFFFF;
	s2 =	simm.s32 @!p0 $0x1C07  }
0x6d: {  	[timem:s3], [sflag:s2] =	dma.local @!p0 [hbm:s0], s1  }
0x6e: {  	s0 =	simm.s32 @!p0 $0x7  }
0x6f: {  	_ =	swait.ge @!p0 [sflag:s0], s1  }
0x70: {  	s1 =	ssub.s32 @!p0 $0x0, s1;
	[sflag:s0] =	ssyncset.done @!p0 $0x0  }
0x71: {  	[sflag:s0] =	ssyncadd.s32 @!p0 s1  }
0x72: {  	[bflag:$0x3] =	sbarrier.arrive $0xFFFF  }
0x73: {  	_ =	shalt  }

// kernel: kernel.24.cloned.1.call-start
scs
__scs_entry_jumppad:
0x0: {  	(pc) =	sbr.rel $0x88, $3  }
0x1: {  	(tag) =	ssettag $0x0;
	lr =	simm.s32 $0x1  }
0x2: {  	[smem:$0x3F89] =	sst lr;
	_ =	strace $0xD0000000  }
0x3: {  	_ = 	snop  }
0x4: {  	_ = 	snop  }
0x5: {  	_ = 	snop  }
0x6: {  	_ = 	snop  }
0x7: {  	_ = 	snop  }
__scs_overlays_trampoline_lowered:
0x8: {  	[smem:$0x3F98] =	sst s0  }
0x9: {  	[smem:$0x3F99] =	sst s1  }
0xa: {  	[smem:$0x3F9A] =	sst s2  }
0xb: {  	[smem:$0x3F9B] =	sst s3  }
0xc: {  	[smem:$0x3F9C] =	sst s4  }
0xd: {  	[smem:$0x3F9D] =	sst s5  }
0xe: {  	[smem:$0x3F9E] =	sst s6  }
0xf: {  	[smem:$0x3F9F] =	sst s7  }
0x10: {  	[smem:$0x3FA0] =	sst s8  }
0x11: {  	[smem:$0x3FA1] =	sst s9;
	s0 =	simm.s32 @!p0 $0x0  }
0x12: {  	s1 =	sld [smem:$0x3F87];
	s0 =	simm.s32 @p0 $0x1  }
0x13: {  	[smem:$0x3FA2] =	sst s0;
	s0 =	simm.s32 @!p1 $0x0  }
0x14: {  	s2 =	sld [smem:$0x3F86];
	s0 =	simm.s32 @p1 $0x1  }
0x15: {  	[smem:$0x3FA3] =	sst s0;
	s0 =	simm.s32 @!p2 $0x0  }
0x16: {  	s3 =	sld [smem:$0x3FDB];
	s0 =	simm.s32 @p2 $0x1  }
0x17: {  	s4 =	simm.s32 $0x1BF5;
	[smem:$0x3FA5] =	sst s0  }
0x18: {  	s0 =	sld [smem:$0x3F88];
	_ =	swait.ge [sflag:s4], $0x0  }
0x19: {  	s7 =	sld [smem:$0x3F89]  }
0x1a: {  	s8 =	sadd.s32 $0xFFFFE003, lr  }
0x1b: {  	s9 =	sadd.s32 $0xFFFFFEF7, lr;
	s5 =	simm.s32 $0xFFFFFFFF;
	p2 =	slt.u32 s8, $0xFFFFF086  }
0x1c: {  	p1 =	slt.u32 s9, $0xF7A;
	s5 =	simm.s32 @!p2 $0x0  }
0x1d: {  	s5 =	simm.s32 @p1 $0x1;
	p0 =	seq.s32 s7, s2  }
0x1e: {  	s7 =	smul.u32 @!p0 $0xF7A, s2;
	p2 =	seq.s32 @!p0 s5, $0x0  }
0x1f: {  	s9 =	smul.u32 $0xF7A, s1;
	s8 =	simm.s32 @!p0 $0x1BF5;
	p2 =	por !p2, p0  }
0x20: {  	[sflag:s8] =	ssyncset.s32 @!p0 $0xFFFFF086;
	s6 =	sadd.s32 @!p0 s3, s7;
	s7 =	simm.s32 @!p0 $0x108  }
0x21: {  	s3 =	sadd.s32 s3, s9;
	s6 =	sadd.s32 @!p0 $0x88, s6;
	s7 =	simm.s32 @p2 $0x1082  }
0x22: {  	[simem:s7], [sflag:s8] =	dma.local @!p0 [hbm:s6], $0xF7A  }
0x23: {  	s9 =	sor.u32 $0xD0000000, s2;
	s6 =	simm.s32 $0x108;
	_ =	swait.ge @!p0 [sflag:s8], $0x0  }
0x24: {  	s3 =	sadd.s32 $0x88, s3;
	s6 =	simm.s32 @!p1 $0x1082;
	[sflag:s4] =	ssyncset.s32 $0xFFFFF086  }
0x25: {  	[simem:s6], [sflag:s4] =	dma.local [hbm:s3], $0xF7A  }
0x26: {  	[smem:$0x3F89] =	sst s1;
	(tag) =	ssettag s2;
	_ =	strace s9  }
0x27: {  	s1 =	sld [smem:$0x3F99]  }
0x28: {  	s2 =	sld [smem:$0x3F9A]  }
0x29: {  	s4 =	sld [smem:$0x3F9C]  }
0x2a: {  	p0 =	seq.s32 s5, $0x0;
	s5 =	sld [smem:$0x3F9D]  }
0x2b: {  	s6 =	sld [smem:$0x3F9E]  }
0x2c: {  	s7 =	sld [smem:$0x3F9F]  }
0x2d: {  	s3 =	simm.s32 $0x108;
	s8 =	sld [smem:$0x3FA0]  }
0x2e: {  	s3 =	simm.s32 @!p0 $0x1082;
	s9 =	sld [smem:$0x3FA1]  }
0x2f: {  	lr =	sadd.s32 s0, s3;
	s0 =	sld [smem:$0x3F98]  }
0x30: {  	s3 =	sld [smem:$0x3F9B]  }
0x31: {  	[smem:$0x3FA4] =	sst s10  }
0x32: {  	s10 =	sld [smem:$0x3FA2];
	_ =	sdelay $0x3  }
0x33: {  	p0 =	seq.s32 s10, $0x1;
	s10 =	sld [smem:$0x3FA4];
	_ =	sdelay $0x3  }
0x34: {  	[smem:$0x3FA4] =	sst s10  }
0x35: {  	s10 =	sld [smem:$0x3FA3];
	_ =	sdelay $0x3  }
0x36: {  	p1 =	seq.s32 s10, $0x1;
	s10 =	sld [smem:$0x3FA4];
	_ =	sdelay $0x3  }
0x37: {  	[smem:$0x3FA4] =	sst s10  }
0x38: {  	s10 =	sld [smem:$0x3FA5]  }
0x39: {  	_ = 	snop;
	(pc) =	sbr.ind lr, $3  }
0x3a: {  	_ = 	snop  }
0x3b: {  	_ = 	snop  }
0x3c: {  	p2 =	seq.s32 s10, $0x1;
	s10 =	sld [smem:$0x3FA4]  }
0x3d: {  	_ =	shalt  }
0x3e: {  	_ =	shalt  }
0x3f: {  	_ =	shalt  }
0x40: {  	_ =	shalt  }
0x41: {  	_ =	shalt  }
0x42: {  	_ =	shalt  }
0x43: {  	_ =	shalt  }
0x44: {  	_ =	shalt  }
0x45: {  	_ =	shalt  }
0x46: {  	_ =	shalt  }
0x47: {  	_ =	shalt  }
0x48: {  	_ =	shalt  }
0x49: {  	_ =	shalt  }
0x4a: {  	_ =	shalt  }
0x4b: {  	_ =	shalt  }
0x4c: {  	_ =	shalt  }
0x4d: {  	_ =	shalt  }
0x4e: {  	_ =	shalt  }
0x4f: {  	_ =	shalt  }
0x50: {  	_ =	shalt  }
0x51: {  	_ =	shalt  }
0x52: {  	_ =	shalt  }
0x53: {  	_ =	shalt  }
0x54: {  	_ =	shalt  }
0x55: {  	_ =	shalt  }
0x56: {  	_ =	shalt  }
0x57: {  	_ =	shalt  }
0x58: {  	_ =	shalt  }
0x59: {  	_ =	shalt  }
0x5a: {  	_ =	shalt  }
0x5b: {  	_ =	shalt  }
0x5c: {  	_ =	shalt  }
0x5d: {  	_ =	shalt  }
0x5e: {  	_ =	shalt  }
0x5f: {  	_ =	shalt  }
0x60: {  	_ =	shalt  }
0x61: {  	_ =	shalt  }
0x62: {  	_ =	shalt  }
0x63: {  	_ =	shalt  }
0x64: {  	_ =	shalt  }
0x65: {  	_ =	shalt  }
0x66: {  	_ =	shalt  }
0x67: {  	_ =	shalt  }
0x68: {  	_ =	shalt  }
0x69: {  	_ =	shalt  }
0x6a: {  	_ =	shalt  }
0x6b: {  	_ =	shalt  }
0x6c: {  	_ =	shalt  }
0x6d: {  	_ =	shalt  }
0x6e: {  	_ =	shalt  }
0x6f: {  	_ =	shalt  }
0x70: {  	_ =	shalt  }
0x71: {  	_ =	shalt  }
0x72: {  	_ =	shalt  }
0x73: {  	_ =	shalt  }
0x74: {  	_ =	shalt  }
0x75: {  	_ =	shalt  }
0x76: {  	_ =	shalt  }
0x77: {  	_ =	shalt  }
0x78: {  	_ =	shalt  }
0x79: {  	_ =	shalt  }
0x7a: {  	_ =	shalt  }
0x7b: {  	_ =	shalt  }
0x7c: {  	_ =	shalt  }
0x7d: {  	_ =	shalt  }
0x7e: {  	_ =	shalt  }
0x7f: {  	_ =	shalt  }
0x80: {  	_ =	shalt  }
0x81: {  	_ =	shalt  }
0x82: {  	_ =	shalt  }
0x83: {  	_ =	shalt  }
0x84: {  	_ =	shalt  }
0x85: {  	_ =	shalt  }
0x86: {  	_ =	shalt  }
0x87: {  	_ =	shalt  }
.Lfunc_end0:
.L_simem_size_0:
called_computation.2_lowered:
.L_overlay_start_0:
0x88: {  	s2 =	sld [smem:$0x3FD9]  }
0x89: {  	s3 =	sld [smem:$0x3FFE];
	_ =	sdelay $0x1  }
0x8a: {  	s1 =	srdreg.scid  }
0x8b: {  	s0 =	sand.u32 $0x1, s1  }
0x8c: {  	s17 =	sshll.u32 s0, $0xA;
	s2 =	sadd.s32 s3, s2  }
0x8d: {  	s2 =	sadd.s32 s2, s17  }
0x8e: {  	[smem:$0x3FB0] =	sst s2  }
0x8f: {  	_ = 	snop  }
0x90: {  	(tm) =	ssettm $0x1  }
0x91: {  	s18 =	sld [smem:$0x3FFB];
	_ =	sdelay $0x3  }
0x92: {  	_ =	strace s18  }
0x93: {  	s2 =	sld [smem:$0x3FFC];
	_ =	sdelay $0x3  }
0x94: {  	_ =	strace s2  }
0x95: {  	s2 =	sld [smem:$0x3FFD];
	_ =	sdelay $0x3  }
0x96: {  	_ =	strace s2  }
0x97: {  	_ =	strace $0x8FFFFFFF  }
0x98: {  	s19 =	sld [smem:$0x3FDB];
	_ =	sdelay $0x1  }
0x99: {  	s20 =	simm.s32 $_scs_section_size  }
0x9a: {  	s4 =	simm.s32 $_size__tile_overlayer_lowered;
	s5 =	simm.s32 $_tile_overlayer_lowered  }
0x9b: {  	s6 =	simm.s32 $0x1BFF;
	s21 =	sshll.u32 s5, $0x1;
	s3 =	sadd.s32 s20, s19  }
0x9c: {  	s22 =	simm.s32 $0x0;
	s4 =	sshll.u32 s4, $0x1;
	s5 =	sadd.s32 s21, s3  }
0x9d: {  	[timem:s22], [sflag:s6] =	dma.local [hbm:s5], s4  }
0x9e: {  	_ =	swait.ge [sflag:s6], s4  }
0x9f: {  	s4 =	ssub.s32 $0x0, s4;
	[sflag:s6] =	ssyncset.done $0x0  }
0xa0: {  	[sflag:s6] =	ssyncadd.s32 s4;
	_ =	sdelay $0x1  }
0xa1: {  	s23 =	simm.s32 $0x1B8B  }
0xa2: {  	_ =	swait.ge [sflag:s23], $0x1  }
0xa3: {  	[sflag:s23] =	ssyncset.done $0x0  }
0xa4: {  	[sflag:s23] =	ssyncadd.s32 $0xFFFFFFFF  }
0xa5: {  	s4 =	sld [smem:$0x0]  }
0xa6: {  	s5 =	sand.u32 $0xFFFFFFFE, s1  }
0xa7: {  	p0 =	sne.s32 s1, s5  }
0xa8: {  	s5 =	sshll.u32 @p0 s5, $0xE  }
0xa9: {  	s5 =	sadd.s32 @p0 $0x11B8D, s5;
	s6 =	sshll.u32 @p0 s4, $0x11  }
0xaa: {  	s5 =	sor.u32 @p0 s6, s5  }
0xab: {  	[sflag:s5] =	ssyncadd.remote.s32 @p0 $0x1;
	_ =	sdelay $0x1  }
0xac: {  	s5 =	simm.s32 @p0 $0x1B8D  }
0xad: {  	_ =	swait.eq @p0 [sflag:s5], $0x1  }
0xae: {  	[sflag:s5] =	ssyncadd.s32 @p0 $0xFFFFFFFF  }
0xaf: {  	s6 =	sshll.u32 @!p0 s1, $0xE  }
0xb0: {  	s6 =	sor.u32 @!p0 $0x4000, s6;
	s5 =	simm.s32 @!p0 $0x1B8D  }
0xb1: {  	s4 =	sshll.u32 @!p0 s4, $0x11;
	s6 =	sadd.s32 @!p0 $0x11B8D, s6;
	_ =	swait.eq @!p0 [sflag:s5], $0x1  }
0xb2: {  	s4 =	sor.u32 @!p0 s4, s6;
	[sflag:s5] =	ssyncadd.s32 @!p0 $0xFFFFFFFF  }
0xb3: {  	s25 =	simm.s32 $0x1B8E;
	s24 =	sld [smem:$0x3FFE];
	[sflag:s4] =	ssyncadd.remote.s32 @!p0 $0x1  }
0xb4: {  	s26 =	simm.s32 $execute0_lowered;
	[smem:$0x3FD2] =	sst s25  }
0xb5: {  	s5 =	sshll.u32 s26, $0x1;
	_ =	strace $0x80000052;
	[dreg:$0x1] =	wrdreg $0xFFFFFFFF  }
0xb6: {  	s28 =	simm.s32 $_size_execute0_lowered;
	s3 =	sadd.s32 s3, s5;
	[dreg:$0x0] =	wrdreg $0x0  }
0xb7: {  	s5 =	sshll.u32 s28, $0x1;
	[dreg:$0x2] =	wrdreg s3  }
0xb8: {  	[dreg:$0x3] =	wrdreg s5  }
0xb9: {  	[dreg:$0x4] =	wrdreg $0xC0  }
0xba: {  	_ =	task [dreg:s22], $0x5FFFF  }
0xbb: {  	[dreg:$0x1] =	wrdreg $0xFFFFFFFF  }
0xbc: {  	[dreg:$0x0] =	wrdreg $0x60  }
0xbd: {  	[dreg:$0x2] =	wrdreg s24  }
0xbe: {  	[dreg:$0x3] =	wrdreg $0xC6C00  }
0xbf: {  	[dreg:$0x4] =	wrdreg $0x9  }
0xc0: {  	_ =	task.clear_ibuf [dreg:s22], $0x5FFFF;
	_ =	strace $0x90000052  }
0xc1: {  	s29 =	simm.s32 $0x9;
	_ =	strace $0x80000054  }
0xc2: {  	_ =	swait.ge [sflag:s29], $0x1  }
0xc3: {  	[sflag:s29] =	ssyncadd.s32 $0xFFFFFFFF  }
0xc4: {  	_ =	strace $0x90000054  }
0xc5: {  	_ =	sfence  }
0xc6: {  	s30 =	sld [smem:$0x0];
	_ =	sdelay $0x2  }
0xc7: {  	s31 =	sshll.u32 s1, $0xD;
	s1 =	sshrl.u32 s1, $0x2  }
0xc8: {  	s4 =	sand.u32 $0x4000, s31;
	s1 =	sadd.s32 s1, s30  }
0xc9: {  	s0 =	sor.u32 s4, s0;
	s1 =	sshll.u32 s1, $0x11  }
0xca: {  	s0 =	sor.u32 s1, s0  }
0xcb: {  	s0 =	sadd.s32 $0x8F2B, s0  }
0xcc: {  	[sflag:s0] =	ssyncadd.remote.s32 $0x1  }
0xcd: {  	_ =	sfence.sel $0xFFFF  }
0xce: {  	[dreg:$0x0] =	wrdreg $0xFFFFFFFF;
	(pc) =	sbr.abs _section_cstart, $3  }
0xcf: {  	[dreg:$0x1] =	wrdreg $0xFFFFFFFF  }
0xd0: {  	_ =	task.clear_ibuf [dreg:s22], $0x2FFFF;
	_ =	strace $0x9FFFFFFF  }
0xd1: {  	(tm) =	ssettm $0x7FFFFFFF  }
tec
execute0_lowered:
.L_overlay_start_1:
0x0: {  	(tag) =	ssettag $0x1  }
0x1: {  	s0 =	srdreg.scid;
	s1 =	rddreg [dreg:$0x0]  }
0x2: {  	s12 =	stileid.u32;
	s2 =	rddreg [dreg:$0x1];
	s3 =	simm.s32 $0x0  }
0x3: {  	s10 =	simm.s32 $0x2760;
	s11 =	simm.s32 $0x7;
	s14 =	simm.s32 $0x50  }
0x4: {  	s15 =	simm.s32 $0x4EC0;
	s16 =	simm.s32 $0x76C0;
	s17 =	simm.s32 $0x1  }
0x5: {  	s19 =	simm.s32 $0x9EC0;
	s20 =	simm.s32 $0x2;
	s21 =	simm.s32 $0x27B0  }
0x6: {  	s22 =	simm.s32 $0x4;
	s23 =	simm.s32 $0xF0;
	s5 =	smul.u32 $0x2760, s12  }
0x7: {  	s24 =	simm.s32 $0x3;
	s25 =	simm.s32 $0x2800;
	s8 =	smul.u32 $0x271, s12  }
0x8: {  	s28 =	simm.s32 $0x140;
	s0 =	sand.u32 $0x1, s0;
	s26 =	smul.u32 $0x4E200, s12  }
0x9: {  	s29 =	simm.s32 $0x6;
	s30 =	simm.s32 $0x0;
	s4 =	smul.u32 $0x27600, s0  }
0xa: {  	[smem:$0x7FF] =	sst s3;
	s31 =	sshll.u32 s12, $0x6;
	s6 =	smul.u32 $0x2710, s0  }
0xb: {  	_ =	strace $0x80000053;
	s0 =	ssub.s32 $0x2, s0;
	s12 =	sor.u32 $0x1C07, s31  }
0xc: {  	s9 =	sshrl.u32 s0, $0x1;
	s4 =	sadd.s32 s5, s4;
	s5 =	sshrl.u32 s5, $0x3  }
0xd: {  	s6 =	sadd.s32 s8, s6;
	s0 =	ssub.s32 s0, s9;
	s8 =	sshrl.u32 s26, $0x2  }
.Ltmp0:
0xe: {  	s26 =	simm.s32 $0x5;
	s7 =	sshrl.u32 s4, $0x3;
	(pc) =	sbr.rel .LBB2_1-.Ltmp0, $4  }
0xf: {  	s4 =	sadd.s32 $0x114200, s1;
	s5 =	sadd.s32 s5, s1;
	s6 =	sshll.u32 s6, $0x4  }
0x10: {  	s13 =	sadd.s32 s8, s2;
	s9 =	smax.u32 s0, $0x1;
	s7 =	sadd.s32 s7, s1  }
0x11: {  	s1 =	sadd.s32 s6, s1;
	s5 =	sadd.s32 $0x1AE00, s5;
	s6 =	sadd.s32 s4, s6  }
0x12: {  	s13 =	sshrl.u32 s13, $0x3;
	s7 =	sadd.s32 $0x1FE00, s7;
	s8 =	sadd.s32 $0x162400, s1  }
.LBB2_4:
0x13: {  	_ =	swait.ge [sflag:s24], $0x2800  }
0x14: {  	[sflag:s24] =	ssyncset.done $0x0  }
0x15: {  	[sflag:s24] =	ssyncadd.s32 $0xFFFFD800  }
0x16: {  	[spmem:s2] =	stream.indirect.scatter.add.f32 [tilespmem:s19], [sflag:$0x6], $0x80, s0, s14, $0xb8;
	[tilespmem:$0x1FF80] =	vst v63  }
0x17: {  	_ =	swait.ge [sflag:s26], $0x2800  }
0x18: {  	[sflag:s26] =	ssyncset.done $0x0  }
0x19: {  	[sflag:s26] =	ssyncadd.s32 $0xFFFFD800  }
0x1a: {  	_ =	swait.ge [sflag:s29], $0x2800  }
0x1b: {  	s30 =	sadd.s32 $0x1, s30;
	[sflag:s29] =	ssyncset.done $0x0  }
0x1c: {  	p0 =	sne.s32 s30, s9;
	[sflag:s29] =	ssyncadd.s32 $0xFFFFD800  }
.Ltmp1:
0x1d: {  	[bflag:$0x0] =	sbarrier.arrive $0xFFFF;
	(pc) =	sbr.rel @!p0 .LBB2_5-.Ltmp1, $4  }
0x1e: {  	[hbm:s8], [sflag:s12] =	dma.local [spmem:s13], $0x2710  }
0x1f: {  	_ =	swait.ge [sflag:s11], $0x2710  }
0x20: {  	[sflag:s11] =	ssyncset.done $0x0  }
0x21: {  	[sflag:s11] =	ssyncadd.s32 $0xFFFFD8F0  }
.LBB2_1:
0x22: {  	[tilespmem:s10], [sflag:$0x7] =	stream.linear.gather [hbm4b:s5+s3], $0x2760, $0x38;
	[tilespmem:$0x1FF80] =	vst v63  }
0x23: {  	_ =	swait.ge [sflag:s11], $0x2760  }
0x24: {  	[sflag:s11] =	ssyncset.done $0x0  }
0x25: {  	[sflag:s11] =	ssyncadd.s32 $0xFFFFD8A0  }
0x26: {  	[spmem:s13], [sflag:s12] =	dma.local [hbm:s6], $0x2710  }
0x27: {  	_ =	swait.ge [sflag:s11], $0x2710  }
0x28: {  	[sflag:s11] =	ssyncset.done $0x0  }
0x29: {  	[sflag:s11] =	ssyncadd.s32 $0xFFFFD8F0  }
0x2a: {  	[tilespmem:s3], [sflag:$0x7] =	stream.linear.gather [hbm4b:s7+s3], $0x2760, $0x38;
	[tilespmem:$0x1FF80] =	vst v63  }
0x2b: {  	_ =	swait.ge [sflag:s11], $0x2760  }
0x2c: {  	[sflag:s11] =	ssyncset.done $0x0  }
0x2d: {  	[sflag:s11] =	ssyncadd.s32 $0xFFFFD8A0  }
0x2e: {  	[bflag:$0x0] =	sbarrier.arrive $0xFFFF  }
0x2f: {  	[tilespmem:s15], [sflag:$0x1] =	stream.indirect.gather [hbm4b:s4+s14], $0x80, s3, s14, $0xb8;
	[tilespmem:$0x1FF80] =	vst v63  }
0x30: {  	_ = 	snop  }
0x31: {  	[tilespmem:s16], [sflag:$0x2] =	stream.indirect.gather [hbm4b:s4+s14], $0x80, s14, s14, $0xb8;
	[tilespmem:$0x1FF80] =	vst v63  }
0x32: {  	_ =	swait.ge [sflag:s17], $0x2800  }
0x33: {  	[sflag:s17] =	ssyncset.done $0x0  }
0x34: {  	[sflag:s17] =	ssyncadd.s32 $0xFFFFD800  }
0x35: {  	[spmem:s2] =	stream.indirect.scatter.add.f32 [tilespmem:s15], [sflag:$0x4], $0x80, s10, s14, $0xb8;
	[tilespmem:$0x1FF80] =	vst v63  }
0x36: {  	s0 =	simm.s32 $0xA0  }
0x37: {  	[tilespmem:s19], [sflag:$0x3] =	stream.indirect.gather [hbm4b:s4+s14], $0x80, s0, s14, $0xb8;
	[tilespmem:$0x1FF80] =	vst v63  }
0x38: {  	_ =	swait.ge [sflag:s20], $0x2800  }
0x39: {  	[sflag:s20] =	ssyncset.done $0x0  }
0x3a: {  	[sflag:s20] =	ssyncadd.s32 $0xFFFFD800  }
0x3b: {  	[spmem:s2] =	stream.indirect.scatter.add.f32 [tilespmem:s16], [sflag:$0x5], $0x80, s21, s14, $0xb8;
	[tilespmem:$0x1FF80] =	vst v63  }
0x3c: {  	_ =	swait.ge [sflag:s22], $0x2800  }
0x3d: {  	[sflag:s22] =	ssyncset.done $0x0  }
0x3e: {  	[sflag:s22] =	ssyncadd.s32 $0xFFFFD800  }
0x3f: {  	[tilespmem:s15], [sflag:$0x1] =	stream.indirect.gather [hbm4b:s4+s14], $0x80, s23, s14, $0xb8;
	[tilespmem:$0x1FF80] =	vst v63  }
0x40: {  	_ =	swait.ge [sflag:s24], $0x2800  }
0x41: {  	[sflag:s24] =	ssyncset.done $0x0  }
0x42: {  	[sflag:s24] =	ssyncadd.s32 $0xFFFFD800  }
0x43: {  	[spmem:s2] =	stream.indirect.scatter.add.f32 [tilespmem:s19], [sflag:$0x6], $0x80, s25, s14, $0xb8;
	[tilespmem:$0x1FF80] =	vst v63  }
0x44: {  	_ =	swait.ge [sflag:s26], $0x2800  }
0x45: {  	[sflag:s26] =	ssyncset.done $0x0  }
0x46: {  	s31 =	simm.s32 $0x0;
	[sflag:s26] =	ssyncadd.s32 $0xFFFFD800  }
0x47: {  	[tilespmem:s16], [sflag:$0x2] =	stream.indirect.gather [hbm4b:s4+s14], $0x80, s28, s14, $0xb8;
	[tilespmem:$0x1FF80] =	vst v63  }
.LBB2_2:
0x48: {  	_ =	swait.ge [sflag:s17], $0x2800  }
0x49: {  	s1 =	sshra.s32 s31, $0x2;
	[sflag:s17] =	ssyncset.done $0x0  }
0x4a: {  	s0 =	sadd.s32 $0x2850, s1;
	[sflag:s17] =	ssyncadd.s32 $0xFFFFD800  }
0x4b: {  	[spmem:s2] =	stream.indirect.scatter.add.f32 [tilespmem:s15], [sflag:$0x4], $0x80, s0, s14, $0xb8;
	[tilespmem:$0x1FF80] =	vst v63  }
0x4c: {  	_ =	swait.ge [sflag:s29], $0x2800  }
0x4d: {  	[sflag:s29] =	ssyncset.done $0x0  }
0x4e: {  	s18 =	sadd.s32 $0x190, s1;
	[sflag:s29] =	ssyncadd.s32 $0xFFFFD800  }
0x4f: {  	[tilespmem:s19], [sflag:$0x3] =	stream.indirect.gather [hbm4b:s4+s14], $0x80, s18, s14, $0xb8;
	[tilespmem:$0x1FF80] =	vst v63  }
0x50: {  	_ =	swait.ge [sflag:s20], $0x2800  }
0x51: {  	p0 =	seq.s32 s31, $0x9600;
	[sflag:s20] =	ssyncset.done $0x0  }
.Ltmp2:
0x52: {  	s18 =	sadd.s32 $0x28A0, s1;
	[sflag:s20] =	ssyncadd.s32 $0xFFFFD800;
	(pc) =	sbr.rel @p0 .LBB2_4-.Ltmp2, $4  }
0x53: {  	[spmem:s2] =	stream.indirect.scatter.add.f32 [tilespmem:s16], [sflag:$0x5], $0x80, s18, s14, $0xb8;
	[tilespmem:$0x1FF80] =	vst v63  }
0x54: {  	_ =	swait.ge [sflag:s22], $0x2800  }
0x55: {  	[sflag:s22] =	ssyncset.done $0x0  }
0x56: {  	s0 =	sadd.s32 $0x28F0, s1;
	[sflag:s22] =	ssyncadd.s32 $0xFFFFD800  }
0x57: {  	s18 =	sadd.s32 $0x1E0, s1  }
0x58: {  	[tilespmem:s15], [sflag:$0x1] =	stream.indirect.gather [hbm4b:s4+s14], $0x80, s18, s14, $0xb8;
	[tilespmem:$0x1FF80] =	vst v63  }
0x59: {  	_ =	swait.ge [sflag:s24], $0x2800  }
0x5a: {  	[sflag:s24] =	ssyncset.done $0x0  }
0x5b: {  	[sflag:s24] =	ssyncadd.s32 $0xFFFFD800  }
0x5c: {  	[spmem:s2] =	stream.indirect.scatter.add.f32 [tilespmem:s19], [sflag:$0x6], $0x80, s0, s14, $0xb8;
	[tilespmem:$0x1FF80] =	vst v63  }
.Ltmp3:
0x5d: {  	_ = 	snop;
	(pc) =	sbr.rel .LBB2_2-.Ltmp3, $4  }
0x5e: {  	_ =	swait.ge [sflag:s26], $0x2800  }
0x5f: {  	[sflag:s26] =	ssyncset.done $0x0  }
0x60: {  	s31 =	sadd.s32 $0x3C0, s31;
	s18 =	sadd.s32 $0x230, s1;
	[sflag:s26] =	ssyncadd.s32 $0xFFFFD800  }
0x61: {  	[tilespmem:s16], [sflag:$0x2] =	stream.indirect.gather [hbm4b:s4+s14], $0x80, s18, s14, $0xb8;
	[tilespmem:$0x1FF80] =	vst v63  }
.LBB2_5:
0x62: {  	_ =	sfence.sel $0x180000  }
0x63: {  	[bflag:$0x0] =	sbarrier.arrive $0xFFFF  }
0x64: {  	_ =	strace $0x90000053  }
0x65: {  	s0 =	stileid.u32;
	[bflag:$0x2] =	sbarrier.arrive $0xFFFF  }
0x66: {  	p0 =	sne.s32 s0, $0x0;
	s0 =	rddreg [dreg:$0x2]  }
0x67: {  	s0 =	sadd.s32 @!p0 $0x100000, s0  }
0x68: {  	[sflag:s0] =	ssyncadd.tile.s32 @!p0 $0x1;
	_ =	shalt  }
.Lfunc_end2:
_tile_overlayer_lowered:
.L_overlay_start_2:
0x69: {  	(tag) =	ssettag $0x2  }
0x6a: {  	s0 =	rddreg [dreg:$0x0];
	s2 =	stileid.u32  }
0x6b: {  	s1 =	rddreg [dreg:$0x1];
	p0 =	sne.s32 s2, $0x0  }
0x6c: {  	s3 =	rddreg [dreg:$0x2];
	[bflag:$0x3] =	sbarrier.arrive $0xFFFF;
	s2 =	simm.s32 @!p0 $0x1C07  }
0x6d: {  	[timem:s3], [sflag:s2] =	dma.local @!p0 [hbm:s0], s1  }
0x6e: {  	s0 =	simm.s32 @!p0 $0x7  }
0x6f: {  	_ =	swait.ge @!p0 [sflag:s0], s1  }
0x70: {  	s1 =	ssub.s32 @!p0 $0x0, s1;
	[sflag:s0] =	ssyncset.done @!p0 $0x0  }
0x71: {  	[sflag:s0] =	ssyncadd.s32 @!p0 s1  }
0x72: {  	[bflag:$0x3] =	sbarrier.arrive $0xFFFF  }
0x73: {  	_ =	shalt  }

// kernel: kernel.27.cloned.1.call-start
scs
__scs_entry_jumppad:
0x0: {  	(pc) =	sbr.rel $0x88, $3  }
0x1: {  	(tag) =	ssettag $0x0;
	lr =	simm.s32 $0x1  }
0x2: {  	[smem:$0x3F89] =	sst lr;
	_ =	strace $0xD0000000  }
0x3: {  	_ = 	snop  }
0x4: {  	_ = 	snop  }
0x5: {  	_ = 	snop  }
0x6: {  	_ = 	snop  }
0x7: {  	_ = 	snop  }
__scs_overlays_trampoline_lowered:
0x8: {  	[smem:$0x3F98] =	sst s0  }
0x9: {  	[smem:$0x3F99] =	sst s1  }
0xa: {  	[smem:$0x3F9A] =	sst s2  }
0xb: {  	[smem:$0x3F9B] =	sst s3  }
0xc: {  	[smem:$0x3F9C] =	sst s4  }
0xd: {  	[smem:$0x3F9D] =	sst s5  }
0xe: {  	[smem:$0x3F9E] =	sst s6  }
0xf: {  	[smem:$0x3F9F] =	sst s7  }
0x10: {  	[smem:$0x3FA0] =	sst s8  }
0x11: {  	[smem:$0x3FA1] =	sst s9;
	s0 =	simm.s32 @!p0 $0x0  }
0x12: {  	s1 =	sld [smem:$0x3F87];
	s0 =	simm.s32 @p0 $0x1  }
0x13: {  	[smem:$0x3FA2] =	sst s0;
	s0 =	simm.s32 @!p1 $0x0  }
0x14: {  	s2 =	sld [smem:$0x3F86];
	s0 =	simm.s32 @p1 $0x1  }
0x15: {  	[smem:$0x3FA3] =	sst s0;
	s0 =	simm.s32 @!p2 $0x0  }
0x16: {  	s3 =	sld [smem:$0x3FDB];
	s0 =	simm.s32 @p2 $0x1  }
0x17: {  	s4 =	simm.s32 $0x1BF5;
	[smem:$0x3FA5] =	sst s0  }
0x18: {  	s0 =	sld [smem:$0x3F88];
	_ =	swait.ge [sflag:s4], $0x0  }
0x19: {  	s7 =	sld [smem:$0x3F89]  }
0x1a: {  	s8 =	sadd.s32 $0xFFFFE003, lr  }
0x1b: {  	s9 =	sadd.s32 $0xFFFFFEF7, lr;
	s5 =	simm.s32 $0xFFFFFFFF;
	p2 =	slt.u32 s8, $0xFFFFF086  }
0x1c: {  	p1 =	slt.u32 s9, $0xF7A;
	s5 =	simm.s32 @!p2 $0x0  }
0x1d: {  	s5 =	simm.s32 @p1 $0x1;
	p0 =	seq.s32 s7, s2  }
0x1e: {  	s7 =	smul.u32 @!p0 $0xF7A, s2;
	p2 =	seq.s32 @!p0 s5, $0x0  }
0x1f: {  	s9 =	smul.u32 $0xF7A, s1;
	s8 =	simm.s32 @!p0 $0x1BF5;
	p2 =	por !p2, p0  }
0x20: {  	[sflag:s8] =	ssyncset.s32 @!p0 $0xFFFFF086;
	s6 =	sadd.s32 @!p0 s3, s7;
	s7 =	simm.s32 @!p0 $0x108  }
0x21: {  	s3 =	sadd.s32 s3, s9;
	s6 =	sadd.s32 @!p0 $0x88, s6;
	s7 =	simm.s32 @p2 $0x1082  }
0x22: {  	[simem:s7], [sflag:s8] =	dma.local @!p0 [hbm:s6], $0xF7A  }
0x23: {  	s9 =	sor.u32 $0xD0000000, s2;
	s6 =	simm.s32 $0x108;
	_ =	swait.ge @!p0 [sflag:s8], $0x0  }
0x24: {  	s3 =	sadd.s32 $0x88, s3;
	s6 =	simm.s32 @!p1 $0x1082;
	[sflag:s4] =	ssyncset.s32 $0xFFFFF086  }
0x25: {  	[simem:s6], [sflag:s4] =	dma.local [hbm:s3], $0xF7A  }
0x26: {  	[smem:$0x3F89] =	sst s1;
	(tag) =	ssettag s2;
	_ =	strace s9  }
0x27: {  	s1 =	sld [smem:$0x3F99]  }
0x28: {  	s2 =	sld [smem:$0x3F9A]  }
0x29: {  	s4 =	sld [smem:$0x3F9C]  }
0x2a: {  	p0 =	seq.s32 s5, $0x0;
	s5 =	sld [smem:$0x3F9D]  }
0x2b: {  	s6 =	sld [smem:$0x3F9E]  }
0x2c: {  	s7 =	sld [smem:$0x3F9F]  }
0x2d: {  	s3 =	simm.s32 $0x108;
	s8 =	sld [smem:$0x3FA0]  }
0x2e: {  	s3 =	simm.s32 @!p0 $0x1082;
	s9 =	sld [smem:$0x3FA1]  }
0x2f: {  	lr =	sadd.s32 s0, s3;
	s0 =	sld [smem:$0x3F98]  }
0x30: {  	s3 =	sld [smem:$0x3F9B]  }
0x31: {  	[smem:$0x3FA4] =	sst s10  }
0x32: {  	s10 =	sld [smem:$0x3FA2];
	_ =	sdelay $0x3  }
0x33: {  	p0 =	seq.s32 s10, $0x1;
	s10 =	sld [smem:$0x3FA4];
	_ =	sdelay $0x3  }
0x34: {  	[smem:$0x3FA4] =	sst s10  }
0x35: {  	s10 =	sld [smem:$0x3FA3];
	_ =	sdelay $0x3  }
0x36: {  	p1 =	seq.s32 s10, $0x1;
	s10 =	sld [smem:$0x3FA4];
	_ =	sdelay $0x3  }
0x37: {  	[smem:$0x3FA4] =	sst s10  }
0x38: {  	s10 =	sld [smem:$0x3FA5]  }
0x39: {  	_ = 	snop;
	(pc) =	sbr.ind lr, $3  }
0x3a: {  	_ = 	snop  }
0x3b: {  	_ = 	snop  }
0x3c: {  	p2 =	seq.s32 s10, $0x1;
	s10 =	sld [smem:$0x3FA4]  }
0x3d: {  	_ =	shalt  }
0x3e: {  	_ =	shalt  }
0x3f: {  	_ =	shalt  }
0x40: {  	_ =	shalt  }
0x41: {  	_ =	shalt  }
0x42: {  	_ =	shalt  }
0x43: {  	_ =	shalt  }
0x44: {  	_ =	shalt  }
0x45: {  	_ =	shalt  }
0x46: {  	_ =	shalt  }
0x47: {  	_ =	shalt  }
0x48: {  	_ =	shalt  }
0x49: {  	_ =	shalt  }
0x4a: {  	_ =	shalt  }
0x4b: {  	_ =	shalt  }
0x4c: {  	_ =	shalt  }
0x4d: {  	_ =	shalt  }
0x4e: {  	_ =	shalt  }
0x4f: {  	_ =	shalt  }
0x50: {  	_ =	shalt  }
0x51: {  	_ =	shalt  }
0x52: {  	_ =	shalt  }
0x53: {  	_ =	shalt  }
0x54: {  	_ =	shalt  }
0x55: {  	_ =	shalt  }
0x56: {  	_ =	shalt  }
0x57: {  	_ =	shalt  }
0x58: {  	_ =	shalt  }
0x59: {  	_ =	shalt  }
0x5a: {  	_ =	shalt  }
0x5b: {  	_ =	shalt  }
0x5c: {  	_ =	shalt  }
0x5d: {  	_ =	shalt  }
0x5e: {  	_ =	shalt  }
0x5f: {  	_ =	shalt  }
0x60: {  	_ =	shalt  }
0x61: {  	_ =	shalt  }
0x62: {  	_ =	shalt  }
0x63: {  	_ =	shalt  }
0x64: {  	_ =	shalt  }
0x65: {  	_ =	shalt  }
0x66: {  	_ =	shalt  }
0x67: {  	_ =	shalt  }
0x68: {  	_ =	shalt  }
0x69: {  	_ =	shalt  }
0x6a: {  	_ =	shalt  }
0x6b: {  	_ =	shalt  }
0x6c: {  	_ =	shalt  }
0x6d: {  	_ =	shalt  }
0x6e: {  	_ =	shalt  }
0x6f: {  	_ =	shalt  }
0x70: {  	_ =	shalt  }
0x71: {  	_ =	shalt  }
0x72: {  	_ =	shalt  }
0x73: {  	_ =	shalt  }
0x74: {  	_ =	shalt  }
0x75: {  	_ =	shalt  }
0x76: {  	_ =	shalt  }
0x77: {  	_ =	shalt  }
0x78: {  	_ =	shalt  }
0x79: {  	_ =	shalt  }
0x7a: {  	_ =	shalt  }
0x7b: {  	_ =	shalt  }
0x7c: {  	_ =	shalt  }
0x7d: {  	_ =	shalt  }
0x7e: {  	_ =	shalt  }
0x7f: {  	_ =	shalt  }
0x80: {  	_ =	shalt  }
0x81: {  	_ =	shalt  }
0x82: {  	_ =	shalt  }
0x83: {  	_ =	shalt  }
0x84: {  	_ =	shalt  }
0x85: {  	_ =	shalt  }
0x86: {  	_ =	shalt  }
0x87: {  	_ =	shalt  }
.Lfunc_end0:
.L_simem_size_0:
called_computation.3_lowered:
.L_overlay_start_0:
0x88: {  	s2 =	sld [smem:$0x3FD9]  }
0x89: {  	s3 =	sld [smem:$0x3FFE];
	_ =	sdelay $0x1  }
0x8a: {  	s1 =	srdreg.scid  }
0x8b: {  	s0 =	sand.u32 $0x1, s1  }
0x8c: {  	s17 =	sshll.u32 s0, $0xA;
	s2 =	sadd.s32 s3, s2  }
0x8d: {  	s2 =	sadd.s32 s2, s17  }
0x8e: {  	[smem:$0x3FB0] =	sst s2  }
0x8f: {  	_ = 	snop  }
0x90: {  	(tm) =	ssettm $0x1  }
0x91: {  	s18 =	sld [smem:$0x3FFB];
	_ =	sdelay $0x3  }
0x92: {  	_ =	strace s18  }
0x93: {  	s2 =	sld [smem:$0x3FFC];
	_ =	sdelay $0x3  }
0x94: {  	_ =	strace s2  }
0x95: {  	s2 =	sld [smem:$0x3FFD];
	_ =	sdelay $0x3  }
0x96: {  	_ =	strace s2  }
0x97: {  	_ =	strace $0x8FFFFFFF  }
0x98: {  	s19 =	sld [smem:$0x3FDB];
	_ =	sdelay $0x1  }
0x99: {  	s20 =	simm.s32 $_scs_section_size  }
0x9a: {  	s4 =	simm.s32 $_size__tile_overlayer_lowered;
	s5 =	simm.s32 $_tile_overlayer_lowered  }
0x9b: {  	s6 =	simm.s32 $0x1BFF;
	s21 =	sshll.u32 s5, $0x1;
	s3 =	sadd.s32 s20, s19  }
0x9c: {  	s22 =	simm.s32 $0x0;
	s4 =	sshll.u32 s4, $0x1;
	s5 =	sadd.s32 s21, s3  }
0x9d: {  	[timem:s22], [sflag:s6] =	dma.local [hbm:s5], s4  }
0x9e: {  	_ =	swait.ge [sflag:s6], s4  }
0x9f: {  	s4 =	ssub.s32 $0x0, s4;
	[sflag:s6] =	ssyncset.done $0x0  }
0xa0: {  	[sflag:s6] =	ssyncadd.s32 s4;
	_ =	sdelay $0x1  }
0xa1: {  	s23 =	simm.s32 $0x1B8B  }
0xa2: {  	_ =	swait.ge [sflag:s23], $0x1  }
0xa3: {  	[sflag:s23] =	ssyncset.done $0x0  }
0xa4: {  	[sflag:s23] =	ssyncadd.s32 $0xFFFFFFFF  }
0xa5: {  	s4 =	sld [smem:$0x0]  }
0xa6: {  	s5 =	sand.u32 $0xFFFFFFFE, s1  }
0xa7: {  	p0 =	sne.s32 s1, s5  }
0xa8: {  	s5 =	sshll.u32 @p0 s5, $0xE  }
0xa9: {  	s5 =	sadd.s32 @p0 $0x11B8D, s5;
	s6 =	sshll.u32 @p0 s4, $0x11  }
0xaa: {  	s5 =	sor.u32 @p0 s6, s5  }
0xab: {  	[sflag:s5] =	ssyncadd.remote.s32 @p0 $0x1;
	_ =	sdelay $0x1  }
0xac: {  	s5 =	simm.s32 @p0 $0x1B8D  }
0xad: {  	_ =	swait.eq @p0 [sflag:s5], $0x1  }
0xae: {  	[sflag:s5] =	ssyncadd.s32 @p0 $0xFFFFFFFF  }
0xaf: {  	s6 =	sshll.u32 @!p0 s1, $0xE  }
0xb0: {  	s6 =	sor.u32 @!p0 $0x4000, s6;
	s5 =	simm.s32 @!p0 $0x1B8D  }
0xb1: {  	s4 =	sshll.u32 @!p0 s4, $0x11;
	s6 =	sadd.s32 @!p0 $0x11B8D, s6;
	_ =	swait.eq @!p0 [sflag:s5], $0x1  }
0xb2: {  	s4 =	sor.u32 @!p0 s4, s6;
	[sflag:s5] =	ssyncadd.s32 @!p0 $0xFFFFFFFF  }
0xb3: {  	s25 =	simm.s32 $0x1B8E;
	s24 =	sld [smem:$0x3FFE];
	[sflag:s4] =	ssyncadd.remote.s32 @!p0 $0x1  }
0xb4: {  	s26 =	simm.s32 $execute0_lowered;
	[smem:$0x3FD2] =	sst s25  }
0xb5: {  	s5 =	sshll.u32 s26, $0x1;
	_ =	strace $0x80000058;
	[dreg:$0x1] =	wrdreg $0xFFFFFFFF  }
0xb6: {  	s28 =	simm.s32 $_size_execute0_lowered;
	s3 =	sadd.s32 s3, s5;
	[dreg:$0x0] =	wrdreg $0x0  }
0xb7: {  	s5 =	sshll.u32 s28, $0x1;
	[dreg:$0x2] =	wrdreg s3  }
0xb8: {  	[dreg:$0x3] =	wrdreg s5  }
0xb9: {  	[dreg:$0x4] =	wrdreg $0xC0  }
0xba: {  	_ =	task [dreg:s22], $0x5FFFF  }
0xbb: {  	[dreg:$0x1] =	wrdreg $0xFFFFFFFF  }
0xbc: {  	[dreg:$0x0] =	wrdreg $0x60  }
0xbd: {  	[dreg:$0x2] =	wrdreg s24  }
0xbe: {  	[dreg:$0x3] =	wrdreg $0xC6C00  }
0xbf: {  	[dreg:$0x4] =	wrdreg $0x9  }
0xc0: {  	_ =	task.clear_ibuf [dreg:s22], $0x5FFFF;
	_ =	strace $0x90000058  }
0xc1: {  	s29 =	simm.s32 $0x9;
	_ =	strace $0x8000005A  }
0xc2: {  	_ =	swait.ge [sflag:s29], $0x1  }
0xc3: {  	[sflag:s29] =	ssyncadd.s32 $0xFFFFFFFF  }
0xc4: {  	_ =	strace $0x9000005A  }
0xc5: {  	_ =	sfence  }
0xc6: {  	s30 =	sld [smem:$0x0];
	_ =	sdelay $0x2  }
0xc7: {  	s31 =	sshll.u32 s1, $0xD;
	s1 =	sshrl.u32 s1, $0x2  }
0xc8: {  	s4 =	sand.u32 $0x4000, s31;
	s1 =	sadd.s32 s1, s30  }
0xc9: {  	s0 =	sor.u32 s4, s0;
	s1 =	sshll.u32 s1, $0x11  }
0xca: {  	s0 =	sor.u32 s1, s0  }
0xcb: {  	s0 =	sadd.s32 $0x8F2B, s0  }
0xcc: {  	[sflag:s0] =	ssyncadd.remote.s32 $0x1  }
0xcd: {  	_ =	sfence.sel $0xFFFF  }
0xce: {  	[dreg:$0x0] =	wrdreg $0xFFFFFFFF;
	(pc) =	sbr.abs _section_cstart, $3  }
0xcf: {  	[dreg:$0x1] =	wrdreg $0xFFFFFFFF  }
0xd0: {  	_ =	task.clear_ibuf [dreg:s22], $0x2FFFF;
	_ =	strace $0x9FFFFFFF  }
0xd1: {  	(tm) =	ssettm $0x7FFFFFFF  }
tec
execute0_lowered:
.L_overlay_start_1:
0x0: {  	(tag) =	ssettag $0x1  }
0x1: {  	s0 =	srdreg.scid;
	s1 =	rddreg [dreg:$0x0]  }
0x2: {  	s12 =	stileid.u32;
	s2 =	rddreg [dreg:$0x1];
	s3 =	simm.s32 $0x0  }
0x3: {  	s10 =	simm.s32 $0x2760;
	s11 =	simm.s32 $0x7;
	s14 =	simm.s32 $0x50  }
0x4: {  	s15 =	simm.s32 $0x4EC0;
	s16 =	simm.s32 $0x76C0;
	s17 =	simm.s32 $0x1  }
0x5: {  	s19 =	simm.s32 $0x9EC0;
	s20 =	simm.s32 $0x2;
	s21 =	simm.s32 $0x27B0  }
0x6: {  	s22 =	simm.s32 $0x4;
	s23 =	simm.s32 $0xF0;
	s5 =	smul.u32 $0x2760, s12  }
0x7: {  	s24 =	simm.s32 $0x3;
	s25 =	simm.s32 $0x2800;
	s8 =	smul.u32 $0x271, s12  }
0x8: {  	s28 =	simm.s32 $0x140;
	s0 =	sand.u32 $0x1, s0;
	s26 =	smul.u32 $0x4E200, s12  }
0x9: {  	s29 =	simm.s32 $0x6;
	s30 =	simm.s32 $0x0;
	s4 =	smul.u32 $0x27600, s0  }
0xa: {  	[smem:$0x7FF] =	sst s3;
	s31 =	sshll.u32 s12, $0x6;
	s6 =	smul.u32 $0x2710, s0  }
0xb: {  	_ =	strace $0x80000059;
	s0 =	ssub.s32 $0x2, s0;
	s12 =	sor.u32 $0x1C07, s31  }
0xc: {  	s9 =	sshrl.u32 s0, $0x1;
	s4 =	sadd.s32 s5, s4;
	s5 =	sshrl.u32 s5, $0x3  }
0xd: {  	s6 =	sadd.s32 s8, s6;
	s0 =	ssub.s32 s0, s9;
	s8 =	sshrl.u32 s26, $0x2  }
.Ltmp0:
0xe: {  	s26 =	simm.s32 $0x5;
	s7 =	sshrl.u32 s4, $0x3;
	(pc) =	sbr.rel .LBB2_1-.Ltmp0, $4  }
0xf: {  	s4 =	sadd.s32 $0x114200, s1;
	s5 =	sadd.s32 s5, s1;
	s6 =	sshll.u32 s6, $0x4  }
0x10: {  	s13 =	sadd.s32 s8, s2;
	s9 =	smax.u32 s0, $0x1;
	s7 =	sadd.s32 s7, s1  }
0x11: {  	s1 =	sadd.s32 s6, s1;
	s5 =	sadd.s32 $0x1AE00, s5;
	s6 =	sadd.s32 s4, s6  }
0x12: {  	s13 =	sshrl.u32 s13, $0x3;
	s7 =	sadd.s32 $0x1FE00, s7;
	s8 =	sadd.s32 $0x162400, s1  }
.LBB2_4:
0x13: {  	_ =	swait.ge [sflag:s24], $0x2800  }
0x14: {  	[sflag:s24] =	ssyncset.done $0x0  }
0x15: {  	[sflag:s24] =	ssyncadd.s32 $0xFFFFD800  }
0x16: {  	[spmem:s2] =	stream.indirect.scatter.add.f32 [tilespmem:s19], [sflag:$0x6], $0x80, s0, s14, $0xb8;
	[tilespmem:$0x1FF80] =	vst v63  }
0x17: {  	_ =	swait.ge [sflag:s26], $0x2800  }
0x18: {  	[sflag:s26] =	ssyncset.done $0x0  }
0x19: {  	[sflag:s26] =	ssyncadd.s32 $0xFFFFD800  }
0x1a: {  	_ =	swait.ge [sflag:s29], $0x2800  }
0x1b: {  	s30 =	sadd.s32 $0x1, s30;
	[sflag:s29] =	ssyncset.done $0x0  }
0x1c: {  	p0 =	sne.s32 s30, s9;
	[sflag:s29] =	ssyncadd.s32 $0xFFFFD800  }
.Ltmp1:
0x1d: {  	[bflag:$0x0] =	sbarrier.arrive $0xFFFF;
	(pc) =	sbr.rel @!p0 .LBB2_5-.Ltmp1, $4  }
0x1e: {  	[hbm:s8], [sflag:s12] =	dma.local [spmem:s13], $0x2710  }
0x1f: {  	_ =	swait.ge [sflag:s11], $0x2710  }
0x20: {  	[sflag:s11] =	ssyncset.done $0x0  }
0x21: {  	[sflag:s11] =	ssyncadd.s32 $0xFFFFD8F0  }
.LBB2_1:
0x22: {  	[tilespmem:s10], [sflag:$0x7] =	stream.linear.gather [hbm4b:s5+s3], $0x2760, $0x38;
	[tilespmem:$0x1FF80] =	vst v63  }
0x23: {  	_ =	swait.ge [sflag:s11], $0x2760  }
0x24: {  	[sflag:s11] =	ssyncset.done $0x0  }
0x25: {  	[sflag:s11] =	ssyncadd.s32 $0xFFFFD8A0  }
0x26: {  	[spmem:s13], [sflag:s12] =	dma.local [hbm:s6], $0x2710  }
0x27: {  	_ =	swait.ge [sflag:s11], $0x2710  }
0x28: {  	[sflag:s11] =	ssyncset.done $0x0  }
0x29: {  	[sflag:s11] =	ssyncadd.s32 $0xFFFFD8F0  }
0x2a: {  	[tilespmem:s3], [sflag:$0x7] =	stream.linear.gather [hbm4b:s7+s3], $0x2760, $0x38;
	[tilespmem:$0x1FF80] =	vst v63  }
0x2b: {  	_ =	swait.ge [sflag:s11], $0x2760  }
0x2c: {  	[sflag:s11] =	ssyncset.done $0x0  }
0x2d: {  	[sflag:s11] =	ssyncadd.s32 $0xFFFFD8A0  }
0x2e: {  	[bflag:$0x0] =	sbarrier.arrive $0xFFFF  }
0x2f: {  	[tilespmem:s15], [sflag:$0x1] =	stream.indirect.gather [hbm4b:s4+s14], $0x80, s3, s14, $0xb8;
	[tilespmem:$0x1FF80] =	vst v63  }
0x30: {  	_ = 	snop  }
0x31: {  	[tilespmem:s16], [sflag:$0x2] =	stream.indirect.gather [hbm4b:s4+s14], $0x80, s14, s14, $0xb8;
	[tilespmem:$0x1FF80] =	vst v63  }
0x32: {  	_ =	swait.ge [sflag:s17], $0x2800  }
0x33: {  	[sflag:s17] =	ssyncset.done $0x0  }
0x34: {  	[sflag:s17] =	ssyncadd.s32 $0xFFFFD800  }
0x35: {  	[spmem:s2] =	stream.indirect.scatter.add.f32 [tilespmem:s15], [sflag:$0x4], $0x80, s10, s14, $0xb8;
	[tilespmem:$0x1FF80] =	vst v63  }
0x36: {  	s0 =	simm.s32 $0xA0  }
0x37: {  	[tilespmem:s19], [sflag:$0x3] =	stream.indirect.gather [hbm4b:s4+s14], $0x80, s0, s14, $0xb8;
	[tilespmem:$0x1FF80] =	vst v63  }
0x38: {  	_ =	swait.ge [sflag:s20], $0x2800  }
0x39: {  	[sflag:s20] =	ssyncset.done $0x0  }
0x3a: {  	[sflag:s20] =	ssyncadd.s32 $0xFFFFD800  }
0x3b: {  	[spmem:s2] =	stream.indirect.scatter.add.f32 [tilespmem:s16], [sflag:$0x5], $0x80, s21, s14, $0xb8;
	[tilespmem:$0x1FF80] =	vst v63  }
0x3c: {  	_ =	swait.ge [sflag:s22], $0x2800  }
0x3d: {  	[sflag:s22] =	ssyncset.done $0x0  }
0x3e: {  	[sflag:s22] =	ssyncadd.s32 $0xFFFFD800  }
0x3f: {  	[tilespmem:s15], [sflag:$0x1] =	stream.indirect.gather [hbm4b:s4+s14], $0x80, s23, s14, $0xb8;
	[tilespmem:$0x1FF80] =	vst v63  }
0x40: {  	_ =	swait.ge [sflag:s24], $0x2800  }
0x41: {  	[sflag:s24] =	ssyncset.done $0x0  }
0x42: {  	[sflag:s24] =	ssyncadd.s32 $0xFFFFD800  }
0x43: {  	[spmem:s2] =	stream.indirect.scatter.add.f32 [tilespmem:s19], [sflag:$0x6], $0x80, s25, s14, $0xb8;
	[tilespmem:$0x1FF80] =	vst v63  }
0x44: {  	_ =	swait.ge [sflag:s26], $0x2800  }
0x45: {  	[sflag:s26] =	ssyncset.done $0x0  }
0x46: {  	s31 =	simm.s32 $0x0;
	[sflag:s26] =	ssyncadd.s32 $0xFFFFD800  }
0x47: {  	[tilespmem:s16], [sflag:$0x2] =	stream.indirect.gather [hbm4b:s4+s14], $0x80, s28, s14, $0xb8;
	[tilespmem:$0x1FF80] =	vst v63  }
.LBB2_2:
0x48: {  	_ =	swait.ge [sflag:s17], $0x2800  }
0x49: {  	s1 =	sshra.s32 s31, $0x2;
	[sflag:s17] =	ssyncset.done $0x0  }
0x4a: {  	s0 =	sadd.s32 $0x2850, s1;
	[sflag:s17] =	ssyncadd.s32 $0xFFFFD800  }
0x4b: {  	[spmem:s2] =	stream.indirect.scatter.add.f32 [tilespmem:s15], [sflag:$0x4], $0x80, s0, s14, $0xb8;
	[tilespmem:$0x1FF80] =	vst v63  }
0x4c: {  	_ =	swait.ge [sflag:s29], $0x2800  }
0x4d: {  	[sflag:s29] =	ssyncset.done $0x0  }
0x4e: {  	s18 =	sadd.s32 $0x190, s1;
	[sflag:s29] =	ssyncadd.s32 $0xFFFFD800  }
0x4f: {  	[tilespmem:s19], [sflag:$0x3] =	stream.indirect.gather [hbm4b:s4+s14], $0x80, s18, s14, $0xb8;
	[tilespmem:$0x1FF80] =	vst v63  }
0x50: {  	_ =	swait.ge [sflag:s20], $0x2800  }
0x51: {  	p0 =	seq.s32 s31, $0x9600;
	[sflag:s20] =	ssyncset.done $0x0  }
.Ltmp2:
0x52: {  	s18 =	sadd.s32 $0x28A0, s1;
	[sflag:s20] =	ssyncadd.s32 $0xFFFFD800;
	(pc) =	sbr.rel @p0 .LBB2_4-.Ltmp2, $4  }
0x53: {  	[spmem:s2] =	stream.indirect.scatter.add.f32 [tilespmem:s16], [sflag:$0x5], $0x80, s18, s14, $0xb8;
	[tilespmem:$0x1FF80] =	vst v63  }
0x54: {  	_ =	swait.ge [sflag:s22], $0x2800  }
0x55: {  	[sflag:s22] =	ssyncset.done $0x0  }
0x56: {  	s0 =	sadd.s32 $0x28F0, s1;
	[sflag:s22] =	ssyncadd.s32 $0xFFFFD800  }
0x57: {  	s18 =	sadd.s32 $0x1E0, s1  }
0x58: {  	[tilespmem:s15], [sflag:$0x1] =	stream.indirect.gather [hbm4b:s4+s14], $0x80, s18, s14, $0xb8;
	[tilespmem:$0x1FF80] =	vst v63  }
0x59: {  	_ =	swait.ge [sflag:s24], $0x2800  }
0x5a: {  	[sflag:s24] =	ssyncset.done $0x0  }
0x5b: {  	[sflag:s24] =	ssyncadd.s32 $0xFFFFD800  }
0x5c: {  	[spmem:s2] =	stream.indirect.scatter.add.f32 [tilespmem:s19], [sflag:$0x6], $0x80, s0, s14, $0xb8;
	[tilespmem:$0x1FF80] =	vst v63  }
.Ltmp3:
0x5d: {  	_ = 	snop;
	(pc) =	sbr.rel .LBB2_2-.Ltmp3, $4  }
0x5e: {  	_ =	swait.ge [sflag:s26], $0x2800  }
0x5f: {  	[sflag:s26] =	ssyncset.done $0x0  }
0x60: {  	s31 =	sadd.s32 $0x3C0, s31;
	s18 =	sadd.s32 $0x230, s1;
	[sflag:s26] =	ssyncadd.s32 $0xFFFFD800  }
0x61: {  	[tilespmem:s16], [sflag:$0x2] =	stream.indirect.gather [hbm4b:s4+s14], $0x80, s18, s14, $0xb8;
	[tilespmem:$0x1FF80] =	vst v63  }
.LBB2_5:
0x62: {  	_ =	sfence.sel $0x180000  }
0x63: {  	[bflag:$0x0] =	sbarrier.arrive $0xFFFF  }
0x64: {  	_ =	strace $0x90000059  }
0x65: {  	s0 =	stileid.u32;
	[bflag:$0x2] =	sbarrier.arrive $0xFFFF  }
0x66: {  	p0 =	sne.s32 s0, $0x0;
	s0 =	rddreg [dreg:$0x2]  }
0x67: {  	s0 =	sadd.s32 @!p0 $0x100000, s0  }
0x68: {  	[sflag:s0] =	ssyncadd.tile.s32 @!p0 $0x1;
	_ =	shalt  }
.Lfunc_end2:
_tile_overlayer_lowered:
.L_overlay_start_2:
0x69: {  	(tag) =	ssettag $0x2  }
0x6a: {  	s0 =	rddreg [dreg:$0x0];
	s2 =	stileid.u32  }
0x6b: {  	s1 =	rddreg [dreg:$0x1];
	p0 =	sne.s32 s2, $0x0  }
0x6c: {  	s3 =	rddreg [dreg:$0x2];
	[bflag:$0x3] =	sbarrier.arrive $0xFFFF;
	s2 =	simm.s32 @!p0 $0x1C07  }
0x6d: {  	[timem:s3], [sflag:s2] =	dma.local @!p0 [hbm:s0], s1  }
0x6e: {  	s0 =	simm.s32 @!p0 $0x7  }
0x6f: {  	_ =	swait.ge @!p0 [sflag:s0], s1  }
0x70: {  	s1 =	ssub.s32 @!p0 $0x0, s1;
	[sflag:s0] =	ssyncset.done @!p0 $0x0  }
0x71: {  	[sflag:s0] =	ssyncadd.s32 @!p0 s1  }
0x72: {  	[bflag:$0x3] =	sbarrier.arrive $0xFFFF  }
0x73: {  	_ =	shalt  }

// kernel: kernel.30.cloned.1.call-start
scs
__scs_entry_jumppad:
0x0: {  	(pc) =	sbr.rel $0x88, $3  }
0x1: {  	(tag) =	ssettag $0x0;
	lr =	simm.s32 $0x1  }
0x2: {  	[smem:$0x3F89] =	sst lr;
	_ =	strace $0xD0000000  }
0x3: {  	_ = 	snop  }
0x4: {  	_ = 	snop  }
0x5: {  	_ = 	snop  }
0x6: {  	_ = 	snop  }
0x7: {  	_ = 	snop  }
__scs_overlays_trampoline_lowered:
0x8: {  	[smem:$0x3F98] =	sst s0  }
0x9: {  	[smem:$0x3F99] =	sst s1  }
0xa: {  	[smem:$0x3F9A] =	sst s2  }
0xb: {  	[smem:$0x3F9B] =	sst s3  }
0xc: {  	[smem:$0x3F9C] =	sst s4  }
0xd: {  	[smem:$0x3F9D] =	sst s5  }
0xe: {  	[smem:$0x3F9E] =	sst s6  }
0xf: {  	[smem:$0x3F9F] =	sst s7  }
0x10: {  	[smem:$0x3FA0] =	sst s8  }
0x11: {  	[smem:$0x3FA1] =	sst s9;
	s0 =	simm.s32 @!p0 $0x0  }
0x12: {  	s1 =	sld [smem:$0x3F87];
	s0 =	simm.s32 @p0 $0x1  }
0x13: {  	[smem:$0x3FA2] =	sst s0;
	s0 =	simm.s32 @!p1 $0x0  }
0x14: {  	s2 =	sld [smem:$0x3F86];
	s0 =	simm.s32 @p1 $0x1  }
0x15: {  	[smem:$0x3FA3] =	sst s0;
	s0 =	simm.s32 @!p2 $0x0  }
0x16: {  	s3 =	sld [smem:$0x3FDB];
	s0 =	simm.s32 @p2 $0x1  }
0x17: {  	s4 =	simm.s32 $0x1BF5;
	[smem:$0x3FA5] =	sst s0  }
0x18: {  	s0 =	sld [smem:$0x3F88];
	_ =	swait.ge [sflag:s4], $0x0  }
0x19: {  	s7 =	sld [smem:$0x3F89]  }
0x1a: {  	s8 =	sadd.s32 $0xFFFFE003, lr  }
0x1b: {  	s9 =	sadd.s32 $0xFFFFFEF7, lr;
	s5 =	simm.s32 $0xFFFFFFFF;
	p2 =	slt.u32 s8, $0xFFFFF086  }
0x1c: {  	p1 =	slt.u32 s9, $0xF7A;
	s5 =	simm.s32 @!p2 $0x0  }
0x1d: {  	s5 =	simm.s32 @p1 $0x1;
	p0 =	seq.s32 s7, s2  }
0x1e: {  	s7 =	smul.u32 @!p0 $0xF7A, s2;
	p2 =	seq.s32 @!p0 s5, $0x0  }
0x1f: {  	s9 =	smul.u32 $0xF7A, s1;
	s8 =	simm.s32 @!p0 $0x1BF5;
	p2 =	por !p2, p0  }
0x20: {  	[sflag:s8] =	ssyncset.s32 @!p0 $0xFFFFF086;
	s6 =	sadd.s32 @!p0 s3, s7;
	s7 =	simm.s32 @!p0 $0x108  }
0x21: {  	s3 =	sadd.s32 s3, s9;
	s6 =	sadd.s32 @!p0 $0x88, s6;
	s7 =	simm.s32 @p2 $0x1082  }
0x22: {  	[simem:s7], [sflag:s8] =	dma.local @!p0 [hbm:s6], $0xF7A  }
0x23: {  	s9 =	sor.u32 $0xD0000000, s2;
	s6 =	simm.s32 $0x108;
	_ =	swait.ge @!p0 [sflag:s8], $0x0  }
0x24: {  	s3 =	sadd.s32 $0x88, s3;
	s6 =	simm.s32 @!p1 $0x1082;
	[sflag:s4] =	ssyncset.s32 $0xFFFFF086  }
0x25: {  	[simem:s6], [sflag:s4] =	dma.local [hbm:s3], $0xF7A  }
0x26: {  	[smem:$0x3F89] =	sst s1;
	(tag) =	ssettag s2;
	_ =	strace s9  }
0x27: {  	s1 =	sld [smem:$0x3F99]  }
0x28: {  	s2 =	sld [smem:$0x3F9A]  }
0x29: {  	s4 =	sld [smem:$0x3F9C]  }
0x2a: {  	p0 =	seq.s32 s5, $0x0;
	s5 =	sld [smem:$0x3F9D]  }
0x2b: {  	s6 =	sld [smem:$0x3F9E]  }
0x2c: {  	s7 =	sld [smem:$0x3F9F]  }
0x2d: {  	s3 =	simm.s32 $0x108;
	s8 =	sld [smem:$0x3FA0]  }
0x2e: {  	s3 =	simm.s32 @!p0 $0x1082;
	s9 =	sld [smem:$0x3FA1]  }
0x2f: {  	lr =	sadd.s32 s0, s3;
	s0 =	sld [smem:$0x3F98]  }
0x30: {  	s3 =	sld [smem:$0x3F9B]  }
0x31: {  	[smem:$0x3FA4] =	sst s10  }
0x32: {  	s10 =	sld [smem:$0x3FA2];
	_ =	sdelay $0x3  }
0x33: {  	p0 =	seq.s32 s10, $0x1;
	s10 =	sld [smem:$0x3FA4];
	_ =	sdelay $0x3  }
0x34: {  	[smem:$0x3FA4] =	sst s10  }
0x35: {  	s10 =	sld [smem:$0x3FA3];
	_ =	sdelay $0x3  }
0x36: {  	p1 =	seq.s32 s10, $0x1;
	s10 =	sld [smem:$0x3FA4];
	_ =	sdelay $0x3  }
0x37: {  	[smem:$0x3FA4] =	sst s10  }
0x38: {  	s10 =	sld [smem:$0x3FA5]  }
0x39: {  	_ = 	snop;
	(pc) =	sbr.ind lr, $3  }
0x3a: {  	_ = 	snop  }
0x3b: {  	_ = 	snop  }
0x3c: {  	p2 =	seq.s32 s10, $0x1;
	s10 =	sld [smem:$0x3FA4]  }
0x3d: {  	_ =	shalt  }
0x3e: {  	_ =	shalt  }
0x3f: {  	_ =	shalt  }
0x40: {  	_ =	shalt  }
0x41: {  	_ =	shalt  }
0x42: {  	_ =	shalt  }
0x43: {  	_ =	shalt  }
0x44: {  	_ =	shalt  }
0x45: {  	_ =	shalt  }
0x46: {  	_ =	shalt  }
0x47: {  	_ =	shalt  }
0x48: {  	_ =	shalt  }
0x49: {  	_ =	shalt  }
0x4a: {  	_ =	shalt  }
0x4b: {  	_ =	shalt  }
0x4c: {  	_ =	shalt  }
0x4d: {  	_ =	shalt  }
0x4e: {  	_ =	shalt  }
0x4f: {  	_ =	shalt  }
0x50: {  	_ =	shalt  }
0x51: {  	_ =	shalt  }
0x52: {  	_ =	shalt  }
0x53: {  	_ =	shalt  }
0x54: {  	_ =	shalt  }
0x55: {  	_ =	shalt  }
0x56: {  	_ =	shalt  }
0x57: {  	_ =	shalt  }
0x58: {  	_ =	shalt  }
0x59: {  	_ =	shalt  }
0x5a: {  	_ =	shalt  }
0x5b: {  	_ =	shalt  }
0x5c: {  	_ =	shalt  }
0x5d: {  	_ =	shalt  }
0x5e: {  	_ =	shalt  }
0x5f: {  	_ =	shalt  }
0x60: {  	_ =	shalt  }
0x61: {  	_ =	shalt  }
0x62: {  	_ =	shalt  }
0x63: {  	_ =	shalt  }
0x64: {  	_ =	shalt  }
0x65: {  	_ =	shalt  }
0x66: {  	_ =	shalt  }
0x67: {  	_ =	shalt  }
0x68: {  	_ =	shalt  }
0x69: {  	_ =	shalt  }
0x6a: {  	_ =	shalt  }
0x6b: {  	_ =	shalt  }
0x6c: {  	_ =	shalt  }
0x6d: {  	_ =	shalt  }
0x6e: {  	_ =	shalt  }
0x6f: {  	_ =	shalt  }
0x70: {  	_ =	shalt  }
0x71: {  	_ =	shalt  }
0x72: {  	_ =	shalt  }
0x73: {  	_ =	shalt  }
0x74: {  	_ =	shalt  }
0x75: {  	_ =	shalt  }
0x76: {  	_ =	shalt  }
0x77: {  	_ =	shalt  }
0x78: {  	_ =	shalt  }
0x79: {  	_ =	shalt  }
0x7a: {  	_ =	shalt  }
0x7b: {  	_ =	shalt  }
0x7c: {  	_ =	shalt  }
0x7d: {  	_ =	shalt  }
0x7e: {  	_ =	shalt  }
0x7f: {  	_ =	shalt  }
0x80: {  	_ =	shalt  }
0x81: {  	_ =	shalt  }
0x82: {  	_ =	shalt  }
0x83: {  	_ =	shalt  }
0x84: {  	_ =	shalt  }
0x85: {  	_ =	shalt  }
0x86: {  	_ =	shalt  }
0x87: {  	_ =	shalt  }
.Lfunc_end0:
.L_simem_size_0:
called_computation.4_lowered:
.L_overlay_start_0:
0x88: {  	s2 =	sld [smem:$0x3FD9]  }
0x89: {  	s3 =	sld [smem:$0x3FFE];
	_ =	sdelay $0x1  }
0x8a: {  	s1 =	srdreg.scid  }
0x8b: {  	s0 =	sand.u32 $0x1, s1  }
0x8c: {  	s16 =	sshll.u32 s0, $0xA;
	s2 =	sadd.s32 s3, s2  }
0x8d: {  	s2 =	sadd.s32 s2, s16  }
0x8e: {  	[smem:$0x3FB0] =	sst s2  }
0x8f: {  	_ = 	snop  }
0x90: {  	(tm) =	ssettm $0x1  }
0x91: {  	s17 =	sld [smem:$0x3FFB];
	_ =	sdelay $0x3  }
0x92: {  	_ =	strace s17  }
0x93: {  	s2 =	sld [smem:$0x3FFC];
	_ =	sdelay $0x3  }
0x94: {  	_ =	strace s2  }
0x95: {  	s2 =	sld [smem:$0x3FFD];
	_ =	sdelay $0x3  }
0x96: {  	_ =	strace s2  }
0x97: {  	_ =	strace $0x8FFFFFFF  }
0x98: {  	s18 =	sld [smem:$0x3FDB];
	_ =	sdelay $0x1  }
0x99: {  	s19 =	simm.s32 $_scs_section_size  }
0x9a: {  	s4 =	simm.s32 $_size__tile_overlayer_lowered;
	s5 =	simm.s32 $_tile_overlayer_lowered  }
0x9b: {  	s22 =	simm.s32 $0x1BFF;
	s21 =	sshll.u32 s5, $0x1;
	s2 =	sadd.s32 s19, s18  }
0x9c: {  	s6 =	simm.s32 $0x0;
	s20 =	sshll.u32 s4, $0x1;
	s4 =	sadd.s32 s21, s2  }
0x9d: {  	[timem:s6], [sflag:s22] =	dma.local [hbm:s4], s20  }
0x9e: {  	_ =	swait.ge [sflag:s22], s20  }
0x9f: {  	s3 =	ssub.s32 $0x0, s20;
	[sflag:s22] =	ssyncset.done $0x0  }
0xa0: {  	[sflag:s22] =	ssyncadd.s32 s3;
	_ =	sdelay $0x1  }
0xa1: {  	s23 =	simm.s32 $0x1B8B  }
0xa2: {  	_ =	swait.ge [sflag:s23], $0x1  }
0xa3: {  	[sflag:s23] =	ssyncset.done $0x0  }
0xa4: {  	s25 =	simm.s32 $0x1B8E;
	s24 =	sld [smem:$0x3FFE];
	[sflag:s23] =	ssyncadd.s32 $0xFFFFFFFF  }
0xa5: {  	s26 =	simm.s32 $execute0_lowered;
	[smem:$0x3FD2] =	sst s25  }
0xa6: {  	s4 =	sshll.u32 s26, $0x1;
	_ =	strace $0x80000049;
	[dreg:$0x1] =	wrdreg $0xFFFFFFFF  }
0xa7: {  	s28 =	simm.s32 $_size_execute0_lowered;
	s2 =	sadd.s32 s2, s4;
	[dreg:$0x0] =	wrdreg $0x0  }
0xa8: {  	s4 =	sshll.u32 s28, $0x1;
	[dreg:$0x2] =	wrdreg s2  }
0xa9: {  	[dreg:$0x3] =	wrdreg s4  }
0xaa: {  	[dreg:$0x4] =	wrdreg $0xC0  }
0xab: {  	_ =	task [dreg:s6], $0x5FFFF  }
0xac: {  	[dreg:$0x1] =	wrdreg $0xFFFFFFFF  }
0xad: {  	[dreg:$0x0] =	wrdreg $0x60  }
0xae: {  	[dreg:$0x2] =	wrdreg s24  }
0xaf: {  	[dreg:$0x3] =	wrdreg $0xC6C00  }
0xb0: {  	[dreg:$0x4] =	wrdreg $0xA  }
0xb1: {  	_ =	task.clear_ibuf [dreg:s6], $0x5FFFF;
	_ =	strace $0x90000049  }
0xb2: {  	s29 =	simm.s32 $0xA;
	_ =	strace $0x8000004B  }
0xb3: {  	_ =	swait.ge [sflag:s29], $0x1  }
0xb4: {  	[sflag:s29] =	ssyncadd.s32 $0xFFFFFFFF  }
0xb5: {  	_ =	strace $0x9000004B  }
0xb6: {  	_ =	sfence  }
0xb7: {  	s30 =	sld [smem:$0x0];
	_ =	sdelay $0x2  }
0xb8: {  	s31 =	sshll.u32 s1, $0xD;
	s1 =	sshrl.u32 s1, $0x2  }
0xb9: {  	s3 =	sand.u32 $0x4000, s31;
	s1 =	sadd.s32 s1, s30  }
0xba: {  	s0 =	sor.u32 s3, s0;
	s1 =	sshll.u32 s1, $0x11  }
0xbb: {  	s0 =	sor.u32 s1, s0  }
0xbc: {  	s0 =	sadd.s32 $0x8F2B, s0  }
0xbd: {  	[sflag:s0] =	ssyncadd.remote.s32 $0x1  }
0xbe: {  	_ =	sfence.sel $0xFFFF  }
0xbf: {  	[dreg:$0x0] =	wrdreg $0xFFFFFFFF;
	(pc) =	sbr.abs _section_cstart, $3  }
0xc0: {  	[dreg:$0x1] =	wrdreg $0xFFFFFFFF  }
0xc1: {  	_ =	task.clear_ibuf [dreg:s6], $0x2FFFF;
	_ =	strace $0x9FFFFFFF  }
0xc2: {  	(tm) =	ssettm $0x7FFFFFFF  }
0xc3: {  	_ =	shalt  }
tec
execute0_lowered:
.L_overlay_start_1:
0x0: {  	(tag) =	ssettag $0x1  }
0x1: {  	s0 =	srdreg.scid;
	s1 =	rddreg [dreg:$0x0]  }
0x2: {  	s12 =	stileid.u32;
	s2 =	rddreg [dreg:$0x1];
	s3 =	simm.s32 $0x0  }
0x3: {  	s10 =	simm.s32 $0x2760;
	s11 =	simm.s32 $0x7;
	s14 =	simm.s32 $0x50  }
0x4: {  	s15 =	simm.s32 $0x4EC0;
	s16 =	simm.s32 $0x76C0;
	s17 =	simm.s32 $0x1  }
0x5: {  	s19 =	simm.s32 $0x9EC0;
	s20 =	simm.s32 $0x2;
	s21 =	simm.s32 $0x27B0  }
0x6: {  	s22 =	simm.s32 $0x4;
	s23 =	simm.s32 $0xF0;
	s5 =	smul.u32 $0x2760, s12  }
0x7: {  	s24 =	simm.s32 $0x3;
	s25 =	simm.s32 $0x2800;
	s8 =	smul.u32 $0x271, s12  }
0x8: {  	s28 =	simm.s32 $0x140;
	s0 =	sand.u32 $0x1, s0;
	s26 =	smul.u32 $0x4E200, s12  }
0x9: {  	s29 =	simm.s32 $0x6;
	s30 =	simm.s32 $0x0;
	s4 =	smul.u32 $0x27600, s0  }
0xa: {  	[smem:$0x7FF] =	sst s3;
	s31 =	sshll.u32 s12, $0x6;
	s6 =	smul.u32 $0x2710, s0  }
0xb: {  	_ =	strace $0x8000004A;
	s0 =	ssub.s32 $0x2, s0;
	s12 =	sor.u32 $0x1C07, s31  }
0xc: {  	s9 =	sshrl.u32 s0, $0x1;
	s4 =	sadd.s32 s5, s4;
	s5 =	sshrl.u32 s5, $0x3  }
0xd: {  	s6 =	sadd.s32 s8, s6;
	s0 =	ssub.s32 s0, s9;
	s8 =	sshrl.u32 s26, $0x2  }
.Ltmp0:
0xe: {  	s26 =	simm.s32 $0x5;
	s7 =	sshrl.u32 s4, $0x3;
	(pc) =	sbr.rel .LBB2_1-.Ltmp0, $4  }
0xf: {  	s4 =	sadd.s32 $0x77E00, s1;
	s5 =	sadd.s32 s5, s1;
	s6 =	sshll.u32 s6, $0x4  }
0x10: {  	s13 =	sadd.s32 s8, s2;
	s9 =	smax.u32 s0, $0x1;
	s7 =	sadd.s32 s7, s1  }
0x11: {  	s1 =	sadd.s32 s6, s1;
	s5 =	sadd.s32 $0x1AE00, s5;
	s6 =	sadd.s32 s4, s6  }
0x12: {  	s13 =	sshrl.u32 s13, $0x3;
	s7 =	sadd.s32 $0x1FE00, s7;
	s8 =	sadd.s32 $0xC6000, s1  }
.LBB2_4:
0x13: {  	_ =	swait.ge [sflag:s24], $0x2800  }
0x14: {  	[sflag:s24] =	ssyncset.done $0x0  }
0x15: {  	[sflag:s24] =	ssyncadd.s32 $0xFFFFD800  }
0x16: {  	[spmem:s2] =	stream.indirect.scatter.add.f32 [tilespmem:s19], [sflag:$0x6], $0x80, s0, s14, $0xb8;
	[tilespmem:$0x1FF80] =	vst v63  }
0x17: {  	_ =	swait.ge [sflag:s26], $0x2800  }
0x18: {  	[sflag:s26] =	ssyncset.done $0x0  }
0x19: {  	[sflag:s26] =	ssyncadd.s32 $0xFFFFD800  }
0x1a: {  	_ =	swait.ge [sflag:s29], $0x2800  }
0x1b: {  	s30 =	sadd.s32 $0x1, s30;
	[sflag:s29] =	ssyncset.done $0x0  }
0x1c: {  	p0 =	sne.s32 s30, s9;
	[sflag:s29] =	ssyncadd.s32 $0xFFFFD800  }
.Ltmp1:
0x1d: {  	[bflag:$0x0] =	sbarrier.arrive $0xFFFF;
	(pc) =	sbr.rel @!p0 .LBB2_5-.Ltmp1, $4  }
0x1e: {  	[hbm:s8], [sflag:s12] =	dma.local [spmem:s13], $0x2710  }
0x1f: {  	_ =	swait.ge [sflag:s11], $0x2710  }
0x20: {  	[sflag:s11] =	ssyncset.done $0x0  }
0x21: {  	[sflag:s11] =	ssyncadd.s32 $0xFFFFD8F0  }
.LBB2_1:
0x22: {  	[tilespmem:s10], [sflag:$0x7] =	stream.linear.gather [hbm4b:s5+s3], $0x2760, $0x38;
	[tilespmem:$0x1FF80] =	vst v63  }
0x23: {  	_ =	swait.ge [sflag:s11], $0x2760  }
0x24: {  	[sflag:s11] =	ssyncset.done $0x0  }
0x25: {  	[sflag:s11] =	ssyncadd.s32 $0xFFFFD8A0  }
0x26: {  	[spmem:s13], [sflag:s12] =	dma.local [hbm:s6], $0x2710  }
0x27: {  	_ =	swait.ge [sflag:s11], $0x2710  }
0x28: {  	[sflag:s11] =	ssyncset.done $0x0  }
0x29: {  	[sflag:s11] =	ssyncadd.s32 $0xFFFFD8F0  }
0x2a: {  	[tilespmem:s3], [sflag:$0x7] =	stream.linear.gather [hbm4b:s7+s3], $0x2760, $0x38;
	[tilespmem:$0x1FF80] =	vst v63  }
0x2b: {  	_ =	swait.ge [sflag:s11], $0x2760  }
0x2c: {  	[sflag:s11] =	ssyncset.done $0x0  }
0x2d: {  	[sflag:s11] =	ssyncadd.s32 $0xFFFFD8A0  }
0x2e: {  	[bflag:$0x0] =	sbarrier.arrive $0xFFFF  }
0x2f: {  	[tilespmem:s15], [sflag:$0x1] =	stream.indirect.gather [hbm4b:s4+s14], $0x80, s3, s14, $0xb8;
	[tilespmem:$0x1FF80] =	vst v63  }
0x30: {  	_ = 	snop  }
0x31: {  	[tilespmem:s16], [sflag:$0x2] =	stream.indirect.gather [hbm4b:s4+s14], $0x80, s14, s14, $0xb8;
	[tilespmem:$0x1FF80] =	vst v63  }
0x32: {  	_ =	swait.ge [sflag:s17], $0x2800  }
0x33: {  	[sflag:s17] =	ssyncset.done $0x0  }
0x34: {  	[sflag:s17] =	ssyncadd.s32 $0xFFFFD800  }
0x35: {  	[spmem:s2] =	stream.indirect.scatter.add.f32 [tilespmem:s15], [sflag:$0x4], $0x80, s10, s14, $0xb8;
	[tilespmem:$0x1FF80] =	vst v63  }
0x36: {  	s0 =	simm.s32 $0xA0  }
0x37: {  	[tilespmem:s19], [sflag:$0x3] =	stream.indirect.gather [hbm4b:s4+s14], $0x80, s0, s14, $0xb8;
	[tilespmem:$0x1FF80] =	vst v63  }
0x38: {  	_ =	swait.ge [sflag:s20], $0x2800  }
0x39: {  	[sflag:s20] =	ssyncset.done $0x0  }
0x3a: {  	[sflag:s20] =	ssyncadd.s32 $0xFFFFD800  }
0x3b: {  	[spmem:s2] =	stream.indirect.scatter.add.f32 [tilespmem:s16], [sflag:$0x5], $0x80, s21, s14, $0xb8;
	[tilespmem:$0x1FF80] =	vst v63  }
0x3c: {  	_ =	swait.ge [sflag:s22], $0x2800  }
0x3d: {  	[sflag:s22] =	ssyncset.done $0x0  }
0x3e: {  	[sflag:s22] =	ssyncadd.s32 $0xFFFFD800  }
0x3f: {  	[tilespmem:s15], [sflag:$0x1] =	stream.indirect.gather [hbm4b:s4+s14], $0x80, s23, s14, $0xb8;
	[tilespmem:$0x1FF80] =	vst v63  }
0x40: {  	_ =	swait.ge [sflag:s24], $0x2800  }
0x41: {  	[sflag:s24] =	ssyncset.done $0x0  }
0x42: {  	[sflag:s24] =	ssyncadd.s32 $0xFFFFD800  }
0x43: {  	[spmem:s2] =	stream.indirect.scatter.add.f32 [tilespmem:s19], [sflag:$0x6], $0x80, s25, s14, $0xb8;
	[tilespmem:$0x1FF80] =	vst v63  }
0x44: {  	_ =	swait.ge [sflag:s26], $0x2800  }
0x45: {  	[sflag:s26] =	ssyncset.done $0x0  }
0x46: {  	s31 =	simm.s32 $0x0;
	[sflag:s26] =	ssyncadd.s32 $0xFFFFD800  }
0x47: {  	[tilespmem:s16], [sflag:$0x2] =	stream.indirect.gather [hbm4b:s4+s14], $0x80, s28, s14, $0xb8;
	[tilespmem:$0x1FF80] =	vst v63  }
.LBB2_2:
0x48: {  	_ =	swait.ge [sflag:s17], $0x2800  }
0x49: {  	s1 =	sshra.s32 s31, $0x2;
	[sflag:s17] =	ssyncset.done $0x0  }
0x4a: {  	s0 =	sadd.s32 $0x2850, s1;
	[sflag:s17] =	ssyncadd.s32 $0xFFFFD800  }
0x4b: {  	[spmem:s2] =	stream.indirect.scatter.add.f32 [tilespmem:s15], [sflag:$0x4], $0x80, s0, s14, $0xb8;
	[tilespmem:$0x1FF80] =	vst v63  }
0x4c: {  	_ =	swait.ge [sflag:s29], $0x2800  }
0x4d: {  	[sflag:s29] =	ssyncset.done $0x0  }
0x4e: {  	s18 =	sadd.s32 $0x190, s1;
	[sflag:s29] =	ssyncadd.s32 $0xFFFFD800  }
0x4f: {  	[tilespmem:s19], [sflag:$0x3] =	stream.indirect.gather [hbm4b:s4+s14], $0x80, s18, s14, $0xb8;
	[tilespmem:$0x1FF80] =	vst v63  }
0x50: {  	_ =	swait.ge [sflag:s20], $0x2800  }
0x51: {  	p0 =	seq.s32 s31, $0x9600;
	[sflag:s20] =	ssyncset.done $0x0  }
.Ltmp2:
0x52: {  	s18 =	sadd.s32 $0x28A0, s1;
	[sflag:s20] =	ssyncadd.s32 $0xFFFFD800;
	(pc) =	sbr.rel @p0 .LBB2_4-.Ltmp2, $4  }
0x53: {  	[spmem:s2] =	stream.indirect.scatter.add.f32 [tilespmem:s16], [sflag:$0x5], $0x80, s18, s14, $0xb8;
	[tilespmem:$0x1FF80] =	vst v63  }
0x54: {  	_ =	swait.ge [sflag:s22], $0x2800  }
0x55: {  	[sflag:s22] =	ssyncset.done $0x0  }
0x56: {  	s0 =	sadd.s32 $0x28F0, s1;
	[sflag:s22] =	ssyncadd.s32 $0xFFFFD800  }
0x57: {  	s18 =	sadd.s32 $0x1E0, s1  }
0x58: {  	[tilespmem:s15], [sflag:$0x1] =	stream.indirect.gather [hbm4b:s4+s14], $0x80, s18, s14, $0xb8;
	[tilespmem:$0x1FF80] =	vst v63  }
0x59: {  	_ =	swait.ge [sflag:s24], $0x2800  }
0x5a: {  	[sflag:s24] =	ssyncset.done $0x0  }
0x5b: {  	[sflag:s24] =	ssyncadd.s32 $0xFFFFD800  }
0x5c: {  	[spmem:s2] =	stream.indirect.scatter.add.f32 [tilespmem:s19], [sflag:$0x6], $0x80, s0, s14, $0xb8;
	[tilespmem:$0x1FF80] =	vst v63  }
.Ltmp3:
0x5d: {  	_ = 	snop;
	(pc) =	sbr.rel .LBB2_2-.Ltmp3, $4  }
0x5e: {  	_ =	swait.ge [sflag:s26], $0x2800  }
0x5f: {  	[sflag:s26] =	ssyncset.done $0x0  }
0x60: {  	s31 =	sadd.s32 $0x3C0, s31;
	s18 =	sadd.s32 $0x230, s1;
	[sflag:s26] =	ssyncadd.s32 $0xFFFFD800  }
0x61: {  	[tilespmem:s16], [sflag:$0x2] =	stream.indirect.gather [hbm4b:s4+s14], $0x80, s18, s14, $0xb8;
	[tilespmem:$0x1FF80] =	vst v63  }
.LBB2_5:
0x62: {  	_ =	sfence.sel $0x180000  }
0x63: {  	[bflag:$0x0] =	sbarrier.arrive $0xFFFF  }
0x64: {  	_ =	strace $0x9000004A  }
0x65: {  	s0 =	stileid.u32;
	[bflag:$0x2] =	sbarrier.arrive $0xFFFF  }
0x66: {  	p0 =	sne.s32 s0, $0x0;
	s0 =	rddreg [dreg:$0x2]  }
0x67: {  	s0 =	sadd.s32 @!p0 $0x100000, s0  }
0x68: {  	[sflag:s0] =	ssyncadd.tile.s32 @!p0 $0x1;
	_ =	shalt  }
.Lfunc_end2:
_tile_overlayer_lowered:
.L_overlay_start_2:
0x69: {  	(tag) =	ssettag $0x2  }
0x6a: {  	s0 =	rddreg [dreg:$0x0];
	s2 =	stileid.u32  }
0x6b: {  	s1 =	rddreg [dreg:$0x1];
	p0 =	sne.s32 s2, $0x0  }
0x6c: {  	s3 =	rddreg [dreg:$0x2];
	[bflag:$0x3] =	sbarrier.arrive $0xFFFF;
	s2 =	simm.s32 @!p0 $0x1C07  }
0x6d: {  	[timem:s3], [sflag:s2] =	dma.local @!p0 [hbm:s0], s1  }
0x6e: {  	s0 =	simm.s32 @!p0 $0x7  }
0x6f: {  	_ =	swait.ge @!p0 [sflag:s0], s1  }
0x70: {  	s1 =	ssub.s32 @!p0 $0x0, s1;
	[sflag:s0] =	ssyncset.done @!p0 $0x0  }
0x71: {  	[sflag:s0] =	ssyncadd.s32 @!p0 s1  }
0x72: {  	[bflag:$0x3] =	sbarrier.arrive $0xFFFF  }
0x73: {  	_ =	shalt  }

// kernel: kernel.33.cloned.1.call-start
scs
__scs_entry_jumppad:
0x0: {  	(pc) =	sbr.rel $0x88, $3  }
0x1: {  	(tag) =	ssettag $0x0;
	lr =	simm.s32 $0x1  }
0x2: {  	[smem:$0x3F89] =	sst lr;
	_ =	strace $0xD0000000  }
0x3: {  	_ = 	snop  }
0x4: {  	_ = 	snop  }
0x5: {  	_ = 	snop  }
0x6: {  	_ = 	snop  }
0x7: {  	_ = 	snop  }
__scs_overlays_trampoline_lowered:
0x8: {  	[smem:$0x3F98] =	sst s0  }
0x9: {  	[smem:$0x3F99] =	sst s1  }
0xa: {  	[smem:$0x3F9A] =	sst s2  }
0xb: {  	[smem:$0x3F9B] =	sst s3  }
0xc: {  	[smem:$0x3F9C] =	sst s4  }
0xd: {  	[smem:$0x3F9D] =	sst s5  }
0xe: {  	[smem:$0x3F9E] =	sst s6  }
0xf: {  	[smem:$0x3F9F] =	sst s7  }
0x10: {  	[smem:$0x3FA0] =	sst s8  }
0x11: {  	[smem:$0x3FA1] =	sst s9;
	s0 =	simm.s32 @!p0 $0x0  }
0x12: {  	s1 =	sld [smem:$0x3F87];
	s0 =	simm.s32 @p0 $0x1  }
0x13: {  	[smem:$0x3FA2] =	sst s0;
	s0 =	simm.s32 @!p1 $0x0  }
0x14: {  	s2 =	sld [smem:$0x3F86];
	s0 =	simm.s32 @p1 $0x1  }
0x15: {  	[smem:$0x3FA3] =	sst s0;
	s0 =	simm.s32 @!p2 $0x0  }
0x16: {  	s3 =	sld [smem:$0x3FDB];
	s0 =	simm.s32 @p2 $0x1  }
0x17: {  	s4 =	simm.s32 $0x1BF5;
	[smem:$0x3FA5] =	sst s0  }
0x18: {  	s0 =	sld [smem:$0x3F88];
	_ =	swait.ge [sflag:s4], $0x0  }
0x19: {  	s7 =	sld [smem:$0x3F89]  }
0x1a: {  	s8 =	sadd.s32 $0xFFFFE003, lr  }
0x1b: {  	s9 =	sadd.s32 $0xFFFFFEF7, lr;
	s5 =	simm.s32 $0xFFFFFFFF;
	p2 =	slt.u32 s8, $0xFFFFF086  }
0x1c: {  	p1 =	slt.u32 s9, $0xF7A;
	s5 =	simm.s32 @!p2 $0x0  }
0x1d: {  	s5 =	simm.s32 @p1 $0x1;
	p0 =	seq.s32 s7, s2  }
0x1e: {  	s7 =	smul.u32 @!p0 $0xF7A, s2;
	p2 =	seq.s32 @!p0 s5, $0x0  }
0x1f: {  	s9 =	smul.u32 $0xF7A, s1;
	s8 =	simm.s32 @!p0 $0x1BF5;
	p2 =	por !p2, p0  }
0x20: {  	[sflag:s8] =	ssyncset.s32 @!p0 $0xFFFFF086;
	s6 =	sadd.s32 @!p0 s3, s7;
	s7 =	simm.s32 @!p0 $0x108  }
0x21: {  	s3 =	sadd.s32 s3, s9;
	s6 =	sadd.s32 @!p0 $0x88, s6;
	s7 =	simm.s32 @p2 $0x1082  }
0x22: {  	[simem:s7], [sflag:s8] =	dma.local @!p0 [hbm:s6], $0xF7A  }
0x23: {  	s9 =	sor.u32 $0xD0000000, s2;
	s6 =	simm.s32 $0x108;
	_ =	swait.ge @!p0 [sflag:s8], $0x0  }
0x24: {  	s3 =	sadd.s32 $0x88, s3;
	s6 =	simm.s32 @!p1 $0x1082;
	[sflag:s4] =	ssyncset.s32 $0xFFFFF086  }
0x25: {  	[simem:s6], [sflag:s4] =	dma.local [hbm:s3], $0xF7A  }
0x26: {  	[smem:$0x3F89] =	sst s1;
	(tag) =	ssettag s2;
	_ =	strace s9  }
0x27: {  	s1 =	sld [smem:$0x3F99]  }
0x28: {  	s2 =	sld [smem:$0x3F9A]  }
0x29: {  	s4 =	sld [smem:$0x3F9C]  }
0x2a: {  	p0 =	seq.s32 s5, $0x0;
	s5 =	sld [smem:$0x3F9D]  }
0x2b: {  	s6 =	sld [smem:$0x3F9E]  }
0x2c: {  	s7 =	sld [smem:$0x3F9F]  }
0x2d: {  	s3 =	simm.s32 $0x108;
	s8 =	sld [smem:$0x3FA0]  }
0x2e: {  	s3 =	simm.s32 @!p0 $0x1082;
	s9 =	sld [smem:$0x3FA1]  }
0x2f: {  	lr =	sadd.s32 s0, s3;
	s0 =	sld [smem:$0x3F98]  }
0x30: {  	s3 =	sld [smem:$0x3F9B]  }
0x31: {  	[smem:$0x3FA4] =	sst s10  }
0x32: {  	s10 =	sld [smem:$0x3FA2];
	_ =	sdelay $0x3  }
0x33: {  	p0 =	seq.s32 s10, $0x1;
	s10 =	sld [smem:$0x3FA4];
	_ =	sdelay $0x3  }
0x34: {  	[smem:$0x3FA4] =	sst s10  }
0x35: {  	s10 =	sld [smem:$0x3FA3];
	_ =	sdelay $0x3  }
0x36: {  	p1 =	seq.s32 s10, $0x1;
	s10 =	sld [smem:$0x3FA4];
	_ =	sdelay $0x3  }
0x37: {  	[smem:$0x3FA4] =	sst s10  }
0x38: {  	s10 =	sld [smem:$0x3FA5]  }
0x39: {  	_ = 	snop;
	(pc) =	sbr.ind lr, $3  }
0x3a: {  	_ = 	snop  }
0x3b: {  	_ = 	snop  }
0x3c: {  	p2 =	seq.s32 s10, $0x1;
	s10 =	sld [smem:$0x3FA4]  }
0x3d: {  	_ =	shalt  }
0x3e: {  	_ =	shalt  }
0x3f: {  	_ =	shalt  }
0x40: {  	_ =	shalt  }
0x41: {  	_ =	shalt  }
0x42: {  	_ =	shalt  }
0x43: {  	_ =	shalt  }
0x44: {  	_ =	shalt  }
0x45: {  	_ =	shalt  }
0x46: {  	_ =	shalt  }
0x47: {  	_ =	shalt  }
0x48: {  	_ =	shalt  }
0x49: {  	_ =	shalt  }
0x4a: {  	_ =	shalt  }
0x4b: {  	_ =	shalt  }
0x4c: {  	_ =	shalt  }
0x4d: {  	_ =	shalt  }
0x4e: {  	_ =	shalt  }
0x4f: {  	_ =	shalt  }
0x50: {  	_ =	shalt  }
0x51: {  	_ =	shalt  }
0x52: {  	_ =	shalt  }
0x53: {  	_ =	shalt  }
0x54: {  	_ =	shalt  }
0x55: {  	_ =	shalt  }
0x56: {  	_ =	shalt  }
0x57: {  	_ =	shalt  }
0x58: {  	_ =	shalt  }
0x59: {  	_ =	shalt  }
0x5a: {  	_ =	shalt  }
0x5b: {  	_ =	shalt  }
0x5c: {  	_ =	shalt  }
0x5d: {  	_ =	shalt  }
0x5e: {  	_ =	shalt  }
0x5f: {  	_ =	shalt  }
0x60: {  	_ =	shalt  }
0x61: {  	_ =	shalt  }
0x62: {  	_ =	shalt  }
0x63: {  	_ =	shalt  }
0x64: {  	_ =	shalt  }
0x65: {  	_ =	shalt  }
0x66: {  	_ =	shalt  }
0x67: {  	_ =	shalt  }
0x68: {  	_ =	shalt  }
0x69: {  	_ =	shalt  }
0x6a: {  	_ =	shalt  }
0x6b: {  	_ =	shalt  }
0x6c: {  	_ =	shalt  }
0x6d: {  	_ =	shalt  }
0x6e: {  	_ =	shalt  }
0x6f: {  	_ =	shalt  }
0x70: {  	_ =	shalt  }
0x71: {  	_ =	shalt  }
0x72: {  	_ =	shalt  }
0x73: {  	_ =	shalt  }
0x74: {  	_ =	shalt  }
0x75: {  	_ =	shalt  }
0x76: {  	_ =	shalt  }
0x77: {  	_ =	shalt  }
0x78: {  	_ =	shalt  }
0x79: {  	_ =	shalt  }
0x7a: {  	_ =	shalt  }
0x7b: {  	_ =	shalt  }
0x7c: {  	_ =	shalt  }
0x7d: {  	_ =	shalt  }
0x7e: {  	_ =	shalt  }
0x7f: {  	_ =	shalt  }
0x80: {  	_ =	shalt  }
0x81: {  	_ =	shalt  }
0x82: {  	_ =	shalt  }
0x83: {  	_ =	shalt  }
0x84: {  	_ =	shalt  }
0x85: {  	_ =	shalt  }
0x86: {  	_ =	shalt  }
0x87: {  	_ =	shalt  }
.Lfunc_end0:
.L_simem_size_0:
called_computation.5_lowered:
.L_overlay_start_0:
0x88: {  	s2 =	sld [smem:$0x3FD9]  }
0x89: {  	s3 =	sld [smem:$0x3FFE];
	_ =	sdelay $0x1  }
0x8a: {  	s1 =	srdreg.scid  }
0x8b: {  	s0 =	sand.u32 $0x1, s1  }
0x8c: {  	s17 =	sshll.u32 s0, $0xA;
	s2 =	sadd.s32 s3, s2  }
0x8d: {  	s2 =	sadd.s32 s2, s17  }
0x8e: {  	[smem:$0x3FB0] =	sst s2  }
0x8f: {  	_ = 	snop  }
0x90: {  	(tm) =	ssettm $0x1  }
0x91: {  	s18 =	sld [smem:$0x3FFB];
	_ =	sdelay $0x3  }
0x92: {  	_ =	strace s18  }
0x93: {  	s2 =	sld [smem:$0x3FFC];
	_ =	sdelay $0x3  }
0x94: {  	_ =	strace s2  }
0x95: {  	s2 =	sld [smem:$0x3FFD];
	_ =	sdelay $0x3  }
0x96: {  	_ =	strace s2  }
0x97: {  	_ =	strace $0x8FFFFFFF  }
0x98: {  	s19 =	sld [smem:$0x3FDB];
	_ =	sdelay $0x1  }
0x99: {  	s20 =	simm.s32 $_scs_section_size  }
0x9a: {  	s4 =	simm.s32 $_size__tile_overlayer_lowered;
	s5 =	simm.s32 $_tile_overlayer_lowered  }
0x9b: {  	s6 =	simm.s32 $0x1BFF;
	s21 =	sshll.u32 s5, $0x1;
	s3 =	sadd.s32 s20, s19  }
0x9c: {  	s22 =	simm.s32 $0x0;
	s4 =	sshll.u32 s4, $0x1;
	s5 =	sadd.s32 s21, s3  }
0x9d: {  	[timem:s22], [sflag:s6] =	dma.local [hbm:s5], s4  }
0x9e: {  	_ =	swait.ge [sflag:s6], s4  }
0x9f: {  	s4 =	ssub.s32 $0x0, s4;
	[sflag:s6] =	ssyncset.done $0x0  }
0xa0: {  	[sflag:s6] =	ssyncadd.s32 s4;
	_ =	sdelay $0x1  }
0xa1: {  	s23 =	simm.s32 $0x1B8B  }
0xa2: {  	_ =	swait.ge [sflag:s23], $0x1  }
0xa3: {  	[sflag:s23] =	ssyncset.done $0x0  }
0xa4: {  	[sflag:s23] =	ssyncadd.s32 $0xFFFFFFFF  }
0xa5: {  	s4 =	sld [smem:$0x0]  }
0xa6: {  	s5 =	sand.u32 $0xFFFFFFFE, s1  }
0xa7: {  	p0 =	sne.s32 s1, s5  }
0xa8: {  	s5 =	sshll.u32 @p0 s5, $0xE  }
0xa9: {  	s5 =	sadd.s32 @p0 $0x11B8D, s5;
	s6 =	sshll.u32 @p0 s4, $0x11  }
0xaa: {  	s5 =	sor.u32 @p0 s6, s5  }
0xab: {  	[sflag:s5] =	ssyncadd.remote.s32 @p0 $0x1;
	_ =	sdelay $0x1  }
0xac: {  	s5 =	simm.s32 @p0 $0x1B8D  }
0xad: {  	_ =	swait.eq @p0 [sflag:s5], $0x1  }
0xae: {  	[sflag:s5] =	ssyncadd.s32 @p0 $0xFFFFFFFF  }
0xaf: {  	s6 =	sshll.u32 @!p0 s1, $0xE  }
0xb0: {  	s6 =	sor.u32 @!p0 $0x4000, s6;
	s5 =	simm.s32 @!p0 $0x1B8D  }
0xb1: {  	s4 =	sshll.u32 @!p0 s4, $0x11;
	s6 =	sadd.s32 @!p0 $0x11B8D, s6;
	_ =	swait.eq @!p0 [sflag:s5], $0x1  }
0xb2: {  	s4 =	sor.u32 @!p0 s4, s6;
	[sflag:s5] =	ssyncadd.s32 @!p0 $0xFFFFFFFF  }
0xb3: {  	s25 =	simm.s32 $0x1B8E;
	s24 =	sld [smem:$0x3FFE];
	[sflag:s4] =	ssyncadd.remote.s32 @!p0 $0x1  }
0xb4: {  	s26 =	simm.s32 $execute0_lowered;
	[smem:$0x3FD2] =	sst s25  }
0xb5: {  	s5 =	sshll.u32 s26, $0x1;
	_ =	strace $0x8000004F;
	[dreg:$0x1] =	wrdreg $0xFFFFFFFF  }
0xb6: {  	s28 =	simm.s32 $_size_execute0_lowered;
	s3 =	sadd.s32 s3, s5;
	[dreg:$0x0] =	wrdreg $0x0  }
0xb7: {  	s5 =	sshll.u32 s28, $0x1;
	[dreg:$0x2] =	wrdreg s3  }
0xb8: {  	[dreg:$0x3] =	wrdreg s5  }
0xb9: {  	[dreg:$0x4] =	wrdreg $0xC0  }
0xba: {  	_ =	task [dreg:s22], $0x5FFFF  }
0xbb: {  	[dreg:$0x1] =	wrdreg $0xFFFFFFFF  }
0xbc: {  	[dreg:$0x0] =	wrdreg $0x60  }
0xbd: {  	[dreg:$0x2] =	wrdreg s24  }
0xbe: {  	[dreg:$0x3] =	wrdreg $0xC6C00  }
0xbf: {  	[dreg:$0x4] =	wrdreg $0xA  }
0xc0: {  	_ =	task.clear_ibuf [dreg:s22], $0x5FFFF;
	_ =	strace $0x9000004F  }
0xc1: {  	s29 =	simm.s32 $0xA;
	_ =	strace $0x80000051  }
0xc2: {  	_ =	swait.ge [sflag:s29], $0x1  }
0xc3: {  	[sflag:s29] =	ssyncadd.s32 $0xFFFFFFFF  }
0xc4: {  	_ =	strace $0x90000051  }
0xc5: {  	_ =	sfence  }
0xc6: {  	s30 =	sld [smem:$0x0];
	_ =	sdelay $0x2  }
0xc7: {  	s31 =	sshll.u32 s1, $0xD;
	s1 =	sshrl.u32 s1, $0x2  }
0xc8: {  	s4 =	sand.u32 $0x4000, s31;
	s1 =	sadd.s32 s1, s30  }
0xc9: {  	s0 =	sor.u32 s4, s0;
	s1 =	sshll.u32 s1, $0x11  }
0xca: {  	s0 =	sor.u32 s1, s0  }
0xcb: {  	s0 =	sadd.s32 $0x8F2B, s0  }
0xcc: {  	[sflag:s0] =	ssyncadd.remote.s32 $0x1  }
0xcd: {  	_ =	sfence.sel $0xFFFF  }
0xce: {  	[dreg:$0x0] =	wrdreg $0xFFFFFFFF;
	(pc) =	sbr.abs _section_cstart, $3  }
0xcf: {  	[dreg:$0x1] =	wrdreg $0xFFFFFFFF  }
0xd0: {  	_ =	task.clear_ibuf [dreg:s22], $0x2FFFF;
	_ =	strace $0x9FFFFFFF  }
0xd1: {  	(tm) =	ssettm $0x7FFFFFFF  }
tec
execute0_lowered:
.L_overlay_start_1:
0x0: {  	(tag) =	ssettag $0x1  }
0x1: {  	s0 =	srdreg.scid;
	s1 =	rddreg [dreg:$0x0]  }
0x2: {  	s12 =	stileid.u32;
	s2 =	rddreg [dreg:$0x1];
	s3 =	simm.s32 $0x0  }
0x3: {  	s10 =	simm.s32 $0x2760;
	s11 =	simm.s32 $0x7;
	s14 =	simm.s32 $0x50  }
0x4: {  	s15 =	simm.s32 $0x4EC0;
	s16 =	simm.s32 $0x76C0;
	s17 =	simm.s32 $0x1  }
0x5: {  	s19 =	simm.s32 $0x9EC0;
	s20 =	simm.s32 $0x2;
	s21 =	simm.s32 $0x27B0  }
0x6: {  	s22 =	simm.s32 $0x4;
	s23 =	simm.s32 $0xF0;
	s5 =	smul.u32 $0x2760, s12  }
0x7: {  	s24 =	simm.s32 $0x3;
	s25 =	simm.s32 $0x2800;
	s8 =	smul.u32 $0x271, s12  }
0x8: {  	s28 =	simm.s32 $0x140;
	s0 =	sand.u32 $0x1, s0;
	s26 =	smul.u32 $0x4E200, s12  }
0x9: {  	s29 =	simm.s32 $0x6;
	s30 =	simm.s32 $0x0;
	s4 =	smul.u32 $0x27600, s0  }
0xa: {  	[smem:$0x7FF] =	sst s3;
	s31 =	sshll.u32 s12, $0x6;
	s6 =	smul.u32 $0x2710, s0  }
0xb: {  	_ =	strace $0x80000050;
	s0 =	ssub.s32 $0x2, s0;
	s12 =	sor.u32 $0x1C07, s31  }
0xc: {  	s9 =	sshrl.u32 s0, $0x1;
	s4 =	sadd.s32 s5, s4;
	s5 =	sshrl.u32 s5, $0x3  }
0xd: {  	s6 =	sadd.s32 s8, s6;
	s0 =	ssub.s32 s0, s9;
	s8 =	sshrl.u32 s26, $0x2  }
.Ltmp0:
0xe: {  	s26 =	simm.s32 $0x5;
	s7 =	sshrl.u32 s4, $0x3;
	(pc) =	sbr.rel .LBB2_1-.Ltmp0, $4  }
0xf: {  	s4 =	sadd.s32 $0x77E00, s1;
	s5 =	sadd.s32 s5, s1;
	s6 =	sshll.u32 s6, $0x4  }
0x10: {  	s13 =	sadd.s32 s8, s2;
	s9 =	smax.u32 s0, $0x1;
	s7 =	sadd.s32 s7, s1  }
0x11: {  	s1 =	sadd.s32 s6, s1;
	s5 =	sadd.s32 $0x1AE00, s5;
	s6 =	sadd.s32 s4, s6  }
0x12: {  	s13 =	sshrl.u32 s13, $0x3;
	s7 =	sadd.s32 $0x1FE00, s7;
	s8 =	sadd.s32 $0xC6000, s1  }
.LBB2_4:
0x13: {  	_ =	swait.ge [sflag:s24], $0x2800  }
0x14: {  	[sflag:s24] =	ssyncset.done $0x0  }
0x15: {  	[sflag:s24] =	ssyncadd.s32 $0xFFFFD800  }
0x16: {  	[spmem:s2] =	stream.indirect.scatter.add.f32 [tilespmem:s19], [sflag:$0x6], $0x80, s0, s14, $0xb8;
	[tilespmem:$0x1FF80] =	vst v63  }
0x17: {  	_ =	swait.ge [sflag:s26], $0x2800  }
0x18: {  	[sflag:s26] =	ssyncset.done $0x0  }
0x19: {  	[sflag:s26] =	ssyncadd.s32 $0xFFFFD800  }
0x1a: {  	_ =	swait.ge [sflag:s29], $0x2800  }
0x1b: {  	s30 =	sadd.s32 $0x1, s30;
	[sflag:s29] =	ssyncset.done $0x0  }
0x1c: {  	p0 =	sne.s32 s30, s9;
	[sflag:s29] =	ssyncadd.s32 $0xFFFFD800  }
.Ltmp1:
0x1d: {  	[bflag:$0x0] =	sbarrier.arrive $0xFFFF;
	(pc) =	sbr.rel @!p0 .LBB2_5-.Ltmp1, $4  }
0x1e: {  	[hbm:s8], [sflag:s12] =	dma.local [spmem:s13], $0x2710  }
0x1f: {  	_ =	swait.ge [sflag:s11], $0x2710  }
0x20: {  	[sflag:s11] =	ssyncset.done $0x0  }
0x21: {  	[sflag:s11] =	ssyncadd.s32 $0xFFFFD8F0  }
.LBB2_1:
0x22: {  	[tilespmem:s10], [sflag:$0x7] =	stream.linear.gather [hbm4b:s5+s3], $0x2760, $0x38;
	[tilespmem:$0x1FF80] =	vst v63  }
0x23: {  	_ =	swait.ge [sflag:s11], $0x2760  }
0x24: {  	[sflag:s11] =	ssyncset.done $0x0  }
0x25: {  	[sflag:s11] =	ssyncadd.s32 $0xFFFFD8A0  }
0x26: {  	[spmem:s13], [sflag:s12] =	dma.local [hbm:s6], $0x2710  }
0x27: {  	_ =	swait.ge [sflag:s11], $0x2710  }
0x28: {  	[sflag:s11] =	ssyncset.done $0x0  }
0x29: {  	[sflag:s11] =	ssyncadd.s32 $0xFFFFD8F0  }
0x2a: {  	[tilespmem:s3], [sflag:$0x7] =	stream.linear.gather [hbm4b:s7+s3], $0x2760, $0x38;
	[tilespmem:$0x1FF80] =	vst v63  }
0x2b: {  	_ =	swait.ge [sflag:s11], $0x2760  }
0x2c: {  	[sflag:s11] =	ssyncset.done $0x0  }
0x2d: {  	[sflag:s11] =	ssyncadd.s32 $0xFFFFD8A0  }
0x2e: {  	[bflag:$0x0] =	sbarrier.arrive $0xFFFF  }
0x2f: {  	[tilespmem:s15], [sflag:$0x1] =	stream.indirect.gather [hbm4b:s4+s14], $0x80, s3, s14, $0xb8;
	[tilespmem:$0x1FF80] =	vst v63  }
0x30: {  	_ = 	snop  }
0x31: {  	[tilespmem:s16], [sflag:$0x2] =	stream.indirect.gather [hbm4b:s4+s14], $0x80, s14, s14, $0xb8;
	[tilespmem:$0x1FF80] =	vst v63  }
0x32: {  	_ =	swait.ge [sflag:s17], $0x2800  }
0x33: {  	[sflag:s17] =	ssyncset.done $0x0  }
0x34: {  	[sflag:s17] =	ssyncadd.s32 $0xFFFFD800  }
0x35: {  	[spmem:s2] =	stream.indirect.scatter.add.f32 [tilespmem:s15], [sflag:$0x4], $0x80, s10, s14, $0xb8;
	[tilespmem:$0x1FF80] =	vst v63  }
0x36: {  	s0 =	simm.s32 $0xA0  }
0x37: {  	[tilespmem:s19], [sflag:$0x3] =	stream.indirect.gather [hbm4b:s4+s14], $0x80, s0, s14, $0xb8;
	[tilespmem:$0x1FF80] =	vst v63  }
0x38: {  	_ =	swait.ge [sflag:s20], $0x2800  }
0x39: {  	[sflag:s20] =	ssyncset.done $0x0  }
0x3a: {  	[sflag:s20] =	ssyncadd.s32 $0xFFFFD800  }
0x3b: {  	[spmem:s2] =	stream.indirect.scatter.add.f32 [tilespmem:s16], [sflag:$0x5], $0x80, s21, s14, $0xb8;
	[tilespmem:$0x1FF80] =	vst v63  }
0x3c: {  	_ =	swait.ge [sflag:s22], $0x2800  }
0x3d: {  	[sflag:s22] =	ssyncset.done $0x0  }
0x3e: {  	[sflag:s22] =	ssyncadd.s32 $0xFFFFD800  }
0x3f: {  	[tilespmem:s15], [sflag:$0x1] =	stream.indirect.gather [hbm4b:s4+s14], $0x80, s23, s14, $0xb8;
	[tilespmem:$0x1FF80] =	vst v63  }
0x40: {  	_ =	swait.ge [sflag:s24], $0x2800  }
0x41: {  	[sflag:s24] =	ssyncset.done $0x0  }
0x42: {  	[sflag:s24] =	ssyncadd.s32 $0xFFFFD800  }
0x43: {  	[spmem:s2] =	stream.indirect.scatter.add.f32 [tilespmem:s19], [sflag:$0x6], $0x80, s25, s14, $0xb8;
	[tilespmem:$0x1FF80] =	vst v63  }
0x44: {  	_ =	swait.ge [sflag:s26], $0x2800  }
0x45: {  	[sflag:s26] =	ssyncset.done $0x0  }
0x46: {  	s31 =	simm.s32 $0x0;
	[sflag:s26] =	ssyncadd.s32 $0xFFFFD800  }
0x47: {  	[tilespmem:s16], [sflag:$0x2] =	stream.indirect.gather [hbm4b:s4+s14], $0x80, s28, s14, $0xb8;
	[tilespmem:$0x1FF80] =	vst v63  }
.LBB2_2:
0x48: {  	_ =	swait.ge [sflag:s17], $0x2800  }
0x49: {  	s1 =	sshra.s32 s31, $0x2;
	[sflag:s17] =	ssyncset.done $0x0  }
0x4a: {  	s0 =	sadd.s32 $0x2850, s1;
	[sflag:s17] =	ssyncadd.s32 $0xFFFFD800  }
0x4b: {  	[spmem:s2] =	stream.indirect.scatter.add.f32 [tilespmem:s15], [sflag:$0x4], $0x80, s0, s14, $0xb8;
	[tilespmem:$0x1FF80] =	vst v63  }
0x4c: {  	_ =	swait.ge [sflag:s29], $0x2800  }
0x4d: {  	[sflag:s29] =	ssyncset.done $0x0  }
0x4e: {  	s18 =	sadd.s32 $0x190, s1;
	[sflag:s29] =	ssyncadd.s32 $0xFFFFD800  }
0x4f: {  	[tilespmem:s19], [sflag:$0x3] =	stream.indirect.gather [hbm4b:s4+s14], $0x80, s18, s14, $0xb8;
	[tilespmem:$0x1FF80] =	vst v63  }
0x50: {  	_ =	swait.ge [sflag:s20], $0x2800  }
0x51: {  	p0 =	seq.s32 s31, $0x9600;
	[sflag:s20] =	ssyncset.done $0x0  }
.Ltmp2:
0x52: {  	s18 =	sadd.s32 $0x28A0, s1;
	[sflag:s20] =	ssyncadd.s32 $0xFFFFD800;
	(pc) =	sbr.rel @p0 .LBB2_4-.Ltmp2, $4  }
0x53: {  	[spmem:s2] =	stream.indirect.scatter.add.f32 [tilespmem:s16], [sflag:$0x5], $0x80, s18, s14, $0xb8;
	[tilespmem:$0x1FF80] =	vst v63  }
0x54: {  	_ =	swait.ge [sflag:s22], $0x2800  }
0x55: {  	[sflag:s22] =	ssyncset.done $0x0  }
0x56: {  	s0 =	sadd.s32 $0x28F0, s1;
	[sflag:s22] =	ssyncadd.s32 $0xFFFFD800  }
0x57: {  	s18 =	sadd.s32 $0x1E0, s1  }
0x58: {  	[tilespmem:s15], [sflag:$0x1] =	stream.indirect.gather [hbm4b:s4+s14], $0x80, s18, s14, $0xb8;
	[tilespmem:$0x1FF80] =	vst v63  }
0x59: {  	_ =	swait.ge [sflag:s24], $0x2800  }
0x5a: {  	[sflag:s24] =	ssyncset.done $0x0  }
0x5b: {  	[sflag:s24] =	ssyncadd.s32 $0xFFFFD800  }
0x5c: {  	[spmem:s2] =	stream.indirect.scatter.add.f32 [tilespmem:s19], [sflag:$0x6], $0x80, s0, s14, $0xb8;
	[tilespmem:$0x1FF80] =	vst v63  }
.Ltmp3:
0x5d: {  	_ = 	snop;
	(pc) =	sbr.rel .LBB2_2-.Ltmp3, $4  }
0x5e: {  	_ =	swait.ge [sflag:s26], $0x2800  }
0x5f: {  	[sflag:s26] =	ssyncset.done $0x0  }
0x60: {  	s31 =	sadd.s32 $0x3C0, s31;
	s18 =	sadd.s32 $0x230, s1;
	[sflag:s26] =	ssyncadd.s32 $0xFFFFD800  }
0x61: {  	[tilespmem:s16], [sflag:$0x2] =	stream.indirect.gather [hbm4b:s4+s14], $0x80, s18, s14, $0xb8;
	[tilespmem:$0x1FF80] =	vst v63  }
.LBB2_5:
0x62: {  	_ =	sfence.sel $0x180000  }
0x63: {  	[bflag:$0x0] =	sbarrier.arrive $0xFFFF  }
0x64: {  	_ =	strace $0x90000050  }
0x65: {  	s0 =	stileid.u32;
	[bflag:$0x2] =	sbarrier.arrive $0xFFFF  }
0x66: {  	p0 =	sne.s32 s0, $0x0;
	s0 =	rddreg [dreg:$0x2]  }
0x67: {  	s0 =	sadd.s32 @!p0 $0x100000, s0  }
0x68: {  	[sflag:s0] =	ssyncadd.tile.s32 @!p0 $0x1;
	_ =	shalt  }
.Lfunc_end2:
_tile_overlayer_lowered:
.L_overlay_start_2:
0x69: {  	(tag) =	ssettag $0x2  }
0x6a: {  	s0 =	rddreg [dreg:$0x0];
	s2 =	stileid.u32  }
0x6b: {  	s1 =	rddreg [dreg:$0x1];
	p0 =	sne.s32 s2, $0x0  }
0x6c: {  	s3 =	rddreg [dreg:$0x2];
	[bflag:$0x3] =	sbarrier.arrive $0xFFFF;
	s2 =	simm.s32 @!p0 $0x1C07  }
0x6d: {  	[timem:s3], [sflag:s2] =	dma.local @!p0 [hbm:s0], s1  }
0x6e: {  	s0 =	simm.s32 @!p0 $0x7  }
0x6f: {  	_ =	swait.ge @!p0 [sflag:s0], s1  }
0x70: {  	s1 =	ssub.s32 @!p0 $0x0, s1;
	[sflag:s0] =	ssyncset.done @!p0 $0x0  }
0x71: {  	[sflag:s0] =	ssyncadd.s32 @!p0 s1  }
0x72: {  	[bflag:$0x3] =	sbarrier.arrive $0xFFFF  }
0x73: {  	_ =	shalt  }

// kernel: kernel.36.cloned.1.call-start
scs
__scs_entry_jumppad:
0x0: {  	(pc) =	sbr.rel $0x88, $3  }
0x1: {  	(tag) =	ssettag $0x0;
	lr =	simm.s32 $0x1  }
0x2: {  	[smem:$0x3F89] =	sst lr;
	_ =	strace $0xD0000000  }
0x3: {  	_ = 	snop  }
0x4: {  	_ = 	snop  }
0x5: {  	_ = 	snop  }
0x6: {  	_ = 	snop  }
0x7: {  	_ = 	snop  }
__scs_overlays_trampoline_lowered:
0x8: {  	[smem:$0x3F98] =	sst s0  }
0x9: {  	[smem:$0x3F99] =	sst s1  }
0xa: {  	[smem:$0x3F9A] =	sst s2  }
0xb: {  	[smem:$0x3F9B] =	sst s3  }
0xc: {  	[smem:$0x3F9C] =	sst s4  }
0xd: {  	[smem:$0x3F9D] =	sst s5  }
0xe: {  	[smem:$0x3F9E] =	sst s6  }
0xf: {  	[smem:$0x3F9F] =	sst s7  }
0x10: {  	[smem:$0x3FA0] =	sst s8  }
0x11: {  	[smem:$0x3FA1] =	sst s9;
	s0 =	simm.s32 @!p0 $0x0  }
0x12: {  	s1 =	sld [smem:$0x3F87];
	s0 =	simm.s32 @p0 $0x1  }
0x13: {  	[smem:$0x3FA2] =	sst s0;
	s0 =	simm.s32 @!p1 $0x0  }
0x14: {  	s2 =	sld [smem:$0x3F86];
	s0 =	simm.s32 @p1 $0x1  }
0x15: {  	[smem:$0x3FA3] =	sst s0;
	s0 =	simm.s32 @!p2 $0x0  }
0x16: {  	s3 =	sld [smem:$0x3FDB];
	s0 =	simm.s32 @p2 $0x1  }
0x17: {  	s4 =	simm.s32 $0x1BF5;
	[smem:$0x3FA5] =	sst s0  }
0x18: {  	s0 =	sld [smem:$0x3F88];
	_ =	swait.ge [sflag:s4], $0x0  }
0x19: {  	s7 =	sld [smem:$0x3F89]  }
0x1a: {  	s8 =	sadd.s32 $0xFFFFE003, lr  }
0x1b: {  	s9 =	sadd.s32 $0xFFFFFEF7, lr;
	s5 =	simm.s32 $0xFFFFFFFF;
	p2 =	slt.u32 s8, $0xFFFFF086  }
0x1c: {  	p1 =	slt.u32 s9, $0xF7A;
	s5 =	simm.s32 @!p2 $0x0  }
0x1d: {  	s5 =	simm.s32 @p1 $0x1;
	p0 =	seq.s32 s7, s2  }
0x1e: {  	s7 =	smul.u32 @!p0 $0xF7A, s2;
	p2 =	seq.s32 @!p0 s5, $0x0  }
0x1f: {  	s9 =	smul.u32 $0xF7A, s1;
	s8 =	simm.s32 @!p0 $0x1BF5;
	p2 =	por !p2, p0  }
0x20: {  	[sflag:s8] =	ssyncset.s32 @!p0 $0xFFFFF086;
	s6 =	sadd.s32 @!p0 s3, s7;
	s7 =	simm.s32 @!p0 $0x108  }
0x21: {  	s3 =	sadd.s32 s3, s9;
	s6 =	sadd.s32 @!p0 $0x88, s6;
	s7 =	simm.s32 @p2 $0x1082  }
0x22: {  	[simem:s7], [sflag:s8] =	dma.local @!p0 [hbm:s6], $0xF7A  }
0x23: {  	s9 =	sor.u32 $0xD0000000, s2;
	s6 =	simm.s32 $0x108;
	_ =	swait.ge @!p0 [sflag:s8], $0x0  }
0x24: {  	s3 =	sadd.s32 $0x88, s3;
	s6 =	simm.s32 @!p1 $0x1082;
	[sflag:s4] =	ssyncset.s32 $0xFFFFF086  }
0x25: {  	[simem:s6], [sflag:s4] =	dma.local [hbm:s3], $0xF7A  }
0x26: {  	[smem:$0x3F89] =	sst s1;
	(tag) =	ssettag s2;
	_ =	strace s9  }
0x27: {  	s1 =	sld [smem:$0x3F99]  }
0x28: {  	s2 =	sld [smem:$0x3F9A]  }
0x29: {  	s4 =	sld [smem:$0x3F9C]  }
0x2a: {  	p0 =	seq.s32 s5, $0x0;
	s5 =	sld [smem:$0x3F9D]  }
0x2b: {  	s6 =	sld [smem:$0x3F9E]  }
0x2c: {  	s7 =	sld [smem:$0x3F9F]  }
0x2d: {  	s3 =	simm.s32 $0x108;
	s8 =	sld [smem:$0x3FA0]  }
0x2e: {  	s3 =	simm.s32 @!p0 $0x1082;
	s9 =	sld [smem:$0x3FA1]  }
0x2f: {  	lr =	sadd.s32 s0, s3;
	s0 =	sld [smem:$0x3F98]  }
0x30: {  	s3 =	sld [smem:$0x3F9B]  }
0x31: {  	[smem:$0x3FA4] =	sst s10  }
0x32: {  	s10 =	sld [smem:$0x3FA2];
	_ =	sdelay $0x3  }
0x33: {  	p0 =	seq.s32 s10, $0x1;
	s10 =	sld [smem:$0x3FA4];
	_ =	sdelay $0x3  }
0x34: {  	[smem:$0x3FA4] =	sst s10  }
0x35: {  	s10 =	sld [smem:$0x3FA3];
	_ =	sdelay $0x3  }
0x36: {  	p1 =	seq.s32 s10, $0x1;
	s10 =	sld [smem:$0x3FA4];
	_ =	sdelay $0x3  }
0x37: {  	[smem:$0x3FA4] =	sst s10  }
0x38: {  	s10 =	sld [smem:$0x3FA5]  }
0x39: {  	_ = 	snop;
	(pc) =	sbr.ind lr, $3  }
0x3a: {  	_ = 	snop  }
0x3b: {  	_ = 	snop  }
0x3c: {  	p2 =	seq.s32 s10, $0x1;
	s10 =	sld [smem:$0x3FA4]  }
0x3d: {  	_ =	shalt  }
0x3e: {  	_ =	shalt  }
0x3f: {  	_ =	shalt  }
0x40: {  	_ =	shalt  }
0x41: {  	_ =	shalt  }
0x42: {  	_ =	shalt  }
0x43: {  	_ =	shalt  }
0x44: {  	_ =	shalt  }
0x45: {  	_ =	shalt  }
0x46: {  	_ =	shalt  }
0x47: {  	_ =	shalt  }
0x48: {  	_ =	shalt  }
0x49: {  	_ =	shalt  }
0x4a: {  	_ =	shalt  }
0x4b: {  	_ =	shalt  }
0x4c: {  	_ =	shalt  }
0x4d: {  	_ =	shalt  }
0x4e: {  	_ =	shalt  }
0x4f: {  	_ =	shalt  }
0x50: {  	_ =	shalt  }
0x51: {  	_ =	shalt  }
0x52: {  	_ =	shalt  }
0x53: {  	_ =	shalt  }
0x54: {  	_ =	shalt  }
0x55: {  	_ =	shalt  }
0x56: {  	_ =	shalt  }
0x57: {  	_ =	shalt  }
0x58: {  	_ =	shalt  }
0x59: {  	_ =	shalt  }
0x5a: {  	_ =	shalt  }
0x5b: {  	_ =	shalt  }
0x5c: {  	_ =	shalt  }
0x5d: {  	_ =	shalt  }
0x5e: {  	_ =	shalt  }
0x5f: {  	_ =	shalt  }
0x60: {  	_ =	shalt  }
0x61: {  	_ =	shalt  }
0x62: {  	_ =	shalt  }
0x63: {  	_ =	shalt  }
0x64: {  	_ =	shalt  }
0x65: {  	_ =	shalt  }
0x66: {  	_ =	shalt  }
0x67: {  	_ =	shalt  }
0x68: {  	_ =	shalt  }
0x69: {  	_ =	shalt  }
0x6a: {  	_ =	shalt  }
0x6b: {  	_ =	shalt  }
0x6c: {  	_ =	shalt  }
0x6d: {  	_ =	shalt  }
0x6e: {  	_ =	shalt  }
0x6f: {  	_ =	shalt  }
0x70: {  	_ =	shalt  }
0x71: {  	_ =	shalt  }
0x72: {  	_ =	shalt  }
0x73: {  	_ =	shalt  }
0x74: {  	_ =	shalt  }
0x75: {  	_ =	shalt  }
0x76: {  	_ =	shalt  }
0x77: {  	_ =	shalt  }
0x78: {  	_ =	shalt  }
0x79: {  	_ =	shalt  }
0x7a: {  	_ =	shalt  }
0x7b: {  	_ =	shalt  }
0x7c: {  	_ =	shalt  }
0x7d: {  	_ =	shalt  }
0x7e: {  	_ =	shalt  }
0x7f: {  	_ =	shalt  }
0x80: {  	_ =	shalt  }
0x81: {  	_ =	shalt  }
0x82: {  	_ =	shalt  }
0x83: {  	_ =	shalt  }
0x84: {  	_ =	shalt  }
0x85: {  	_ =	shalt  }
0x86: {  	_ =	shalt  }
0x87: {  	_ =	shalt  }
.Lfunc_end0:
.L_simem_size_0:
called_computation.6_lowered:
.L_overlay_start_0:
0x88: {  	s2 =	sld [smem:$0x3FD9]  }
0x89: {  	s3 =	sld [smem:$0x3FFE];
	_ =	sdelay $0x1  }
0x8a: {  	s1 =	srdreg.scid  }
0x8b: {  	s0 =	sand.u32 $0x1, s1  }
0x8c: {  	s17 =	sshll.u32 s0, $0xA;
	s2 =	sadd.s32 s3, s2  }
0x8d: {  	s2 =	sadd.s32 s2, s17  }
0x8e: {  	[smem:$0x3FB0] =	sst s2  }
0x8f: {  	_ = 	snop  }
0x90: {  	(tm) =	ssettm $0x1  }
0x91: {  	s18 =	sld [smem:$0x3FFB];
	_ =	sdelay $0x3  }
0x92: {  	_ =	strace s18  }
0x93: {  	s2 =	sld [smem:$0x3FFC];
	_ =	sdelay $0x3  }
0x94: {  	_ =	strace s2  }
0x95: {  	s2 =	sld [smem:$0x3FFD];
	_ =	sdelay $0x3  }
0x96: {  	_ =	strace s2  }
0x97: {  	_ =	strace $0x8FFFFFFF  }
0x98: {  	s19 =	sld [smem:$0x3FDB];
	_ =	sdelay $0x1  }
0x99: {  	s20 =	simm.s32 $_scs_section_size  }
0x9a: {  	s4 =	simm.s32 $_size__tile_overlayer_lowered;
	s5 =	simm.s32 $_tile_overlayer_lowered  }
0x9b: {  	s6 =	simm.s32 $0x1BFF;
	s21 =	sshll.u32 s5, $0x1;
	s3 =	sadd.s32 s20, s19  }
0x9c: {  	s22 =	simm.s32 $0x0;
	s4 =	sshll.u32 s4, $0x1;
	s5 =	sadd.s32 s21, s3  }
0x9d: {  	[timem:s22], [sflag:s6] =	dma.local [hbm:s5], s4  }
0x9e: {  	_ =	swait.ge [sflag:s6], s4  }
0x9f: {  	s4 =	ssub.s32 $0x0, s4;
	[sflag:s6] =	ssyncset.done $0x0  }
0xa0: {  	[sflag:s6] =	ssyncadd.s32 s4;
	_ =	sdelay $0x1  }
0xa1: {  	s23 =	simm.s32 $0x1B8B  }
0xa2: {  	_ =	swait.ge [sflag:s23], $0x1  }
0xa3: {  	[sflag:s23] =	ssyncset.done $0x0  }
0xa4: {  	[sflag:s23] =	ssyncadd.s32 $0xFFFFFFFF  }
0xa5: {  	s4 =	sld [smem:$0x0]  }
0xa6: {  	s5 =	sand.u32 $0xFFFFFFFE, s1  }
0xa7: {  	p0 =	sne.s32 s1, s5  }
0xa8: {  	s5 =	sshll.u32 @p0 s5, $0xE  }
0xa9: {  	s5 =	sadd.s32 @p0 $0x11B8D, s5;
	s6 =	sshll.u32 @p0 s4, $0x11  }
0xaa: {  	s5 =	sor.u32 @p0 s6, s5  }
0xab: {  	[sflag:s5] =	ssyncadd.remote.s32 @p0 $0x1;
	_ =	sdelay $0x1  }
0xac: {  	s5 =	simm.s32 @p0 $0x1B8D  }
0xad: {  	_ =	swait.eq @p0 [sflag:s5], $0x1  }
0xae: {  	[sflag:s5] =	ssyncadd.s32 @p0 $0xFFFFFFFF  }
0xaf: {  	s6 =	sshll.u32 @!p0 s1, $0xE  }
0xb0: {  	s6 =	sor.u32 @!p0 $0x4000, s6;
	s5 =	simm.s32 @!p0 $0x1B8D  }
0xb1: {  	s4 =	sshll.u32 @!p0 s4, $0x11;
	s6 =	sadd.s32 @!p0 $0x11B8D, s6;
	_ =	swait.eq @!p0 [sflag:s5], $0x1  }
0xb2: {  	s4 =	sor.u32 @!p0 s4, s6;
	[sflag:s5] =	ssyncadd.s32 @!p0 $0xFFFFFFFF  }
0xb3: {  	s25 =	simm.s32 $0x1B8E;
	s24 =	sld [smem:$0x3FFE];
	[sflag:s4] =	ssyncadd.remote.s32 @!p0 $0x1  }
0xb4: {  	s26 =	simm.s32 $execute0_lowered;
	[smem:$0x3FD2] =	sst s25  }
0xb5: {  	s5 =	sshll.u32 s26, $0x1;
	_ =	strace $0x80000055;
	[dreg:$0x1] =	wrdreg $0xFFFFFFFF  }
0xb6: {  	s28 =	simm.s32 $_size_execute0_lowered;
	s3 =	sadd.s32 s3, s5;
	[dreg:$0x0] =	wrdreg $0x0  }
0xb7: {  	s5 =	sshll.u32 s28, $0x1;
	[dreg:$0x2] =	wrdreg s3  }
0xb8: {  	[dreg:$0x3] =	wrdreg s5  }
0xb9: {  	[dreg:$0x4] =	wrdreg $0xC0  }
0xba: {  	_ =	task [dreg:s22], $0x5FFFF  }
0xbb: {  	[dreg:$0x1] =	wrdreg $0xFFFFFFFF  }
0xbc: {  	[dreg:$0x0] =	wrdreg $0x60  }
0xbd: {  	[dreg:$0x2] =	wrdreg s24  }
0xbe: {  	[dreg:$0x3] =	wrdreg $0xC6C00  }
0xbf: {  	[dreg:$0x4] =	wrdreg $0xA  }
0xc0: {  	_ =	task.clear_ibuf [dreg:s22], $0x5FFFF;
	_ =	strace $0x90000055  }
0xc1: {  	s29 =	simm.s32 $0xA;
	_ =	strace $0x80000057  }
0xc2: {  	_ =	swait.ge [sflag:s29], $0x1  }
0xc3: {  	[sflag:s29] =	ssyncadd.s32 $0xFFFFFFFF  }
0xc4: {  	_ =	strace $0x90000057  }
0xc5: {  	_ =	sfence  }
0xc6: {  	s30 =	sld [smem:$0x0];
	_ =	sdelay $0x2  }
0xc7: {  	s31 =	sshll.u32 s1, $0xD;
	s1 =	sshrl.u32 s1, $0x2  }
0xc8: {  	s4 =	sand.u32 $0x4000, s31;
	s1 =	sadd.s32 s1, s30  }
0xc9: {  	s0 =	sor.u32 s4, s0;
	s1 =	sshll.u32 s1, $0x11  }
0xca: {  	s0 =	sor.u32 s1, s0  }
0xcb: {  	s0 =	sadd.s32 $0x8F2B, s0  }
0xcc: {  	[sflag:s0] =	ssyncadd.remote.s32 $0x1  }
0xcd: {  	_ =	sfence.sel $0xFFFF  }
0xce: {  	[dreg:$0x0] =	wrdreg $0xFFFFFFFF;
	(pc) =	sbr.abs _section_cstart, $3  }
0xcf: {  	[dreg:$0x1] =	wrdreg $0xFFFFFFFF  }
0xd0: {  	_ =	task.clear_ibuf [dreg:s22], $0x2FFFF;
	_ =	strace $0x9FFFFFFF  }
0xd1: {  	(tm) =	ssettm $0x7FFFFFFF  }
tec
execute0_lowered:
.L_overlay_start_1:
0x0: {  	(tag) =	ssettag $0x1  }
0x1: {  	s0 =	srdreg.scid;
	s1 =	rddreg [dreg:$0x0]  }
0x2: {  	s12 =	stileid.u32;
	s2 =	rddreg [dreg:$0x1];
	s3 =	simm.s32 $0x0  }
0x3: {  	s10 =	simm.s32 $0x2760;
	s11 =	simm.s32 $0x7;
	s14 =	simm.s32 $0x50  }
0x4: {  	s15 =	simm.s32 $0x4EC0;
	s16 =	simm.s32 $0x76C0;
	s17 =	simm.s32 $0x1  }
0x5: {  	s19 =	simm.s32 $0x9EC0;
	s20 =	simm.s32 $0x2;
	s21 =	simm.s32 $0x27B0  }
0x6: {  	s22 =	simm.s32 $0x4;
	s23 =	simm.s32 $0xF0;
	s5 =	smul.u32 $0x2760, s12  }
0x7: {  	s24 =	simm.s32 $0x3;
	s25 =	simm.s32 $0x2800;
	s8 =	smul.u32 $0x271, s12  }
0x8: {  	s28 =	simm.s32 $0x140;
	s0 =	sand.u32 $0x1, s0;
	s26 =	smul.u32 $0x4E200, s12  }
0x9: {  	s29 =	simm.s32 $0x6;
	s30 =	simm.s32 $0x0;
	s4 =	smul.u32 $0x27600, s0  }
0xa: {  	[smem:$0x7FF] =	sst s3;
	s31 =	sshll.u32 s12, $0x6;
	s6 =	smul.u32 $0x2710, s0  }
0xb: {  	_ =	strace $0x80000056;
	s0 =	ssub.s32 $0x2, s0;
	s12 =	sor.u32 $0x1C07, s31  }
0xc: {  	s9 =	sshrl.u32 s0, $0x1;
	s4 =	sadd.s32 s5, s4;
	s5 =	sshrl.u32 s5, $0x3  }
0xd: {  	s6 =	sadd.s32 s8, s6;
	s0 =	ssub.s32 s0, s9;
	s8 =	sshrl.u32 s26, $0x2  }
.Ltmp0:
0xe: {  	s26 =	simm.s32 $0x5;
	s7 =	sshrl.u32 s4, $0x3;
	(pc) =	sbr.rel .LBB2_1-.Ltmp0, $4  }
0xf: {  	s4 =	sadd.s32 $0x77E00, s1;
	s5 =	sadd.s32 s5, s1;
	s6 =	sshll.u32 s6, $0x4  }
0x10: {  	s13 =	sadd.s32 s8, s2;
	s9 =	smax.u32 s0, $0x1;
	s7 =	sadd.s32 s7, s1  }
0x11: {  	s1 =	sadd.s32 s6, s1;
	s5 =	sadd.s32 $0x1AE00, s5;
	s6 =	sadd.s32 s4, s6  }
0x12: {  	s13 =	sshrl.u32 s13, $0x3;
	s7 =	sadd.s32 $0x1FE00, s7;
	s8 =	sadd.s32 $0xC6000, s1  }
.LBB2_4:
0x13: {  	_ =	swait.ge [sflag:s24], $0x2800  }
0x14: {  	[sflag:s24] =	ssyncset.done $0x0  }
0x15: {  	[sflag:s24] =	ssyncadd.s32 $0xFFFFD800  }
0x16: {  	[spmem:s2] =	stream.indirect.scatter.add.f32 [tilespmem:s19], [sflag:$0x6], $0x80, s0, s14, $0xb8;
	[tilespmem:$0x1FF80] =	vst v63  }
0x17: {  	_ =	swait.ge [sflag:s26], $0x2800  }
0x18: {  	[sflag:s26] =	ssyncset.done $0x0  }
0x19: {  	[sflag:s26] =	ssyncadd.s32 $0xFFFFD800  }
0x1a: {  	_ =	swait.ge [sflag:s29], $0x2800  }
0x1b: {  	s30 =	sadd.s32 $0x1, s30;
	[sflag:s29] =	ssyncset.done $0x0  }
0x1c: {  	p0 =	sne.s32 s30, s9;
	[sflag:s29] =	ssyncadd.s32 $0xFFFFD800  }
.Ltmp1:
0x1d: {  	[bflag:$0x0] =	sbarrier.arrive $0xFFFF;
	(pc) =	sbr.rel @!p0 .LBB2_5-.Ltmp1, $4  }
0x1e: {  	[hbm:s8], [sflag:s12] =	dma.local [spmem:s13], $0x2710  }
0x1f: {  	_ =	swait.ge [sflag:s11], $0x2710  }
0x20: {  	[sflag:s11] =	ssyncset.done $0x0  }
0x21: {  	[sflag:s11] =	ssyncadd.s32 $0xFFFFD8F0  }
.LBB2_1:
0x22: {  	[tilespmem:s10], [sflag:$0x7] =	stream.linear.gather [hbm4b:s5+s3], $0x2760, $0x38;
	[tilespmem:$0x1FF80] =	vst v63  }
0x23: {  	_ =	swait.ge [sflag:s11], $0x2760  }
0x24: {  	[sflag:s11] =	ssyncset.done $0x0  }
0x25: {  	[sflag:s11] =	ssyncadd.s32 $0xFFFFD8A0  }
0x26: {  	[spmem:s13], [sflag:s12] =	dma.local [hbm:s6], $0x2710  }
0x27: {  	_ =	swait.ge [sflag:s11], $0x2710  }
0x28: {  	[sflag:s11] =	ssyncset.done $0x0  }
0x29: {  	[sflag:s11] =	ssyncadd.s32 $0xFFFFD8F0  }
0x2a: {  	[tilespmem:s3], [sflag:$0x7] =	stream.linear.gather [hbm4b:s7+s3], $0x2760, $0x38;
	[tilespmem:$0x1FF80] =	vst v63  }
0x2b: {  	_ =	swait.ge [sflag:s11], $0x2760  }
0x2c: {  	[sflag:s11] =	ssyncset.done $0x0  }
0x2d: {  	[sflag:s11] =	ssyncadd.s32 $0xFFFFD8A0  }
0x2e: {  	[bflag:$0x0] =	sbarrier.arrive $0xFFFF  }
0x2f: {  	[tilespmem:s15], [sflag:$0x1] =	stream.indirect.gather [hbm4b:s4+s14], $0x80, s3, s14, $0xb8;
	[tilespmem:$0x1FF80] =	vst v63  }
0x30: {  	_ = 	snop  }
0x31: {  	[tilespmem:s16], [sflag:$0x2] =	stream.indirect.gather [hbm4b:s4+s14], $0x80, s14, s14, $0xb8;
	[tilespmem:$0x1FF80] =	vst v63  }
0x32: {  	_ =	swait.ge [sflag:s17], $0x2800  }
0x33: {  	[sflag:s17] =	ssyncset.done $0x0  }
0x34: {  	[sflag:s17] =	ssyncadd.s32 $0xFFFFD800  }
0x35: {  	[spmem:s2] =	stream.indirect.scatter.add.f32 [tilespmem:s15], [sflag:$0x4], $0x80, s10, s14, $0xb8;
	[tilespmem:$0x1FF80] =	vst v63  }
0x36: {  	s0 =	simm.s32 $0xA0  }
0x37: {  	[tilespmem:s19], [sflag:$0x3] =	stream.indirect.gather [hbm4b:s4+s14], $0x80, s0, s14, $0xb8;
	[tilespmem:$0x1FF80] =	vst v63  }
0x38: {  	_ =	swait.ge [sflag:s20], $0x2800  }
0x39: {  	[sflag:s20] =	ssyncset.done $0x0  }
0x3a: {  	[sflag:s20] =	ssyncadd.s32 $0xFFFFD800  }
0x3b: {  	[spmem:s2] =	stream.indirect.scatter.add.f32 [tilespmem:s16], [sflag:$0x5], $0x80, s21, s14, $0xb8;
	[tilespmem:$0x1FF80] =	vst v63  }
0x3c: {  	_ =	swait.ge [sflag:s22], $0x2800  }
0x3d: {  	[sflag:s22] =	ssyncset.done $0x0  }
0x3e: {  	[sflag:s22] =	ssyncadd.s32 $0xFFFFD800  }
0x3f: {  	[tilespmem:s15], [sflag:$0x1] =	stream.indirect.gather [hbm4b:s4+s14], $0x80, s23, s14, $0xb8;
	[tilespmem:$0x1FF80] =	vst v63  }
0x40: {  	_ =	swait.ge [sflag:s24], $0x2800  }
0x41: {  	[sflag:s24] =	ssyncset.done $0x0  }
0x42: {  	[sflag:s24] =	ssyncadd.s32 $0xFFFFD800  }
0x43: {  	[spmem:s2] =	stream.indirect.scatter.add.f32 [tilespmem:s19], [sflag:$0x6], $0x80, s25, s14, $0xb8;
	[tilespmem:$0x1FF80] =	vst v63  }
0x44: {  	_ =	swait.ge [sflag:s26], $0x2800  }
0x45: {  	[sflag:s26] =	ssyncset.done $0x0  }
0x46: {  	s31 =	simm.s32 $0x0;
	[sflag:s26] =	ssyncadd.s32 $0xFFFFD800  }
0x47: {  	[tilespmem:s16], [sflag:$0x2] =	stream.indirect.gather [hbm4b:s4+s14], $0x80, s28, s14, $0xb8;
	[tilespmem:$0x1FF80] =	vst v63  }
.LBB2_2:
0x48: {  	_ =	swait.ge [sflag:s17], $0x2800  }
0x49: {  	s1 =	sshra.s32 s31, $0x2;
	[sflag:s17] =	ssyncset.done $0x0  }
0x4a: {  	s0 =	sadd.s32 $0x2850, s1;
	[sflag:s17] =	ssyncadd.s32 $0xFFFFD800  }
0x4b: {  	[spmem:s2] =	stream.indirect.scatter.add.f32 [tilespmem:s15], [sflag:$0x4], $0x80, s0, s14, $0xb8;
	[tilespmem:$0x1FF80] =	vst v63  }
0x4c: {  	_ =	swait.ge [sflag:s29], $0x2800  }
0x4d: {  	[sflag:s29] =	ssyncset.done $0x0  }
0x4e: {  	s18 =	sadd.s32 $0x190, s1;
	[sflag:s29] =	ssyncadd.s32 $0xFFFFD800  }
0x4f: {  	[tilespmem:s19], [sflag:$0x3] =	stream.indirect.gather [hbm4b:s4+s14], $0x80, s18, s14, $0xb8;
	[tilespmem:$0x1FF80] =	vst v63  }
0x50: {  	_ =	swait.ge [sflag:s20], $0x2800  }
0x51: {  	p0 =	seq.s32 s31, $0x9600;
	[sflag:s20] =	ssyncset.done $0x0  }
.Ltmp2:
0x52: {  	s18 =	sadd.s32 $0x28A0, s1;
	[sflag:s20] =	ssyncadd.s32 $0xFFFFD800;
	(pc) =	sbr.rel @p0 .LBB2_4-.Ltmp2, $4  }
0x53: {  	[spmem:s2] =	stream.indirect.scatter.add.f32 [tilespmem:s16], [sflag:$0x5], $0x80, s18, s14, $0xb8;
	[tilespmem:$0x1FF80] =	vst v63  }
0x54: {  	_ =	swait.ge [sflag:s22], $0x2800  }
0x55: {  	[sflag:s22] =	ssyncset.done $0x0  }
0x56: {  	s0 =	sadd.s32 $0x28F0, s1;
	[sflag:s22] =	ssyncadd.s32 $0xFFFFD800  }
0x57: {  	s18 =	sadd.s32 $0x1E0, s1  }
0x58: {  	[tilespmem:s15], [sflag:$0x1] =	stream.indirect.gather [hbm4b:s4+s14], $0x80, s18, s14, $0xb8;
	[tilespmem:$0x1FF80] =	vst v63  }
0x59: {  	_ =	swait.ge [sflag:s24], $0x2800  }
0x5a: {  	[sflag:s24] =	ssyncset.done $0x0  }
0x5b: {  	[sflag:s24] =	ssyncadd.s32 $0xFFFFD800  }
0x5c: {  	[spmem:s2] =	stream.indirect.scatter.add.f32 [tilespmem:s19], [sflag:$0x6], $0x80, s0, s14, $0xb8;
	[tilespmem:$0x1FF80] =	vst v63  }
.Ltmp3:
0x5d: {  	_ = 	snop;
	(pc) =	sbr.rel .LBB2_2-.Ltmp3, $4  }
0x5e: {  	_ =	swait.ge [sflag:s26], $0x2800  }
0x5f: {  	[sflag:s26] =	ssyncset.done $0x0  }
0x60: {  	s31 =	sadd.s32 $0x3C0, s31;
	s18 =	sadd.s32 $0x230, s1;
	[sflag:s26] =	ssyncadd.s32 $0xFFFFD800  }
0x61: {  	[tilespmem:s16], [sflag:$0x2] =	stream.indirect.gather [hbm4b:s4+s14], $0x80, s18, s14, $0xb8;
	[tilespmem:$0x1FF80] =	vst v63  }
.LBB2_5:
0x62: {  	_ =	sfence.sel $0x180000  }
0x63: {  	[bflag:$0x0] =	sbarrier.arrive $0xFFFF  }
0x64: {  	_ =	strace $0x90000056  }
0x65: {  	s0 =	stileid.u32;
	[bflag:$0x2] =	sbarrier.arrive $0xFFFF  }
0x66: {  	p0 =	sne.s32 s0, $0x0;
	s0 =	rddreg [dreg:$0x2]  }
0x67: {  	s0 =	sadd.s32 @!p0 $0x100000, s0  }
0x68: {  	[sflag:s0] =	ssyncadd.tile.s32 @!p0 $0x1;
	_ =	shalt  }
.Lfunc_end2:
_tile_overlayer_lowered:
.L_overlay_start_2:
0x69: {  	(tag) =	ssettag $0x2  }
0x6a: {  	s0 =	rddreg [dreg:$0x0];
	s2 =	stileid.u32  }
0x6b: {  	s1 =	rddreg [dreg:$0x1];
	p0 =	sne.s32 s2, $0x0  }
0x6c: {  	s3 =	rddreg [dreg:$0x2];
	[bflag:$0x3] =	sbarrier.arrive $0xFFFF;
	s2 =	simm.s32 @!p0 $0x1C07  }
0x6d: {  	[timem:s3], [sflag:s2] =	dma.local @!p0 [hbm:s0], s1  }
0x6e: {  	s0 =	simm.s32 @!p0 $0x7  }
0x6f: {  	_ =	swait.ge @!p0 [sflag:s0], s1  }
0x70: {  	s1 =	ssub.s32 @!p0 $0x0, s1;
	[sflag:s0] =	ssyncset.done @!p0 $0x0  }
0x71: {  	[sflag:s0] =	ssyncadd.s32 @!p0 s1  }
0x72: {  	[bflag:$0x3] =	sbarrier.arrive $0xFFFF  }
0x73: {  	_ =	shalt  }

</sc_bundles>
